<compile_context>
chip_gen: v7x
topology: tpu7x:2x2x1
jax: 0.10.2.dev20260603
libtpu: 0.0.44.dev20260713+nightly
codegen_flags: <defaults>
</compile_context>

<pallas_src>
import functools

import jax
import jax.numpy as jnp
from jax import lax
from jax.experimental import pallas as pl
from jax.experimental.pallas import tpu as pltpu
from jax.experimental.pallas import tpu_sc as plsc

_D = 1024
_N = 4 * 8192
_NC = 2
_NS = 16
_NW = _NC * _NS
_TPW = _N // _NW
_T = 16
_NCH = _TPW // _T
_NBUF = 6
_PF = 4


def _sc_body(x_hbm, ids_hbm, tab_hbm, out_hbm,
             tab_v, ids_v, b0, b1, b2, b3, b4, b5,
             si0, si1, si2, si3, si4, si5,
             so0, so1, so2, so3, so4, so5):
    bufs = (b0, b1, b2, b3, b4, b5)
    in_sems = (si0, si1, si2, si3, si4, si5)
    out_sems = (so0, so1, so2, so3, so4, so5)
    wid = lax.axis_index("s") * _NC + lax.axis_index("c")
    base = wid * _TPW

    def start_in(c, k):
        pltpu.async_copy(x_hbm.at[pl.ds(base + c * _T, _T)], bufs[k],
                         in_sems[k])

    def wait_in(k):
        pltpu.make_async_copy(x_hbm.at[pl.ds(0, _T)], bufs[k],
                              in_sems[k]).wait()

    def start_out(c, k):
        pltpu.async_copy(bufs[k], out_hbm.at[pl.ds(base + c * _T, _T)],
                         out_sems[k])

    def wait_out(k):
        pltpu.make_async_copy(bufs[k], out_hbm.at[pl.ds(0, _T)],
                              out_sems[k]).wait()

    def compute(c, k):
        buf = bufs[k]
        dnums = lax.GatherDimensionNumbers(
            offset_dims=(), collapsed_slice_dims=(0,), start_index_map=(0,))
        m16 = ids_v[pl.ds(c * _T, _T)].astype(jnp.float32)
        msps = [lax.gather(m16, jnp.full((16, 1), l, jnp.int32), dnums, (1,),
                           mode=lax.GatherScatterMode.PROMISE_IN_BOUNDS)
                for l in range(16)]

        def jbody(j, carry):
            sl = pl.ds(j * 16, 16)
            r0 = tab_v[sl]
            r1 = tab_v[pl.ds(_D + j * 16, 16)]
            d = r1 - r0
            for l in range(16):
                plsc.addupdate(buf.at[l, sl], r0 + msps[l] * d)
            return carry

        lax.fori_loop(0, _D // 16, jbody, 0)

    def do_chunk(c, k, start_next_in, wait_prev_out=True):
        wait_in(k)
        compute(c, k)
        start_out(c, k)
        if start_next_in:
            k2 = (k + _PF) % _NBUF
            if wait_prev_out:
                wait_out(k2)
            start_in(c + _PF, k2)

    start_in(0, 0)
    start_in(1, 1)
    start_in(2, 2)
    start_in(3, 3)
    pltpu.sync_copy(tab_hbm, tab_v)
    pltpu.sync_copy(ids_hbm.at[pl.ds(base, _TPW)], ids_v)

    do_chunk(0, 0, True, wait_prev_out=False)
    do_chunk(1, 1, True, wait_prev_out=False)
    do_chunk(2, 2, True)
    do_chunk(3, 3, True)

    def mid(i, carry):
        n = 6 * i - 2
        for r in range(_NBUF):
            do_chunk(n + r, (4 + r) % _NBUF, True)
        return carry

    lax.fori_loop(1, 10, mid, 0)

    do_chunk(_NCH - 6, (_NCH - 6) % _NBUF, True)
    do_chunk(_NCH - 5, (_NCH - 5) % _NBUF, True)
    do_chunk(_NCH - 4, (_NCH - 4) % _NBUF, False)
    do_chunk(_NCH - 3, (_NCH - 3) % _NBUF, False)
    do_chunk(_NCH - 2, (_NCH - 2) % _NBUF, False)
    do_chunk(_NCH - 1, (_NCH - 1) % _NBUF, False)

    for c in range(_NCH - 6, _NCH):
        wait_out(c % _NBUF)


@jax.jit
def _sc_call(x2, ids, tab):
    mesh = plsc.VectorSubcoreMesh(core_axis_name="c", subcore_axis_name="s")
    fn = functools.partial(
        pl.kernel,
        mesh=mesh,
        out_type=jax.ShapeDtypeStruct((_N, _D), jnp.float32),
        scratch_types=(
            [pltpu.VMEM((2 * _D,), jnp.float32),
             pltpu.VMEM((_TPW,), jnp.int32)]
            + [pltpu.VMEM((_T, _D), jnp.float32)] * _NBUF
            + [pltpu.SemaphoreType.DMA] * (2 * _NBUF)
        ),
    )(_sc_body)
    return fn(x2, ids, tab)


def kernel(x, segment_input_ids, seg_table):
    B, S, D = x.shape
    x2 = x.reshape(B * S, D)
    ids = segment_input_ids.astype(jnp.int32).reshape(-1)
    tab = seg_table.reshape(-1)
    out = _sc_call(x2, ids, tab)
    return out.reshape(B, S, D)

# --- scband reference (transcript-rebuilt; emitter-appended) ---
"""Pipeline reference for scband-embeddings-without-position-60378650247241 (READ-ONLY COPY).

The authoritative reference and input builder live on the scoring server;
editing this copy changes nothing except your own understanding.
"""

import jax, jax.numpy as jnp
import numpy as np


def setup_inputs(seed: int = 0) -> dict:
    key = jax.random.key(seed)
    k1, k2, k3 = jax.random.split(key, 3)
    x = jax.random.normal(k1, (4, 8192, 1024), dtype=jnp.float32)
    segment_input_ids = jax.random.randint(k2, (4, 8192), 0, 2, dtype=jnp.int64)
    seg_table = jax.random.normal(k3, (2, 1024), dtype=jnp.float32)
    return {"x": x, "segment_input_ids": segment_input_ids, "seg_table": seg_table}


def reference(x, segment_input_ids, seg_table):
    # EmbeddingsWithoutPosition.forward: x + segment_embedding(segment_input_ids)
    seg_emb = jnp.take(seg_table, segment_input_ids, axis=0)
    return x + seg_emb

if __name__ == "__main__":
    import jax
    _d = setup_inputs()
    print(jax.jit(kernel)(*tuple(_d.values())))

</pallas_src>

<mosaic_0001>
#map = affine_map<(d0, d1) -> (0, 0)>
#map1 = affine_map<(d0, d1) -> (0)>
module attributes {stable_mosaic.version = 14 : i64} {
  func.func @_sc_body(%arg0: i32, %arg1: i32, %arg2: memref<32768x1024xf32, #tpu.memory_space<hbm>>, %arg3: memref<32768xi32, #tpu.memory_space<hbm>>, %arg4: memref<2048xf32, #tpu.memory_space<hbm>>, %arg5: memref<32768x1024xf32, #tpu.memory_space<hbm>>, %arg6: memref<2048xf32, #tpu.memory_space<vmem>>, %arg7: memref<1024xi32, #tpu.memory_space<vmem>>, %arg8: memref<16x1024xf32, #tpu.memory_space<vmem>>, %arg9: memref<16x1024xf32, #tpu.memory_space<vmem>>, %arg10: memref<16x1024xf32, #tpu.memory_space<vmem>>, %arg11: memref<16x1024xf32, #tpu.memory_space<vmem>>, %arg12: memref<16x1024xf32, #tpu.memory_space<vmem>>, %arg13: memref<16x1024xf32, #tpu.memory_space<vmem>>, %arg14: memref<!tpu.dma_semaphore, #tpu.memory_space<semaphore_mem>>, %arg15: memref<!tpu.dma_semaphore, #tpu.memory_space<semaphore_mem>>, %arg16: memref<!tpu.dma_semaphore, #tpu.memory_space<semaphore_mem>>, %arg17: memref<!tpu.dma_semaphore, #tpu.memory_space<semaphore_mem>>, %arg18: memref<!tpu.dma_semaphore, #tpu.memory_space<semaphore_mem>>, %arg19: memref<!tpu.dma_semaphore, #tpu.memory_space<semaphore_mem>>, %arg20: memref<!tpu.dma_semaphore, #tpu.memory_space<semaphore_mem>>, %arg21: memref<!tpu.dma_semaphore, #tpu.memory_space<semaphore_mem>>, %arg22: memref<!tpu.dma_semaphore, #tpu.memory_space<semaphore_mem>>, %arg23: memref<!tpu.dma_semaphore, #tpu.memory_space<semaphore_mem>>, %arg24: memref<!tpu.dma_semaphore, #tpu.memory_space<semaphore_mem>>, %arg25: memref<!tpu.dma_semaphore, #tpu.memory_space<semaphore_mem>>) attributes {dimension_semantics = [#tpu.dimension_semantics<core_parallel>, #tpu.dimension_semantics<subcore_parallel>], iteration_bounds = array<i64: 2, 16>, scalar_prefetch = 0 : i64, scratch_operands = 20 : i64, tpu.core_type = #tpu.core_type<sc_vector_subcore>, window_params = [{transform_indices = #map}, {transform_indices = #map1}, {transform_indices = #map1}, {transform_indices = #map}]} {
    %mul3A = arith.constant 2 : i32
    %mul3A_0 = arith.muli %arg1, %mul3A : i32
    %add3A = arith.addi %mul3A_0, %arg0 : i32
    %mul3A_1 = arith.constant 1024 : i32
    %mul3A_2 = arith.muli %add3A, %mul3A_1 : i32
    %add3A_3 = arith.constant 0 : i32
    %add3A_4 = arith.addi %mul3A_2, %add3A_3 : i32
    %dma_start3A = arith.constant 0 : i32
    %dma_start3A_5 = tpu.memref_slice %arg2[%add3A_4, %dma_start3A] : memref<32768x1024xf32, #tpu.memory_space<hbm>> -> memref<16x1024xf32, #tpu.memory_space<hbm>>
    %dma_start3A_6 = arith.constant 0 : i32
    %dma_start3A_7 = tpu.memref_slice %arg2[%add3A_4, %dma_start3A_6] : memref<32768x1024xf32, #tpu.memory_space<hbm>> -> memref<16x1024xf32, #tpu.memory_space<hbm>>
    tpu.enqueue_dma source(%dma_start3A_7 : memref<16x1024xf32, #tpu.memory_space<hbm>>) target(%arg8 : memref<16x1024xf32, #tpu.memory_space<vmem>>) target_semaphore(%arg14 : memref<!tpu.dma_semaphore, #tpu.memory_space<semaphore_mem>>)
    %add3A_8 = arith.constant 16 : i32
    %add3A_9 = arith.addi %mul3A_2, %add3A_8 : i32
    %dma_start3A_10 = arith.constant 0 : i32
    %dma_start3A_11 = tpu.memref_slice %arg2[%add3A_9, %dma_start3A_10] : memref<32768x1024xf32, #tpu.memory_space<hbm>> -> memref<16x1024xf32, #tpu.memory_space<hbm>>
    %dma_start3A_12 = arith.constant 0 : i32
    %dma_start3A_13 = tpu.memref_slice %arg2[%add3A_9, %dma_start3A_12] : memref<32768x1024xf32, #tpu.memory_space<hbm>> -> memref<16x1024xf32, #tpu.memory_space<hbm>>
    tpu.enqueue_dma source(%dma_start3A_13 : memref<16x1024xf32, #tpu.memory_space<hbm>>) target(%arg9 : memref<16x1024xf32, #tpu.memory_space<vmem>>) target_semaphore(%arg15 : memref<!tpu.dma_semaphore, #tpu.memory_space<semaphore_mem>>)
    %add3A_14 = arith.constant 32 : i32
    %add3A_15 = arith.addi %mul3A_2, %add3A_14 : i32
    %dma_start3A_16 = arith.constant 0 : i32
    %dma_start3A_17 = tpu.memref_slice %arg2[%add3A_15, %dma_start3A_16] : memref<32768x1024xf32, #tpu.memory_space<hbm>> -> memref<16x1024xf32, #tpu.memory_space<hbm>>
    %dma_start3A_18 = arith.constant 0 : i32
    %dma_start3A_19 = tpu.memref_slice %arg2[%add3A_15, %dma_start3A_18] : memref<32768x1024xf32, #tpu.memory_space<hbm>> -> memref<16x1024xf32, #tpu.memory_space<hbm>>
    tpu.enqueue_dma source(%dma_start3A_19 : memref<16x1024xf32, #tpu.memory_space<hbm>>) target(%arg10 : memref<16x1024xf32, #tpu.memory_space<vmem>>) target_semaphore(%arg16 : memref<!tpu.dma_semaphore, #tpu.memory_space<semaphore_mem>>)
    %add3A_20 = arith.constant 48 : i32
    %add3A_21 = arith.addi %mul3A_2, %add3A_20 : i32
    %dma_start3A_22 = arith.constant 0 : i32
    %dma_start3A_23 = tpu.memref_slice %arg2[%add3A_21, %dma_start3A_22] : memref<32768x1024xf32, #tpu.memory_space<hbm>> -> memref<16x1024xf32, #tpu.memory_space<hbm>>
    %dma_start3A_24 = arith.constant 0 : i32
    %dma_start3A_25 = tpu.memref_slice %arg2[%add3A_21, %dma_start3A_24] : memref<32768x1024xf32, #tpu.memory_space<hbm>> -> memref<16x1024xf32, #tpu.memory_space<hbm>>
    tpu.enqueue_dma source(%dma_start3A_25 : memref<16x1024xf32, #tpu.memory_space<hbm>>) target(%arg11 : memref<16x1024xf32, #tpu.memory_space<vmem>>) target_semaphore(%arg17 : memref<!tpu.dma_semaphore, #tpu.memory_space<semaphore_mem>>)
    "tpu.region"() ({
      %run_scoped3A = tpu.sem_alloc : memref<!tpu.dma_semaphore, #tpu.memory_space<semaphore_mem>>
      tpu.enqueue_dma source(%arg4 : memref<2048xf32, #tpu.memory_space<hbm>>) target(%arg6 : memref<2048xf32, #tpu.memory_space<vmem>>) target_semaphore(%run_scoped3A : memref<!tpu.dma_semaphore, #tpu.memory_space<semaphore_mem>>)
      tpu.wait_dma2 semaphore(%run_scoped3A : memref<!tpu.dma_semaphore, #tpu.memory_space<semaphore_mem>>) src(%arg4 : memref<2048xf32, #tpu.memory_space<hbm>>) dst(%arg6 : memref<2048xf32, #tpu.memory_space<vmem>>)
      tpu.yield
    }) : () -> ()
    "tpu.region"() ({
      %run_scoped3A = tpu.sem_alloc : memref<!tpu.dma_semaphore, #tpu.memory_space<semaphore_mem>>
      %dma_start3A_982 = tpu.memref_slice %arg3[%mul3A_2] : memref<32768xi32, #tpu.memory_space<hbm>> -> memref<1024xi32, #tpu.memory_space<hbm>>
      %dma_start3A_983 = tpu.memref_slice %arg3[%mul3A_2] : memref<32768xi32, #tpu.memory_space<hbm>> -> memref<1024xi32, #tpu.memory_space<hbm>>
      tpu.enqueue_dma source(%dma_start3A_983 : memref<1024xi32, #tpu.memory_space<hbm>>) target(%arg7 : memref<1024xi32, #tpu.memory_space<vmem>>) target_semaphore(%run_scoped3A : memref<!tpu.dma_semaphore, #tpu.memory_space<semaphore_mem>>)
      %dma_wait3A_984 = tpu.memref_slice %arg3[%mul3A_2] : memref<32768xi32, #tpu.memory_space<hbm>> -> memref<1024xi32, #tpu.memory_space<hbm>>
      %dma_wait3A_985 = tpu.memref_slice %arg3[%mul3A_2] : memref<32768xi32, #tpu.memory_space<hbm>> -> memref<1024xi32, #tpu.memory_space<hbm>>
      tpu.wait_dma2 semaphore(%run_scoped3A : memref<!tpu.dma_semaphore, #tpu.memory_space<semaphore_mem>>) src(%dma_wait3A_985 : memref<1024xi32, #tpu.memory_space<hbm>>) dst(%arg7 : memref<1024xi32, #tpu.memory_space<vmem>>)
      tpu.yield
    }) : () -> ()
    %dma_wait3A = arith.constant 0 : i32
    %dma_wait3A_26 = arith.constant 0 : i32
    %dma_wait3A_27 = tpu.memref_slice %arg2[%dma_wait3A, %dma_wait3A_26] : memref<32768x1024xf32, #tpu.memory_space<hbm>> -> memref<16x1024xf32, #tpu.memory_space<hbm>>
    %dma_wait3A_28 = arith.constant 0 : i32
    %dma_wait3A_29 = arith.constant 0 : i32
    %dma_wait3A_30 = tpu.memref_slice %arg2[%dma_wait3A_28, %dma_wait3A_29] : memref<32768x1024xf32, #tpu.memory_space<hbm>> -> memref<16x1024xf32, #tpu.memory_space<hbm>>
    tpu.wait_dma2 semaphore(%arg14 : memref<!tpu.dma_semaphore, #tpu.memory_space<semaphore_mem>>) src(%dma_wait3A_30 : memref<16x1024xf32, #tpu.memory_space<hbm>>) dst(%arg8 : memref<16x1024xf32, #tpu.memory_space<vmem>>)
    %get3A = arith.constant 0 : index
    %get3A_31 = tpu.vector_load %arg7[%get3A] {strides = array<i32>} : memref<1024xi32, #tpu.memory_space<vmem>>, vector<16xi32>,
    %get3A_32 = vector.shape_cast %get3A_31 : vector<16xi32> to vector<16xi32>
    %convert_element_type3A = arith.sitofp %get3A_32 : vector<16xi32> to vector<16xf32>
    %broadcast_in_dim3A = arith.constant 0 : i32
    %broadcast_in_dim3A_33 = vector.broadcast %broadcast_in_dim3A : i32 to vector<16x1xi32>
    %gather3A = vector.shape_cast %broadcast_in_dim3A_33 : vector<16x1xi32> to vector<16xi32>
    %gather3A_34 = tpu.dynamic_gather %convert_element_type3A[%gather3A] in [0] : vector<16xf32>, vector<16xi32> -> vector<16xf32>
    %broadcast_in_dim3A_35 = arith.constant 1 : i32
    %broadcast_in_dim3A_36 = vector.broadcast %broadcast_in_dim3A_35 : i32 to vector<16x1xi32>
    %gather3A_37 = vector.shape_cast %broadcast_in_dim3A_36 : vector<16x1xi32> to vector<16xi32>
    %gather3A_38 = tpu.dynamic_gather %convert_element_type3A[%gather3A_37] in [0] : vector<16xf32>, vector<16xi32> -> vector<16xf32>
    %broadcast_in_dim3A_39 = arith.constant 2 : i32
    %broadcast_in_dim3A_40 = vector.broadcast %broadcast_in_dim3A_39 : i32 to vector<16x1xi32>
    %gather3A_41 = vector.shape_cast %broadcast_in_dim3A_40 : vector<16x1xi32> to vector<16xi32>
    %gather3A_42 = tpu.dynamic_gather %convert_element_type3A[%gather3A_41] in [0] : vector<16xf32>, vector<16xi32> -> vector<16xf32>
    %broadcast_in_dim3A_43 = arith.constant 3 : i32
    %broadcast_in_dim3A_44 = vector.broadcast %broadcast_in_dim3A_43 : i32 to vector<16x1xi32>
    %gather3A_45 = vector.shape_cast %broadcast_in_dim3A_44 : vector<16x1xi32> to vector<16xi32>
    %gather3A_46 = tpu.dynamic_gather %convert_element_type3A[%gather3A_45] in [0] : vector<16xf32>, vector<16xi32> -> vector<16xf32>
    %broadcast_in_dim3A_47 = arith.constant 4 : i32
    %broadcast_in_dim3A_48 = vector.broadcast %broadcast_in_dim3A_47 : i32 to vector<16x1xi32>
    %gather3A_49 = vector.shape_cast %broadcast_in_dim3A_48 : vector<16x1xi32> to vector<16xi32>
    %gather3A_50 = tpu.dynamic_gather %convert_element_type3A[%gather3A_49] in [0] : vector<16xf32>, vector<16xi32> -> vector<16xf32>
    %broadcast_in_dim3A_51 = arith.constant 5 : i32
    %broadcast_in_dim3A_52 = vector.broadcast %broadcast_in_dim3A_51 : i32 to vector<16x1xi32>
    %gather3A_53 = vector.shape_cast %broadcast_in_dim3A_52 : vector<16x1xi32> to vector<16xi32>
    %gather3A_54 = tpu.dynamic_gather %convert_element_type3A[%gather3A_53] in [0] : vector<16xf32>, vector<16xi32> -> vector<16xf32>
    %broadcast_in_dim3A_55 = arith.constant 6 : i32
    %broadcast_in_dim3A_56 = vector.broadcast %broadcast_in_dim3A_55 : i32 to vector<16x1xi32>
    %gather3A_57 = vector.shape_cast %broadcast_in_dim3A_56 : vector<16x1xi32> to vector<16xi32>
    %gather3A_58 = tpu.dynamic_gather %convert_element_type3A[%gather3A_57] in [0] : vector<16xf32>, vector<16xi32> -> vector<16xf32>
    %broadcast_in_dim3A_59 = arith.constant 7 : i32
    %broadcast_in_dim3A_60 = vector.broadcast %broadcast_in_dim3A_59 : i32 to vector<16x1xi32>
    %gather3A_61 = vector.shape_cast %broadcast_in_dim3A_60 : vector<16x1xi32> to vector<16xi32>
    %gather3A_62 = tpu.dynamic_gather %convert_element_type3A[%gather3A_61] in [0] : vector<16xf32>, vector<16xi32> -> vector<16xf32>
    %broadcast_in_dim3A_63 = arith.constant 8 : i32
    %broadcast_in_dim3A_64 = vector.broadcast %broadcast_in_dim3A_63 : i32 to vector<16x1xi32>
    %gather3A_65 = vector.shape_cast %broadcast_in_dim3A_64 : vector<16x1xi32> to vector<16xi32>
    %gather3A_66 = tpu.dynamic_gather %convert_element_type3A[%gather3A_65] in [0] : vector<16xf32>, vector<16xi32> -> vector<16xf32>
    %broadcast_in_dim3A_67 = arith.constant 9 : i32
    %broadcast_in_dim3A_68 = vector.broadcast %broadcast_in_dim3A_67 : i32 to vector<16x1xi32>
    %gather3A_69 = vector.shape_cast %broadcast_in_dim3A_68 : vector<16x1xi32> to vector<16xi32>
    %gather3A_70 = tpu.dynamic_gather %convert_element_type3A[%gather3A_69] in [0] : vector<16xf32>, vector<16xi32> -> vector<16xf32>
    %broadcast_in_dim3A_71 = arith.constant 10 : i32
    %broadcast_in_dim3A_72 = vector.broadcast %broadcast_in_dim3A_71 : i32 to vector<16x1xi32>
    %gather3A_73 = vector.shape_cast %broadcast_in_dim3A_72 : vector<16x1xi32> to vector<16xi32>
    %gather3A_74 = tpu.dynamic_gather %convert_element_type3A[%gather3A_73] in [0] : vector<16xf32>, vector<16xi32> -> vector<16xf32>
    %broadcast_in_dim3A_75 = arith.constant 11 : i32
    %broadcast_in_dim3A_76 = vector.broadcast %broadcast_in_dim3A_75 : i32 to vector<16x1xi32>
    %gather3A_77 = vector.shape_cast %broadcast_in_dim3A_76 : vector<16x1xi32> to vector<16xi32>
    %gather3A_78 = tpu.dynamic_gather %convert_element_type3A[%gather3A_77] in [0] : vector<16xf32>, vector<16xi32> -> vector<16xf32>
    %broadcast_in_dim3A_79 = arith.constant 12 : i32
    %broadcast_in_dim3A_80 = vector.broadcast %broadcast_in_dim3A_79 : i32 to vector<16x1xi32>
    %gather3A_81 = vector.shape_cast %broadcast_in_dim3A_80 : vector<16x1xi32> to vector<16xi32>
    %gather3A_82 = tpu.dynamic_gather %convert_element_type3A[%gather3A_81] in [0] : vector<16xf32>, vector<16xi32> -> vector<16xf32>
    %broadcast_in_dim3A_83 = arith.constant 13 : i32
    %broadcast_in_dim3A_84 = vector.broadcast %broadcast_in_dim3A_83 : i32 to vector<16x1xi32>
    %gather3A_85 = vector.shape_cast %broadcast_in_dim3A_84 : vector<16x1xi32> to vector<16xi32>
    %gather3A_86 = tpu.dynamic_gather %convert_element_type3A[%gather3A_85] in [0] : vector<16xf32>, vector<16xi32> -> vector<16xf32>
    %broadcast_in_dim3A_87 = arith.constant 14 : i32
    %broadcast_in_dim3A_88 = vector.broadcast %broadcast_in_dim3A_87 : i32 to vector<16x1xi32>
    %gather3A_89 = vector.shape_cast %broadcast_in_dim3A_88 : vector<16x1xi32> to vector<16xi32>
    %gather3A_90 = tpu.dynamic_gather %convert_element_type3A[%gather3A_89] in [0] : vector<16xf32>, vector<16xi32> -> vector<16xf32>
    %broadcast_in_dim3A_91 = arith.constant 15 : i32
    %broadcast_in_dim3A_92 = vector.broadcast %broadcast_in_dim3A_91 : i32 to vector<16x1xi32>
    %gather3A_93 = vector.shape_cast %broadcast_in_dim3A_92 : vector<16x1xi32> to vector<16xi32>
    %gather3A_94 = tpu.dynamic_gather %convert_element_type3A[%gather3A_93] in [0] : vector<16xf32>, vector<16xi32> -> vector<16xf32>
    %scan3A = arith.constant 0 : i32
    %scan3A_95 = arith.constant 0 : i32
    %scan3A_96 = arith.constant 64 : i32
    %scan3A_97 = arith.addi %scan3A_95, %scan3A_96 : i32
    %scan3A_98 = arith.constant 1 : i32
    scf.for %scan3A_982 = %scan3A_95 to %scan3A_97 step %scan3A_98  : i32 {
      %mul3A_983 = arith.constant 16 : i32
      %mul3A_984 = arith.muli %scan3A_982, %mul3A_983 : i32
      %get3A_985 = arith.index_cast %mul3A_984 : i32 to index
      %get3A_986 = tpu.vector_load %arg6[%get3A_985] {strides = array<i32>} : memref<2048xf32, #tpu.memory_space<vmem>>, vector<16xf32>,
      %get3A_987 = vector.shape_cast %get3A_986 : vector<16xf32> to vector<16xf32>
      %mul3A_988 = arith.constant 16 : i32
      %mul3A_989 = arith.muli %scan3A_982, %mul3A_988 : i32
      %add3A_990 = arith.constant 1024 : i32
      %add3A_991 = arith.addi %add3A_990, %mul3A_989 : i32
      %get3A_992 = arith.index_cast %add3A_991 : i32 to index
      %get3A_993 = tpu.vector_load %arg6[%get3A_992] {strides = array<i32>} : memref<2048xf32, #tpu.memory_space<vmem>>, vector<16xf32>,
      %get3A_994 = vector.shape_cast %get3A_993 : vector<16xf32> to vector<16xf32>
      %sub3A = arith.subf %get3A_994, %get3A_987 : vector<16xf32>
      %mul3A_995 = arith.mulf %gather3A_34, %sub3A : vector<16xf32>
      %add3A_996 = arith.addf %get3A_987, %mul3A_995 : vector<16xf32>
      %swap3A = arith.constant 0 : i32
      %swap3A_997 = arith.index_cast %swap3A : i32 to index
      %swap3A_998 = arith.index_cast %mul3A_984 : i32 to index
      %swap3A_999 = tpu.vector_load %arg8[%swap3A_997, %swap3A_998] {strides = array<i32>} : memref<16x1024xf32, #tpu.memory_space<vmem>>, vector<1x16xf32>,
      %swap3A_1000 = vector.shape_cast %swap3A_999 : vector<1x16xf32> to vector<16xf32>
      %swap3A_1001 = vector.shape_cast %add3A_996 : vector<16xf32> to vector<1x16xf32>
      tpu.vector_store %arg8[%swap3A_997, %swap3A_998], %swap3A_1001 {add = true, strides = array<i32>} : memref<16x1024xf32, #tpu.memory_space<vmem>>, vector<1x16xf32>,
      %mul3A_1002 = arith.mulf %gather3A_38, %sub3A : vector<16xf32>
      %add3A_1003 = arith.addf %get3A_987, %mul3A_1002 : vector<16xf32>
      %swap3A_1004 = arith.constant 1 : i32
      %swap3A_1005 = arith.index_cast %swap3A_1004 : i32 to index
      %swap3A_1006 = arith.index_cast %mul3A_984 : i32 to index
      %swap3A_1007 = tpu.vector_load %arg8[%swap3A_1005, %swap3A_1006] {strides = array<i32>} : memref<16x1024xf32, #tpu.memory_space<vmem>>, vector<1x16xf32>,
      %swap3A_1008 = vector.shape_cast %swap3A_1007 : vector<1x16xf32> to vector<16xf32>
      %swap3A_1009 = vector.shape_cast %add3A_1003 : vector<16xf32> to vector<1x16xf32>
      tpu.vector_store %arg8[%swap3A_1005, %swap3A_1006], %swap3A_1009 {add = true, strides = array<i32>} : memref<16x1024xf32, #tpu.memory_space<vmem>>, vector<1x16xf32>,
      %mul3A_1010 = arith.mulf %gather3A_42, %sub3A : vector<16xf32>
      %add3A_1011 = arith.addf %get3A_987, %mul3A_1010 : vector<16xf32>
      %swap3A_1012 = arith.constant 2 : i32
      %swap3A_1013 = arith.index_cast %swap3A_1012 : i32 to index
      %swap3A_1014 = arith.index_cast %mul3A_984 : i32 to index
      %swap3A_1015 = tpu.vector_load %arg8[%swap3A_1013, %swap3A_1014] {strides = array<i32>} : memref<16x1024xf32, #tpu.memory_space<vmem>>, vector<1x16xf32>,
      %swap3A_1016 = vector.shape_cast %swap3A_1015 : vector<1x16xf32> to vector<16xf32>
      %swap3A_1017 = vector.shape_cast %add3A_1011 : vector<16xf32> to vector<1x16xf32>
      tpu.vector_store %arg8[%swap3A_1013, %swap3A_1014], %swap3A_1017 {add = true, strides = array<i32>} : memref<16x1024xf32, #tpu.memory_space<vmem>>, vector<1x16xf32>,
      %mul3A_1018 = arith.mulf %gather3A_46, %sub3A : vector<16xf32>
      %add3A_1019 = arith.addf %get3A_987, %mul3A_1018 : vector<16xf32>
      %swap3A_1020 = arith.constant 3 : i32
      %swap3A_1021 = arith.index_cast %swap3A_1020 : i32 to index
      %swap3A_1022 = arith.index_cast %mul3A_984 : i32 to index
      %swap3A_1023 = tpu.vector_load %arg8[%swap3A_1021, %swap3A_1022] {strides = array<i32>} : memref<16x1024xf32, #tpu.memory_space<vmem>>, vector<1x16xf32>,
      %swap3A_1024 = vector.shape_cast %swap3A_1023 : vector<1x16xf32> to vector<16xf32>
      %swap3A_1025 = vector.shape_cast %add3A_1019 : vector<16xf32> to vector<1x16xf32>
      tpu.vector_store %arg8[%swap3A_1021, %swap3A_1022], %swap3A_1025 {add = true, strides = array<i32>} : memref<16x1024xf32, #tpu.memory_space<vmem>>, vector<1x16xf32>,
      %mul3A_1026 = arith.mulf %gather3A_50, %sub3A : vector<16xf32>
      %add3A_1027 = arith.addf %get3A_987, %mul3A_1026 : vector<16xf32>
      %swap3A_1028 = arith.constant 4 : i32
      %swap3A_1029 = arith.index_cast %swap3A_1028 : i32 to index
      %swap3A_1030 = arith.index_cast %mul3A_984 : i32 to index
      %swap3A_1031 = tpu.vector_load %arg8[%swap3A_1029, %swap3A_1030] {strides = array<i32>} : memref<16x1024xf32, #tpu.memory_space<vmem>>, vector<1x16xf32>,
      %swap3A_1032 = vector.shape_cast %swap3A_1031 : vector<1x16xf32> to vector<16xf32>
      %swap3A_1033 = vector.shape_cast %add3A_1027 : vector<16xf32> to vector<1x16xf32>
      tpu.vector_store %arg8[%swap3A_1029, %swap3A_1030], %swap3A_1033 {add = true, strides = array<i32>} : memref<16x1024xf32, #tpu.memory_space<vmem>>, vector<1x16xf32>,
      %mul3A_1034 = arith.mulf %gather3A_54, %sub3A : vector<16xf32>
      %add3A_1035 = arith.addf %get3A_987, %mul3A_1034 : vector<16xf32>
      %swap3A_1036 = arith.constant 5 : i32
      %swap3A_1037 = arith.index_cast %swap3A_1036 : i32 to index
      %swap3A_1038 = arith.index_cast %mul3A_984 : i32 to index
      %swap3A_1039 = tpu.vector_load %arg8[%swap3A_1037, %swap3A_1038] {strides = array<i32>} : memref<16x1024xf32, #tpu.memory_space<vmem>>, vector<1x16xf32>,
      %swap3A_1040 = vector.shape_cast %swap3A_1039 : vector<1x16xf32> to vector<16xf32>
      %swap3A_1041 = vector.shape_cast %add3A_1035 : vector<16xf32> to vector<1x16xf32>
      tpu.vector_store %arg8[%swap3A_1037, %swap3A_1038], %swap3A_1041 {add = true, strides = array<i32>} : memref<16x1024xf32, #tpu.memory_space<vmem>>, vector<1x16xf32>,
      %mul3A_1042 = arith.mulf %gather3A_58, %sub3A : vector<16xf32>
      %add3A_1043 = arith.addf %get3A_987, %mul3A_1042 : vector<16xf32>
      %swap3A_1044 = arith.constant 6 : i32
      %swap3A_1045 = arith.index_cast %swap3A_1044 : i32 to index
      %swap3A_1046 = arith.index_cast %mul3A_984 : i32 to index
      %swap3A_1047 = tpu.vector_load %arg8[%swap3A_1045, %swap3A_1046] {strides = array<i32>} : memref<16x1024xf32, #tpu.memory_space<vmem>>, vector<1x16xf32>,
      %swap3A_1048 = vector.shape_cast %swap3A_1047 : vector<1x16xf32> to vector<16xf32>
      %swap3A_1049 = vector.shape_cast %add3A_1043 : vector<16xf32> to vector<1x16xf32>
      tpu.vector_store %arg8[%swap3A_1045, %swap3A_1046], %swap3A_1049 {add = true, strides = array<i32>} : memref<16x1024xf32, #tpu.memory_space<vmem>>, vector<1x16xf32>,
      %mul3A_1050 = arith.mulf %gather3A_62, %sub3A : vector<16xf32>
      %add3A_1051 = arith.addf %get3A_987, %mul3A_1050 : vector<16xf32>
      %swap3A_1052 = arith.constant 7 : i32
      %swap3A_1053 = arith.index_cast %swap3A_1052 : i32 to index
      %swap3A_1054 = arith.index_cast %mul3A_984 : i32 to index
      %swap3A_1055 = tpu.vector_load %arg8[%swap3A_1053, %swap3A_1054] {strides = array<i32>} : memref<16x1024xf32, #tpu.memory_space<vmem>>, vector<1x16xf32>,
      %swap3A_1056 = vector.shape_cast %swap3A_1055 : vector<1x16xf32> to vector<16xf32>
      %swap3A_1057 = vector.shape_cast %add3A_1051 : vector<16xf32> to vector<1x16xf32>
      tpu.vector_store %arg8[%swap3A_1053, %swap3A_1054], %swap3A_1057 {add = true, strides = array<i32>} : memref<16x1024xf32, #tpu.memory_space<vmem>>, vector<1x16xf32>,
      %mul3A_1058 = arith.mulf %gather3A_66, %sub3A : vector<16xf32>
      %add3A_1059 = arith.addf %get3A_987, %mul3A_1058 : vector<16xf32>
      %swap3A_1060 = arith.constant 8 : i32
      %swap3A_1061 = arith.index_cast %swap3A_1060 : i32 to index
      %swap3A_1062 = arith.index_cast %mul3A_984 : i32 to index
      %swap3A_1063 = tpu.vector_load %arg8[%swap3A_1061, %swap3A_1062] {strides = array<i32>} : memref<16x1024xf32, #tpu.memory_space<vmem>>, vector<1x16xf32>,
      %swap3A_1064 = vector.shape_cast %swap3A_1063 : vector<1x16xf32> to vector<16xf32>
      %swap3A_1065 = vector.shape_cast %add3A_1059 : vector<16xf32> to vector<1x16xf32>
      tpu.vector_store %arg8[%swap3A_1061, %swap3A_1062], %swap3A_1065 {add = true, strides = array<i32>} : memref<16x1024xf32, #tpu.memory_space<vmem>>, vector<1x16xf32>,
      %mul3A_1066 = arith.mulf %gather3A_70, %sub3A : vector<16xf32>
      %add3A_1067 = arith.addf %get3A_987, %mul3A_1066 : vector<16xf32>
      %swap3A_1068 = arith.constant 9 : i32
      %swap3A_1069 = arith.index_cast %swap3A_1068 : i32 to index
      %swap3A_1070 = arith.index_cast %mul3A_984 : i32 to index
      %swap3A_1071 = tpu.vector_load %arg8[%swap3A_1069, %swap3A_1070] {strides = array<i32>} : memref<16x1024xf32, #tpu.memory_space<vmem>>, vector<1x16xf32>,
      %swap3A_1072 = vector.shape_cast %swap3A_1071 : vector<1x16xf32> to vector<16xf32>
      %swap3A_1073 = vector.shape_cast %add3A_1067 : vector<16xf32> to vector<1x16xf32>
      tpu.vector_store %arg8[%swap3A_1069, %swap3A_1070], %swap3A_1073 {add = true, strides = array<i32>} : memref<16x1024xf32, #tpu.memory_space<vmem>>, vector<1x16xf32>,
      %mul3A_1074 = arith.mulf %gather3A_74, %sub3A : vector<16xf32>
      %add3A_1075 = arith.addf %get3A_987, %mul3A_1074 : vector<16xf32>
      %swap3A_1076 = arith.constant 10 : i32
      %swap3A_1077 = arith.index_cast %swap3A_1076 : i32 to index
      %swap3A_1078 = arith.index_cast %mul3A_984 : i32 to index
      %swap3A_1079 = tpu.vector_load %arg8[%swap3A_1077, %swap3A_1078] {strides = array<i32>} : memref<16x1024xf32, #tpu.memory_space<vmem>>, vector<1x16xf32>,
      %swap3A_1080 = vector.shape_cast %swap3A_1079 : vector<1x16xf32> to vector<16xf32>
      %swap3A_1081 = vector.shape_cast %add3A_1075 : vector<16xf32> to vector<1x16xf32>
      tpu.vector_store %arg8[%swap3A_1077, %swap3A_1078], %swap3A_1081 {add = true, strides = array<i32>} : memref<16x1024xf32, #tpu.memory_space<vmem>>, vector<1x16xf32>,
      %mul3A_1082 = arith.mulf %gather3A_78, %sub3A : vector<16xf32>
      %add3A_1083 = arith.addf %get3A_987, %mul3A_1082 : vector<16xf32>
      %swap3A_1084 = arith.constant 11 : i32
      %swap3A_1085 = arith.index_cast %swap3A_1084 : i32 to index
      %swap3A_1086 = arith.index_cast %mul3A_984 : i32 to index
      %swap3A_1087 = tpu.vector_load %arg8[%swap3A_1085, %swap3A_1086] {strides = array<i32>} : memref<16x1024xf32, #tpu.memory_space<vmem>>, vector<1x16xf32>,
      %swap3A_1088 = vector.shape_cast %swap3A_1087 : vector<1x16xf32> to vector<16xf32>
      %swap3A_1089 = vector.shape_cast %add3A_1083 : vector<16xf32> to vector<1x16xf32>
      tpu.vector_store %arg8[%swap3A_1085, %swap3A_1086], %swap3A_1089 {add = true, strides = array<i32>} : memref<16x1024xf32, #tpu.memory_space<vmem>>, vector<1x16xf32>,
      %mul3A_1090 = arith.mulf %gather3A_82, %sub3A : vector<16xf32>
      %add3A_1091 = arith.addf %get3A_987, %mul3A_1090 : vector<16xf32>
      %swap3A_1092 = arith.constant 12 : i32
      %swap3A_1093 = arith.index_cast %swap3A_1092 : i32 to index
      %swap3A_1094 = arith.index_cast %mul3A_984 : i32 to index
      %swap3A_1095 = tpu.vector_load %arg8[%swap3A_1093, %swap3A_1094] {strides = array<i32>} : memref<16x1024xf32, #tpu.memory_space<vmem>>, vector<1x16xf32>,
      %swap3A_1096 = vector.shape_cast %swap3A_1095 : vector<1x16xf32> to vector<16xf32>
      %swap3A_1097 = vector.shape_cast %add3A_1091 : vector<16xf32> to vector<1x16xf32>
      tpu.vector_store %arg8[%swap3A_1093, %swap3A_1094], %swap3A_1097 {add = true, strides = array<i32>} : memref<16x1024xf32, #tpu.memory_space<vmem>>, vector<1x16xf32>,
      %mul3A_1098 = arith.mulf %gather3A_86, %sub3A : vector<16xf32>
      %add3A_1099 = arith.addf %get3A_987, %mul3A_1098 : vector<16xf32>
      %swap3A_1100 = arith.constant 13 : i32
      %swap3A_1101 = arith.index_cast %swap3A_1100 : i32 to index
      %swap3A_1102 = arith.index_cast %mul3A_984 : i32 to index
      %swap3A_1103 = tpu.vector_load %arg8[%swap3A_1101, %swap3A_1102] {strides = array<i32>} : memref<16x1024xf32, #tpu.memory_space<vmem>>, vector<1x16xf32>,
      %swap3A_1104 = vector.shape_cast %swap3A_1103 : vector<1x16xf32> to vector<16xf32>
      %swap3A_1105 = vector.shape_cast %add3A_1099 : vector<16xf32> to vector<1x16xf32>
      tpu.vector_store %arg8[%swap3A_1101, %swap3A_1102], %swap3A_1105 {add = true, strides = array<i32>} : memref<16x1024xf32, #tpu.memory_space<vmem>>, vector<1x16xf32>,
      %mul3A_1106 = arith.mulf %gather3A_90, %sub3A : vector<16xf32>
      %add3A_1107 = arith.addf %get3A_987, %mul3A_1106 : vector<16xf32>
      %swap3A_1108 = arith.constant 14 : i32
      %swap3A_1109 = arith.index_cast %swap3A_1108 : i32 to index
      %swap3A_1110 = arith.index_cast %mul3A_984 : i32 to index
      %swap3A_1111 = tpu.vector_load %arg8[%swap3A_1109, %swap3A_1110] {strides = array<i32>} : memref<16x1024xf32, #tpu.memory_space<vmem>>, vector<1x16xf32>,
      %swap3A_1112 = vector.shape_cast %swap3A_1111 : vector<1x16xf32> to vector<16xf32>
      %swap3A_1113 = vector.shape_cast %add3A_1107 : vector<16xf32> to vector<1x16xf32>
      tpu.vector_store %arg8[%swap3A_1109, %swap3A_1110], %swap3A_1113 {add = true, strides = array<i32>} : memref<16x1024xf32, #tpu.memory_space<vmem>>, vector<1x16xf32>,
      %mul3A_1114 = arith.mulf %gather3A_94, %sub3A : vector<16xf32>
      %add3A_1115 = arith.addf %get3A_987, %mul3A_1114 : vector<16xf32>
      %swap3A_1116 = arith.constant 15 : i32
      %swap3A_1117 = arith.index_cast %swap3A_1116 : i32 to index
      %swap3A_1118 = arith.index_cast %mul3A_984 : i32 to index
      %swap3A_1119 = tpu.vector_load %arg8[%swap3A_1117, %swap3A_1118] {strides = array<i32>} : memref<16x1024xf32, #tpu.memory_space<vmem>>, vector<1x16xf32>,
      %swap3A_1120 = vector.shape_cast %swap3A_1119 : vector<1x16xf32> to vector<16xf32>
      %swap3A_1121 = vector.shape_cast %add3A_1115 : vector<16xf32> to vector<1x16xf32>
      tpu.vector_store %arg8[%swap3A_1117, %swap3A_1118], %swap3A_1121 {add = true, strides = array<i32>} : memref<16x1024xf32, #tpu.memory_space<vmem>>, vector<1x16xf32>,
    }
    %scan3A_99 = arith.constant 64 : i32
    %add3A_100 = arith.constant 0 : i32
    %add3A_101 = arith.addi %mul3A_2, %add3A_100 : i32
    %dma_start3A_102 = arith.constant 0 : i32
    %dma_start3A_103 = tpu.memref_slice %arg5[%add3A_101, %dma_start3A_102] : memref<32768x1024xf32, #tpu.memory_space<hbm>> -> memref<16x1024xf32, #tpu.memory_space<hbm>>
    %dma_start3A_104 = arith.constant 0 : i32
    %dma_start3A_105 = tpu.memref_slice %arg5[%add3A_101, %dma_start3A_104] : memref<32768x1024xf32, #tpu.memory_space<hbm>> -> memref<16x1024xf32, #tpu.memory_space<hbm>>
    tpu.enqueue_dma source(%arg8 : memref<16x1024xf32, #tpu.memory_space<vmem>>) target(%dma_start3A_105 : memref<16x1024xf32, #tpu.memory_space<hbm>>) target_semaphore(%arg20 : memref<!tpu.dma_semaphore, #tpu.memory_space<semaphore_mem>>)
    %add3A_106 = arith.constant 64 : i32
    %add3A_107 = arith.addi %mul3A_2, %add3A_106 : i32
    %dma_start3A_108 = arith.constant 0 : i32
    %dma_start3A_109 = tpu.memref_slice %arg2[%add3A_107, %dma_start3A_108] : memref<32768x1024xf32, #tpu.memory_space<hbm>> -> memref<16x1024xf32, #tpu.memory_space<hbm>>
    %dma_start3A_110 = arith.constant 0 : i32
    %dma_start3A_111 = tpu.memref_slice %arg2[%add3A_107, %dma_start3A_110] : memref<32768x1024xf32, #tpu.memory_space<hbm>> -> memref<16x1024xf32, #tpu.memory_space<hbm>>
    tpu.enqueue_dma source(%dma_start3A_111 : memref<16x1024xf32, #tpu.memory_space<hbm>>) target(%arg12 : memref<16x1024xf32, #tpu.memory_space<vmem>>) target_semaphore(%arg18 : memref<!tpu.dma_semaphore, #tpu.memory_space<semaphore_mem>>)
    %dma_wait3A_112 = arith.constant 0 : i32
    %dma_wait3A_113 = arith.constant 0 : i32
    %dma_wait3A_114 = tpu.memref_slice %arg2[%dma_wait3A_112, %dma_wait3A_113] : memref<32768x1024xf32, #tpu.memory_space<hbm>> -> memref<16x1024xf32, #tpu.memory_space<hbm>>
    %dma_wait3A_115 = arith.constant 0 : i32
    %dma_wait3A_116 = arith.constant 0 : i32
    %dma_wait3A_117 = tpu.memref_slice %arg2[%dma_wait3A_115, %dma_wait3A_116] : memref<32768x1024xf32, #tpu.memory_space<hbm>> -> memref<16x1024xf32, #tpu.memory_space<hbm>>
    tpu.wait_dma2 semaphore(%arg15 : memref<!tpu.dma_semaphore, #tpu.memory_space<semaphore_mem>>) src(%dma_wait3A_117 : memref<16x1024xf32, #tpu.memory_space<hbm>>) dst(%arg9 : memref<16x1024xf32, #tpu.memory_space<vmem>>)
    %get3A_118 = arith.constant 16 : index
    %get3A_119 = tpu.vector_load %arg7[%get3A_118] {strides = array<i32>} : memref<1024xi32, #tpu.memory_space<vmem>>, vector<16xi32>,
    %get3A_120 = vector.shape_cast %get3A_119 : vector<16xi32> to vector<16xi32>
    %convert_element_type3A_121 = arith.sitofp %get3A_120 : vector<16xi32> to vector<16xf32>
    %broadcast_in_dim3A_122 = arith.constant 0 : i32
    %broadcast_in_dim3A_123 = vector.broadcast %broadcast_in_dim3A_122 : i32 to vector<16x1xi32>
    %gather3A_124 = vector.shape_cast %broadcast_in_dim3A_123 : vector<16x1xi32> to vector<16xi32>
    %gather3A_125 = tpu.dynamic_gather %convert_element_type3A_121[%gather3A_124] in [0] : vector<16xf32>, vector<16xi32> -> vector<16xf32>
    %broadcast_in_dim3A_126 = arith.constant 1 : i32
    %broadcast_in_dim3A_127 = vector.broadcast %broadcast_in_dim3A_126 : i32 to vector<16x1xi32>
    %gather3A_128 = vector.shape_cast %broadcast_in_dim3A_127 : vector<16x1xi32> to vector<16xi32>
    %gather3A_129 = tpu.dynamic_gather %convert_element_type3A_121[%gather3A_128] in [0] : vector<16xf32>, vector<16xi32> -> vector<16xf32>
    %broadcast_in_dim3A_130 = arith.constant 2 : i32
    %broadcast_in_dim3A_131 = vector.broadcast %broadcast_in_dim3A_130 : i32 to vector<16x1xi32>
    %gather3A_132 = vector.shape_cast %broadcast_in_dim3A_131 : vector<16x1xi32> to vector<16xi32>
    %gather3A_133 = tpu.dynamic_gather %convert_element_type3A_121[%gather3A_132] in [0] : vector<16xf32>, vector<16xi32> -> vector<16xf32>
    %broadcast_in_dim3A_134 = arith.constant 3 : i32
    %broadcast_in_dim3A_135 = vector.broadcast %broadcast_in_dim3A_134 : i32 to vector<16x1xi32>
    %gather3A_136 = vector.shape_cast %broadcast_in_dim3A_135 : vector<16x1xi32> to vector<16xi32>
    %gather3A_137 = tpu.dynamic_gather %convert_element_type3A_121[%gather3A_136] in [0] : vector<16xf32>, vector<16xi32> -> vector<16xf32>
    %broadcast_in_dim3A_138 = arith.constant 4 : i32
    %broadcast_in_dim3A_139 = vector.broadcast %broadcast_in_dim3A_138 : i32 to vector<16x1xi32>
    %gather3A_140 = vector.shape_cast %broadcast_in_dim3A_139 : vector<16x1xi32> to vector<16xi32>
    %gather3A_141 = tpu.dynamic_gather %convert_element_type3A_121[%gather3A_140] in [0] : vector<16xf32>, vector<16xi32> -> vector<16xf32>
    %broadcast_in_dim3A_142 = arith.constant 5 : i32
    %broadcast_in_dim3A_143 = vector.broadcast %broadcast_in_dim3A_142 : i32 to vector<16x1xi32>
    %gather3A_144 = vector.shape_cast %broadcast_in_dim3A_143 : vector<16x1xi32> to vector<16xi32>
    %gather3A_145 = tpu.dynamic_gather %convert_element_type3A_121[%gather3A_144] in [0] : vector<16xf32>, vector<16xi32> -> vector<16xf32>
    %broadcast_in_dim3A_146 = arith.constant 6 : i32
    %broadcast_in_dim3A_147 = vector.broadcast %broadcast_in_dim3A_146 : i32 to vector<16x1xi32>
    %gather3A_148 = vector.shape_cast %broadcast_in_dim3A_147 : vector<16x1xi32> to vector<16xi32>
    %gather3A_149 = tpu.dynamic_gather %convert_element_type3A_121[%gather3A_148] in [0] : vector<16xf32>, vector<16xi32> -> vector<16xf32>
    %broadcast_in_dim3A_150 = arith.constant 7 : i32
    %broadcast_in_dim3A_151 = vector.broadcast %broadcast_in_dim3A_150 : i32 to vector<16x1xi32>
    %gather3A_152 = vector.shape_cast %broadcast_in_dim3A_151 : vector<16x1xi32> to vector<16xi32>
    %gather3A_153 = tpu.dynamic_gather %convert_element_type3A_121[%gather3A_152] in [0] : vector<16xf32>, vector<16xi32> -> vector<16xf32>
    %broadcast_in_dim3A_154 = arith.constant 8 : i32
    %broadcast_in_dim3A_155 = vector.broadcast %broadcast_in_dim3A_154 : i32 to vector<16x1xi32>
    %gather3A_156 = vector.shape_cast %broadcast_in_dim3A_155 : vector<16x1xi32> to vector<16xi32>
    %gather3A_157 = tpu.dynamic_gather %convert_element_type3A_121[%gather3A_156] in [0] : vector<16xf32>, vector<16xi32> -> vector<16xf32>
    %broadcast_in_dim3A_158 = arith.constant 9 : i32
    %broadcast_in_dim3A_159 = vector.broadcast %broadcast_in_dim3A_158 : i32 to vector<16x1xi32>
    %gather3A_160 = vector.shape_cast %broadcast_in_dim3A_159 : vector<16x1xi32> to vector<16xi32>
    %gather3A_161 = tpu.dynamic_gather %convert_element_type3A_121[%gather3A_160] in [0] : vector<16xf32>, vector<16xi32> -> vector<16xf32>
    %broadcast_in_dim3A_162 = arith.constant 10 : i32
    %broadcast_in_dim3A_163 = vector.broadcast %broadcast_in_dim3A_162 : i32 to vector<16x1xi32>
    %gather3A_164 = vector.shape_cast %broadcast_in_dim3A_163 : vector<16x1xi32> to vector<16xi32>
    %gather3A_165 = tpu.dynamic_gather %convert_element_type3A_121[%gather3A_164] in [0] : vector<16xf32>, vector<16xi32> -> vector<16xf32>
    %broadcast_in_dim3A_166 = arith.constant 11 : i32
    %broadcast_in_dim3A_167 = vector.broadcast %broadcast_in_dim3A_166 : i32 to vector<16x1xi32>
    %gather3A_168 = vector.shape_cast %broadcast_in_dim3A_167 : vector<16x1xi32> to vector<16xi32>
    %gather3A_169 = tpu.dynamic_gather %convert_element_type3A_121[%gather3A_168] in [0] : vector<16xf32>, vector<16xi32> -> vector<16xf32>
    %broadcast_in_dim3A_170 = arith.constant 12 : i32
    %broadcast_in_dim3A_171 = vector.broadcast %broadcast_in_dim3A_170 : i32 to vector<16x1xi32>
    %gather3A_172 = vector.shape_cast %broadcast_in_dim3A_171 : vector<16x1xi32> to vector<16xi32>
    %gather3A_173 = tpu.dynamic_gather %convert_element_type3A_121[%gather3A_172] in [0] : vector<16xf32>, vector<16xi32> -> vector<16xf32>
    %broadcast_in_dim3A_174 = arith.constant 13 : i32
    %broadcast_in_dim3A_175 = vector.broadcast %broadcast_in_dim3A_174 : i32 to vector<16x1xi32>
    %gather3A_176 = vector.shape_cast %broadcast_in_dim3A_175 : vector<16x1xi32> to vector<16xi32>
    %gather3A_177 = tpu.dynamic_gather %convert_element_type3A_121[%gather3A_176] in [0] : vector<16xf32>, vector<16xi32> -> vector<16xf32>
    %broadcast_in_dim3A_178 = arith.constant 14 : i32
    %broadcast_in_dim3A_179 = vector.broadcast %broadcast_in_dim3A_178 : i32 to vector<16x1xi32>
    %gather3A_180 = vector.shape_cast %broadcast_in_dim3A_179 : vector<16x1xi32> to vector<16xi32>
    %gather3A_181 = tpu.dynamic_gather %convert_element_type3A_121[%gather3A_180] in [0] : vector<16xf32>, vector<16xi32> -> vector<16xf32>
    %broadcast_in_dim3A_182 = arith.constant 15 : i32
    %broadcast_in_dim3A_183 = vector.broadcast %broadcast_in_dim3A_182 : i32 to vector<16x1xi32>
    %gather3A_184 = vector.shape_cast %broadcast_in_dim3A_183 : vector<16x1xi32> to vector<16xi32>
    %gather3A_185 = tpu.dynamic_gather %convert_element_type3A_121[%gather3A_184] in [0] : vector<16xf32>, vector<16xi32> -> vector<16xf32>
    %scan3A_186 = arith.constant 0 : i32
    %scan3A_187 = arith.constant 0 : i32
    %scan3A_188 = arith.constant 64 : i32
    %scan3A_189 = arith.addi %scan3A_187, %scan3A_188 : i32
    %scan3A_190 = arith.constant 1 : i32
    scf.for %scan3A_982 = %scan3A_187 to %scan3A_189 step %scan3A_190  : i32 {
      %mul3A_983 = arith.constant 16 : i32
      %mul3A_984 = arith.muli %scan3A_982, %mul3A_983 : i32
      %get3A_985 = arith.index_cast %mul3A_984 : i32 to index
      %get3A_986 = tpu.vector_load %arg6[%get3A_985] {strides = array<i32>} : memref<2048xf32, #tpu.memory_space<vmem>>, vector<16xf32>,
      %get3A_987 = vector.shape_cast %get3A_986 : vector<16xf32> to vector<16xf32>
      %mul3A_988 = arith.constant 16 : i32
      %mul3A_989 = arith.muli %scan3A_982, %mul3A_988 : i32
      %add3A_990 = arith.constant 1024 : i32
      %add3A_991 = arith.addi %add3A_990, %mul3A_989 : i32
      %get3A_992 = arith.index_cast %add3A_991 : i32 to index
      %get3A_993 = tpu.vector_load %arg6[%get3A_992] {strides = array<i32>} : memref<2048xf32, #tpu.memory_space<vmem>>, vector<16xf32>,
      %get3A_994 = vector.shape_cast %get3A_993 : vector<16xf32> to vector<16xf32>
      %sub3A = arith.subf %get3A_994, %get3A_987 : vector<16xf32>
      %mul3A_995 = arith.mulf %gather3A_125, %sub3A : vector<16xf32>
      %add3A_996 = arith.addf %get3A_987, %mul3A_995 : vector<16xf32>
      %swap3A = arith.constant 0 : i32
      %swap3A_997 = arith.index_cast %swap3A : i32 to index
      %swap3A_998 = arith.index_cast %mul3A_984 : i32 to index
      %swap3A_999 = tpu.vector_load %arg9[%swap3A_997, %swap3A_998] {strides = array<i32>} : memref<16x1024xf32, #tpu.memory_space<vmem>>, vector<1x16xf32>,
      %swap3A_1000 = vector.shape_cast %swap3A_999 : vector<1x16xf32> to vector<16xf32>
      %swap3A_1001 = vector.shape_cast %add3A_996 : vector<16xf32> to vector<1x16xf32>
      tpu.vector_store %arg9[%swap3A_997, %swap3A_998], %swap3A_1001 {add = true, strides = array<i32>} : memref<16x1024xf32, #tpu.memory_space<vmem>>, vector<1x16xf32>,
      %mul3A_1002 = arith.mulf %gather3A_129, %sub3A : vector<16xf32>
      %add3A_1003 = arith.addf %get3A_987, %mul3A_1002 : vector<16xf32>
      %swap3A_1004 = arith.constant 1 : i32
      %swap3A_1005 = arith.index_cast %swap3A_1004 : i32 to index
      %swap3A_1006 = arith.index_cast %mul3A_984 : i32 to index
      %swap3A_1007 = tpu.vector_load %arg9[%swap3A_1005, %swap3A_1006] {strides = array<i32>} : memref<16x1024xf32, #tpu.memory_space<vmem>>, vector<1x16xf32>,
      %swap3A_1008 = vector.shape_cast %swap3A_1007 : vector<1x16xf32> to vector<16xf32>
      %swap3A_1009 = vector.shape_cast %add3A_1003 : vector<16xf32> to vector<1x16xf32>
      tpu.vector_store %arg9[%swap3A_1005, %swap3A_1006], %swap3A_1009 {add = true, strides = array<i32>} : memref<16x1024xf32, #tpu.memory_space<vmem>>, vector<1x16xf32>,
      %mul3A_1010 = arith.mulf %gather3A_133, %sub3A : vector<16xf32>
      %add3A_1011 = arith.addf %get3A_987, %mul3A_1010 : vector<16xf32>
      %swap3A_1012 = arith.constant 2 : i32
      %swap3A_1013 = arith.index_cast %swap3A_1012 : i32 to index
      %swap3A_1014 = arith.index_cast %mul3A_984 : i32 to index
      %swap3A_1015 = tpu.vector_load %arg9[%swap3A_1013, %swap3A_1014] {strides = array<i32>} : memref<16x1024xf32, #tpu.memory_space<vmem>>, vector<1x16xf32>,
      %swap3A_1016 = vector.shape_cast %swap3A_1015 : vector<1x16xf32> to vector<16xf32>
      %swap3A_1017 = vector.shape_cast %add3A_1011 : vector<16xf32> to vector<1x16xf32>
      tpu.vector_store %arg9[%swap3A_1013, %swap3A_1014], %swap3A_1017 {add = true, strides = array<i32>} : memref<16x1024xf32, #tpu.memory_space<vmem>>, vector<1x16xf32>,
      %mul3A_1018 = arith.mulf %gather3A_137, %sub3A : vector<16xf32>
      %add3A_1019 = arith.addf %get3A_987, %mul3A_1018 : vector<16xf32>
      %swap3A_1020 = arith.constant 3 : i32
      %swap3A_1021 = arith.index_cast %swap3A_1020 : i32 to index
      %swap3A_1022 = arith.index_cast %mul3A_984 : i32 to index
      %swap3A_1023 = tpu.vector_load %arg9[%swap3A_1021, %swap3A_1022] {strides = array<i32>} : memref<16x1024xf32, #tpu.memory_space<vmem>>, vector<1x16xf32>,
      %swap3A_1024 = vector.shape_cast %swap3A_1023 : vector<1x16xf32> to vector<16xf32>
      %swap3A_1025 = vector.shape_cast %add3A_1019 : vector<16xf32> to vector<1x16xf32>
      tpu.vector_store %arg9[%swap3A_1021, %swap3A_1022], %swap3A_1025 {add = true, strides = array<i32>} : memref<16x1024xf32, #tpu.memory_space<vmem>>, vector<1x16xf32>,
      %mul3A_1026 = arith.mulf %gather3A_141, %sub3A : vector<16xf32>
      %add3A_1027 = arith.addf %get3A_987, %mul3A_1026 : vector<16xf32>
      %swap3A_1028 = arith.constant 4 : i32
      %swap3A_1029 = arith.index_cast %swap3A_1028 : i32 to index
      %swap3A_1030 = arith.index_cast %mul3A_984 : i32 to index
      %swap3A_1031 = tpu.vector_load %arg9[%swap3A_1029, %swap3A_1030] {strides = array<i32>} : memref<16x1024xf32, #tpu.memory_space<vmem>>, vector<1x16xf32>,
      %swap3A_1032 = vector.shape_cast %swap3A_1031 : vector<1x16xf32> to vector<16xf32>
      %swap3A_1033 = vector.shape_cast %add3A_1027 : vector<16xf32> to vector<1x16xf32>
      tpu.vector_store %arg9[%swap3A_1029, %swap3A_1030], %swap3A_1033 {add = true, strides = array<i32>} : memref<16x1024xf32, #tpu.memory_space<vmem>>, vector<1x16xf32>,
      %mul3A_1034 = arith.mulf %gather3A_145, %sub3A : vector<16xf32>
      %add3A_1035 = arith.addf %get3A_987, %mul3A_1034 : vector<16xf32>
      %swap3A_1036 = arith.constant 5 : i32
      %swap3A_1037 = arith.index_cast %swap3A_1036 : i32 to index
      %swap3A_1038 = arith.index_cast %mul3A_984 : i32 to index
      %swap3A_1039 = tpu.vector_load %arg9[%swap3A_1037, %swap3A_1038] {strides = array<i32>} : memref<16x1024xf32, #tpu.memory_space<vmem>>, vector<1x16xf32>,
      %swap3A_1040 = vector.shape_cast %swap3A_1039 : vector<1x16xf32> to vector<16xf32>
      %swap3A_1041 = vector.shape_cast %add3A_1035 : vector<16xf32> to vector<1x16xf32>
      tpu.vector_store %arg9[%swap3A_1037, %swap3A_1038], %swap3A_1041 {add = true, strides = array<i32>} : memref<16x1024xf32, #tpu.memory_space<vmem>>, vector<1x16xf32>,
      %mul3A_1042 = arith.mulf %gather3A_149, %sub3A : vector<16xf32>
      %add3A_1043 = arith.addf %get3A_987, %mul3A_1042 : vector<16xf32>
      %swap3A_1044 = arith.constant 6 : i32
      %swap3A_1045 = arith.index_cast %swap3A_1044 : i32 to index
      %swap3A_1046 = arith.index_cast %mul3A_984 : i32 to index
      %swap3A_1047 = tpu.vector_load %arg9[%swap3A_1045, %swap3A_1046] {strides = array<i32>} : memref<16x1024xf32, #tpu.memory_space<vmem>>, vector<1x16xf32>,
      %swap3A_1048 = vector.shape_cast %swap3A_1047 : vector<1x16xf32> to vector<16xf32>
      %swap3A_1049 = vector.shape_cast %add3A_1043 : vector<16xf32> to vector<1x16xf32>
      tpu.vector_store %arg9[%swap3A_1045, %swap3A_1046], %swap3A_1049 {add = true, strides = array<i32>} : memref<16x1024xf32, #tpu.memory_space<vmem>>, vector<1x16xf32>,
      %mul3A_1050 = arith.mulf %gather3A_153, %sub3A : vector<16xf32>
      %add3A_1051 = arith.addf %get3A_987, %mul3A_1050 : vector<16xf32>
      %swap3A_1052 = arith.constant 7 : i32
      %swap3A_1053 = arith.index_cast %swap3A_1052 : i32 to index
      %swap3A_1054 = arith.index_cast %mul3A_984 : i32 to index
      %swap3A_1055 = tpu.vector_load %arg9[%swap3A_1053, %swap3A_1054] {strides = array<i32>} : memref<16x1024xf32, #tpu.memory_space<vmem>>, vector<1x16xf32>,
      %swap3A_1056 = vector.shape_cast %swap3A_1055 : vector<1x16xf32> to vector<16xf32>
      %swap3A_1057 = vector.shape_cast %add3A_1051 : vector<16xf32> to vector<1x16xf32>
      tpu.vector_store %arg9[%swap3A_1053, %swap3A_1054], %swap3A_1057 {add = true, strides = array<i32>} : memref<16x1024xf32, #tpu.memory_space<vmem>>, vector<1x16xf32>,
      %mul3A_1058 = arith.mulf %gather3A_157, %sub3A : vector<16xf32>
      %add3A_1059 = arith.addf %get3A_987, %mul3A_1058 : vector<16xf32>
      %swap3A_1060 = arith.constant 8 : i32
      %swap3A_1061 = arith.index_cast %swap3A_1060 : i32 to index
      %swap3A_1062 = arith.index_cast %mul3A_984 : i32 to index
      %swap3A_1063 = tpu.vector_load %arg9[%swap3A_1061, %swap3A_1062] {strides = array<i32>} : memref<16x1024xf32, #tpu.memory_space<vmem>>, vector<1x16xf32>,
      %swap3A_1064 = vector.shape_cast %swap3A_1063 : vector<1x16xf32> to vector<16xf32>
      %swap3A_1065 = vector.shape_cast %add3A_1059 : vector<16xf32> to vector<1x16xf32>
      tpu.vector_store %arg9[%swap3A_1061, %swap3A_1062], %swap3A_1065 {add = true, strides = array<i32>} : memref<16x1024xf32, #tpu.memory_space<vmem>>, vector<1x16xf32>,
      %mul3A_1066 = arith.mulf %gather3A_161, %sub3A : vector<16xf32>
      %add3A_1067 = arith.addf %get3A_987, %mul3A_1066 : vector<16xf32>
      %swap3A_1068 = arith.constant 9 : i32
      %swap3A_1069 = arith.index_cast %swap3A_1068 : i32 to index
      %swap3A_1070 = arith.index_cast %mul3A_984 : i32 to index
      %swap3A_1071 = tpu.vector_load %arg9[%swap3A_1069, %swap3A_1070] {strides = array<i32>} : memref<16x1024xf32, #tpu.memory_space<vmem>>, vector<1x16xf32>,
      %swap3A_1072 = vector.shape_cast %swap3A_1071 : vector<1x16xf32> to vector<16xf32>
      %swap3A_1073 = vector.shape_cast %add3A_1067 : vector<16xf32> to vector<1x16xf32>
      tpu.vector_store %arg9[%swap3A_1069, %swap3A_1070], %swap3A_1073 {add = true, strides = array<i32>} : memref<16x1024xf32, #tpu.memory_space<vmem>>, vector<1x16xf32>,
      %mul3A_1074 = arith.mulf %gather3A_165, %sub3A : vector<16xf32>
      %add3A_1075 = arith.addf %get3A_987, %mul3A_1074 : vector<16xf32>
      %swap3A_1076 = arith.constant 10 : i32
      %swap3A_1077 = arith.index_cast %swap3A_1076 : i32 to index
      %swap3A_1078 = arith.index_cast %mul3A_984 : i32 to index
      %swap3A_1079 = tpu.vector_load %arg9[%swap3A_1077, %swap3A_1078] {strides = array<i32>} : memref<16x1024xf32, #tpu.memory_space<vmem>>, vector<1x16xf32>,
      %swap3A_1080 = vector.shape_cast %swap3A_1079 : vector<1x16xf32> to vector<16xf32>
      %swap3A_1081 = vector.shape_cast %add3A_1075 : vector<16xf32> to vector<1x16xf32>
      tpu.vector_store %arg9[%swap3A_1077, %swap3A_1078], %swap3A_1081 {add = true, strides = array<i32>} : memref<16x1024xf32, #tpu.memory_space<vmem>>, vector<1x16xf32>,
      %mul3A_1082 = arith.mulf %gather3A_169, %sub3A : vector<16xf32>
      %add3A_1083 = arith.addf %get3A_987, %mul3A_1082 : vector<16xf32>
      %swap3A_1084 = arith.constant 11 : i32
      %swap3A_1085 = arith.index_cast %swap3A_1084 : i32 to index
      %swap3A_1086 = arith.index_cast %mul3A_984 : i32 to index
      %swap3A_1087 = tpu.vector_load %arg9[%swap3A_1085, %swap3A_1086] {strides = array<i32>} : memref<16x1024xf32, #tpu.memory_space<vmem>>, vector<1x16xf32>,
      %swap3A_1088 = vector.shape_cast %swap3A_1087 : vector<1x16xf32> to vector<16xf32>
      %swap3A_1089 = vector.shape_cast %add3A_1083 : vector<16xf32> to vector<1x16xf32>
      tpu.vector_store %arg9[%swap3A_1085, %swap3A_1086], %swap3A_1089 {add = true, strides = array<i32>} : memref<16x1024xf32, #tpu.memory_space<vmem>>, vector<1x16xf32>,
      %mul3A_1090 = arith.mulf %gather3A_173, %sub3A : vector<16xf32>
      %add3A_1091 = arith.addf %get3A_987, %mul3A_1090 : vector<16xf32>
      %swap3A_1092 = arith.constant 12 : i32
      %swap3A_1093 = arith.index_cast %swap3A_1092 : i32 to index
      %swap3A_1094 = arith.index_cast %mul3A_984 : i32 to index
      %swap3A_1095 = tpu.vector_load %arg9[%swap3A_1093, %swap3A_1094] {strides = array<i32>} : memref<16x1024xf32, #tpu.memory_space<vmem>>, vector<1x16xf32>,
      %swap3A_1096 = vector.shape_cast %swap3A_1095 : vector<1x16xf32> to vector<16xf32>
      %swap3A_1097 = vector.shape_cast %add3A_1091 : vector<16xf32> to vector<1x16xf32>
      tpu.vector_store %arg9[%swap3A_1093, %swap3A_1094], %swap3A_1097 {add = true, strides = array<i32>} : memref<16x1024xf32, #tpu.memory_space<vmem>>, vector<1x16xf32>,
      %mul3A_1098 = arith.mulf %gather3A_177, %sub3A : vector<16xf32>
      %add3A_1099 = arith.addf %get3A_987, %mul3A_1098 : vector<16xf32>
      %swap3A_1100 = arith.constant 13 : i32
      %swap3A_1101 = arith.index_cast %swap3A_1100 : i32 to index
      %swap3A_1102 = arith.index_cast %mul3A_984 : i32 to index
      %swap3A_1103 = tpu.vector_load %arg9[%swap3A_1101, %swap3A_1102] {strides = array<i32>} : memref<16x1024xf32, #tpu.memory_space<vmem>>, vector<1x16xf32>,
      %swap3A_1104 = vector.shape_cast %swap3A_1103 : vector<1x16xf32> to vector<16xf32>
      %swap3A_1105 = vector.shape_cast %add3A_1099 : vector<16xf32> to vector<1x16xf32>
      tpu.vector_store %arg9[%swap3A_1101, %swap3A_1102], %swap3A_1105 {add = true, strides = array<i32>} : memref<16x1024xf32, #tpu.memory_space<vmem>>, vector<1x16xf32>,
      %mul3A_1106 = arith.mulf %gather3A_181, %sub3A : vector<16xf32>
      %add3A_1107 = arith.addf %get3A_987, %mul3A_1106 : vector<16xf32>
      %swap3A_1108 = arith.constant 14 : i32
      %swap3A_1109 = arith.index_cast %swap3A_1108 : i32 to index
      %swap3A_1110 = arith.index_cast %mul3A_984 : i32 to index
      %swap3A_1111 = tpu.vector_load %arg9[%swap3A_1109, %swap3A_1110] {strides = array<i32>} : memref<16x1024xf32, #tpu.memory_space<vmem>>, vector<1x16xf32>,
      %swap3A_1112 = vector.shape_cast %swap3A_1111 : vector<1x16xf32> to vector<16xf32>
      %swap3A_1113 = vector.shape_cast %add3A_1107 : vector<16xf32> to vector<1x16xf32>
      tpu.vector_store %arg9[%swap3A_1109, %swap3A_1110], %swap3A_1113 {add = true, strides = array<i32>} : memref<16x1024xf32, #tpu.memory_space<vmem>>, vector<1x16xf32>,
      %mul3A_1114 = arith.mulf %gather3A_185, %sub3A : vector<16xf32>
      %add3A_1115 = arith.addf %get3A_987, %mul3A_1114 : vector<16xf32>
      %swap3A_1116 = arith.constant 15 : i32
      %swap3A_1117 = arith.index_cast %swap3A_1116 : i32 to index
      %swap3A_1118 = arith.index_cast %mul3A_984 : i32 to index
      %swap3A_1119 = tpu.vector_load %arg9[%swap3A_1117, %swap3A_1118] {strides = array<i32>} : memref<16x1024xf32, #tpu.memory_space<vmem>>, vector<1x16xf32>,
      %swap3A_1120 = vector.shape_cast %swap3A_1119 : vector<1x16xf32> to vector<16xf32>
      %swap3A_1121 = vector.shape_cast %add3A_1115 : vector<16xf32> to vector<1x16xf32>
      tpu.vector_store %arg9[%swap3A_1117, %swap3A_1118], %swap3A_1121 {add = true, strides = array<i32>} : memref<16x1024xf32, #tpu.memory_space<vmem>>, vector<1x16xf32>,
    }
    %scan3A_191 = arith.constant 64 : i32
    %add3A_192 = arith.constant 16 : i32
    %add3A_193 = arith.addi %mul3A_2, %add3A_192 : i32
    %dma_start3A_194 = arith.constant 0 : i32
    %dma_start3A_195 = tpu.memref_slice %arg5[%add3A_193, %dma_start3A_194] : memref<32768x1024xf32, #tpu.memory_space<hbm>> -> memref<16x1024xf32, #tpu.memory_space<hbm>>
    %dma_start3A_196 = arith.constant 0 : i32
    %dma_start3A_197 = tpu.memref_slice %arg5[%add3A_193, %dma_start3A_196] : memref<32768x1024xf32, #tpu.memory_space<hbm>> -> memref<16x1024xf32, #tpu.memory_space<hbm>>
    tpu.enqueue_dma source(%arg9 : memref<16x1024xf32, #tpu.memory_space<vmem>>) target(%dma_start3A_197 : memref<16x1024xf32, #tpu.memory_space<hbm>>) target_semaphore(%arg21 : memref<!tpu.dma_semaphore, #tpu.memory_space<semaphore_mem>>)
    %add3A_198 = arith.constant 80 : i32
    %add3A_199 = arith.addi %mul3A_2, %add3A_198 : i32
    %dma_start3A_200 = arith.constant 0 : i32
    %dma_start3A_201 = tpu.memref_slice %arg2[%add3A_199, %dma_start3A_200] : memref<32768x1024xf32, #tpu.memory_space<hbm>> -> memref<16x1024xf32, #tpu.memory_space<hbm>>
    %dma_start3A_202 = arith.constant 0 : i32
    %dma_start3A_203 = tpu.memref_slice %arg2[%add3A_199, %dma_start3A_202] : memref<32768x1024xf32, #tpu.memory_space<hbm>> -> memref<16x1024xf32, #tpu.memory_space<hbm>>
    tpu.enqueue_dma source(%dma_start3A_203 : memref<16x1024xf32, #tpu.memory_space<hbm>>) target(%arg13 : memref<16x1024xf32, #tpu.memory_space<vmem>>) target_semaphore(%arg19 : memref<!tpu.dma_semaphore, #tpu.memory_space<semaphore_mem>>)
    %dma_wait3A_204 = arith.constant 0 : i32
    %dma_wait3A_205 = arith.constant 0 : i32
    %dma_wait3A_206 = tpu.memref_slice %arg2[%dma_wait3A_204, %dma_wait3A_205] : memref<32768x1024xf32, #tpu.memory_space<hbm>> -> memref<16x1024xf32, #tpu.memory_space<hbm>>
    %dma_wait3A_207 = arith.constant 0 : i32
    %dma_wait3A_208 = arith.constant 0 : i32
    %dma_wait3A_209 = tpu.memref_slice %arg2[%dma_wait3A_207, %dma_wait3A_208] : memref<32768x1024xf32, #tpu.memory_space<hbm>> -> memref<16x1024xf32, #tpu.memory_space<hbm>>
    tpu.wait_dma2 semaphore(%arg16 : memref<!tpu.dma_semaphore, #tpu.memory_space<semaphore_mem>>) src(%dma_wait3A_209 : memref<16x1024xf32, #tpu.memory_space<hbm>>) dst(%arg10 : memref<16x1024xf32, #tpu.memory_space<vmem>>)
    %get3A_210 = arith.constant 32 : index
    %get3A_211 = tpu.vector_load %arg7[%get3A_210] {strides = array<i32>} : memref<1024xi32, #tpu.memory_space<vmem>>, vector<16xi32>,
    %get3A_212 = vector.shape_cast %get3A_211 : vector<16xi32> to vector<16xi32>
    %convert_element_type3A_213 = arith.sitofp %get3A_212 : vector<16xi32> to vector<16xf32>
    %broadcast_in_dim3A_214 = arith.constant 0 : i32
    %broadcast_in_dim3A_215 = vector.broadcast %broadcast_in_dim3A_214 : i32 to vector<16x1xi32>
    %gather3A_216 = vector.shape_cast %broadcast_in_dim3A_215 : vector<16x1xi32> to vector<16xi32>
    %gather3A_217 = tpu.dynamic_gather %convert_element_type3A_213[%gather3A_216] in [0] : vector<16xf32>, vector<16xi32> -> vector<16xf32>
    %broadcast_in_dim3A_218 = arith.constant 1 : i32
    %broadcast_in_dim3A_219 = vector.broadcast %broadcast_in_dim3A_218 : i32 to vector<16x1xi32>
    %gather3A_220 = vector.shape_cast %broadcast_in_dim3A_219 : vector<16x1xi32> to vector<16xi32>
    %gather3A_221 = tpu.dynamic_gather %convert_element_type3A_213[%gather3A_220] in [0] : vector<16xf32>, vector<16xi32> -> vector<16xf32>
    %broadcast_in_dim3A_222 = arith.constant 2 : i32
    %broadcast_in_dim3A_223 = vector.broadcast %broadcast_in_dim3A_222 : i32 to vector<16x1xi32>
    %gather3A_224 = vector.shape_cast %broadcast_in_dim3A_223 : vector<16x1xi32> to vector<16xi32>
    %gather3A_225 = tpu.dynamic_gather %convert_element_type3A_213[%gather3A_224] in [0] : vector<16xf32>, vector<16xi32> -> vector<16xf32>
    %broadcast_in_dim3A_226 = arith.constant 3 : i32
    %broadcast_in_dim3A_227 = vector.broadcast %broadcast_in_dim3A_226 : i32 to vector<16x1xi32>
    %gather3A_228 = vector.shape_cast %broadcast_in_dim3A_227 : vector<16x1xi32> to vector<16xi32>
    %gather3A_229 = tpu.dynamic_gather %convert_element_type3A_213[%gather3A_228] in [0] : vector<16xf32>, vector<16xi32> -> vector<16xf32>
    %broadcast_in_dim3A_230 = arith.constant 4 : i32
    %broadcast_in_dim3A_231 = vector.broadcast %broadcast_in_dim3A_230 : i32 to vector<16x1xi32>
    %gather3A_232 = vector.shape_cast %broadcast_in_dim3A_231 : vector<16x1xi32> to vector<16xi32>
    %gather3A_233 = tpu.dynamic_gather %convert_element_type3A_213[%gather3A_232] in [0] : vector<16xf32>, vector<16xi32> -> vector<16xf32>
    %broadcast_in_dim3A_234 = arith.constant 5 : i32
    %broadcast_in_dim3A_235 = vector.broadcast %broadcast_in_dim3A_234 : i32 to vector<16x1xi32>
    %gather3A_236 = vector.shape_cast %broadcast_in_dim3A_235 : vector<16x1xi32> to vector<16xi32>
    %gather3A_237 = tpu.dynamic_gather %convert_element_type3A_213[%gather3A_236] in [0] : vector<16xf32>, vector<16xi32> -> vector<16xf32>
    %broadcast_in_dim3A_238 = arith.constant 6 : i32
    %broadcast_in_dim3A_239 = vector.broadcast %broadcast_in_dim3A_238 : i32 to vector<16x1xi32>
    %gather3A_240 = vector.shape_cast %broadcast_in_dim3A_239 : vector<16x1xi32> to vector<16xi32>
    %gather3A_241 = tpu.dynamic_gather %convert_element_type3A_213[%gather3A_240] in [0] : vector<16xf32>, vector<16xi32> -> vector<16xf32>
    %broadcast_in_dim3A_242 = arith.constant 7 : i32
    %broadcast_in_dim3A_243 = vector.broadcast %broadcast_in_dim3A_242 : i32 to vector<16x1xi32>
    %gather3A_244 = vector.shape_cast %broadcast_in_dim3A_243 : vector<16x1xi32> to vector<16xi32>
    %gather3A_245 = tpu.dynamic_gather %convert_element_type3A_213[%gather3A_244] in [0] : vector<16xf32>, vector<16xi32> -> vector<16xf32>
    %broadcast_in_dim3A_246 = arith.constant 8 : i32
    %broadcast_in_dim3A_247 = vector.broadcast %broadcast_in_dim3A_246 : i32 to vector<16x1xi32>
    %gather3A_248 = vector.shape_cast %broadcast_in_dim3A_247 : vector<16x1xi32> to vector<16xi32>
    %gather3A_249 = tpu.dynamic_gather %convert_element_type3A_213[%gather3A_248] in [0] : vector<16xf32>, vector<16xi32> -> vector<16xf32>
    %broadcast_in_dim3A_250 = arith.constant 9 : i32
    %broadcast_in_dim3A_251 = vector.broadcast %broadcast_in_dim3A_250 : i32 to vector<16x1xi32>
    %gather3A_252 = vector.shape_cast %broadcast_in_dim3A_251 : vector<16x1xi32> to vector<16xi32>
    %gather3A_253 = tpu.dynamic_gather %convert_element_type3A_213[%gather3A_252] in [0] : vector<16xf32>, vector<16xi32> -> vector<16xf32>
    %broadcast_in_dim3A_254 = arith.constant 10 : i32
    %broadcast_in_dim3A_255 = vector.broadcast %broadcast_in_dim3A_254 : i32 to vector<16x1xi32>
    %gather3A_256 = vector.shape_cast %broadcast_in_dim3A_255 : vector<16x1xi32> to vector<16xi32>
    %gather3A_257 = tpu.dynamic_gather %convert_element_type3A_213[%gather3A_256] in [0] : vector<16xf32>, vector<16xi32> -> vector<16xf32>
    %broadcast_in_dim3A_258 = arith.constant 11 : i32
    %broadcast_in_dim3A_259 = vector.broadcast %broadcast_in_dim3A_258 : i32 to vector<16x1xi32>
    %gather3A_260 = vector.shape_cast %broadcast_in_dim3A_259 : vector<16x1xi32> to vector<16xi32>
    %gather3A_261 = tpu.dynamic_gather %convert_element_type3A_213[%gather3A_260] in [0] : vector<16xf32>, vector<16xi32> -> vector<16xf32>
    %broadcast_in_dim3A_262 = arith.constant 12 : i32
    %broadcast_in_dim3A_263 = vector.broadcast %broadcast_in_dim3A_262 : i32 to vector<16x1xi32>
    %gather3A_264 = vector.shape_cast %broadcast_in_dim3A_263 : vector<16x1xi32> to vector<16xi32>
    %gather3A_265 = tpu.dynamic_gather %convert_element_type3A_213[%gather3A_264] in [0] : vector<16xf32>, vector<16xi32> -> vector<16xf32>
    %broadcast_in_dim3A_266 = arith.constant 13 : i32
    %broadcast_in_dim3A_267 = vector.broadcast %broadcast_in_dim3A_266 : i32 to vector<16x1xi32>
    %gather3A_268 = vector.shape_cast %broadcast_in_dim3A_267 : vector<16x1xi32> to vector<16xi32>
    %gather3A_269 = tpu.dynamic_gather %convert_element_type3A_213[%gather3A_268] in [0] : vector<16xf32>, vector<16xi32> -> vector<16xf32>
    %broadcast_in_dim3A_270 = arith.constant 14 : i32
    %broadcast_in_dim3A_271 = vector.broadcast %broadcast_in_dim3A_270 : i32 to vector<16x1xi32>
    %gather3A_272 = vector.shape_cast %broadcast_in_dim3A_271 : vector<16x1xi32> to vector<16xi32>
    %gather3A_273 = tpu.dynamic_gather %convert_element_type3A_213[%gather3A_272] in [0] : vector<16xf32>, vector<16xi32> -> vector<16xf32>
    %broadcast_in_dim3A_274 = arith.constant 15 : i32
    %broadcast_in_dim3A_275 = vector.broadcast %broadcast_in_dim3A_274 : i32 to vector<16x1xi32>
    %gather3A_276 = vector.shape_cast %broadcast_in_dim3A_275 : vector<16x1xi32> to vector<16xi32>
    %gather3A_277 = tpu.dynamic_gather %convert_element_type3A_213[%gather3A_276] in [0] : vector<16xf32>, vector<16xi32> -> vector<16xf32>
    %scan3A_278 = arith.constant 0 : i32
    %scan3A_279 = arith.constant 0 : i32
    %scan3A_280 = arith.constant 64 : i32
    %scan3A_281 = arith.addi %scan3A_279, %scan3A_280 : i32
    %scan3A_282 = arith.constant 1 : i32
    scf.for %scan3A_982 = %scan3A_279 to %scan3A_281 step %scan3A_282  : i32 {
      %mul3A_983 = arith.constant 16 : i32
      %mul3A_984 = arith.muli %scan3A_982, %mul3A_983 : i32
      %get3A_985 = arith.index_cast %mul3A_984 : i32 to index
      %get3A_986 = tpu.vector_load %arg6[%get3A_985] {strides = array<i32>} : memref<2048xf32, #tpu.memory_space<vmem>>, vector<16xf32>,
      %get3A_987 = vector.shape_cast %get3A_986 : vector<16xf32> to vector<16xf32>
      %mul3A_988 = arith.constant 16 : i32
      %mul3A_989 = arith.muli %scan3A_982, %mul3A_988 : i32
      %add3A_990 = arith.constant 1024 : i32
      %add3A_991 = arith.addi %add3A_990, %mul3A_989 : i32
      %get3A_992 = arith.index_cast %add3A_991 : i32 to index
      %get3A_993 = tpu.vector_load %arg6[%get3A_992] {strides = array<i32>} : memref<2048xf32, #tpu.memory_space<vmem>>, vector<16xf32>,
      %get3A_994 = vector.shape_cast %get3A_993 : vector<16xf32> to vector<16xf32>
      %sub3A = arith.subf %get3A_994, %get3A_987 : vector<16xf32>
      %mul3A_995 = arith.mulf %gather3A_217, %sub3A : vector<16xf32>
      %add3A_996 = arith.addf %get3A_987, %mul3A_995 : vector<16xf32>
      %swap3A = arith.constant 0 : i32
      %swap3A_997 = arith.index_cast %swap3A : i32 to index
      %swap3A_998 = arith.index_cast %mul3A_984 : i32 to index
      %swap3A_999 = tpu.vector_load %arg10[%swap3A_997, %swap3A_998] {strides = array<i32>} : memref<16x1024xf32, #tpu.memory_space<vmem>>, vector<1x16xf32>,
      %swap3A_1000 = vector.shape_cast %swap3A_999 : vector<1x16xf32> to vector<16xf32>
      %swap3A_1001 = vector.shape_cast %add3A_996 : vector<16xf32> to vector<1x16xf32>
      tpu.vector_store %arg10[%swap3A_997, %swap3A_998], %swap3A_1001 {add = true, strides = array<i32>} : memref<16x1024xf32, #tpu.memory_space<vmem>>, vector<1x16xf32>,
      %mul3A_1002 = arith.mulf %gather3A_221, %sub3A : vector<16xf32>
      %add3A_1003 = arith.addf %get3A_987, %mul3A_1002 : vector<16xf32>
      %swap3A_1004 = arith.constant 1 : i32
      %swap3A_1005 = arith.index_cast %swap3A_1004 : i32 to index
      %swap3A_1006 = arith.index_cast %mul3A_984 : i32 to index
      %swap3A_1007 = tpu.vector_load %arg10[%swap3A_1005, %swap3A_1006] {strides = array<i32>} : memref<16x1024xf32, #tpu.memory_space<vmem>>, vector<1x16xf32>,
      %swap3A_1008 = vector.shape_cast %swap3A_1007 : vector<1x16xf32> to vector<16xf32>
      %swap3A_1009 = vector.shape_cast %add3A_1003 : vector<16xf32> to vector<1x16xf32>
      tpu.vector_store %arg10[%swap3A_1005, %swap3A_1006], %swap3A_1009 {add = true, strides = array<i32>} : memref<16x1024xf32, #tpu.memory_space<vmem>>, vector<1x16xf32>,
      %mul3A_1010 = arith.mulf %gather3A_225, %sub3A : vector<16xf32>
      %add3A_1011 = arith.addf %get3A_987, %mul3A_1010 : vector<16xf32>
      %swap3A_1012 = arith.constant 2 : i32
      %swap3A_1013 = arith.index_cast %swap3A_1012 : i32 to index
      %swap3A_1014 = arith.index_cast %mul3A_984 : i32 to index
      %swap3A_1015 = tpu.vector_load %arg10[%swap3A_1013, %swap3A_1014] {strides = array<i32>} : memref<16x1024xf32, #tpu.memory_space<vmem>>, vector<1x16xf32>,
      %swap3A_1016 = vector.shape_cast %swap3A_1015 : vector<1x16xf32> to vector<16xf32>
      %swap3A_1017 = vector.shape_cast %add3A_1011 : vector<16xf32> to vector<1x16xf32>
      tpu.vector_store %arg10[%swap3A_1013, %swap3A_1014], %swap3A_1017 {add = true, strides = array<i32>} : memref<16x1024xf32, #tpu.memory_space<vmem>>, vector<1x16xf32>,
      %mul3A_1018 = arith.mulf %gather3A_229, %sub3A : vector<16xf32>
      %add3A_1019 = arith.addf %get3A_987, %mul3A_1018 : vector<16xf32>
      %swap3A_1020 = arith.constant 3 : i32
      %swap3A_1021 = arith.index_cast %swap3A_1020 : i32 to index
      %swap3A_1022 = arith.index_cast %mul3A_984 : i32 to index
      %swap3A_1023 = tpu.vector_load %arg10[%swap3A_1021, %swap3A_1022] {strides = array<i32>} : memref<16x1024xf32, #tpu.memory_space<vmem>>, vector<1x16xf32>,
      %swap3A_1024 = vector.shape_cast %swap3A_1023 : vector<1x16xf32> to vector<16xf32>
      %swap3A_1025 = vector.shape_cast %add3A_1019 : vector<16xf32> to vector<1x16xf32>
      tpu.vector_store %arg10[%swap3A_1021, %swap3A_1022], %swap3A_1025 {add = true, strides = array<i32>} : memref<16x1024xf32, #tpu.memory_space<vmem>>, vector<1x16xf32>,
      %mul3A_1026 = arith.mulf %gather3A_233, %sub3A : vector<16xf32>
      %add3A_1027 = arith.addf %get3A_987, %mul3A_1026 : vector<16xf32>
      %swap3A_1028 = arith.constant 4 : i32
      %swap3A_1029 = arith.index_cast %swap3A_1028 : i32 to index
      %swap3A_1030 = arith.index_cast %mul3A_984 : i32 to index
      %swap3A_1031 = tpu.vector_load %arg10[%swap3A_1029, %swap3A_1030] {strides = array<i32>} : memref<16x1024xf32, #tpu.memory_space<vmem>>, vector<1x16xf32>,
      %swap3A_1032 = vector.shape_cast %swap3A_1031 : vector<1x16xf32> to vector<16xf32>
      %swap3A_1033 = vector.shape_cast %add3A_1027 : vector<16xf32> to vector<1x16xf32>
      tpu.vector_store %arg10[%swap3A_1029, %swap3A_1030], %swap3A_1033 {add = true, strides = array<i32>} : memref<16x1024xf32, #tpu.memory_space<vmem>>, vector<1x16xf32>,
      %mul3A_1034 = arith.mulf %gather3A_237, %sub3A : vector<16xf32>
      %add3A_1035 = arith.addf %get3A_987, %mul3A_1034 : vector<16xf32>
      %swap3A_1036 = arith.constant 5 : i32
      %swap3A_1037 = arith.index_cast %swap3A_1036 : i32 to index
      %swap3A_1038 = arith.index_cast %mul3A_984 : i32 to index
      %swap3A_1039 = tpu.vector_load %arg10[%swap3A_1037, %swap3A_1038] {strides = array<i32>} : memref<16x1024xf32, #tpu.memory_space<vmem>>, vector<1x16xf32>,
      %swap3A_1040 = vector.shape_cast %swap3A_1039 : vector<1x16xf32> to vector<16xf32>
      %swap3A_1041 = vector.shape_cast %add3A_1035 : vector<16xf32> to vector<1x16xf32>
      tpu.vector_store %arg10[%swap3A_1037, %swap3A_1038], %swap3A_1041 {add = true, strides = array<i32>} : memref<16x1024xf32, #tpu.memory_space<vmem>>, vector<1x16xf32>,
      %mul3A_1042 = arith.mulf %gather3A_241, %sub3A : vector<16xf32>
      %add3A_1043 = arith.addf %get3A_987, %mul3A_1042 : vector<16xf32>
      %swap3A_1044 = arith.constant 6 : i32
      %swap3A_1045 = arith.index_cast %swap3A_1044 : i32 to index
      %swap3A_1046 = arith.index_cast %mul3A_984 : i32 to index
      %swap3A_1047 = tpu.vector_load %arg10[%swap3A_1045, %swap3A_1046] {strides = array<i32>} : memref<16x1024xf32, #tpu.memory_space<vmem>>, vector<1x16xf32>,
      %swap3A_1048 = vector.shape_cast %swap3A_1047 : vector<1x16xf32> to vector<16xf32>
      %swap3A_1049 = vector.shape_cast %add3A_1043 : vector<16xf32> to vector<1x16xf32>
      tpu.vector_store %arg10[%swap3A_1045, %swap3A_1046], %swap3A_1049 {add = true, strides = array<i32>} : memref<16x1024xf32, #tpu.memory_space<vmem>>, vector<1x16xf32>,
      %mul3A_1050 = arith.mulf %gather3A_245, %sub3A : vector<16xf32>
      %add3A_1051 = arith.addf %get3A_987, %mul3A_1050 : vector<16xf32>
      %swap3A_1052 = arith.constant 7 : i32
      %swap3A_1053 = arith.index_cast %swap3A_1052 : i32 to index
      %swap3A_1054 = arith.index_cast %mul3A_984 : i32 to index
      %swap3A_1055 = tpu.vector_load %arg10[%swap3A_1053, %swap3A_1054] {strides = array<i32>} : memref<16x1024xf32, #tpu.memory_space<vmem>>, vector<1x16xf32>,
      %swap3A_1056 = vector.shape_cast %swap3A_1055 : vector<1x16xf32> to vector<16xf32>
      %swap3A_1057 = vector.shape_cast %add3A_1051 : vector<16xf32> to vector<1x16xf32>
      tpu.vector_store %arg10[%swap3A_1053, %swap3A_1054], %swap3A_1057 {add = true, strides = array<i32>} : memref<16x1024xf32, #tpu.memory_space<vmem>>, vector<1x16xf32>,
      %mul3A_1058 = arith.mulf %gather3A_249, %sub3A : vector<16xf32>
      %add3A_1059 = arith.addf %get3A_987, %mul3A_1058 : vector<16xf32>
      %swap3A_1060 = arith.constant 8 : i32
      %swap3A_1061 = arith.index_cast %swap3A_1060 : i32 to index
      %swap3A_1062 = arith.index_cast %mul3A_984 : i32 to index
      %swap3A_1063 = tpu.vector_load %arg10[%swap3A_1061, %swap3A_1062] {strides = array<i32>} : memref<16x1024xf32, #tpu.memory_space<vmem>>, vector<1x16xf32>,
      %swap3A_1064 = vector.shape_cast %swap3A_1063 : vector<1x16xf32> to vector<16xf32>
      %swap3A_1065 = vector.shape_cast %add3A_1059 : vector<16xf32> to vector<1x16xf32>
      tpu.vector_store %arg10[%swap3A_1061, %swap3A_1062], %swap3A_1065 {add = true, strides = array<i32>} : memref<16x1024xf32, #tpu.memory_space<vmem>>, vector<1x16xf32>,
      %mul3A_1066 = arith.mulf %gather3A_253, %sub3A : vector<16xf32>
      %add3A_1067 = arith.addf %get3A_987, %mul3A_1066 : vector<16xf32>
      %swap3A_1068 = arith.constant 9 : i32
      %swap3A_1069 = arith.index_cast %swap3A_1068 : i32 to index
      %swap3A_1070 = arith.index_cast %mul3A_984 : i32 to index
      %swap3A_1071 = tpu.vector_load %arg10[%swap3A_1069, %swap3A_1070] {strides = array<i32>} : memref<16x1024xf32, #tpu.memory_space<vmem>>, vector<1x16xf32>,
      %swap3A_1072 = vector.shape_cast %swap3A_1071 : vector<1x16xf32> to vector<16xf32>
      %swap3A_1073 = vector.shape_cast %add3A_1067 : vector<16xf32> to vector<1x16xf32>
      tpu.vector_store %arg10[%swap3A_1069, %swap3A_1070], %swap3A_1073 {add = true, strides = array<i32>} : memref<16x1024xf32, #tpu.memory_space<vmem>>, vector<1x16xf32>,
      %mul3A_1074 = arith.mulf %gather3A_257, %sub3A : vector<16xf32>
      %add3A_1075 = arith.addf %get3A_987, %mul3A_1074 : vector<16xf32>
      %swap3A_1076 = arith.constant 10 : i32
      %swap3A_1077 = arith.index_cast %swap3A_1076 : i32 to index
      %swap3A_1078 = arith.index_cast %mul3A_984 : i32 to index
      %swap3A_1079 = tpu.vector_load %arg10[%swap3A_1077, %swap3A_1078] {strides = array<i32>} : memref<16x1024xf32, #tpu.memory_space<vmem>>, vector<1x16xf32>,
      %swap3A_1080 = vector.shape_cast %swap3A_1079 : vector<1x16xf32> to vector<16xf32>
      %swap3A_1081 = vector.shape_cast %add3A_1075 : vector<16xf32> to vector<1x16xf32>
      tpu.vector_store %arg10[%swap3A_1077, %swap3A_1078], %swap3A_1081 {add = true, strides = array<i32>} : memref<16x1024xf32, #tpu.memory_space<vmem>>, vector<1x16xf32>,
      %mul3A_1082 = arith.mulf %gather3A_261, %sub3A : vector<16xf32>
      %add3A_1083 = arith.addf %get3A_987, %mul3A_1082 : vector<16xf32>
      %swap3A_1084 = arith.constant 11 : i32
      %swap3A_1085 = arith.index_cast %swap3A_1084 : i32 to index
      %swap3A_1086 = arith.index_cast %mul3A_984 : i32 to index
      %swap3A_1087 = tpu.vector_load %arg10[%swap3A_1085, %swap3A_1086] {strides = array<i32>} : memref<16x1024xf32, #tpu.memory_space<vmem>>, vector<1x16xf32>,
      %swap3A_1088 = vector.shape_cast %swap3A_1087 : vector<1x16xf32> to vector<16xf32>
      %swap3A_1089 = vector.shape_cast %add3A_1083 : vector<16xf32> to vector<1x16xf32>
      tpu.vector_store %arg10[%swap3A_1085, %swap3A_1086], %swap3A_1089 {add = true, strides = array<i32>} : memref<16x1024xf32, #tpu.memory_space<vmem>>, vector<1x16xf32>,
      %mul3A_1090 = arith.mulf %gather3A_265, %sub3A : vector<16xf32>
      %add3A_1091 = arith.addf %get3A_987, %mul3A_1090 : vector<16xf32>
      %swap3A_1092 = arith.constant 12 : i32
      %swap3A_1093 = arith.index_cast %swap3A_1092 : i32 to index
      %swap3A_1094 = arith.index_cast %mul3A_984 : i32 to index
      %swap3A_1095 = tpu.vector_load %arg10[%swap3A_1093, %swap3A_1094] {strides = array<i32>} : memref<16x1024xf32, #tpu.memory_space<vmem>>, vector<1x16xf32>,
      %swap3A_1096 = vector.shape_cast %swap3A_1095 : vector<1x16xf32> to vector<16xf32>
      %swap3A_1097 = vector.shape_cast %add3A_1091 : vector<16xf32> to vector<1x16xf32>
      tpu.vector_store %arg10[%swap3A_1093, %swap3A_1094], %swap3A_1097 {add = true, strides = array<i32>} : memref<16x1024xf32, #tpu.memory_space<vmem>>, vector<1x16xf32>,
      %mul3A_1098 = arith.mulf %gather3A_269, %sub3A : vector<16xf32>
      %add3A_1099 = arith.addf %get3A_987, %mul3A_1098 : vector<16xf32>
      %swap3A_1100 = arith.constant 13 : i32
      %swap3A_1101 = arith.index_cast %swap3A_1100 : i32 to index
      %swap3A_1102 = arith.index_cast %mul3A_984 : i32 to index
      %swap3A_1103 = tpu.vector_load %arg10[%swap3A_1101, %swap3A_1102] {strides = array<i32>} : memref<16x1024xf32, #tpu.memory_space<vmem>>, vector<1x16xf32>,
      %swap3A_1104 = vector.shape_cast %swap3A_1103 : vector<1x16xf32> to vector<16xf32>
      %swap3A_1105 = vector.shape_cast %add3A_1099 : vector<16xf32> to vector<1x16xf32>
      tpu.vector_store %arg10[%swap3A_1101, %swap3A_1102], %swap3A_1105 {add = true, strides = array<i32>} : memref<16x1024xf32, #tpu.memory_space<vmem>>, vector<1x16xf32>,
      %mul3A_1106 = arith.mulf %gather3A_273, %sub3A : vector<16xf32>
      %add3A_1107 = arith.addf %get3A_987, %mul3A_1106 : vector<16xf32>
      %swap3A_1108 = arith.constant 14 : i32
      %swap3A_1109 = arith.index_cast %swap3A_1108 : i32 to index
      %swap3A_1110 = arith.index_cast %mul3A_984 : i32 to index
      %swap3A_1111 = tpu.vector_load %arg10[%swap3A_1109, %swap3A_1110] {strides = array<i32>} : memref<16x1024xf32, #tpu.memory_space<vmem>>, vector<1x16xf32>,
      %swap3A_1112 = vector.shape_cast %swap3A_1111 : vector<1x16xf32> to vector<16xf32>
      %swap3A_1113 = vector.shape_cast %add3A_1107 : vector<16xf32> to vector<1x16xf32>
      tpu.vector_store %arg10[%swap3A_1109, %swap3A_1110], %swap3A_1113 {add = true, strides = array<i32>} : memref<16x1024xf32, #tpu.memory_space<vmem>>, vector<1x16xf32>,
      %mul3A_1114 = arith.mulf %gather3A_277, %sub3A : vector<16xf32>
      %add3A_1115 = arith.addf %get3A_987, %mul3A_1114 : vector<16xf32>
      %swap3A_1116 = arith.constant 15 : i32
      %swap3A_1117 = arith.index_cast %swap3A_1116 : i32 to index
      %swap3A_1118 = arith.index_cast %mul3A_984 : i32 to index
      %swap3A_1119 = tpu.vector_load %arg10[%swap3A_1117, %swap3A_1118] {strides = array<i32>} : memref<16x1024xf32, #tpu.memory_space<vmem>>, vector<1x16xf32>,
      %swap3A_1120 = vector.shape_cast %swap3A_1119 : vector<1x16xf32> to vector<16xf32>
      %swap3A_1121 = vector.shape_cast %add3A_1115 : vector<16xf32> to vector<1x16xf32>
      tpu.vector_store %arg10[%swap3A_1117, %swap3A_1118], %swap3A_1121 {add = true, strides = array<i32>} : memref<16x1024xf32, #tpu.memory_space<vmem>>, vector<1x16xf32>,
    }
    %scan3A_283 = arith.constant 64 : i32
    %add3A_284 = arith.constant 32 : i32
    %add3A_285 = arith.addi %mul3A_2, %add3A_284 : i32
    %dma_start3A_286 = arith.constant 0 : i32
    %dma_start3A_287 = tpu.memref_slice %arg5[%add3A_285, %dma_start3A_286] : memref<32768x1024xf32, #tpu.memory_space<hbm>> -> memref<16x1024xf32, #tpu.memory_space<hbm>>
    %dma_start3A_288 = arith.constant 0 : i32
    %dma_start3A_289 = tpu.memref_slice %arg5[%add3A_285, %dma_start3A_288] : memref<32768x1024xf32, #tpu.memory_space<hbm>> -> memref<16x1024xf32, #tpu.memory_space<hbm>>
    tpu.enqueue_dma source(%arg10 : memref<16x1024xf32, #tpu.memory_space<vmem>>) target(%dma_start3A_289 : memref<16x1024xf32, #tpu.memory_space<hbm>>) target_semaphore(%arg22 : memref<!tpu.dma_semaphore, #tpu.memory_space<semaphore_mem>>)
    %dma_wait3A_290 = arith.constant 0 : i32
    %dma_wait3A_291 = arith.constant 0 : i32
    %dma_wait3A_292 = tpu.memref_slice %arg5[%dma_wait3A_290, %dma_wait3A_291] : memref<32768x1024xf32, #tpu.memory_space<hbm>> -> memref<16x1024xf32, #tpu.memory_space<hbm>>
    %dma_wait3A_293 = arith.constant 0 : i32
    %dma_wait3A_294 = arith.constant 0 : i32
    %dma_wait3A_295 = tpu.memref_slice %arg5[%dma_wait3A_293, %dma_wait3A_294] : memref<32768x1024xf32, #tpu.memory_space<hbm>> -> memref<16x1024xf32, #tpu.memory_space<hbm>>
    tpu.wait_dma2 semaphore(%arg20 : memref<!tpu.dma_semaphore, #tpu.memory_space<semaphore_mem>>) src(%arg8 : memref<16x1024xf32, #tpu.memory_space<vmem>>) dst(%dma_wait3A_295 : memref<16x1024xf32, #tpu.memory_space<hbm>>)
    %add3A_296 = arith.constant 96 : i32
    %add3A_297 = arith.addi %mul3A_2, %add3A_296 : i32
    %dma_start3A_298 = arith.constant 0 : i32
    %dma_start3A_299 = tpu.memref_slice %arg2[%add3A_297, %dma_start3A_298] : memref<32768x1024xf32, #tpu.memory_space<hbm>> -> memref<16x1024xf32, #tpu.memory_space<hbm>>
    %dma_start3A_300 = arith.constant 0 : i32
    %dma_start3A_301 = tpu.memref_slice %arg2[%add3A_297, %dma_start3A_300] : memref<32768x1024xf32, #tpu.memory_space<hbm>> -> memref<16x1024xf32, #tpu.memory_space<hbm>>
    tpu.enqueue_dma source(%dma_start3A_301 : memref<16x1024xf32, #tpu.memory_space<hbm>>) target(%arg8 : memref<16x1024xf32, #tpu.memory_space<vmem>>) target_semaphore(%arg14 : memref<!tpu.dma_semaphore, #tpu.memory_space<semaphore_mem>>)
    %dma_wait3A_302 = arith.constant 0 : i32
    %dma_wait3A_303 = arith.constant 0 : i32
    %dma_wait3A_304 = tpu.memref_slice %arg2[%dma_wait3A_302, %dma_wait3A_303] : memref<32768x1024xf32, #tpu.memory_space<hbm>> -> memref<16x1024xf32, #tpu.memory_space<hbm>>
    %dma_wait3A_305 = arith.constant 0 : i32
    %dma_wait3A_306 = arith.constant 0 : i32
    %dma_wait3A_307 = tpu.memref_slice %arg2[%dma_wait3A_305, %dma_wait3A_306] : memref<32768x1024xf32, #tpu.memory_space<hbm>> -> memref<16x1024xf32, #tpu.memory_space<hbm>>
    tpu.wait_dma2 semaphore(%arg17 : memref<!tpu.dma_semaphore, #tpu.memory_space<semaphore_mem>>) src(%dma_wait3A_307 : memref<16x1024xf32, #tpu.memory_space<hbm>>) dst(%arg11 : memref<16x1024xf32, #tpu.memory_space<vmem>>)
    %get3A_308 = arith.constant 48 : index
    %get3A_309 = tpu.vector_load %arg7[%get3A_308] {strides = array<i32>} : memref<1024xi32, #tpu.memory_space<vmem>>, vector<16xi32>,
    %get3A_310 = vector.shape_cast %get3A_309 : vector<16xi32> to vector<16xi32>
    %convert_element_type3A_311 = arith.sitofp %get3A_310 : vector<16xi32> to vector<16xf32>
    %broadcast_in_dim3A_312 = arith.constant 0 : i32
    %broadcast_in_dim3A_313 = vector.broadcast %broadcast_in_dim3A_312 : i32 to vector<16x1xi32>
    %gather3A_314 = vector.shape_cast %broadcast_in_dim3A_313 : vector<16x1xi32> to vector<16xi32>
    %gather3A_315 = tpu.dynamic_gather %convert_element_type3A_311[%gather3A_314] in [0] : vector<16xf32>, vector<16xi32> -> vector<16xf32>
    %broadcast_in_dim3A_316 = arith.constant 1 : i32
    %broadcast_in_dim3A_317 = vector.broadcast %broadcast_in_dim3A_316 : i32 to vector<16x1xi32>
    %gather3A_318 = vector.shape_cast %broadcast_in_dim3A_317 : vector<16x1xi32> to vector<16xi32>
    %gather3A_319 = tpu.dynamic_gather %convert_element_type3A_311[%gather3A_318] in [0] : vector<16xf32>, vector<16xi32> -> vector<16xf32>
    %broadcast_in_dim3A_320 = arith.constant 2 : i32
    %broadcast_in_dim3A_321 = vector.broadcast %broadcast_in_dim3A_320 : i32 to vector<16x1xi32>
    %gather3A_322 = vector.shape_cast %broadcast_in_dim3A_321 : vector<16x1xi32> to vector<16xi32>
    %gather3A_323 = tpu.dynamic_gather %convert_element_type3A_311[%gather3A_322] in [0] : vector<16xf32>, vector<16xi32> -> vector<16xf32>
    %broadcast_in_dim3A_324 = arith.constant 3 : i32
    %broadcast_in_dim3A_325 = vector.broadcast %broadcast_in_dim3A_324 : i32 to vector<16x1xi32>
    %gather3A_326 = vector.shape_cast %broadcast_in_dim3A_325 : vector<16x1xi32> to vector<16xi32>
    %gather3A_327 = tpu.dynamic_gather %convert_element_type3A_311[%gather3A_326] in [0] : vector<16xf32>, vector<16xi32> -> vector<16xf32>
    %broadcast_in_dim3A_328 = arith.constant 4 : i32
    %broadcast_in_dim3A_329 = vector.broadcast %broadcast_in_dim3A_328 : i32 to vector<16x1xi32>
    %gather3A_330 = vector.shape_cast %broadcast_in_dim3A_329 : vector<16x1xi32> to vector<16xi32>
    %gather3A_331 = tpu.dynamic_gather %convert_element_type3A_311[%gather3A_330] in [0] : vector<16xf32>, vector<16xi32> -> vector<16xf32>
    %broadcast_in_dim3A_332 = arith.constant 5 : i32
    %broadcast_in_dim3A_333 = vector.broadcast %broadcast_in_dim3A_332 : i32 to vector<16x1xi32>
    %gather3A_334 = vector.shape_cast %broadcast_in_dim3A_333 : vector<16x1xi32> to vector<16xi32>
    %gather3A_335 = tpu.dynamic_gather %convert_element_type3A_311[%gather3A_334] in [0] : vector<16xf32>, vector<16xi32> -> vector<16xf32>
    %broadcast_in_dim3A_336 = arith.constant 6 : i32
    %broadcast_in_dim3A_337 = vector.broadcast %broadcast_in_dim3A_336 : i32 to vector<16x1xi32>
    %gather3A_338 = vector.shape_cast %broadcast_in_dim3A_337 : vector<16x1xi32> to vector<16xi32>
    %gather3A_339 = tpu.dynamic_gather %convert_element_type3A_311[%gather3A_338] in [0] : vector<16xf32>, vector<16xi32> -> vector<16xf32>
    %broadcast_in_dim3A_340 = arith.constant 7 : i32
    %broadcast_in_dim3A_341 = vector.broadcast %broadcast_in_dim3A_340 : i32 to vector<16x1xi32>
    %gather3A_342 = vector.shape_cast %broadcast_in_dim3A_341 : vector<16x1xi32> to vector<16xi32>
    %gather3A_343 = tpu.dynamic_gather %convert_element_type3A_311[%gather3A_342] in [0] : vector<16xf32>, vector<16xi32> -> vector<16xf32>
    %broadcast_in_dim3A_344 = arith.constant 8 : i32
    %broadcast_in_dim3A_345 = vector.broadcast %broadcast_in_dim3A_344 : i32 to vector<16x1xi32>
    %gather3A_346 = vector.shape_cast %broadcast_in_dim3A_345 : vector<16x1xi32> to vector<16xi32>
    %gather3A_347 = tpu.dynamic_gather %convert_element_type3A_311[%gather3A_346] in [0] : vector<16xf32>, vector<16xi32> -> vector<16xf32>
    %broadcast_in_dim3A_348 = arith.constant 9 : i32
    %broadcast_in_dim3A_349 = vector.broadcast %broadcast_in_dim3A_348 : i32 to vector<16x1xi32>
    %gather3A_350 = vector.shape_cast %broadcast_in_dim3A_349 : vector<16x1xi32> to vector<16xi32>
    %gather3A_351 = tpu.dynamic_gather %convert_element_type3A_311[%gather3A_350] in [0] : vector<16xf32>, vector<16xi32> -> vector<16xf32>
    %broadcast_in_dim3A_352 = arith.constant 10 : i32
    %broadcast_in_dim3A_353 = vector.broadcast %broadcast_in_dim3A_352 : i32 to vector<16x1xi32>
    %gather3A_354 = vector.shape_cast %broadcast_in_dim3A_353 : vector<16x1xi32> to vector<16xi32>
    %gather3A_355 = tpu.dynamic_gather %convert_element_type3A_311[%gather3A_354] in [0] : vector<16xf32>, vector<16xi32> -> vector<16xf32>
    %broadcast_in_dim3A_356 = arith.constant 11 : i32
    %broadcast_in_dim3A_357 = vector.broadcast %broadcast_in_dim3A_356 : i32 to vector<16x1xi32>
    %gather3A_358 = vector.shape_cast %broadcast_in_dim3A_357 : vector<16x1xi32> to vector<16xi32>
    %gather3A_359 = tpu.dynamic_gather %convert_element_type3A_311[%gather3A_358] in [0] : vector<16xf32>, vector<16xi32> -> vector<16xf32>
    %broadcast_in_dim3A_360 = arith.constant 12 : i32
    %broadcast_in_dim3A_361 = vector.broadcast %broadcast_in_dim3A_360 : i32 to vector<16x1xi32>
    %gather3A_362 = vector.shape_cast %broadcast_in_dim3A_361 : vector<16x1xi32> to vector<16xi32>
    %gather3A_363 = tpu.dynamic_gather %convert_element_type3A_311[%gather3A_362] in [0] : vector<16xf32>, vector<16xi32> -> vector<16xf32>
    %broadcast_in_dim3A_364 = arith.constant 13 : i32
    %broadcast_in_dim3A_365 = vector.broadcast %broadcast_in_dim3A_364 : i32 to vector<16x1xi32>
    %gather3A_366 = vector.shape_cast %broadcast_in_dim3A_365 : vector<16x1xi32> to vector<16xi32>
    %gather3A_367 = tpu.dynamic_gather %convert_element_type3A_311[%gather3A_366] in [0] : vector<16xf32>, vector<16xi32> -> vector<16xf32>
    %broadcast_in_dim3A_368 = arith.constant 14 : i32
    %broadcast_in_dim3A_369 = vector.broadcast %broadcast_in_dim3A_368 : i32 to vector<16x1xi32>
    %gather3A_370 = vector.shape_cast %broadcast_in_dim3A_369 : vector<16x1xi32> to vector<16xi32>
    %gather3A_371 = tpu.dynamic_gather %convert_element_type3A_311[%gather3A_370] in [0] : vector<16xf32>, vector<16xi32> -> vector<16xf32>
    %broadcast_in_dim3A_372 = arith.constant 15 : i32
    %broadcast_in_dim3A_373 = vector.broadcast %broadcast_in_dim3A_372 : i32 to vector<16x1xi32>
    %gather3A_374 = vector.shape_cast %broadcast_in_dim3A_373 : vector<16x1xi32> to vector<16xi32>
    %gather3A_375 = tpu.dynamic_gather %convert_element_type3A_311[%gather3A_374] in [0] : vector<16xf32>, vector<16xi32> -> vector<16xf32>
    %scan3A_376 = arith.constant 0 : i32
    %scan3A_377 = arith.constant 0 : i32
    %scan3A_378 = arith.constant 64 : i32
    %scan3A_379 = arith.addi %scan3A_377, %scan3A_378 : i32
    %scan3A_380 = arith.constant 1 : i32
    scf.for %scan3A_982 = %scan3A_377 to %scan3A_379 step %scan3A_380  : i32 {
      %mul3A_983 = arith.constant 16 : i32
      %mul3A_984 = arith.muli %scan3A_982, %mul3A_983 : i32
      %get3A_985 = arith.index_cast %mul3A_984 : i32 to index
      %get3A_986 = tpu.vector_load %arg6[%get3A_985] {strides = array<i32>} : memref<2048xf32, #tpu.memory_space<vmem>>, vector<16xf32>,
      %get3A_987 = vector.shape_cast %get3A_986 : vector<16xf32> to vector<16xf32>
      %mul3A_988 = arith.constant 16 : i32
      %mul3A_989 = arith.muli %scan3A_982, %mul3A_988 : i32
      %add3A_990 = arith.constant 1024 : i32
      %add3A_991 = arith.addi %add3A_990, %mul3A_989 : i32
      %get3A_992 = arith.index_cast %add3A_991 : i32 to index
      %get3A_993 = tpu.vector_load %arg6[%get3A_992] {strides = array<i32>} : memref<2048xf32, #tpu.memory_space<vmem>>, vector<16xf32>,
      %get3A_994 = vector.shape_cast %get3A_993 : vector<16xf32> to vector<16xf32>
      %sub3A = arith.subf %get3A_994, %get3A_987 : vector<16xf32>
      %mul3A_995 = arith.mulf %gather3A_315, %sub3A : vector<16xf32>
      %add3A_996 = arith.addf %get3A_987, %mul3A_995 : vector<16xf32>
      %swap3A = arith.constant 0 : i32
      %swap3A_997 = arith.index_cast %swap3A : i32 to index
      %swap3A_998 = arith.index_cast %mul3A_984 : i32 to index
      %swap3A_999 = tpu.vector_load %arg11[%swap3A_997, %swap3A_998] {strides = array<i32>} : memref<16x1024xf32, #tpu.memory_space<vmem>>, vector<1x16xf32>,
      %swap3A_1000 = vector.shape_cast %swap3A_999 : vector<1x16xf32> to vector<16xf32>
      %swap3A_1001 = vector.shape_cast %add3A_996 : vector<16xf32> to vector<1x16xf32>
      tpu.vector_store %arg11[%swap3A_997, %swap3A_998], %swap3A_1001 {add = true, strides = array<i32>} : memref<16x1024xf32, #tpu.memory_space<vmem>>, vector<1x16xf32>,
      %mul3A_1002 = arith.mulf %gather3A_319, %sub3A : vector<16xf32>
      %add3A_1003 = arith.addf %get3A_987, %mul3A_1002 : vector<16xf32>
      %swap3A_1004 = arith.constant 1 : i32
      %swap3A_1005 = arith.index_cast %swap3A_1004 : i32 to index
      %swap3A_1006 = arith.index_cast %mul3A_984 : i32 to index
      %swap3A_1007 = tpu.vector_load %arg11[%swap3A_1005, %swap3A_1006] {strides = array<i32>} : memref<16x1024xf32, #tpu.memory_space<vmem>>, vector<1x16xf32>,
      %swap3A_1008 = vector.shape_cast %swap3A_1007 : vector<1x16xf32> to vector<16xf32>
      %swap3A_1009 = vector.shape_cast %add3A_1003 : vector<16xf32> to vector<1x16xf32>
      tpu.vector_store %arg11[%swap3A_1005, %swap3A_1006], %swap3A_1009 {add = true, strides = array<i32>} : memref<16x1024xf32, #tpu.memory_space<vmem>>, vector<1x16xf32>,
      %mul3A_1010 = arith.mulf %gather3A_323, %sub3A : vector<16xf32>
      %add3A_1011 = arith.addf %get3A_987, %mul3A_1010 : vector<16xf32>
      %swap3A_1012 = arith.constant 2 : i32
      %swap3A_1013 = arith.index_cast %swap3A_1012 : i32 to index
      %swap3A_1014 = arith.index_cast %mul3A_984 : i32 to index
      %swap3A_1015 = tpu.vector_load %arg11[%swap3A_1013, %swap3A_1014] {strides = array<i32>} : memref<16x1024xf32, #tpu.memory_space<vmem>>, vector<1x16xf32>,
      %swap3A_1016 = vector.shape_cast %swap3A_1015 : vector<1x16xf32> to vector<16xf32>
      %swap3A_1017 = vector.shape_cast %add3A_1011 : vector<16xf32> to vector<1x16xf32>
      tpu.vector_store %arg11[%swap3A_1013, %swap3A_1014], %swap3A_1017 {add = true, strides = array<i32>} : memref<16x1024xf32, #tpu.memory_space<vmem>>, vector<1x16xf32>,
      %mul3A_1018 = arith.mulf %gather3A_327, %sub3A : vector<16xf32>
      %add3A_1019 = arith.addf %get3A_987, %mul3A_1018 : vector<16xf32>
      %swap3A_1020 = arith.constant 3 : i32
      %swap3A_1021 = arith.index_cast %swap3A_1020 : i32 to index
      %swap3A_1022 = arith.index_cast %mul3A_984 : i32 to index
      %swap3A_1023 = tpu.vector_load %arg11[%swap3A_1021, %swap3A_1022] {strides = array<i32>} : memref<16x1024xf32, #tpu.memory_space<vmem>>, vector<1x16xf32>,
      %swap3A_1024 = vector.shape_cast %swap3A_1023 : vector<1x16xf32> to vector<16xf32>
      %swap3A_1025 = vector.shape_cast %add3A_1019 : vector<16xf32> to vector<1x16xf32>
      tpu.vector_store %arg11[%swap3A_1021, %swap3A_1022], %swap3A_1025 {add = true, strides = array<i32>} : memref<16x1024xf32, #tpu.memory_space<vmem>>, vector<1x16xf32>,
      %mul3A_1026 = arith.mulf %gather3A_331, %sub3A : vector<16xf32>
      %add3A_1027 = arith.addf %get3A_987, %mul3A_1026 : vector<16xf32>
      %swap3A_1028 = arith.constant 4 : i32
      %swap3A_1029 = arith.index_cast %swap3A_1028 : i32 to index
      %swap3A_1030 = arith.index_cast %mul3A_984 : i32 to index
      %swap3A_1031 = tpu.vector_load %arg11[%swap3A_1029, %swap3A_1030] {strides = array<i32>} : memref<16x1024xf32, #tpu.memory_space<vmem>>, vector<1x16xf32>,
      %swap3A_1032 = vector.shape_cast %swap3A_1031 : vector<1x16xf32> to vector<16xf32>
      %swap3A_1033 = vector.shape_cast %add3A_1027 : vector<16xf32> to vector<1x16xf32>
      tpu.vector_store %arg11[%swap3A_1029, %swap3A_1030], %swap3A_1033 {add = true, strides = array<i32>} : memref<16x1024xf32, #tpu.memory_space<vmem>>, vector<1x16xf32>,
      %mul3A_1034 = arith.mulf %gather3A_335, %sub3A : vector<16xf32>
      %add3A_1035 = arith.addf %get3A_987, %mul3A_1034 : vector<16xf32>
      %swap3A_1036 = arith.constant 5 : i32
      %swap3A_1037 = arith.index_cast %swap3A_1036 : i32 to index
      %swap3A_1038 = arith.index_cast %mul3A_984 : i32 to index
      %swap3A_1039 = tpu.vector_load %arg11[%swap3A_1037, %swap3A_1038] {strides = array<i32>} : memref<16x1024xf32, #tpu.memory_space<vmem>>, vector<1x16xf32>,
      %swap3A_1040 = vector.shape_cast %swap3A_1039 : vector<1x16xf32> to vector<16xf32>
      %swap3A_1041 = vector.shape_cast %add3A_1035 : vector<16xf32> to vector<1x16xf32>
      tpu.vector_store %arg11[%swap3A_1037, %swap3A_1038], %swap3A_1041 {add = true, strides = array<i32>} : memref<16x1024xf32, #tpu.memory_space<vmem>>, vector<1x16xf32>,
      %mul3A_1042 = arith.mulf %gather3A_339, %sub3A : vector<16xf32>
      %add3A_1043 = arith.addf %get3A_987, %mul3A_1042 : vector<16xf32>
      %swap3A_1044 = arith.constant 6 : i32
      %swap3A_1045 = arith.index_cast %swap3A_1044 : i32 to index
      %swap3A_1046 = arith.index_cast %mul3A_984 : i32 to index
      %swap3A_1047 = tpu.vector_load %arg11[%swap3A_1045, %swap3A_1046] {strides = array<i32>} : memref<16x1024xf32, #tpu.memory_space<vmem>>, vector<1x16xf32>,
      %swap3A_1048 = vector.shape_cast %swap3A_1047 : vector<1x16xf32> to vector<16xf32>
      %swap3A_1049 = vector.shape_cast %add3A_1043 : vector<16xf32> to vector<1x16xf32>
      tpu.vector_store %arg11[%swap3A_1045, %swap3A_1046], %swap3A_1049 {add = true, strides = array<i32>} : memref<16x1024xf32, #tpu.memory_space<vmem>>, vector<1x16xf32>,
      %mul3A_1050 = arith.mulf %gather3A_343, %sub3A : vector<16xf32>
      %add3A_1051 = arith.addf %get3A_987, %mul3A_1050 : vector<16xf32>
      %swap3A_1052 = arith.constant 7 : i32
      %swap3A_1053 = arith.index_cast %swap3A_1052 : i32 to index
      %swap3A_1054 = arith.index_cast %mul3A_984 : i32 to index
      %swap3A_1055 = tpu.vector_load %arg11[%swap3A_1053, %swap3A_1054] {strides = array<i32>} : memref<16x1024xf32, #tpu.memory_space<vmem>>, vector<1x16xf32>,
      %swap3A_1056 = vector.shape_cast %swap3A_1055 : vector<1x16xf32> to vector<16xf32>
      %swap3A_1057 = vector.shape_cast %add3A_1051 : vector<16xf32> to vector<1x16xf32>
      tpu.vector_store %arg11[%swap3A_1053, %swap3A_1054], %swap3A_1057 {add = true, strides = array<i32>} : memref<16x1024xf32, #tpu.memory_space<vmem>>, vector<1x16xf32>,
      %mul3A_1058 = arith.mulf %gather3A_347, %sub3A : vector<16xf32>
      %add3A_1059 = arith.addf %get3A_987, %mul3A_1058 : vector<16xf32>
      %swap3A_1060 = arith.constant 8 : i32
      %swap3A_1061 = arith.index_cast %swap3A_1060 : i32 to index
      %swap3A_1062 = arith.index_cast %mul3A_984 : i32 to index
      %swap3A_1063 = tpu.vector_load %arg11[%swap3A_1061, %swap3A_1062] {strides = array<i32>} : memref<16x1024xf32, #tpu.memory_space<vmem>>, vector<1x16xf32>,
      %swap3A_1064 = vector.shape_cast %swap3A_1063 : vector<1x16xf32> to vector<16xf32>
      %swap3A_1065 = vector.shape_cast %add3A_1059 : vector<16xf32> to vector<1x16xf32>
      tpu.vector_store %arg11[%swap3A_1061, %swap3A_1062], %swap3A_1065 {add = true, strides = array<i32>} : memref<16x1024xf32, #tpu.memory_space<vmem>>, vector<1x16xf32>,
      %mul3A_1066 = arith.mulf %gather3A_351, %sub3A : vector<16xf32>
      %add3A_1067 = arith.addf %get3A_987, %mul3A_1066 : vector<16xf32>
      %swap3A_1068 = arith.constant 9 : i32
      %swap3A_1069 = arith.index_cast %swap3A_1068 : i32 to index
      %swap3A_1070 = arith.index_cast %mul3A_984 : i32 to index
      %swap3A_1071 = tpu.vector_load %arg11[%swap3A_1069, %swap3A_1070] {strides = array<i32>} : memref<16x1024xf32, #tpu.memory_space<vmem>>, vector<1x16xf32>,
      %swap3A_1072 = vector.shape_cast %swap3A_1071 : vector<1x16xf32> to vector<16xf32>
      %swap3A_1073 = vector.shape_cast %add3A_1067 : vector<16xf32> to vector<1x16xf32>
      tpu.vector_store %arg11[%swap3A_1069, %swap3A_1070], %swap3A_1073 {add = true, strides = array<i32>} : memref<16x1024xf32, #tpu.memory_space<vmem>>, vector<1x16xf32>,
      %mul3A_1074 = arith.mulf %gather3A_355, %sub3A : vector<16xf32>
      %add3A_1075 = arith.addf %get3A_987, %mul3A_1074 : vector<16xf32>
      %swap3A_1076 = arith.constant 10 : i32
      %swap3A_1077 = arith.index_cast %swap3A_1076 : i32 to index
      %swap3A_1078 = arith.index_cast %mul3A_984 : i32 to index
      %swap3A_1079 = tpu.vector_load %arg11[%swap3A_1077, %swap3A_1078] {strides = array<i32>} : memref<16x1024xf32, #tpu.memory_space<vmem>>, vector<1x16xf32>,
      %swap3A_1080 = vector.shape_cast %swap3A_1079 : vector<1x16xf32> to vector<16xf32>
      %swap3A_1081 = vector.shape_cast %add3A_1075 : vector<16xf32> to vector<1x16xf32>
      tpu.vector_store %arg11[%swap3A_1077, %swap3A_1078], %swap3A_1081 {add = true, strides = array<i32>} : memref<16x1024xf32, #tpu.memory_space<vmem>>, vector<1x16xf32>,
      %mul3A_1082 = arith.mulf %gather3A_359, %sub3A : vector<16xf32>
      %add3A_1083 = arith.addf %get3A_987, %mul3A_1082 : vector<16xf32>
      %swap3A_1084 = arith.constant 11 : i32
      %swap3A_1085 = arith.index_cast %swap3A_1084 : i32 to index
      %swap3A_1086 = arith.index_cast %mul3A_984 : i32 to index
      %swap3A_1087 = tpu.vector_load %arg11[%swap3A_1085, %swap3A_1086] {strides = array<i32>} : memref<16x1024xf32, #tpu.memory_space<vmem>>, vector<1x16xf32>,
      %swap3A_1088 = vector.shape_cast %swap3A_1087 : vector<1x16xf32> to vector<16xf32>
      %swap3A_1089 = vector.shape_cast %add3A_1083 : vector<16xf32> to vector<1x16xf32>
      tpu.vector_store %arg11[%swap3A_1085, %swap3A_1086], %swap3A_1089 {add = true, strides = array<i32>} : memref<16x1024xf32, #tpu.memory_space<vmem>>, vector<1x16xf32>,
      %mul3A_1090 = arith.mulf %gather3A_363, %sub3A : vector<16xf32>
      %add3A_1091 = arith.addf %get3A_987, %mul3A_1090 : vector<16xf32>
      %swap3A_1092 = arith.constant 12 : i32
      %swap3A_1093 = arith.index_cast %swap3A_1092 : i32 to index
      %swap3A_1094 = arith.index_cast %mul3A_984 : i32 to index
      %swap3A_1095 = tpu.vector_load %arg11[%swap3A_1093, %swap3A_1094] {strides = array<i32>} : memref<16x1024xf32, #tpu.memory_space<vmem>>, vector<1x16xf32>,
      %swap3A_1096 = vector.shape_cast %swap3A_1095 : vector<1x16xf32> to vector<16xf32>
      %swap3A_1097 = vector.shape_cast %add3A_1091 : vector<16xf32> to vector<1x16xf32>
      tpu.vector_store %arg11[%swap3A_1093, %swap3A_1094], %swap3A_1097 {add = true, strides = array<i32>} : memref<16x1024xf32, #tpu.memory_space<vmem>>, vector<1x16xf32>,
      %mul3A_1098 = arith.mulf %gather3A_367, %sub3A : vector<16xf32>
      %add3A_1099 = arith.addf %get3A_987, %mul3A_1098 : vector<16xf32>
      %swap3A_1100 = arith.constant 13 : i32
      %swap3A_1101 = arith.index_cast %swap3A_1100 : i32 to index
      %swap3A_1102 = arith.index_cast %mul3A_984 : i32 to index
      %swap3A_1103 = tpu.vector_load %arg11[%swap3A_1101, %swap3A_1102] {strides = array<i32>} : memref<16x1024xf32, #tpu.memory_space<vmem>>, vector<1x16xf32>,
      %swap3A_1104 = vector.shape_cast %swap3A_1103 : vector<1x16xf32> to vector<16xf32>
      %swap3A_1105 = vector.shape_cast %add3A_1099 : vector<16xf32> to vector<1x16xf32>
      tpu.vector_store %arg11[%swap3A_1101, %swap3A_1102], %swap3A_1105 {add = true, strides = array<i32>} : memref<16x1024xf32, #tpu.memory_space<vmem>>, vector<1x16xf32>,
      %mul3A_1106 = arith.mulf %gather3A_371, %sub3A : vector<16xf32>
      %add3A_1107 = arith.addf %get3A_987, %mul3A_1106 : vector<16xf32>
      %swap3A_1108 = arith.constant 14 : i32
      %swap3A_1109 = arith.index_cast %swap3A_1108 : i32 to index
      %swap3A_1110 = arith.index_cast %mul3A_984 : i32 to index
      %swap3A_1111 = tpu.vector_load %arg11[%swap3A_1109, %swap3A_1110] {strides = array<i32>} : memref<16x1024xf32, #tpu.memory_space<vmem>>, vector<1x16xf32>,
      %swap3A_1112 = vector.shape_cast %swap3A_1111 : vector<1x16xf32> to vector<16xf32>
      %swap3A_1113 = vector.shape_cast %add3A_1107 : vector<16xf32> to vector<1x16xf32>
      tpu.vector_store %arg11[%swap3A_1109, %swap3A_1110], %swap3A_1113 {add = true, strides = array<i32>} : memref<16x1024xf32, #tpu.memory_space<vmem>>, vector<1x16xf32>,
      %mul3A_1114 = arith.mulf %gather3A_375, %sub3A : vector<16xf32>
      %add3A_1115 = arith.addf %get3A_987, %mul3A_1114 : vector<16xf32>
      %swap3A_1116 = arith.constant 15 : i32
      %swap3A_1117 = arith.index_cast %swap3A_1116 : i32 to index
      %swap3A_1118 = arith.index_cast %mul3A_984 : i32 to index
      %swap3A_1119 = tpu.vector_load %arg11[%swap3A_1117, %swap3A_1118] {strides = array<i32>} : memref<16x1024xf32, #tpu.memory_space<vmem>>, vector<1x16xf32>,
      %swap3A_1120 = vector.shape_cast %swap3A_1119 : vector<1x16xf32> to vector<16xf32>
      %swap3A_1121 = vector.shape_cast %add3A_1115 : vector<16xf32> to vector<1x16xf32>
      tpu.vector_store %arg11[%swap3A_1117, %swap3A_1118], %swap3A_1121 {add = true, strides = array<i32>} : memref<16x1024xf32, #tpu.memory_space<vmem>>, vector<1x16xf32>,
    }
    %scan3A_381 = arith.constant 64 : i32
    %add3A_382 = arith.constant 48 : i32
    %add3A_383 = arith.addi %mul3A_2, %add3A_382 : i32
    %dma_start3A_384 = arith.constant 0 : i32
    %dma_start3A_385 = tpu.memref_slice %arg5[%add3A_383, %dma_start3A_384] : memref<32768x1024xf32, #tpu.memory_space<hbm>> -> memref<16x1024xf32, #tpu.memory_space<hbm>>
    %dma_start3A_386 = arith.constant 0 : i32
    %dma_start3A_387 = tpu.memref_slice %arg5[%add3A_383, %dma_start3A_386] : memref<32768x1024xf32, #tpu.memory_space<hbm>> -> memref<16x1024xf32, #tpu.memory_space<hbm>>
    tpu.enqueue_dma source(%arg11 : memref<16x1024xf32, #tpu.memory_space<vmem>>) target(%dma_start3A_387 : memref<16x1024xf32, #tpu.memory_space<hbm>>) target_semaphore(%arg23 : memref<!tpu.dma_semaphore, #tpu.memory_space<semaphore_mem>>)
    %dma_wait3A_388 = arith.constant 0 : i32
    %dma_wait3A_389 = arith.constant 0 : i32
    %dma_wait3A_390 = tpu.memref_slice %arg5[%dma_wait3A_388, %dma_wait3A_389] : memref<32768x1024xf32, #tpu.memory_space<hbm>> -> memref<16x1024xf32, #tpu.memory_space<hbm>>
    %dma_wait3A_391 = arith.constant 0 : i32
    %dma_wait3A_392 = arith.constant 0 : i32
    %dma_wait3A_393 = tpu.memref_slice %arg5[%dma_wait3A_391, %dma_wait3A_392] : memref<32768x1024xf32, #tpu.memory_space<hbm>> -> memref<16x1024xf32, #tpu.memory_space<hbm>>
    tpu.wait_dma2 semaphore(%arg21 : memref<!tpu.dma_semaphore, #tpu.memory_space<semaphore_mem>>) src(%arg9 : memref<16x1024xf32, #tpu.memory_space<vmem>>) dst(%dma_wait3A_393 : memref<16x1024xf32, #tpu.memory_space<hbm>>)
    %add3A_394 = arith.constant 112 : i32
    %add3A_395 = arith.addi %mul3A_2, %add3A_394 : i32
    %dma_start3A_396 = arith.constant 0 : i32
    %dma_start3A_397 = tpu.memref_slice %arg2[%add3A_395, %dma_start3A_396] : memref<32768x1024xf32, #tpu.memory_space<hbm>> -> memref<16x1024xf32, #tpu.memory_space<hbm>>
    %dma_start3A_398 = arith.constant 0 : i32
    %dma_start3A_399 = tpu.memref_slice %arg2[%add3A_395, %dma_start3A_398] : memref<32768x1024xf32, #tpu.memory_space<hbm>> -> memref<16x1024xf32, #tpu.memory_space<hbm>>
    tpu.enqueue_dma source(%dma_start3A_399 : memref<16x1024xf32, #tpu.memory_space<hbm>>) target(%arg9 : memref<16x1024xf32, #tpu.memory_space<vmem>>) target_semaphore(%arg15 : memref<!tpu.dma_semaphore, #tpu.memory_space<semaphore_mem>>)
    %scan3A_400 = arith.constant 0 : i32
    %scan3A_401 = arith.constant 1 : i32
    %scan3A_402 = arith.constant 9 : i32
    %scan3A_403 = arith.addi %scan3A_401, %scan3A_402 : i32
    %scan3A_404 = arith.constant 1 : i32
    scf.for %scan3A_982 = %scan3A_401 to %scan3A_403 step %scan3A_404  : i32 {
      %mul3A_983 = arith.constant 6 : i32
      %mul3A_984 = arith.muli %mul3A_983, %scan3A_982 : i32
      %sub3A = arith.constant 2 : i32
      %sub3A_985 = arith.subi %mul3A_984, %sub3A : i32
      %add3A_986 = arith.constant 0 : i32
      %add3A_987 = arith.addi %sub3A_985, %add3A_986 : i32
      %dma_wait3A_988 = arith.constant 0 : i32
      %dma_wait3A_989 = arith.constant 0 : i32
      %dma_wait3A_990 = tpu.memref_slice %arg2[%dma_wait3A_988, %dma_wait3A_989] : memref<32768x1024xf32, #tpu.memory_space<hbm>> -> memref<16x1024xf32, #tpu.memory_space<hbm>>
      %dma_wait3A_991 = arith.constant 0 : i32
      %dma_wait3A_992 = arith.constant 0 : i32
      %dma_wait3A_993 = tpu.memref_slice %arg2[%dma_wait3A_991, %dma_wait3A_992] : memref<32768x1024xf32, #tpu.memory_space<hbm>> -> memref<16x1024xf32, #tpu.memory_space<hbm>>
      tpu.wait_dma2 semaphore(%arg18 : memref<!tpu.dma_semaphore, #tpu.memory_space<semaphore_mem>>) src(%dma_wait3A_993 : memref<16x1024xf32, #tpu.memory_space<hbm>>) dst(%arg12 : memref<16x1024xf32, #tpu.memory_space<vmem>>)
      %mul3A_994 = arith.constant 16 : i32
      %mul3A_995 = arith.muli %add3A_987, %mul3A_994 : i32
      %get3A_996 = arith.index_cast %mul3A_995 : i32 to index
      %get3A_997 = tpu.vector_load %arg7[%get3A_996] {strides = array<i32>} : memref<1024xi32, #tpu.memory_space<vmem>>, vector<16xi32>,
      %get3A_998 = vector.shape_cast %get3A_997 : vector<16xi32> to vector<16xi32>
      %convert_element_type3A_999 = arith.sitofp %get3A_998 : vector<16xi32> to vector<16xf32>
      %broadcast_in_dim3A_1000 = arith.constant 0 : i32
      %broadcast_in_dim3A_1001 = vector.broadcast %broadcast_in_dim3A_1000 : i32 to vector<16x1xi32>
      %gather3A_1002 = vector.shape_cast %broadcast_in_dim3A_1001 : vector<16x1xi32> to vector<16xi32>
      %gather3A_1003 = tpu.dynamic_gather %convert_element_type3A_999[%gather3A_1002] in [0] : vector<16xf32>, vector<16xi32> -> vector<16xf32>
      %broadcast_in_dim3A_1004 = arith.constant 1 : i32
      %broadcast_in_dim3A_1005 = vector.broadcast %broadcast_in_dim3A_1004 : i32 to vector<16x1xi32>
      %gather3A_1006 = vector.shape_cast %broadcast_in_dim3A_1005 : vector<16x1xi32> to vector<16xi32>
      %gather3A_1007 = tpu.dynamic_gather %convert_element_type3A_999[%gather3A_1006] in [0] : vector<16xf32>, vector<16xi32> -> vector<16xf32>
      %broadcast_in_dim3A_1008 = arith.constant 2 : i32
      %broadcast_in_dim3A_1009 = vector.broadcast %broadcast_in_dim3A_1008 : i32 to vector<16x1xi32>
      %gather3A_1010 = vector.shape_cast %broadcast_in_dim3A_1009 : vector<16x1xi32> to vector<16xi32>
      %gather3A_1011 = tpu.dynamic_gather %convert_element_type3A_999[%gather3A_1010] in [0] : vector<16xf32>, vector<16xi32> -> vector<16xf32>
      %broadcast_in_dim3A_1012 = arith.constant 3 : i32
      %broadcast_in_dim3A_1013 = vector.broadcast %broadcast_in_dim3A_1012 : i32 to vector<16x1xi32>
      %gather3A_1014 = vector.shape_cast %broadcast_in_dim3A_1013 : vector<16x1xi32> to vector<16xi32>
      %gather3A_1015 = tpu.dynamic_gather %convert_element_type3A_999[%gather3A_1014] in [0] : vector<16xf32>, vector<16xi32> -> vector<16xf32>
      %broadcast_in_dim3A_1016 = arith.constant 4 : i32
      %broadcast_in_dim3A_1017 = vector.broadcast %broadcast_in_dim3A_1016 : i32 to vector<16x1xi32>
      %gather3A_1018 = vector.shape_cast %broadcast_in_dim3A_1017 : vector<16x1xi32> to vector<16xi32>
      %gather3A_1019 = tpu.dynamic_gather %convert_element_type3A_999[%gather3A_1018] in [0] : vector<16xf32>, vector<16xi32> -> vector<16xf32>
      %broadcast_in_dim3A_1020 = arith.constant 5 : i32
      %broadcast_in_dim3A_1021 = vector.broadcast %broadcast_in_dim3A_1020 : i32 to vector<16x1xi32>
      %gather3A_1022 = vector.shape_cast %broadcast_in_dim3A_1021 : vector<16x1xi32> to vector<16xi32>
      %gather3A_1023 = tpu.dynamic_gather %convert_element_type3A_999[%gather3A_1022] in [0] : vector<16xf32>, vector<16xi32> -> vector<16xf32>
      %broadcast_in_dim3A_1024 = arith.constant 6 : i32
      %broadcast_in_dim3A_1025 = vector.broadcast %broadcast_in_dim3A_1024 : i32 to vector<16x1xi32>
      %gather3A_1026 = vector.shape_cast %broadcast_in_dim3A_1025 : vector<16x1xi32> to vector<16xi32>
      %gather3A_1027 = tpu.dynamic_gather %convert_element_type3A_999[%gather3A_1026] in [0] : vector<16xf32>, vector<16xi32> -> vector<16xf32>
      %broadcast_in_dim3A_1028 = arith.constant 7 : i32
      %broadcast_in_dim3A_1029 = vector.broadcast %broadcast_in_dim3A_1028 : i32 to vector<16x1xi32>
      %gather3A_1030 = vector.shape_cast %broadcast_in_dim3A_1029 : vector<16x1xi32> to vector<16xi32>
      %gather3A_1031 = tpu.dynamic_gather %convert_element_type3A_999[%gather3A_1030] in [0] : vector<16xf32>, vector<16xi32> -> vector<16xf32>
      %broadcast_in_dim3A_1032 = arith.constant 8 : i32
      %broadcast_in_dim3A_1033 = vector.broadcast %broadcast_in_dim3A_1032 : i32 to vector<16x1xi32>
      %gather3A_1034 = vector.shape_cast %broadcast_in_dim3A_1033 : vector<16x1xi32> to vector<16xi32>
      %gather3A_1035 = tpu.dynamic_gather %convert_element_type3A_999[%gather3A_1034] in [0] : vector<16xf32>, vector<16xi32> -> vector<16xf32>
      %broadcast_in_dim3A_1036 = arith.constant 9 : i32
      %broadcast_in_dim3A_1037 = vector.broadcast %broadcast_in_dim3A_1036 : i32 to vector<16x1xi32>
      %gather3A_1038 = vector.shape_cast %broadcast_in_dim3A_1037 : vector<16x1xi32> to vector<16xi32>
      %gather3A_1039 = tpu.dynamic_gather %convert_element_type3A_999[%gather3A_1038] in [0] : vector<16xf32>, vector<16xi32> -> vector<16xf32>
      %broadcast_in_dim3A_1040 = arith.constant 10 : i32
      %broadcast_in_dim3A_1041 = vector.broadcast %broadcast_in_dim3A_1040 : i32 to vector<16x1xi32>
      %gather3A_1042 = vector.shape_cast %broadcast_in_dim3A_1041 : vector<16x1xi32> to vector<16xi32>
      %gather3A_1043 = tpu.dynamic_gather %convert_element_type3A_999[%gather3A_1042] in [0] : vector<16xf32>, vector<16xi32> -> vector<16xf32>
      %broadcast_in_dim3A_1044 = arith.constant 11 : i32
      %broadcast_in_dim3A_1045 = vector.broadcast %broadcast_in_dim3A_1044 : i32 to vector<16x1xi32>
      %gather3A_1046 = vector.shape_cast %broadcast_in_dim3A_1045 : vector<16x1xi32> to vector<16xi32>
      %gather3A_1047 = tpu.dynamic_gather %convert_element_type3A_999[%gather3A_1046] in [0] : vector<16xf32>, vector<16xi32> -> vector<16xf32>
      %broadcast_in_dim3A_1048 = arith.constant 12 : i32
      %broadcast_in_dim3A_1049 = vector.broadcast %broadcast_in_dim3A_1048 : i32 to vector<16x1xi32>
      %gather3A_1050 = vector.shape_cast %broadcast_in_dim3A_1049 : vector<16x1xi32> to vector<16xi32>
      %gather3A_1051 = tpu.dynamic_gather %convert_element_type3A_999[%gather3A_1050] in [0] : vector<16xf32>, vector<16xi32> -> vector<16xf32>
      %broadcast_in_dim3A_1052 = arith.constant 13 : i32
      %broadcast_in_dim3A_1053 = vector.broadcast %broadcast_in_dim3A_1052 : i32 to vector<16x1xi32>
      %gather3A_1054 = vector.shape_cast %broadcast_in_dim3A_1053 : vector<16x1xi32> to vector<16xi32>
      %gather3A_1055 = tpu.dynamic_gather %convert_element_type3A_999[%gather3A_1054] in [0] : vector<16xf32>, vector<16xi32> -> vector<16xf32>
      %broadcast_in_dim3A_1056 = arith.constant 14 : i32
      %broadcast_in_dim3A_1057 = vector.broadcast %broadcast_in_dim3A_1056 : i32 to vector<16x1xi32>
      %gather3A_1058 = vector.shape_cast %broadcast_in_dim3A_1057 : vector<16x1xi32> to vector<16xi32>
      %gather3A_1059 = tpu.dynamic_gather %convert_element_type3A_999[%gather3A_1058] in [0] : vector<16xf32>, vector<16xi32> -> vector<16xf32>
      %broadcast_in_dim3A_1060 = arith.constant 15 : i32
      %broadcast_in_dim3A_1061 = vector.broadcast %broadcast_in_dim3A_1060 : i32 to vector<16x1xi32>
      %gather3A_1062 = vector.shape_cast %broadcast_in_dim3A_1061 : vector<16x1xi32> to vector<16xi32>
      %gather3A_1063 = tpu.dynamic_gather %convert_element_type3A_999[%gather3A_1062] in [0] : vector<16xf32>, vector<16xi32> -> vector<16xf32>
      %scan3A_1064 = arith.constant 0 : i32
      %scan3A_1065 = arith.constant 0 : i32
      %scan3A_1066 = arith.constant 64 : i32
      %scan3A_1067 = arith.addi %scan3A_1065, %scan3A_1066 : i32
      %scan3A_1068 = arith.constant 1 : i32
      scf.for %scan3A_1622 = %scan3A_1065 to %scan3A_1067 step %scan3A_1068  : i32 {
        %mul3A_1623 = arith.constant 16 : i32
        %mul3A_1624 = arith.muli %scan3A_1622, %mul3A_1623 : i32
        %get3A_1625 = arith.index_cast %mul3A_1624 : i32 to index
        %get3A_1626 = tpu.vector_load %arg6[%get3A_1625] {strides = array<i32>} : memref<2048xf32, #tpu.memory_space<vmem>>, vector<16xf32>,
        %get3A_1627 = vector.shape_cast %get3A_1626 : vector<16xf32> to vector<16xf32>
        %mul3A_1628 = arith.constant 16 : i32
        %mul3A_1629 = arith.muli %scan3A_1622, %mul3A_1628 : i32
        %add3A_1630 = arith.constant 1024 : i32
        %add3A_1631 = arith.addi %add3A_1630, %mul3A_1629 : i32
        %get3A_1632 = arith.index_cast %add3A_1631 : i32 to index
        %get3A_1633 = tpu.vector_load %arg6[%get3A_1632] {strides = array<i32>} : memref<2048xf32, #tpu.memory_space<vmem>>, vector<16xf32>,
        %get3A_1634 = vector.shape_cast %get3A_1633 : vector<16xf32> to vector<16xf32>
        %sub3A_1635 = arith.subf %get3A_1634, %get3A_1627 : vector<16xf32>
        %mul3A_1636 = arith.mulf %gather3A_1003, %sub3A_1635 : vector<16xf32>
        %add3A_1637 = arith.addf %get3A_1627, %mul3A_1636 : vector<16xf32>
        %swap3A = arith.constant 0 : i32
        %swap3A_1638 = arith.index_cast %swap3A : i32 to index
        %swap3A_1639 = arith.index_cast %mul3A_1624 : i32 to index
        %swap3A_1640 = tpu.vector_load %arg12[%swap3A_1638, %swap3A_1639] {strides = array<i32>} : memref<16x1024xf32, #tpu.memory_space<vmem>>, vector<1x16xf32>,
        %swap3A_1641 = vector.shape_cast %swap3A_1640 : vector<1x16xf32> to vector<16xf32>
        %swap3A_1642 = vector.shape_cast %add3A_1637 : vector<16xf32> to vector<1x16xf32>
        tpu.vector_store %arg12[%swap3A_1638, %swap3A_1639], %swap3A_1642 {add = true, strides = array<i32>} : memref<16x1024xf32, #tpu.memory_space<vmem>>, vector<1x16xf32>,
        %mul3A_1643 = arith.mulf %gather3A_1007, %sub3A_1635 : vector<16xf32>
        %add3A_1644 = arith.addf %get3A_1627, %mul3A_1643 : vector<16xf32>
        %swap3A_1645 = arith.constant 1 : i32
        %swap3A_1646 = arith.index_cast %swap3A_1645 : i32 to index
        %swap3A_1647 = arith.index_cast %mul3A_1624 : i32 to index
        %swap3A_1648 = tpu.vector_load %arg12[%swap3A_1646, %swap3A_1647] {strides = array<i32>} : memref<16x1024xf32, #tpu.memory_space<vmem>>, vector<1x16xf32>,
        %swap3A_1649 = vector.shape_cast %swap3A_1648 : vector<1x16xf32> to vector<16xf32>
        %swap3A_1650 = vector.shape_cast %add3A_1644 : vector<16xf32> to vector<1x16xf32>
        tpu.vector_store %arg12[%swap3A_1646, %swap3A_1647], %swap3A_1650 {add = true, strides = array<i32>} : memref<16x1024xf32, #tpu.memory_space<vmem>>, vector<1x16xf32>,
        %mul3A_1651 = arith.mulf %gather3A_1011, %sub3A_1635 : vector<16xf32>
        %add3A_1652 = arith.addf %get3A_1627, %mul3A_1651 : vector<16xf32>
        %swap3A_1653 = arith.constant 2 : i32
        %swap3A_1654 = arith.index_cast %swap3A_1653 : i32 to index
        %swap3A_1655 = arith.index_cast %mul3A_1624 : i32 to index
        %swap3A_1656 = tpu.vector_load %arg12[%swap3A_1654, %swap3A_1655] {strides = array<i32>} : memref<16x1024xf32, #tpu.memory_space<vmem>>, vector<1x16xf32>,
        %swap3A_1657 = vector.shape_cast %swap3A_1656 : vector<1x16xf32> to vector<16xf32>
        %swap3A_1658 = vector.shape_cast %add3A_1652 : vector<16xf32> to vector<1x16xf32>
        tpu.vector_store %arg12[%swap3A_1654, %swap3A_1655], %swap3A_1658 {add = true, strides = array<i32>} : memref<16x1024xf32, #tpu.memory_space<vmem>>, vector<1x16xf32>,
        %mul3A_1659 = arith.mulf %gather3A_1015, %sub3A_1635 : vector<16xf32>
        %add3A_1660 = arith.addf %get3A_1627, %mul3A_1659 : vector<16xf32>
        %swap3A_1661 = arith.constant 3 : i32
        %swap3A_1662 = arith.index_cast %swap3A_1661 : i32 to index
        %swap3A_1663 = arith.index_cast %mul3A_1624 : i32 to index
        %swap3A_1664 = tpu.vector_load %arg12[%swap3A_1662, %swap3A_1663] {strides = array<i32>} : memref<16x1024xf32, #tpu.memory_space<vmem>>, vector<1x16xf32>,
        %swap3A_1665 = vector.shape_cast %swap3A_1664 : vector<1x16xf32> to vector<16xf32>
        %swap3A_1666 = vector.shape_cast %add3A_1660 : vector<16xf32> to vector<1x16xf32>
        tpu.vector_store %arg12[%swap3A_1662, %swap3A_1663], %swap3A_1666 {add = true, strides = array<i32>} : memref<16x1024xf32, #tpu.memory_space<vmem>>, vector<1x16xf32>,
        %mul3A_1667 = arith.mulf %gather3A_1019, %sub3A_1635 : vector<16xf32>
        %add3A_1668 = arith.addf %get3A_1627, %mul3A_1667 : vector<16xf32>
        %swap3A_1669 = arith.constant 4 : i32
        %swap3A_1670 = arith.index_cast %swap3A_1669 : i32 to index
        %swap3A_1671 = arith.index_cast %mul3A_1624 : i32 to index
        %swap3A_1672 = tpu.vector_load %arg12[%swap3A_1670, %swap3A_1671] {strides = array<i32>} : memref<16x1024xf32, #tpu.memory_space<vmem>>, vector<1x16xf32>,
        %swap3A_1673 = vector.shape_cast %swap3A_1672 : vector<1x16xf32> to vector<16xf32>
        %swap3A_1674 = vector.shape_cast %add3A_1668 : vector<16xf32> to vector<1x16xf32>
        tpu.vector_store %arg12[%swap3A_1670, %swap3A_1671], %swap3A_1674 {add = true, strides = array<i32>} : memref<16x1024xf32, #tpu.memory_space<vmem>>, vector<1x16xf32>,
        %mul3A_1675 = arith.mulf %gather3A_1023, %sub3A_1635 : vector<16xf32>
        %add3A_1676 = arith.addf %get3A_1627, %mul3A_1675 : vector<16xf32>
        %swap3A_1677 = arith.constant 5 : i32
        %swap3A_1678 = arith.index_cast %swap3A_1677 : i32 to index
        %swap3A_1679 = arith.index_cast %mul3A_1624 : i32 to index
        %swap3A_1680 = tpu.vector_load %arg12[%swap3A_1678, %swap3A_1679] {strides = array<i32>} : memref<16x1024xf32, #tpu.memory_space<vmem>>, vector<1x16xf32>,
        %swap3A_1681 = vector.shape_cast %swap3A_1680 : vector<1x16xf32> to vector<16xf32>
        %swap3A_1682 = vector.shape_cast %add3A_1676 : vector<16xf32> to vector<1x16xf32>
        tpu.vector_store %arg12[%swap3A_1678, %swap3A_1679], %swap3A_1682 {add = true, strides = array<i32>} : memref<16x1024xf32, #tpu.memory_space<vmem>>, vector<1x16xf32>,
        %mul3A_1683 = arith.mulf %gather3A_1027, %sub3A_1635 : vector<16xf32>
        %add3A_1684 = arith.addf %get3A_1627, %mul3A_1683 : vector<16xf32>
        %swap3A_1685 = arith.constant 6 : i32
        %swap3A_1686 = arith.index_cast %swap3A_1685 : i32 to index
        %swap3A_1687 = arith.index_cast %mul3A_1624 : i32 to index
        %swap3A_1688 = tpu.vector_load %arg12[%swap3A_1686, %swap3A_1687] {strides = array<i32>} : memref<16x1024xf32, #tpu.memory_space<vmem>>, vector<1x16xf32>,
        %swap3A_1689 = vector.shape_cast %swap3A_1688 : vector<1x16xf32> to vector<16xf32>
        %swap3A_1690 = vector.shape_cast %add3A_1684 : vector<16xf32> to vector<1x16xf32>
        tpu.vector_store %arg12[%swap3A_1686, %swap3A_1687], %swap3A_1690 {add = true, strides = array<i32>} : memref<16x1024xf32, #tpu.memory_space<vmem>>, vector<1x16xf32>,
        %mul3A_1691 = arith.mulf %gather3A_1031, %sub3A_1635 : vector<16xf32>
        %add3A_1692 = arith.addf %get3A_1627, %mul3A_1691 : vector<16xf32>
        %swap3A_1693 = arith.constant 7 : i32
        %swap3A_1694 = arith.index_cast %swap3A_1693 : i32 to index
        %swap3A_1695 = arith.index_cast %mul3A_1624 : i32 to index
        %swap3A_1696 = tpu.vector_load %arg12[%swap3A_1694, %swap3A_1695] {strides = array<i32>} : memref<16x1024xf32, #tpu.memory_space<vmem>>, vector<1x16xf32>,
        %swap3A_1697 = vector.shape_cast %swap3A_1696 : vector<1x16xf32> to vector<16xf32>
        %swap3A_1698 = vector.shape_cast %add3A_1692 : vector<16xf32> to vector<1x16xf32>
        tpu.vector_store %arg12[%swap3A_1694, %swap3A_1695], %swap3A_1698 {add = true, strides = array<i32>} : memref<16x1024xf32, #tpu.memory_space<vmem>>, vector<1x16xf32>,
        %mul3A_1699 = arith.mulf %gather3A_1035, %sub3A_1635 : vector<16xf32>
        %add3A_1700 = arith.addf %get3A_1627, %mul3A_1699 : vector<16xf32>
        %swap3A_1701 = arith.constant 8 : i32
        %swap3A_1702 = arith.index_cast %swap3A_1701 : i32 to index
        %swap3A_1703 = arith.index_cast %mul3A_1624 : i32 to index
        %swap3A_1704 = tpu.vector_load %arg12[%swap3A_1702, %swap3A_1703] {strides = array<i32>} : memref<16x1024xf32, #tpu.memory_space<vmem>>, vector<1x16xf32>,
        %swap3A_1705 = vector.shape_cast %swap3A_1704 : vector<1x16xf32> to vector<16xf32>
        %swap3A_1706 = vector.shape_cast %add3A_1700 : vector<16xf32> to vector<1x16xf32>
        tpu.vector_store %arg12[%swap3A_1702, %swap3A_1703], %swap3A_1706 {add = true, strides = array<i32>} : memref<16x1024xf32, #tpu.memory_space<vmem>>, vector<1x16xf32>,
        %mul3A_1707 = arith.mulf %gather3A_1039, %sub3A_1635 : vector<16xf32>
        %add3A_1708 = arith.addf %get3A_1627, %mul3A_1707 : vector<16xf32>
        %swap3A_1709 = arith.constant 9 : i32
        %swap3A_1710 = arith.index_cast %swap3A_1709 : i32 to index
        %swap3A_1711 = arith.index_cast %mul3A_1624 : i32 to index
        %swap3A_1712 = tpu.vector_load %arg12[%swap3A_1710, %swap3A_1711] {strides = array<i32>} : memref<16x1024xf32, #tpu.memory_space<vmem>>, vector<1x16xf32>,
        %swap3A_1713 = vector.shape_cast %swap3A_1712 : vector<1x16xf32> to vector<16xf32>
        %swap3A_1714 = vector.shape_cast %add3A_1708 : vector<16xf32> to vector<1x16xf32>
        tpu.vector_store %arg12[%swap3A_1710, %swap3A_1711], %swap3A_1714 {add = true, strides = array<i32>} : memref<16x1024xf32, #tpu.memory_space<vmem>>, vector<1x16xf32>,
        %mul3A_1715 = arith.mulf %gather3A_1043, %sub3A_1635 : vector<16xf32>
        %add3A_1716 = arith.addf %get3A_1627, %mul3A_1715 : vector<16xf32>
        %swap3A_1717 = arith.constant 10 : i32
        %swap3A_1718 = arith.index_cast %swap3A_1717 : i32 to index
        %swap3A_1719 = arith.index_cast %mul3A_1624 : i32 to index
        %swap3A_1720 = tpu.vector_load %arg12[%swap3A_1718, %swap3A_1719] {strides = array<i32>} : memref<16x1024xf32, #tpu.memory_space<vmem>>, vector<1x16xf32>,
        %swap3A_1721 = vector.shape_cast %swap3A_1720 : vector<1x16xf32> to vector<16xf32>
        %swap3A_1722 = vector.shape_cast %add3A_1716 : vector<16xf32> to vector<1x16xf32>
        tpu.vector_store %arg12[%swap3A_1718, %swap3A_1719], %swap3A_1722 {add = true, strides = array<i32>} : memref<16x1024xf32, #tpu.memory_space<vmem>>, vector<1x16xf32>,
        %mul3A_1723 = arith.mulf %gather3A_1047, %sub3A_1635 : vector<16xf32>
        %add3A_1724 = arith.addf %get3A_1627, %mul3A_1723 : vector<16xf32>
        %swap3A_1725 = arith.constant 11 : i32
        %swap3A_1726 = arith.index_cast %swap3A_1725 : i32 to index
        %swap3A_1727 = arith.index_cast %mul3A_1624 : i32 to index
        %swap3A_1728 = tpu.vector_load %arg12[%swap3A_1726, %swap3A_1727] {strides = array<i32>} : memref<16x1024xf32, #tpu.memory_space<vmem>>, vector<1x16xf32>,
        %swap3A_1729 = vector.shape_cast %swap3A_1728 : vector<1x16xf32> to vector<16xf32>
        %swap3A_1730 = vector.shape_cast %add3A_1724 : vector<16xf32> to vector<1x16xf32>
        tpu.vector_store %arg12[%swap3A_1726, %swap3A_1727], %swap3A_1730 {add = true, strides = array<i32>} : memref<16x1024xf32, #tpu.memory_space<vmem>>, vector<1x16xf32>,
        %mul3A_1731 = arith.mulf %gather3A_1051, %sub3A_1635 : vector<16xf32>
        %add3A_1732 = arith.addf %get3A_1627, %mul3A_1731 : vector<16xf32>
        %swap3A_1733 = arith.constant 12 : i32
        %swap3A_1734 = arith.index_cast %swap3A_1733 : i32 to index
        %swap3A_1735 = arith.index_cast %mul3A_1624 : i32 to index
        %swap3A_1736 = tpu.vector_load %arg12[%swap3A_1734, %swap3A_1735] {strides = array<i32>} : memref<16x1024xf32, #tpu.memory_space<vmem>>, vector<1x16xf32>,
        %swap3A_1737 = vector.shape_cast %swap3A_1736 : vector<1x16xf32> to vector<16xf32>
        %swap3A_1738 = vector.shape_cast %add3A_1732 : vector<16xf32> to vector<1x16xf32>
        tpu.vector_store %arg12[%swap3A_1734, %swap3A_1735], %swap3A_1738 {add = true, strides = array<i32>} : memref<16x1024xf32, #tpu.memory_space<vmem>>, vector<1x16xf32>,
        %mul3A_1739 = arith.mulf %gather3A_1055, %sub3A_1635 : vector<16xf32>
        %add3A_1740 = arith.addf %get3A_1627, %mul3A_1739 : vector<16xf32>
        %swap3A_1741 = arith.constant 13 : i32
        %swap3A_1742 = arith.index_cast %swap3A_1741 : i32 to index
        %swap3A_1743 = arith.index_cast %mul3A_1624 : i32 to index
        %swap3A_1744 = tpu.vector_load %arg12[%swap3A_1742, %swap3A_1743] {strides = array<i32>} : memref<16x1024xf32, #tpu.memory_space<vmem>>, vector<1x16xf32>,
        %swap3A_1745 = vector.shape_cast %swap3A_1744 : vector<1x16xf32> to vector<16xf32>
        %swap3A_1746 = vector.shape_cast %add3A_1740 : vector<16xf32> to vector<1x16xf32>
        tpu.vector_store %arg12[%swap3A_1742, %swap3A_1743], %swap3A_1746 {add = true, strides = array<i32>} : memref<16x1024xf32, #tpu.memory_space<vmem>>, vector<1x16xf32>,
        %mul3A_1747 = arith.mulf %gather3A_1059, %sub3A_1635 : vector<16xf32>
        %add3A_1748 = arith.addf %get3A_1627, %mul3A_1747 : vector<16xf32>
        %swap3A_1749 = arith.constant 14 : i32
        %swap3A_1750 = arith.index_cast %swap3A_1749 : i32 to index
        %swap3A_1751 = arith.index_cast %mul3A_1624 : i32 to index
        %swap3A_1752 = tpu.vector_load %arg12[%swap3A_1750, %swap3A_1751] {strides = array<i32>} : memref<16x1024xf32, #tpu.memory_space<vmem>>, vector<1x16xf32>,
        %swap3A_1753 = vector.shape_cast %swap3A_1752 : vector<1x16xf32> to vector<16xf32>
        %swap3A_1754 = vector.shape_cast %add3A_1748 : vector<16xf32> to vector<1x16xf32>
        tpu.vector_store %arg12[%swap3A_1750, %swap3A_1751], %swap3A_1754 {add = true, strides = array<i32>} : memref<16x1024xf32, #tpu.memory_space<vmem>>, vector<1x16xf32>,
        %mul3A_1755 = arith.mulf %gather3A_1063, %sub3A_1635 : vector<16xf32>
        %add3A_1756 = arith.addf %get3A_1627, %mul3A_1755 : vector<16xf32>
        %swap3A_1757 = arith.constant 15 : i32
        %swap3A_1758 = arith.index_cast %swap3A_1757 : i32 to index
        %swap3A_1759 = arith.index_cast %mul3A_1624 : i32 to index
        %swap3A_1760 = tpu.vector_load %arg12[%swap3A_1758, %swap3A_1759] {strides = array<i32>} : memref<16x1024xf32, #tpu.memory_space<vmem>>, vector<1x16xf32>,
        %swap3A_1761 = vector.shape_cast %swap3A_1760 : vector<1x16xf32> to vector<16xf32>
        %swap3A_1762 = vector.shape_cast %add3A_1756 : vector<16xf32> to vector<1x16xf32>
        tpu.vector_store %arg12[%swap3A_1758, %swap3A_1759], %swap3A_1762 {add = true, strides = array<i32>} : memref<16x1024xf32, #tpu.memory_space<vmem>>, vector<1x16xf32>,
      }
      %scan3A_1069 = arith.constant 64 : i32
      %mul3A_1070 = arith.constant 16 : i32
      %mul3A_1071 = arith.muli %add3A_987, %mul3A_1070 : i32
      %add3A_1072 = arith.addi %mul3A_2, %mul3A_1071 : i32
      %dma_start3A_1073 = arith.constant 0 : i32
      %dma_start3A_1074 = tpu.memref_slice %arg5[%add3A_1072, %dma_start3A_1073] : memref<32768x1024xf32, #tpu.memory_space<hbm>> -> memref<16x1024xf32, #tpu.memory_space<hbm>>
      %dma_start3A_1075 = arith.constant 0 : i32
      %dma_start3A_1076 = tpu.memref_slice %arg5[%add3A_1072, %dma_start3A_1075] : memref<32768x1024xf32, #tpu.memory_space<hbm>> -> memref<16x1024xf32, #tpu.memory_space<hbm>>
      tpu.enqueue_dma source(%arg12 : memref<16x1024xf32, #tpu.memory_space<vmem>>) target(%dma_start3A_1076 : memref<16x1024xf32, #tpu.memory_space<hbm>>) target_semaphore(%arg24 : memref<!tpu.dma_semaphore, #tpu.memory_space<semaphore_mem>>)
      %dma_wait3A_1077 = arith.constant 0 : i32
      %dma_wait3A_1078 = arith.constant 0 : i32
      %dma_wait3A_1079 = tpu.memref_slice %arg5[%dma_wait3A_1077, %dma_wait3A_1078] : memref<32768x1024xf32, #tpu.memory_space<hbm>> -> memref<16x1024xf32, #tpu.memory_space<hbm>>
      %dma_wait3A_1080 = arith.constant 0 : i32
      %dma_wait3A_1081 = arith.constant 0 : i32
      %dma_wait3A_1082 = tpu.memref_slice %arg5[%dma_wait3A_1080, %dma_wait3A_1081] : memref<32768x1024xf32, #tpu.memory_space<hbm>> -> memref<16x1024xf32, #tpu.memory_space<hbm>>
      tpu.wait_dma2 semaphore(%arg22 : memref<!tpu.dma_semaphore, #tpu.memory_space<semaphore_mem>>) src(%arg10 : memref<16x1024xf32, #tpu.memory_space<vmem>>) dst(%dma_wait3A_1082 : memref<16x1024xf32, #tpu.memory_space<hbm>>)
      %add3A_1083 = arith.constant 4 : i32
      %add3A_1084 = arith.addi %add3A_987, %add3A_1083 : i32
      %mul3A_1085 = arith.constant 16 : i32
      %mul3A_1086 = arith.muli %add3A_1084, %mul3A_1085 : i32
      %add3A_1087 = arith.addi %mul3A_2, %mul3A_1086 : i32
      %dma_start3A_1088 = arith.constant 0 : i32
      %dma_start3A_1089 = tpu.memref_slice %arg2[%add3A_1087, %dma_start3A_1088] : memref<32768x1024xf32, #tpu.memory_space<hbm>> -> memref<16x1024xf32, #tpu.memory_space<hbm>>
      %dma_start3A_1090 = arith.constant 0 : i32
      %dma_start3A_1091 = tpu.memref_slice %arg2[%add3A_1087, %dma_start3A_1090] : memref<32768x1024xf32, #tpu.memory_space<hbm>> -> memref<16x1024xf32, #tpu.memory_space<hbm>>
      tpu.enqueue_dma source(%dma_start3A_1091 : memref<16x1024xf32, #tpu.memory_space<hbm>>) target(%arg10 : memref<16x1024xf32, #tpu.memory_space<vmem>>) target_semaphore(%arg16 : memref<!tpu.dma_semaphore, #tpu.memory_space<semaphore_mem>>)
      %add3A_1092 = arith.constant 1 : i32
      %add3A_1093 = arith.addi %sub3A_985, %add3A_1092 : i32
      %dma_wait3A_1094 = arith.constant 0 : i32
      %dma_wait3A_1095 = arith.constant 0 : i32
      %dma_wait3A_1096 = tpu.memref_slice %arg2[%dma_wait3A_1094, %dma_wait3A_1095] : memref<32768x1024xf32, #tpu.memory_space<hbm>> -> memref<16x1024xf32, #tpu.memory_space<hbm>>
      %dma_wait3A_1097 = arith.constant 0 : i32
      %dma_wait3A_1098 = arith.constant 0 : i32
      %dma_wait3A_1099 = tpu.memref_slice %arg2[%dma_wait3A_1097, %dma_wait3A_1098] : memref<32768x1024xf32, #tpu.memory_space<hbm>> -> memref<16x1024xf32, #tpu.memory_space<hbm>>
      tpu.wait_dma2 semaphore(%arg19 : memref<!tpu.dma_semaphore, #tpu.memory_space<semaphore_mem>>) src(%dma_wait3A_1099 : memref<16x1024xf32, #tpu.memory_space<hbm>>) dst(%arg13 : memref<16x1024xf32, #tpu.memory_space<vmem>>)
      %mul3A_1100 = arith.constant 16 : i32
      %mul3A_1101 = arith.muli %add3A_1093, %mul3A_1100 : i32
      %get3A_1102 = arith.index_cast %mul3A_1101 : i32 to index
      %get3A_1103 = tpu.vector_load %arg7[%get3A_1102] {strides = array<i32>} : memref<1024xi32, #tpu.memory_space<vmem>>, vector<16xi32>,
      %get3A_1104 = vector.shape_cast %get3A_1103 : vector<16xi32> to vector<16xi32>
      %convert_element_type3A_1105 = arith.sitofp %get3A_1104 : vector<16xi32> to vector<16xf32>
      %broadcast_in_dim3A_1106 = arith.constant 0 : i32
      %broadcast_in_dim3A_1107 = vector.broadcast %broadcast_in_dim3A_1106 : i32 to vector<16x1xi32>
      %gather3A_1108 = vector.shape_cast %broadcast_in_dim3A_1107 : vector<16x1xi32> to vector<16xi32>
      %gather3A_1109 = tpu.dynamic_gather %convert_element_type3A_1105[%gather3A_1108] in [0] : vector<16xf32>, vector<16xi32> -> vector<16xf32>
      %broadcast_in_dim3A_1110 = arith.constant 1 : i32
      %broadcast_in_dim3A_1111 = vector.broadcast %broadcast_in_dim3A_1110 : i32 to vector<16x1xi32>
      %gather3A_1112 = vector.shape_cast %broadcast_in_dim3A_1111 : vector<16x1xi32> to vector<16xi32>
      %gather3A_1113 = tpu.dynamic_gather %convert_element_type3A_1105[%gather3A_1112] in [0] : vector<16xf32>, vector<16xi32> -> vector<16xf32>
      %broadcast_in_dim3A_1114 = arith.constant 2 : i32
      %broadcast_in_dim3A_1115 = vector.broadcast %broadcast_in_dim3A_1114 : i32 to vector<16x1xi32>
      %gather3A_1116 = vector.shape_cast %broadcast_in_dim3A_1115 : vector<16x1xi32> to vector<16xi32>
      %gather3A_1117 = tpu.dynamic_gather %convert_element_type3A_1105[%gather3A_1116] in [0] : vector<16xf32>, vector<16xi32> -> vector<16xf32>
      %broadcast_in_dim3A_1118 = arith.constant 3 : i32
      %broadcast_in_dim3A_1119 = vector.broadcast %broadcast_in_dim3A_1118 : i32 to vector<16x1xi32>
      %gather3A_1120 = vector.shape_cast %broadcast_in_dim3A_1119 : vector<16x1xi32> to vector<16xi32>
      %gather3A_1121 = tpu.dynamic_gather %convert_element_type3A_1105[%gather3A_1120] in [0] : vector<16xf32>, vector<16xi32> -> vector<16xf32>
      %broadcast_in_dim3A_1122 = arith.constant 4 : i32
      %broadcast_in_dim3A_1123 = vector.broadcast %broadcast_in_dim3A_1122 : i32 to vector<16x1xi32>
      %gather3A_1124 = vector.shape_cast %broadcast_in_dim3A_1123 : vector<16x1xi32> to vector<16xi32>
      %gather3A_1125 = tpu.dynamic_gather %convert_element_type3A_1105[%gather3A_1124] in [0] : vector<16xf32>, vector<16xi32> -> vector<16xf32>
      %broadcast_in_dim3A_1126 = arith.constant 5 : i32
      %broadcast_in_dim3A_1127 = vector.broadcast %broadcast_in_dim3A_1126 : i32 to vector<16x1xi32>
      %gather3A_1128 = vector.shape_cast %broadcast_in_dim3A_1127 : vector<16x1xi32> to vector<16xi32>
      %gather3A_1129 = tpu.dynamic_gather %convert_element_type3A_1105[%gather3A_1128] in [0] : vector<16xf32>, vector<16xi32> -> vector<16xf32>
      %broadcast_in_dim3A_1130 = arith.constant 6 : i32
      %broadcast_in_dim3A_1131 = vector.broadcast %broadcast_in_dim3A_1130 : i32 to vector<16x1xi32>
      %gather3A_1132 = vector.shape_cast %broadcast_in_dim3A_1131 : vector<16x1xi32> to vector<16xi32>
      %gather3A_1133 = tpu.dynamic_gather %convert_element_type3A_1105[%gather3A_1132] in [0] : vector<16xf32>, vector<16xi32> -> vector<16xf32>
      %broadcast_in_dim3A_1134 = arith.constant 7 : i32
      %broadcast_in_dim3A_1135 = vector.broadcast %broadcast_in_dim3A_1134 : i32 to vector<16x1xi32>
      %gather3A_1136 = vector.shape_cast %broadcast_in_dim3A_1135 : vector<16x1xi32> to vector<16xi32>
      %gather3A_1137 = tpu.dynamic_gather %convert_element_type3A_1105[%gather3A_1136] in [0] : vector<16xf32>, vector<16xi32> -> vector<16xf32>
      %broadcast_in_dim3A_1138 = arith.constant 8 : i32
      %broadcast_in_dim3A_1139 = vector.broadcast %broadcast_in_dim3A_1138 : i32 to vector<16x1xi32>
      %gather3A_1140 = vector.shape_cast %broadcast_in_dim3A_1139 : vector<16x1xi32> to vector<16xi32>
      %gather3A_1141 = tpu.dynamic_gather %convert_element_type3A_1105[%gather3A_1140] in [0] : vector<16xf32>, vector<16xi32> -> vector<16xf32>
      %broadcast_in_dim3A_1142 = arith.constant 9 : i32
      %broadcast_in_dim3A_1143 = vector.broadcast %broadcast_in_dim3A_1142 : i32 to vector<16x1xi32>
      %gather3A_1144 = vector.shape_cast %broadcast_in_dim3A_1143 : vector<16x1xi32> to vector<16xi32>
      %gather3A_1145 = tpu.dynamic_gather %convert_element_type3A_1105[%gather3A_1144] in [0] : vector<16xf32>, vector<16xi32> -> vector<16xf32>
      %broadcast_in_dim3A_1146 = arith.constant 10 : i32
      %broadcast_in_dim3A_1147 = vector.broadcast %broadcast_in_dim3A_1146 : i32 to vector<16x1xi32>
      %gather3A_1148 = vector.shape_cast %broadcast_in_dim3A_1147 : vector<16x1xi32> to vector<16xi32>
      %gather3A_1149 = tpu.dynamic_gather %convert_element_type3A_1105[%gather3A_1148] in [0] : vector<16xf32>, vector<16xi32> -> vector<16xf32>
      %broadcast_in_dim3A_1150 = arith.constant 11 : i32
      %broadcast_in_dim3A_1151 = vector.broadcast %broadcast_in_dim3A_1150 : i32 to vector<16x1xi32>
      %gather3A_1152 = vector.shape_cast %broadcast_in_dim3A_1151 : vector<16x1xi32> to vector<16xi32>
      %gather3A_1153 = tpu.dynamic_gather %convert_element_type3A_1105[%gather3A_1152] in [0] : vector<16xf32>, vector<16xi32> -> vector<16xf32>
      %broadcast_in_dim3A_1154 = arith.constant 12 : i32
      %broadcast_in_dim3A_1155 = vector.broadcast %broadcast_in_dim3A_1154 : i32 to vector<16x1xi32>
      %gather3A_1156 = vector.shape_cast %broadcast_in_dim3A_1155 : vector<16x1xi32> to vector<16xi32>
      %gather3A_1157 = tpu.dynamic_gather %convert_element_type3A_1105[%gather3A_1156] in [0] : vector<16xf32>, vector<16xi32> -> vector<16xf32>
      %broadcast_in_dim3A_1158 = arith.constant 13 : i32
      %broadcast_in_dim3A_1159 = vector.broadcast %broadcast_in_dim3A_1158 : i32 to vector<16x1xi32>
      %gather3A_1160 = vector.shape_cast %broadcast_in_dim3A_1159 : vector<16x1xi32> to vector<16xi32>
      %gather3A_1161 = tpu.dynamic_gather %convert_element_type3A_1105[%gather3A_1160] in [0] : vector<16xf32>, vector<16xi32> -> vector<16xf32>
      %broadcast_in_dim3A_1162 = arith.constant 14 : i32
      %broadcast_in_dim3A_1163 = vector.broadcast %broadcast_in_dim3A_1162 : i32 to vector<16x1xi32>
      %gather3A_1164 = vector.shape_cast %broadcast_in_dim3A_1163 : vector<16x1xi32> to vector<16xi32>
      %gather3A_1165 = tpu.dynamic_gather %convert_element_type3A_1105[%gather3A_1164] in [0] : vector<16xf32>, vector<16xi32> -> vector<16xf32>
      %broadcast_in_dim3A_1166 = arith.constant 15 : i32
      %broadcast_in_dim3A_1167 = vector.broadcast %broadcast_in_dim3A_1166 : i32 to vector<16x1xi32>
      %gather3A_1168 = vector.shape_cast %broadcast_in_dim3A_1167 : vector<16x1xi32> to vector<16xi32>
      %gather3A_1169 = tpu.dynamic_gather %convert_element_type3A_1105[%gather3A_1168] in [0] : vector<16xf32>, vector<16xi32> -> vector<16xf32>
      %scan3A_1170 = arith.constant 0 : i32
      %scan3A_1171 = arith.constant 0 : i32
      %scan3A_1172 = arith.constant 64 : i32
      %scan3A_1173 = arith.addi %scan3A_1171, %scan3A_1172 : i32
      %scan3A_1174 = arith.constant 1 : i32
      scf.for %scan3A_1622 = %scan3A_1171 to %scan3A_1173 step %scan3A_1174  : i32 {
        %mul3A_1623 = arith.constant 16 : i32
        %mul3A_1624 = arith.muli %scan3A_1622, %mul3A_1623 : i32
        %get3A_1625 = arith.index_cast %mul3A_1624 : i32 to index
        %get3A_1626 = tpu.vector_load %arg6[%get3A_1625] {strides = array<i32>} : memref<2048xf32, #tpu.memory_space<vmem>>, vector<16xf32>,
        %get3A_1627 = vector.shape_cast %get3A_1626 : vector<16xf32> to vector<16xf32>
        %mul3A_1628 = arith.constant 16 : i32
        %mul3A_1629 = arith.muli %scan3A_1622, %mul3A_1628 : i32
        %add3A_1630 = arith.constant 1024 : i32
        %add3A_1631 = arith.addi %add3A_1630, %mul3A_1629 : i32
        %get3A_1632 = arith.index_cast %add3A_1631 : i32 to index
        %get3A_1633 = tpu.vector_load %arg6[%get3A_1632] {strides = array<i32>} : memref<2048xf32, #tpu.memory_space<vmem>>, vector<16xf32>,
        %get3A_1634 = vector.shape_cast %get3A_1633 : vector<16xf32> to vector<16xf32>
        %sub3A_1635 = arith.subf %get3A_1634, %get3A_1627 : vector<16xf32>
        %mul3A_1636 = arith.mulf %gather3A_1109, %sub3A_1635 : vector<16xf32>
        %add3A_1637 = arith.addf %get3A_1627, %mul3A_1636 : vector<16xf32>
        %swap3A = arith.constant 0 : i32
        %swap3A_1638 = arith.index_cast %swap3A : i32 to index
        %swap3A_1639 = arith.index_cast %mul3A_1624 : i32 to index
        %swap3A_1640 = tpu.vector_load %arg13[%swap3A_1638, %swap3A_1639] {strides = array<i32>} : memref<16x1024xf32, #tpu.memory_space<vmem>>, vector<1x16xf32>,
        %swap3A_1641 = vector.shape_cast %swap3A_1640 : vector<1x16xf32> to vector<16xf32>
        %swap3A_1642 = vector.shape_cast %add3A_1637 : vector<16xf32> to vector<1x16xf32>
        tpu.vector_store %arg13[%swap3A_1638, %swap3A_1639], %swap3A_1642 {add = true, strides = array<i32>} : memref<16x1024xf32, #tpu.memory_space<vmem>>, vector<1x16xf32>,
        %mul3A_1643 = arith.mulf %gather3A_1113, %sub3A_1635 : vector<16xf32>
        %add3A_1644 = arith.addf %get3A_1627, %mul3A_1643 : vector<16xf32>
        %swap3A_1645 = arith.constant 1 : i32
        %swap3A_1646 = arith.index_cast %swap3A_1645 : i32 to index
        %swap3A_1647 = arith.index_cast %mul3A_1624 : i32 to index
        %swap3A_1648 = tpu.vector_load %arg13[%swap3A_1646, %swap3A_1647] {strides = array<i32>} : memref<16x1024xf32, #tpu.memory_space<vmem>>, vector<1x16xf32>,
        %swap3A_1649 = vector.shape_cast %swap3A_1648 : vector<1x16xf32> to vector<16xf32>
        %swap3A_1650 = vector.shape_cast %add3A_1644 : vector<16xf32> to vector<1x16xf32>
        tpu.vector_store %arg13[%swap3A_1646, %swap3A_1647], %swap3A_1650 {add = true, strides = array<i32>} : memref<16x1024xf32, #tpu.memory_space<vmem>>, vector<1x16xf32>,
        %mul3A_1651 = arith.mulf %gather3A_1117, %sub3A_1635 : vector<16xf32>
        %add3A_1652 = arith.addf %get3A_1627, %mul3A_1651 : vector<16xf32>
        %swap3A_1653 = arith.constant 2 : i32
        %swap3A_1654 = arith.index_cast %swap3A_1653 : i32 to index
        %swap3A_1655 = arith.index_cast %mul3A_1624 : i32 to index
        %swap3A_1656 = tpu.vector_load %arg13[%swap3A_1654, %swap3A_1655] {strides = array<i32>} : memref<16x1024xf32, #tpu.memory_space<vmem>>, vector<1x16xf32>,
        %swap3A_1657 = vector.shape_cast %swap3A_1656 : vector<1x16xf32> to vector<16xf32>
        %swap3A_1658 = vector.shape_cast %add3A_1652 : vector<16xf32> to vector<1x16xf32>
        tpu.vector_store %arg13[%swap3A_1654, %swap3A_1655], %swap3A_1658 {add = true, strides = array<i32>} : memref<16x1024xf32, #tpu.memory_space<vmem>>, vector<1x16xf32>,
        %mul3A_1659 = arith.mulf %gather3A_1121, %sub3A_1635 : vector<16xf32>
        %add3A_1660 = arith.addf %get3A_1627, %mul3A_1659 : vector<16xf32>
        %swap3A_1661 = arith.constant 3 : i32
        %swap3A_1662 = arith.index_cast %swap3A_1661 : i32 to index
        %swap3A_1663 = arith.index_cast %mul3A_1624 : i32 to index
        %swap3A_1664 = tpu.vector_load %arg13[%swap3A_1662, %swap3A_1663] {strides = array<i32>} : memref<16x1024xf32, #tpu.memory_space<vmem>>, vector<1x16xf32>,
        %swap3A_1665 = vector.shape_cast %swap3A_1664 : vector<1x16xf32> to vector<16xf32>
        %swap3A_1666 = vector.shape_cast %add3A_1660 : vector<16xf32> to vector<1x16xf32>
        tpu.vector_store %arg13[%swap3A_1662, %swap3A_1663], %swap3A_1666 {add = true, strides = array<i32>} : memref<16x1024xf32, #tpu.memory_space<vmem>>, vector<1x16xf32>,
        %mul3A_1667 = arith.mulf %gather3A_1125, %sub3A_1635 : vector<16xf32>
        %add3A_1668 = arith.addf %get3A_1627, %mul3A_1667 : vector<16xf32>
        %swap3A_1669 = arith.constant 4 : i32
        %swap3A_1670 = arith.index_cast %swap3A_1669 : i32 to index
        %swap3A_1671 = arith.index_cast %mul3A_1624 : i32 to index
        %swap3A_1672 = tpu.vector_load %arg13[%swap3A_1670, %swap3A_1671] {strides = array<i32>} : memref<16x1024xf32, #tpu.memory_space<vmem>>, vector<1x16xf32>,
        %swap3A_1673 = vector.shape_cast %swap3A_1672 : vector<1x16xf32> to vector<16xf32>
        %swap3A_1674 = vector.shape_cast %add3A_1668 : vector<16xf32> to vector<1x16xf32>
        tpu.vector_store %arg13[%swap3A_1670, %swap3A_1671], %swap3A_1674 {add = true, strides = array<i32>} : memref<16x1024xf32, #tpu.memory_space<vmem>>, vector<1x16xf32>,
        %mul3A_1675 = arith.mulf %gather3A_1129, %sub3A_1635 : vector<16xf32>
        %add3A_1676 = arith.addf %get3A_1627, %mul3A_1675 : vector<16xf32>
        %swap3A_1677 = arith.constant 5 : i32
        %swap3A_1678 = arith.index_cast %swap3A_1677 : i32 to index
        %swap3A_1679 = arith.index_cast %mul3A_1624 : i32 to index
        %swap3A_1680 = tpu.vector_load %arg13[%swap3A_1678, %swap3A_1679] {strides = array<i32>} : memref<16x1024xf32, #tpu.memory_space<vmem>>, vector<1x16xf32>,
        %swap3A_1681 = vector.shape_cast %swap3A_1680 : vector<1x16xf32> to vector<16xf32>
        %swap3A_1682 = vector.shape_cast %add3A_1676 : vector<16xf32> to vector<1x16xf32>
        tpu.vector_store %arg13[%swap3A_1678, %swap3A_1679], %swap3A_1682 {add = true, strides = array<i32>} : memref<16x1024xf32, #tpu.memory_space<vmem>>, vector<1x16xf32>,
        %mul3A_1683 = arith.mulf %gather3A_1133, %sub3A_1635 : vector<16xf32>
        %add3A_1684 = arith.addf %get3A_1627, %mul3A_1683 : vector<16xf32>
        %swap3A_1685 = arith.constant 6 : i32
        %swap3A_1686 = arith.index_cast %swap3A_1685 : i32 to index
        %swap3A_1687 = arith.index_cast %mul3A_1624 : i32 to index
        %swap3A_1688 = tpu.vector_load %arg13[%swap3A_1686, %swap3A_1687] {strides = array<i32>} : memref<16x1024xf32, #tpu.memory_space<vmem>>, vector<1x16xf32>,
        %swap3A_1689 = vector.shape_cast %swap3A_1688 : vector<1x16xf32> to vector<16xf32>
        %swap3A_1690 = vector.shape_cast %add3A_1684 : vector<16xf32> to vector<1x16xf32>
        tpu.vector_store %arg13[%swap3A_1686, %swap3A_1687], %swap3A_1690 {add = true, strides = array<i32>} : memref<16x1024xf32, #tpu.memory_space<vmem>>, vector<1x16xf32>,
        %mul3A_1691 = arith.mulf %gather3A_1137, %sub3A_1635 : vector<16xf32>
        %add3A_1692 = arith.addf %get3A_1627, %mul3A_1691 : vector<16xf32>
        %swap3A_1693 = arith.constant 7 : i32
        %swap3A_1694 = arith.index_cast %swap3A_1693 : i32 to index
        %swap3A_1695 = arith.index_cast %mul3A_1624 : i32 to index
        %swap3A_1696 = tpu.vector_load %arg13[%swap3A_1694, %swap3A_1695] {strides = array<i32>} : memref<16x1024xf32, #tpu.memory_space<vmem>>, vector<1x16xf32>,
        %swap3A_1697 = vector.shape_cast %swap3A_1696 : vector<1x16xf32> to vector<16xf32>
        %swap3A_1698 = vector.shape_cast %add3A_1692 : vector<16xf32> to vector<1x16xf32>
        tpu.vector_store %arg13[%swap3A_1694, %swap3A_1695], %swap3A_1698 {add = true, strides = array<i32>} : memref<16x1024xf32, #tpu.memory_space<vmem>>, vector<1x16xf32>,
        %mul3A_1699 = arith.mulf %gather3A_1141, %sub3A_1635 : vector<16xf32>
        %add3A_1700 = arith.addf %get3A_1627, %mul3A_1699 : vector<16xf32>
        %swap3A_1701 = arith.constant 8 : i32
        %swap3A_1702 = arith.index_cast %swap3A_1701 : i32 to index
        %swap3A_1703 = arith.index_cast %mul3A_1624 : i32 to index
        %swap3A_1704 = tpu.vector_load %arg13[%swap3A_1702, %swap3A_1703] {strides = array<i32>} : memref<16x1024xf32, #tpu.memory_space<vmem>>, vector<1x16xf32>,
        %swap3A_1705 = vector.shape_cast %swap3A_1704 : vector<1x16xf32> to vector<16xf32>
        %swap3A_1706 = vector.shape_cast %add3A_1700 : vector<16xf32> to vector<1x16xf32>
        tpu.vector_store %arg13[%swap3A_1702, %swap3A_1703], %swap3A_1706 {add = true, strides = array<i32>} : memref<16x1024xf32, #tpu.memory_space<vmem>>, vector<1x16xf32>,
        %mul3A_1707 = arith.mulf %gather3A_1145, %sub3A_1635 : vector<16xf32>
        %add3A_1708 = arith.addf %get3A_1627, %mul3A_1707 : vector<16xf32>
        %swap3A_1709 = arith.constant 9 : i32
        %swap3A_1710 = arith.index_cast %swap3A_1709 : i32 to index
        %swap3A_1711 = arith.index_cast %mul3A_1624 : i32 to index
        %swap3A_1712 = tpu.vector_load %arg13[%swap3A_1710, %swap3A_1711] {strides = array<i32>} : memref<16x1024xf32, #tpu.memory_space<vmem>>, vector<1x16xf32>,
        %swap3A_1713 = vector.shape_cast %swap3A_1712 : vector<1x16xf32> to vector<16xf32>
        %swap3A_1714 = vector.shape_cast %add3A_1708 : vector<16xf32> to vector<1x16xf32>
        tpu.vector_store %arg13[%swap3A_1710, %swap3A_1711], %swap3A_1714 {add = true, strides = array<i32>} : memref<16x1024xf32, #tpu.memory_space<vmem>>, vector<1x16xf32>,
        %mul3A_1715 = arith.mulf %gather3A_1149, %sub3A_1635 : vector<16xf32>
        %add3A_1716 = arith.addf %get3A_1627, %mul3A_1715 : vector<16xf32>
        %swap3A_1717 = arith.constant 10 : i32
        %swap3A_1718 = arith.index_cast %swap3A_1717 : i32 to index
        %swap3A_1719 = arith.index_cast %mul3A_1624 : i32 to index
        %swap3A_1720 = tpu.vector_load %arg13[%swap3A_1718, %swap3A_1719] {strides = array<i32>} : memref<16x1024xf32, #tpu.memory_space<vmem>>, vector<1x16xf32>,
        %swap3A_1721 = vector.shape_cast %swap3A_1720 : vector<1x16xf32> to vector<16xf32>
        %swap3A_1722 = vector.shape_cast %add3A_1716 : vector<16xf32> to vector<1x16xf32>
        tpu.vector_store %arg13[%swap3A_1718, %swap3A_1719], %swap3A_1722 {add = true, strides = array<i32>} : memref<16x1024xf32, #tpu.memory_space<vmem>>, vector<1x16xf32>,
        %mul3A_1723 = arith.mulf %gather3A_1153, %sub3A_1635 : vector<16xf32>
        %add3A_1724 = arith.addf %get3A_1627, %mul3A_1723 : vector<16xf32>
        %swap3A_1725 = arith.constant 11 : i32
        %swap3A_1726 = arith.index_cast %swap3A_1725 : i32 to index
        %swap3A_1727 = arith.index_cast %mul3A_1624 : i32 to index
        %swap3A_1728 = tpu.vector_load %arg13[%swap3A_1726, %swap3A_1727] {strides = array<i32>} : memref<16x1024xf32, #tpu.memory_space<vmem>>, vector<1x16xf32>,
        %swap3A_1729 = vector.shape_cast %swap3A_1728 : vector<1x16xf32> to vector<16xf32>
        %swap3A_1730 = vector.shape_cast %add3A_1724 : vector<16xf32> to vector<1x16xf32>
        tpu.vector_store %arg13[%swap3A_1726, %swap3A_1727], %swap3A_1730 {add = true, strides = array<i32>} : memref<16x1024xf32, #tpu.memory_space<vmem>>, vector<1x16xf32>,
        %mul3A_1731 = arith.mulf %gather3A_1157, %sub3A_1635 : vector<16xf32>
        %add3A_1732 = arith.addf %get3A_1627, %mul3A_1731 : vector<16xf32>
        %swap3A_1733 = arith.constant 12 : i32
        %swap3A_1734 = arith.index_cast %swap3A_1733 : i32 to index
        %swap3A_1735 = arith.index_cast %mul3A_1624 : i32 to index
        %swap3A_1736 = tpu.vector_load %arg13[%swap3A_1734, %swap3A_1735] {strides = array<i32>} : memref<16x1024xf32, #tpu.memory_space<vmem>>, vector<1x16xf32>,
        %swap3A_1737 = vector.shape_cast %swap3A_1736 : vector<1x16xf32> to vector<16xf32>
        %swap3A_1738 = vector.shape_cast %add3A_1732 : vector<16xf32> to vector<1x16xf32>
        tpu.vector_store %arg13[%swap3A_1734, %swap3A_1735], %swap3A_1738 {add = true, strides = array<i32>} : memref<16x1024xf32, #tpu.memory_space<vmem>>, vector<1x16xf32>,
        %mul3A_1739 = arith.mulf %gather3A_1161, %sub3A_1635 : vector<16xf32>
        %add3A_1740 = arith.addf %get3A_1627, %mul3A_1739 : vector<16xf32>
        %swap3A_1741 = arith.constant 13 : i32
        %swap3A_1742 = arith.index_cast %swap3A_1741 : i32 to index
        %swap3A_1743 = arith.index_cast %mul3A_1624 : i32 to index
        %swap3A_1744 = tpu.vector_load %arg13[%swap3A_1742, %swap3A_1743] {strides = array<i32>} : memref<16x1024xf32, #tpu.memory_space<vmem>>, vector<1x16xf32>,
        %swap3A_1745 = vector.shape_cast %swap3A_1744 : vector<1x16xf32> to vector<16xf32>
        %swap3A_1746 = vector.shape_cast %add3A_1740 : vector<16xf32> to vector<1x16xf32>
        tpu.vector_store %arg13[%swap3A_1742, %swap3A_1743], %swap3A_1746 {add = true, strides = array<i32>} : memref<16x1024xf32, #tpu.memory_space<vmem>>, vector<1x16xf32>,
        %mul3A_1747 = arith.mulf %gather3A_1165, %sub3A_1635 : vector<16xf32>
        %add3A_1748 = arith.addf %get3A_1627, %mul3A_1747 : vector<16xf32>
        %swap3A_1749 = arith.constant 14 : i32
        %swap3A_1750 = arith.index_cast %swap3A_1749 : i32 to index
        %swap3A_1751 = arith.index_cast %mul3A_1624 : i32 to index
        %swap3A_1752 = tpu.vector_load %arg13[%swap3A_1750, %swap3A_1751] {strides = array<i32>} : memref<16x1024xf32, #tpu.memory_space<vmem>>, vector<1x16xf32>,
        %swap3A_1753 = vector.shape_cast %swap3A_1752 : vector<1x16xf32> to vector<16xf32>
        %swap3A_1754 = vector.shape_cast %add3A_1748 : vector<16xf32> to vector<1x16xf32>
        tpu.vector_store %arg13[%swap3A_1750, %swap3A_1751], %swap3A_1754 {add = true, strides = array<i32>} : memref<16x1024xf32, #tpu.memory_space<vmem>>, vector<1x16xf32>,
        %mul3A_1755 = arith.mulf %gather3A_1169, %sub3A_1635 : vector<16xf32>
        %add3A_1756 = arith.addf %get3A_1627, %mul3A_1755 : vector<16xf32>
        %swap3A_1757 = arith.constant 15 : i32
        %swap3A_1758 = arith.index_cast %swap3A_1757 : i32 to index
        %swap3A_1759 = arith.index_cast %mul3A_1624 : i32 to index
        %swap3A_1760 = tpu.vector_load %arg13[%swap3A_1758, %swap3A_1759] {strides = array<i32>} : memref<16x1024xf32, #tpu.memory_space<vmem>>, vector<1x16xf32>,
        %swap3A_1761 = vector.shape_cast %swap3A_1760 : vector<1x16xf32> to vector<16xf32>
        %swap3A_1762 = vector.shape_cast %add3A_1756 : vector<16xf32> to vector<1x16xf32>
        tpu.vector_store %arg13[%swap3A_1758, %swap3A_1759], %swap3A_1762 {add = true, strides = array<i32>} : memref<16x1024xf32, #tpu.memory_space<vmem>>, vector<1x16xf32>,
      }
      %scan3A_1175 = arith.constant 64 : i32
      %mul3A_1176 = arith.constant 16 : i32
      %mul3A_1177 = arith.muli %add3A_1093, %mul3A_1176 : i32
      %add3A_1178 = arith.addi %mul3A_2, %mul3A_1177 : i32
      %dma_start3A_1179 = arith.constant 0 : i32
      %dma_start3A_1180 = tpu.memref_slice %arg5[%add3A_1178, %dma_start3A_1179] : memref<32768x1024xf32, #tpu.memory_space<hbm>> -> memref<16x1024xf32, #tpu.memory_space<hbm>>
      %dma_start3A_1181 = arith.constant 0 : i32
      %dma_start3A_1182 = tpu.memref_slice %arg5[%add3A_1178, %dma_start3A_1181] : memref<32768x1024xf32, #tpu.memory_space<hbm>> -> memref<16x1024xf32, #tpu.memory_space<hbm>>
      tpu.enqueue_dma source(%arg13 : memref<16x1024xf32, #tpu.memory_space<vmem>>) target(%dma_start3A_1182 : memref<16x1024xf32, #tpu.memory_space<hbm>>) target_semaphore(%arg25 : memref<!tpu.dma_semaphore, #tpu.memory_space<semaphore_mem>>)
      %dma_wait3A_1183 = arith.constant 0 : i32
      %dma_wait3A_1184 = arith.constant 0 : i32
      %dma_wait3A_1185 = tpu.memref_slice %arg5[%dma_wait3A_1183, %dma_wait3A_1184] : memref<32768x1024xf32, #tpu.memory_space<hbm>> -> memref<16x1024xf32, #tpu.memory_space<hbm>>
      %dma_wait3A_1186 = arith.constant 0 : i32
      %dma_wait3A_1187 = arith.constant 0 : i32
      %dma_wait3A_1188 = tpu.memref_slice %arg5[%dma_wait3A_1186, %dma_wait3A_1187] : memref<32768x1024xf32, #tpu.memory_space<hbm>> -> memref<16x1024xf32, #tpu.memory_space<hbm>>
      tpu.wait_dma2 semaphore(%arg23 : memref<!tpu.dma_semaphore, #tpu.memory_space<semaphore_mem>>) src(%arg11 : memref<16x1024xf32, #tpu.memory_space<vmem>>) dst(%dma_wait3A_1188 : memref<16x1024xf32, #tpu.memory_space<hbm>>)
      %add3A_1189 = arith.constant 4 : i32
      %add3A_1190 = arith.addi %add3A_1093, %add3A_1189 : i32
      %mul3A_1191 = arith.constant 16 : i32
      %mul3A_1192 = arith.muli %add3A_1190, %mul3A_1191 : i32
      %add3A_1193 = arith.addi %mul3A_2, %mul3A_1192 : i32
      %dma_start3A_1194 = arith.constant 0 : i32
      %dma_start3A_1195 = tpu.memref_slice %arg2[%add3A_1193, %dma_start3A_1194] : memref<32768x1024xf32, #tpu.memory_space<hbm>> -> memref<16x1024xf32, #tpu.memory_space<hbm>>
      %dma_start3A_1196 = arith.constant 0 : i32
      %dma_start3A_1197 = tpu.memref_slice %arg2[%add3A_1193, %dma_start3A_1196] : memref<32768x1024xf32, #tpu.memory_space<hbm>> -> memref<16x1024xf32, #tpu.memory_space<hbm>>
      tpu.enqueue_dma source(%dma_start3A_1197 : memref<16x1024xf32, #tpu.memory_space<hbm>>) target(%arg11 : memref<16x1024xf32, #tpu.memory_space<vmem>>) target_semaphore(%arg17 : memref<!tpu.dma_semaphore, #tpu.memory_space<semaphore_mem>>)
      %add3A_1198 = arith.constant 2 : i32
      %add3A_1199 = arith.addi %sub3A_985, %add3A_1198 : i32
      %dma_wait3A_1200 = arith.constant 0 : i32
      %dma_wait3A_1201 = arith.constant 0 : i32
      %dma_wait3A_1202 = tpu.memref_slice %arg2[%dma_wait3A_1200, %dma_wait3A_1201] : memref<32768x1024xf32, #tpu.memory_space<hbm>> -> memref<16x1024xf32, #tpu.memory_space<hbm>>
      %dma_wait3A_1203 = arith.constant 0 : i32
      %dma_wait3A_1204 = arith.constant 0 : i32
      %dma_wait3A_1205 = tpu.memref_slice %arg2[%dma_wait3A_1203, %dma_wait3A_1204] : memref<32768x1024xf32, #tpu.memory_space<hbm>> -> memref<16x1024xf32, #tpu.memory_space<hbm>>
      tpu.wait_dma2 semaphore(%arg14 : memref<!tpu.dma_semaphore, #tpu.memory_space<semaphore_mem>>) src(%dma_wait3A_1205 : memref<16x1024xf32, #tpu.memory_space<hbm>>) dst(%arg8 : memref<16x1024xf32, #tpu.memory_space<vmem>>)
      %mul3A_1206 = arith.constant 16 : i32
      %mul3A_1207 = arith.muli %add3A_1199, %mul3A_1206 : i32
      %get3A_1208 = arith.index_cast %mul3A_1207 : i32 to index
      %get3A_1209 = tpu.vector_load %arg7[%get3A_1208] {strides = array<i32>} : memref<1024xi32, #tpu.memory_space<vmem>>, vector<16xi32>,
      %get3A_1210 = vector.shape_cast %get3A_1209 : vector<16xi32> to vector<16xi32>
      %convert_element_type3A_1211 = arith.sitofp %get3A_1210 : vector<16xi32> to vector<16xf32>
      %broadcast_in_dim3A_1212 = arith.constant 0 : i32
      %broadcast_in_dim3A_1213 = vector.broadcast %broadcast_in_dim3A_1212 : i32 to vector<16x1xi32>
      %gather3A_1214 = vector.shape_cast %broadcast_in_dim3A_1213 : vector<16x1xi32> to vector<16xi32>
      %gather3A_1215 = tpu.dynamic_gather %convert_element_type3A_1211[%gather3A_1214] in [0] : vector<16xf32>, vector<16xi32> -> vector<16xf32>
      %broadcast_in_dim3A_1216 = arith.constant 1 : i32
      %broadcast_in_dim3A_1217 = vector.broadcast %broadcast_in_dim3A_1216 : i32 to vector<16x1xi32>
      %gather3A_1218 = vector.shape_cast %broadcast_in_dim3A_1217 : vector<16x1xi32> to vector<16xi32>
      %gather3A_1219 = tpu.dynamic_gather %convert_element_type3A_1211[%gather3A_1218] in [0] : vector<16xf32>, vector<16xi32> -> vector<16xf32>
      %broadcast_in_dim3A_1220 = arith.constant 2 : i32
      %broadcast_in_dim3A_1221 = vector.broadcast %broadcast_in_dim3A_1220 : i32 to vector<16x1xi32>
      %gather3A_1222 = vector.shape_cast %broadcast_in_dim3A_1221 : vector<16x1xi32> to vector<16xi32>
      %gather3A_1223 = tpu.dynamic_gather %convert_element_type3A_1211[%gather3A_1222] in [0] : vector<16xf32>, vector<16xi32> -> vector<16xf32>
      %broadcast_in_dim3A_1224 = arith.constant 3 : i32
      %broadcast_in_dim3A_1225 = vector.broadcast %broadcast_in_dim3A_1224 : i32 to vector<16x1xi32>
      %gather3A_1226 = vector.shape_cast %broadcast_in_dim3A_1225 : vector<16x1xi32> to vector<16xi32>
      %gather3A_1227 = tpu.dynamic_gather %convert_element_type3A_1211[%gather3A_1226] in [0] : vector<16xf32>, vector<16xi32> -> vector<16xf32>
      %broadcast_in_dim3A_1228 = arith.constant 4 : i32
      %broadcast_in_dim3A_1229 = vector.broadcast %broadcast_in_dim3A_1228 : i32 to vector<16x1xi32>
      %gather3A_1230 = vector.shape_cast %broadcast_in_dim3A_1229 : vector<16x1xi32> to vector<16xi32>
      %gather3A_1231 = tpu.dynamic_gather %convert_element_type3A_1211[%gather3A_1230] in [0] : vector<16xf32>, vector<16xi32> -> vector<16xf32>
      %broadcast_in_dim3A_1232 = arith.constant 5 : i32
      %broadcast_in_dim3A_1233 = vector.broadcast %broadcast_in_dim3A_1232 : i32 to vector<16x1xi32>
      %gather3A_1234 = vector.shape_cast %broadcast_in_dim3A_1233 : vector<16x1xi32> to vector<16xi32>
      %gather3A_1235 = tpu.dynamic_gather %convert_element_type3A_1211[%gather3A_1234] in [0] : vector<16xf32>, vector<16xi32> -> vector<16xf32>
      %broadcast_in_dim3A_1236 = arith.constant 6 : i32
      %broadcast_in_dim3A_1237 = vector.broadcast %broadcast_in_dim3A_1236 : i32 to vector<16x1xi32>
      %gather3A_1238 = vector.shape_cast %broadcast_in_dim3A_1237 : vector<16x1xi32> to vector<16xi32>
      %gather3A_1239 = tpu.dynamic_gather %convert_element_type3A_1211[%gather3A_1238] in [0] : vector<16xf32>, vector<16xi32> -> vector<16xf32>
      %broadcast_in_dim3A_1240 = arith.constant 7 : i32
      %broadcast_in_dim3A_1241 = vector.broadcast %broadcast_in_dim3A_1240 : i32 to vector<16x1xi32>
      %gather3A_1242 = vector.shape_cast %broadcast_in_dim3A_1241 : vector<16x1xi32> to vector<16xi32>
      %gather3A_1243 = tpu.dynamic_gather %convert_element_type3A_1211[%gather3A_1242] in [0] : vector<16xf32>, vector<16xi32> -> vector<16xf32>
      %broadcast_in_dim3A_1244 = arith.constant 8 : i32
      %broadcast_in_dim3A_1245 = vector.broadcast %broadcast_in_dim3A_1244 : i32 to vector<16x1xi32>
      %gather3A_1246 = vector.shape_cast %broadcast_in_dim3A_1245 : vector<16x1xi32> to vector<16xi32>
      %gather3A_1247 = tpu.dynamic_gather %convert_element_type3A_1211[%gather3A_1246] in [0] : vector<16xf32>, vector<16xi32> -> vector<16xf32>
      %broadcast_in_dim3A_1248 = arith.constant 9 : i32
      %broadcast_in_dim3A_1249 = vector.broadcast %broadcast_in_dim3A_1248 : i32 to vector<16x1xi32>
      %gather3A_1250 = vector.shape_cast %broadcast_in_dim3A_1249 : vector<16x1xi32> to vector<16xi32>
      %gather3A_1251 = tpu.dynamic_gather %convert_element_type3A_1211[%gather3A_1250] in [0] : vector<16xf32>, vector<16xi32> -> vector<16xf32>
      %broadcast_in_dim3A_1252 = arith.constant 10 : i32
      %broadcast_in_dim3A_1253 = vector.broadcast %broadcast_in_dim3A_1252 : i32 to vector<16x1xi32>
      %gather3A_1254 = vector.shape_cast %broadcast_in_dim3A_1253 : vector<16x1xi32> to vector<16xi32>
      %gather3A_1255 = tpu.dynamic_gather %convert_element_type3A_1211[%gather3A_1254] in [0] : vector<16xf32>, vector<16xi32> -> vector<16xf32>
      %broadcast_in_dim3A_1256 = arith.constant 11 : i32
      %broadcast_in_dim3A_1257 = vector.broadcast %broadcast_in_dim3A_1256 : i32 to vector<16x1xi32>
      %gather3A_1258 = vector.shape_cast %broadcast_in_dim3A_1257 : vector<16x1xi32> to vector<16xi32>
      %gather3A_1259 = tpu.dynamic_gather %convert_element_type3A_1211[%gather3A_1258] in [0] : vector<16xf32>, vector<16xi32> -> vector<16xf32>
      %broadcast_in_dim3A_1260 = arith.constant 12 : i32
      %broadcast_in_dim3A_1261 = vector.broadcast %broadcast_in_dim3A_1260 : i32 to vector<16x1xi32>
      %gather3A_1262 = vector.shape_cast %broadcast_in_dim3A_1261 : vector<16x1xi32> to vector<16xi32>
      %gather3A_1263 = tpu.dynamic_gather %convert_element_type3A_1211[%gather3A_1262] in [0] : vector<16xf32>, vector<16xi32> -> vector<16xf32>
      %broadcast_in_dim3A_1264 = arith.constant 13 : i32
      %broadcast_in_dim3A_1265 = vector.broadcast %broadcast_in_dim3A_1264 : i32 to vector<16x1xi32>
      %gather3A_1266 = vector.shape_cast %broadcast_in_dim3A_1265 : vector<16x1xi32> to vector<16xi32>
      %gather3A_1267 = tpu.dynamic_gather %convert_element_type3A_1211[%gather3A_1266] in [0] : vector<16xf32>, vector<16xi32> -> vector<16xf32>
      %broadcast_in_dim3A_1268 = arith.constant 14 : i32
      %broadcast_in_dim3A_1269 = vector.broadcast %broadcast_in_dim3A_1268 : i32 to vector<16x1xi32>
      %gather3A_1270 = vector.shape_cast %broadcast_in_dim3A_1269 : vector<16x1xi32> to vector<16xi32>
      %gather3A_1271 = tpu.dynamic_gather %convert_element_type3A_1211[%gather3A_1270] in [0] : vector<16xf32>, vector<16xi32> -> vector<16xf32>
      %broadcast_in_dim3A_1272 = arith.constant 15 : i32
      %broadcast_in_dim3A_1273 = vector.broadcast %broadcast_in_dim3A_1272 : i32 to vector<16x1xi32>
      %gather3A_1274 = vector.shape_cast %broadcast_in_dim3A_1273 : vector<16x1xi32> to vector<16xi32>
      %gather3A_1275 = tpu.dynamic_gather %convert_element_type3A_1211[%gather3A_1274] in [0] : vector<16xf32>, vector<16xi32> -> vector<16xf32>
      %scan3A_1276 = arith.constant 0 : i32
      %scan3A_1277 = arith.constant 0 : i32
      %scan3A_1278 = arith.constant 64 : i32
      %scan3A_1279 = arith.addi %scan3A_1277, %scan3A_1278 : i32
      %scan3A_1280 = arith.constant 1 : i32
      scf.for %scan3A_1622 = %scan3A_1277 to %scan3A_1279 step %scan3A_1280  : i32 {
        %mul3A_1623 = arith.constant 16 : i32
        %mul3A_1624 = arith.muli %scan3A_1622, %mul3A_1623 : i32
        %get3A_1625 = arith.index_cast %mul3A_1624 : i32 to index
        %get3A_1626 = tpu.vector_load %arg6[%get3A_1625] {strides = array<i32>} : memref<2048xf32, #tpu.memory_space<vmem>>, vector<16xf32>,
        %get3A_1627 = vector.shape_cast %get3A_1626 : vector<16xf32> to vector<16xf32>
        %mul3A_1628 = arith.constant 16 : i32
        %mul3A_1629 = arith.muli %scan3A_1622, %mul3A_1628 : i32
        %add3A_1630 = arith.constant 1024 : i32
        %add3A_1631 = arith.addi %add3A_1630, %mul3A_1629 : i32
        %get3A_1632 = arith.index_cast %add3A_1631 : i32 to index
        %get3A_1633 = tpu.vector_load %arg6[%get3A_1632] {strides = array<i32>} : memref<2048xf32, #tpu.memory_space<vmem>>, vector<16xf32>,
        %get3A_1634 = vector.shape_cast %get3A_1633 : vector<16xf32> to vector<16xf32>
        %sub3A_1635 = arith.subf %get3A_1634, %get3A_1627 : vector<16xf32>
        %mul3A_1636 = arith.mulf %gather3A_1215, %sub3A_1635 : vector<16xf32>
        %add3A_1637 = arith.addf %get3A_1627, %mul3A_1636 : vector<16xf32>
        %swap3A = arith.constant 0 : i32
        %swap3A_1638 = arith.index_cast %swap3A : i32 to index
        %swap3A_1639 = arith.index_cast %mul3A_1624 : i32 to index
        %swap3A_1640 = tpu.vector_load %arg8[%swap3A_1638, %swap3A_1639] {strides = array<i32>} : memref<16x1024xf32, #tpu.memory_space<vmem>>, vector<1x16xf32>,
        %swap3A_1641 = vector.shape_cast %swap3A_1640 : vector<1x16xf32> to vector<16xf32>
        %swap3A_1642 = vector.shape_cast %add3A_1637 : vector<16xf32> to vector<1x16xf32>
        tpu.vector_store %arg8[%swap3A_1638, %swap3A_1639], %swap3A_1642 {add = true, strides = array<i32>} : memref<16x1024xf32, #tpu.memory_space<vmem>>, vector<1x16xf32>,
        %mul3A_1643 = arith.mulf %gather3A_1219, %sub3A_1635 : vector<16xf32>
        %add3A_1644 = arith.addf %get3A_1627, %mul3A_1643 : vector<16xf32>
        %swap3A_1645 = arith.constant 1 : i32
        %swap3A_1646 = arith.index_cast %swap3A_1645 : i32 to index
        %swap3A_1647 = arith.index_cast %mul3A_1624 : i32 to index
        %swap3A_1648 = tpu.vector_load %arg8[%swap3A_1646, %swap3A_1647] {strides = array<i32>} : memref<16x1024xf32, #tpu.memory_space<vmem>>, vector<1x16xf32>,
        %swap3A_1649 = vector.shape_cast %swap3A_1648 : vector<1x16xf32> to vector<16xf32>
        %swap3A_1650 = vector.shape_cast %add3A_1644 : vector<16xf32> to vector<1x16xf32>
        tpu.vector_store %arg8[%swap3A_1646, %swap3A_1647], %swap3A_1650 {add = true, strides = array<i32>} : memref<16x1024xf32, #tpu.memory_space<vmem>>, vector<1x16xf32>,
        %mul3A_1651 = arith.mulf %gather3A_1223, %sub3A_1635 : vector<16xf32>
        %add3A_1652 = arith.addf %get3A_1627, %mul3A_1651 : vector<16xf32>
        %swap3A_1653 = arith.constant 2 : i32
        %swap3A_1654 = arith.index_cast %swap3A_1653 : i32 to index
        %swap3A_1655 = arith.index_cast %mul3A_1624 : i32 to index
        %swap3A_1656 = tpu.vector_load %arg8[%swap3A_1654, %swap3A_1655] {strides = array<i32>} : memref<16x1024xf32, #tpu.memory_space<vmem>>, vector<1x16xf32>,
        %swap3A_1657 = vector.shape_cast %swap3A_1656 : vector<1x16xf32> to vector<16xf32>
        %swap3A_1658 = vector.shape_cast %add3A_1652 : vector<16xf32> to vector<1x16xf32>
        tpu.vector_store %arg8[%swap3A_1654, %swap3A_1655], %swap3A_1658 {add = true, strides = array<i32>} : memref<16x1024xf32, #tpu.memory_space<vmem>>, vector<1x16xf32>,
        %mul3A_1659 = arith.mulf %gather3A_1227, %sub3A_1635 : vector<16xf32>
        %add3A_1660 = arith.addf %get3A_1627, %mul3A_1659 : vector<16xf32>
        %swap3A_1661 = arith.constant 3 : i32
        %swap3A_1662 = arith.index_cast %swap3A_1661 : i32 to index
        %swap3A_1663 = arith.index_cast %mul3A_1624 : i32 to index
        %swap3A_1664 = tpu.vector_load %arg8[%swap3A_1662, %swap3A_1663] {strides = array<i32>} : memref<16x1024xf32, #tpu.memory_space<vmem>>, vector<1x16xf32>,
        %swap3A_1665 = vector.shape_cast %swap3A_1664 : vector<1x16xf32> to vector<16xf32>
        %swap3A_1666 = vector.shape_cast %add3A_1660 : vector<16xf32> to vector<1x16xf32>
        tpu.vector_store %arg8[%swap3A_1662, %swap3A_1663], %swap3A_1666 {add = true, strides = array<i32>} : memref<16x1024xf32, #tpu.memory_space<vmem>>, vector<1x16xf32>,
        %mul3A_1667 = arith.mulf %gather3A_1231, %sub3A_1635 : vector<16xf32>
        %add3A_1668 = arith.addf %get3A_1627, %mul3A_1667 : vector<16xf32>
        %swap3A_1669 = arith.constant 4 : i32
        %swap3A_1670 = arith.index_cast %swap3A_1669 : i32 to index
        %swap3A_1671 = arith.index_cast %mul3A_1624 : i32 to index
        %swap3A_1672 = tpu.vector_load %arg8[%swap3A_1670, %swap3A_1671] {strides = array<i32>} : memref<16x1024xf32, #tpu.memory_space<vmem>>, vector<1x16xf32>,
        %swap3A_1673 = vector.shape_cast %swap3A_1672 : vector<1x16xf32> to vector<16xf32>
        %swap3A_1674 = vector.shape_cast %add3A_1668 : vector<16xf32> to vector<1x16xf32>
        tpu.vector_store %arg8[%swap3A_1670, %swap3A_1671], %swap3A_1674 {add = true, strides = array<i32>} : memref<16x1024xf32, #tpu.memory_space<vmem>>, vector<1x16xf32>,
        %mul3A_1675 = arith.mulf %gather3A_1235, %sub3A_1635 : vector<16xf32>
        %add3A_1676 = arith.addf %get3A_1627, %mul3A_1675 : vector<16xf32>
        %swap3A_1677 = arith.constant 5 : i32
        %swap3A_1678 = arith.index_cast %swap3A_1677 : i32 to index
        %swap3A_1679 = arith.index_cast %mul3A_1624 : i32 to index
        %swap3A_1680 = tpu.vector_load %arg8[%swap3A_1678, %swap3A_1679] {strides = array<i32>} : memref<16x1024xf32, #tpu.memory_space<vmem>>, vector<1x16xf32>,
        %swap3A_1681 = vector.shape_cast %swap3A_1680 : vector<1x16xf32> to vector<16xf32>
        %swap3A_1682 = vector.shape_cast %add3A_1676 : vector<16xf32> to vector<1x16xf32>
        tpu.vector_store %arg8[%swap3A_1678, %swap3A_1679], %swap3A_1682 {add = true, strides = array<i32>} : memref<16x1024xf32, #tpu.memory_space<vmem>>, vector<1x16xf32>,
        %mul3A_1683 = arith.mulf %gather3A_1239, %sub3A_1635 : vector<16xf32>
        %add3A_1684 = arith.addf %get3A_1627, %mul3A_1683 : vector<16xf32>
        %swap3A_1685 = arith.constant 6 : i32
        %swap3A_1686 = arith.index_cast %swap3A_1685 : i32 to index
        %swap3A_1687 = arith.index_cast %mul3A_1624 : i32 to index
        %swap3A_1688 = tpu.vector_load %arg8[%swap3A_1686, %swap3A_1687] {strides = array<i32>} : memref<16x1024xf32, #tpu.memory_space<vmem>>, vector<1x16xf32>,
        %swap3A_1689 = vector.shape_cast %swap3A_1688 : vector<1x16xf32> to vector<16xf32>
        %swap3A_1690 = vector.shape_cast %add3A_1684 : vector<16xf32> to vector<1x16xf32>
        tpu.vector_store %arg8[%swap3A_1686, %swap3A_1687], %swap3A_1690 {add = true, strides = array<i32>} : memref<16x1024xf32, #tpu.memory_space<vmem>>, vector<1x16xf32>,
        %mul3A_1691 = arith.mulf %gather3A_1243, %sub3A_1635 : vector<16xf32>
        %add3A_1692 = arith.addf %get3A_1627, %mul3A_1691 : vector<16xf32>
        %swap3A_1693 = arith.constant 7 : i32
        %swap3A_1694 = arith.index_cast %swap3A_1693 : i32 to index
        %swap3A_1695 = arith.index_cast %mul3A_1624 : i32 to index
        %swap3A_1696 = tpu.vector_load %arg8[%swap3A_1694, %swap3A_1695] {strides = array<i32>} : memref<16x1024xf32, #tpu.memory_space<vmem>>, vector<1x16xf32>,
        %swap3A_1697 = vector.shape_cast %swap3A_1696 : vector<1x16xf32> to vector<16xf32>
        %swap3A_1698 = vector.shape_cast %add3A_1692 : vector<16xf32> to vector<1x16xf32>
        tpu.vector_store %arg8[%swap3A_1694, %swap3A_1695], %swap3A_1698 {add = true, strides = array<i32>} : memref<16x1024xf32, #tpu.memory_space<vmem>>, vector<1x16xf32>,
        %mul3A_1699 = arith.mulf %gather3A_1247, %sub3A_1635 : vector<16xf32>
        %add3A_1700 = arith.addf %get3A_1627, %mul3A_1699 : vector<16xf32>
        %swap3A_1701 = arith.constant 8 : i32
        %swap3A_1702 = arith.index_cast %swap3A_1701 : i32 to index
        %swap3A_1703 = arith.index_cast %mul3A_1624 : i32 to index
        %swap3A_1704 = tpu.vector_load %arg8[%swap3A_1702, %swap3A_1703] {strides = array<i32>} : memref<16x1024xf32, #tpu.memory_space<vmem>>, vector<1x16xf32>,
        %swap3A_1705 = vector.shape_cast %swap3A_1704 : vector<1x16xf32> to vector<16xf32>
        %swap3A_1706 = vector.shape_cast %add3A_1700 : vector<16xf32> to vector<1x16xf32>
        tpu.vector_store %arg8[%swap3A_1702, %swap3A_1703], %swap3A_1706 {add = true, strides = array<i32>} : memref<16x1024xf32, #tpu.memory_space<vmem>>, vector<1x16xf32>,
        %mul3A_1707 = arith.mulf %gather3A_1251, %sub3A_1635 : vector<16xf32>
        %add3A_1708 = arith.addf %get3A_1627, %mul3A_1707 : vector<16xf32>
        %swap3A_1709 = arith.constant 9 : i32
        %swap3A_1710 = arith.index_cast %swap3A_1709 : i32 to index
        %swap3A_1711 = arith.index_cast %mul3A_1624 : i32 to index
        %swap3A_1712 = tpu.vector_load %arg8[%swap3A_1710, %swap3A_1711] {strides = array<i32>} : memref<16x1024xf32, #tpu.memory_space<vmem>>, vector<1x16xf32>,
        %swap3A_1713 = vector.shape_cast %swap3A_1712 : vector<1x16xf32> to vector<16xf32>
        %swap3A_1714 = vector.shape_cast %add3A_1708 : vector<16xf32> to vector<1x16xf32>
        tpu.vector_store %arg8[%swap3A_1710, %swap3A_1711], %swap3A_1714 {add = true, strides = array<i32>} : memref<16x1024xf32, #tpu.memory_space<vmem>>, vector<1x16xf32>,
        %mul3A_1715 = arith.mulf %gather3A_1255, %sub3A_1635 : vector<16xf32>
        %add3A_1716 = arith.addf %get3A_1627, %mul3A_1715 : vector<16xf32>
        %swap3A_1717 = arith.constant 10 : i32
        %swap3A_1718 = arith.index_cast %swap3A_1717 : i32 to index
        %swap3A_1719 = arith.index_cast %mul3A_1624 : i32 to index
        %swap3A_1720 = tpu.vector_load %arg8[%swap3A_1718, %swap3A_1719] {strides = array<i32>} : memref<16x1024xf32, #tpu.memory_space<vmem>>, vector<1x16xf32>,
        %swap3A_1721 = vector.shape_cast %swap3A_1720 : vector<1x16xf32> to vector<16xf32>
        %swap3A_1722 = vector.shape_cast %add3A_1716 : vector<16xf32> to vector<1x16xf32>
        tpu.vector_store %arg8[%swap3A_1718, %swap3A_1719], %swap3A_1722 {add = true, strides = array<i32>} : memref<16x1024xf32, #tpu.memory_space<vmem>>, vector<1x16xf32>,
        %mul3A_1723 = arith.mulf %gather3A_1259, %sub3A_1635 : vector<16xf32>
        %add3A_1724 = arith.addf %get3A_1627, %mul3A_1723 : vector<16xf32>
        %swap3A_1725 = arith.constant 11 : i32
        %swap3A_1726 = arith.index_cast %swap3A_1725 : i32 to index
        %swap3A_1727 = arith.index_cast %mul3A_1624 : i32 to index
        %swap3A_1728 = tpu.vector_load %arg8[%swap3A_1726, %swap3A_1727] {strides = array<i32>} : memref<16x1024xf32, #tpu.memory_space<vmem>>, vector<1x16xf32>,
        %swap3A_1729 = vector.shape_cast %swap3A_1728 : vector<1x16xf32> to vector<16xf32>
        %swap3A_1730 = vector.shape_cast %add3A_1724 : vector<16xf32> to vector<1x16xf32>
        tpu.vector_store %arg8[%swap3A_1726, %swap3A_1727], %swap3A_1730 {add = true, strides = array<i32>} : memref<16x1024xf32, #tpu.memory_space<vmem>>, vector<1x16xf32>,
        %mul3A_1731 = arith.mulf %gather3A_1263, %sub3A_1635 : vector<16xf32>
        %add3A_1732 = arith.addf %get3A_1627, %mul3A_1731 : vector<16xf32>
        %swap3A_1733 = arith.constant 12 : i32
        %swap3A_1734 = arith.index_cast %swap3A_1733 : i32 to index
        %swap3A_1735 = arith.index_cast %mul3A_1624 : i32 to index
        %swap3A_1736 = tpu.vector_load %arg8[%swap3A_1734, %swap3A_1735] {strides = array<i32>} : memref<16x1024xf32, #tpu.memory_space<vmem>>, vector<1x16xf32>,
        %swap3A_1737 = vector.shape_cast %swap3A_1736 : vector<1x16xf32> to vector<16xf32>
        %swap3A_1738 = vector.shape_cast %add3A_1732 : vector<16xf32> to vector<1x16xf32>
        tpu.vector_store %arg8[%swap3A_1734, %swap3A_1735], %swap3A_1738 {add = true, strides = array<i32>} : memref<16x1024xf32, #tpu.memory_space<vmem>>, vector<1x16xf32>,
        %mul3A_1739 = arith.mulf %gather3A_1267, %sub3A_1635 : vector<16xf32>
        %add3A_1740 = arith.addf %get3A_1627, %mul3A_1739 : vector<16xf32>
        %swap3A_1741 = arith.constant 13 : i32
        %swap3A_1742 = arith.index_cast %swap3A_1741 : i32 to index
        %swap3A_1743 = arith.index_cast %mul3A_1624 : i32 to index
        %swap3A_1744 = tpu.vector_load %arg8[%swap3A_1742, %swap3A_1743] {strides = array<i32>} : memref<16x1024xf32, #tpu.memory_space<vmem>>, vector<1x16xf32>,
        %swap3A_1745 = vector.shape_cast %swap3A_1744 : vector<1x16xf32> to vector<16xf32>
        %swap3A_1746 = vector.shape_cast %add3A_1740 : vector<16xf32> to vector<1x16xf32>
        tpu.vector_store %arg8[%swap3A_1742, %swap3A_1743], %swap3A_1746 {add = true, strides = array<i32>} : memref<16x1024xf32, #tpu.memory_space<vmem>>, vector<1x16xf32>,
        %mul3A_1747 = arith.mulf %gather3A_1271, %sub3A_1635 : vector<16xf32>
        %add3A_1748 = arith.addf %get3A_1627, %mul3A_1747 : vector<16xf32>
        %swap3A_1749 = arith.constant 14 : i32
        %swap3A_1750 = arith.index_cast %swap3A_1749 : i32 to index
        %swap3A_1751 = arith.index_cast %mul3A_1624 : i32 to index
        %swap3A_1752 = tpu.vector_load %arg8[%swap3A_1750, %swap3A_1751] {strides = array<i32>} : memref<16x1024xf32, #tpu.memory_space<vmem>>, vector<1x16xf32>,
        %swap3A_1753 = vector.shape_cast %swap3A_1752 : vector<1x16xf32> to vector<16xf32>
        %swap3A_1754 = vector.shape_cast %add3A_1748 : vector<16xf32> to vector<1x16xf32>
        tpu.vector_store %arg8[%swap3A_1750, %swap3A_1751], %swap3A_1754 {add = true, strides = array<i32>} : memref<16x1024xf32, #tpu.memory_space<vmem>>, vector<1x16xf32>,
        %mul3A_1755 = arith.mulf %gather3A_1275, %sub3A_1635 : vector<16xf32>
        %add3A_1756 = arith.addf %get3A_1627, %mul3A_1755 : vector<16xf32>
        %swap3A_1757 = arith.constant 15 : i32
        %swap3A_1758 = arith.index_cast %swap3A_1757 : i32 to index
        %swap3A_1759 = arith.index_cast %mul3A_1624 : i32 to index
        %swap3A_1760 = tpu.vector_load %arg8[%swap3A_1758, %swap3A_1759] {strides = array<i32>} : memref<16x1024xf32, #tpu.memory_space<vmem>>, vector<1x16xf32>,
        %swap3A_1761 = vector.shape_cast %swap3A_1760 : vector<1x16xf32> to vector<16xf32>
        %swap3A_1762 = vector.shape_cast %add3A_1756 : vector<16xf32> to vector<1x16xf32>
        tpu.vector_store %arg8[%swap3A_1758, %swap3A_1759], %swap3A_1762 {add = true, strides = array<i32>} : memref<16x1024xf32, #tpu.memory_space<vmem>>, vector<1x16xf32>,
      }
      %scan3A_1281 = arith.constant 64 : i32
      %mul3A_1282 = arith.constant 16 : i32
      %mul3A_1283 = arith.muli %add3A_1199, %mul3A_1282 : i32
      %add3A_1284 = arith.addi %mul3A_2, %mul3A_1283 : i32
      %dma_start3A_1285 = arith.constant 0 : i32
      %dma_start3A_1286 = tpu.memref_slice %arg5[%add3A_1284, %dma_start3A_1285] : memref<32768x1024xf32, #tpu.memory_space<hbm>> -> memref<16x1024xf32, #tpu.memory_space<hbm>>
      %dma_start3A_1287 = arith.constant 0 : i32
      %dma_start3A_1288 = tpu.memref_slice %arg5[%add3A_1284, %dma_start3A_1287] : memref<32768x1024xf32, #tpu.memory_space<hbm>> -> memref<16x1024xf32, #tpu.memory_space<hbm>>
      tpu.enqueue_dma source(%arg8 : memref<16x1024xf32, #tpu.memory_space<vmem>>) target(%dma_start3A_1288 : memref<16x1024xf32, #tpu.memory_space<hbm>>) target_semaphore(%arg20 : memref<!tpu.dma_semaphore, #tpu.memory_space<semaphore_mem>>)
      %dma_wait3A_1289 = arith.constant 0 : i32
      %dma_wait3A_1290 = arith.constant 0 : i32
      %dma_wait3A_1291 = tpu.memref_slice %arg5[%dma_wait3A_1289, %dma_wait3A_1290] : memref<32768x1024xf32, #tpu.memory_space<hbm>> -> memref<16x1024xf32, #tpu.memory_space<hbm>>
      %dma_wait3A_1292 = arith.constant 0 : i32
      %dma_wait3A_1293 = arith.constant 0 : i32
      %dma_wait3A_1294 = tpu.memref_slice %arg5[%dma_wait3A_1292, %dma_wait3A_1293] : memref<32768x1024xf32, #tpu.memory_space<hbm>> -> memref<16x1024xf32, #tpu.memory_space<hbm>>
      tpu.wait_dma2 semaphore(%arg24 : memref<!tpu.dma_semaphore, #tpu.memory_space<semaphore_mem>>) src(%arg12 : memref<16x1024xf32, #tpu.memory_space<vmem>>) dst(%dma_wait3A_1294 : memref<16x1024xf32, #tpu.memory_space<hbm>>)
      %add3A_1295 = arith.constant 4 : i32
      %add3A_1296 = arith.addi %add3A_1199, %add3A_1295 : i32
      %mul3A_1297 = arith.constant 16 : i32
      %mul3A_1298 = arith.muli %add3A_1296, %mul3A_1297 : i32
      %add3A_1299 = arith.addi %mul3A_2, %mul3A_1298 : i32
      %dma_start3A_1300 = arith.constant 0 : i32
      %dma_start3A_1301 = tpu.memref_slice %arg2[%add3A_1299, %dma_start3A_1300] : memref<32768x1024xf32, #tpu.memory_space<hbm>> -> memref<16x1024xf32, #tpu.memory_space<hbm>>
      %dma_start3A_1302 = arith.constant 0 : i32
      %dma_start3A_1303 = tpu.memref_slice %arg2[%add3A_1299, %dma_start3A_1302] : memref<32768x1024xf32, #tpu.memory_space<hbm>> -> memref<16x1024xf32, #tpu.memory_space<hbm>>
      tpu.enqueue_dma source(%dma_start3A_1303 : memref<16x1024xf32, #tpu.memory_space<hbm>>) target(%arg12 : memref<16x1024xf32, #tpu.memory_space<vmem>>) target_semaphore(%arg18 : memref<!tpu.dma_semaphore, #tpu.memory_space<semaphore_mem>>)
      %add3A_1304 = arith.constant 3 : i32
      %add3A_1305 = arith.addi %sub3A_985, %add3A_1304 : i32
      %dma_wait3A_1306 = arith.constant 0 : i32
      %dma_wait3A_1307 = arith.constant 0 : i32
      %dma_wait3A_1308 = tpu.memref_slice %arg2[%dma_wait3A_1306, %dma_wait3A_1307] : memref<32768x1024xf32, #tpu.memory_space<hbm>> -> memref<16x1024xf32, #tpu.memory_space<hbm>>
      %dma_wait3A_1309 = arith.constant 0 : i32
      %dma_wait3A_1310 = arith.constant 0 : i32
      %dma_wait3A_1311 = tpu.memref_slice %arg2[%dma_wait3A_1309, %dma_wait3A_1310] : memref<32768x1024xf32, #tpu.memory_space<hbm>> -> memref<16x1024xf32, #tpu.memory_space<hbm>>
      tpu.wait_dma2 semaphore(%arg15 : memref<!tpu.dma_semaphore, #tpu.memory_space<semaphore_mem>>) src(%dma_wait3A_1311 : memref<16x1024xf32, #tpu.memory_space<hbm>>) dst(%arg9 : memref<16x1024xf32, #tpu.memory_space<vmem>>)
      %mul3A_1312 = arith.constant 16 : i32
      %mul3A_1313 = arith.muli %add3A_1305, %mul3A_1312 : i32
      %get3A_1314 = arith.index_cast %mul3A_1313 : i32 to index
      %get3A_1315 = tpu.vector_load %arg7[%get3A_1314] {strides = array<i32>} : memref<1024xi32, #tpu.memory_space<vmem>>, vector<16xi32>,
      %get3A_1316 = vector.shape_cast %get3A_1315 : vector<16xi32> to vector<16xi32>
      %convert_element_type3A_1317 = arith.sitofp %get3A_1316 : vector<16xi32> to vector<16xf32>
      %broadcast_in_dim3A_1318 = arith.constant 0 : i32
      %broadcast_in_dim3A_1319 = vector.broadcast %broadcast_in_dim3A_1318 : i32 to vector<16x1xi32>
      %gather3A_1320 = vector.shape_cast %broadcast_in_dim3A_1319 : vector<16x1xi32> to vector<16xi32>
      %gather3A_1321 = tpu.dynamic_gather %convert_element_type3A_1317[%gather3A_1320] in [0] : vector<16xf32>, vector<16xi32> -> vector<16xf32>
      %broadcast_in_dim3A_1322 = arith.constant 1 : i32
      %broadcast_in_dim3A_1323 = vector.broadcast %broadcast_in_dim3A_1322 : i32 to vector<16x1xi32>
      %gather3A_1324 = vector.shape_cast %broadcast_in_dim3A_1323 : vector<16x1xi32> to vector<16xi32>
      %gather3A_1325 = tpu.dynamic_gather %convert_element_type3A_1317[%gather3A_1324] in [0] : vector<16xf32>, vector<16xi32> -> vector<16xf32>
      %broadcast_in_dim3A_1326 = arith.constant 2 : i32
      %broadcast_in_dim3A_1327 = vector.broadcast %broadcast_in_dim3A_1326 : i32 to vector<16x1xi32>
      %gather3A_1328 = vector.shape_cast %broadcast_in_dim3A_1327 : vector<16x1xi32> to vector<16xi32>
      %gather3A_1329 = tpu.dynamic_gather %convert_element_type3A_1317[%gather3A_1328] in [0] : vector<16xf32>, vector<16xi32> -> vector<16xf32>
      %broadcast_in_dim3A_1330 = arith.constant 3 : i32
      %broadcast_in_dim3A_1331 = vector.broadcast %broadcast_in_dim3A_1330 : i32 to vector<16x1xi32>
      %gather3A_1332 = vector.shape_cast %broadcast_in_dim3A_1331 : vector<16x1xi32> to vector<16xi32>
      %gather3A_1333 = tpu.dynamic_gather %convert_element_type3A_1317[%gather3A_1332] in [0] : vector<16xf32>, vector<16xi32> -> vector<16xf32>
      %broadcast_in_dim3A_1334 = arith.constant 4 : i32
      %broadcast_in_dim3A_1335 = vector.broadcast %broadcast_in_dim3A_1334 : i32 to vector<16x1xi32>
      %gather3A_1336 = vector.shape_cast %broadcast_in_dim3A_1335 : vector<16x1xi32> to vector<16xi32>
      %gather3A_1337 = tpu.dynamic_gather %convert_element_type3A_1317[%gather3A_1336] in [0] : vector<16xf32>, vector<16xi32> -> vector<16xf32>
      %broadcast_in_dim3A_1338 = arith.constant 5 : i32
      %broadcast_in_dim3A_1339 = vector.broadcast %broadcast_in_dim3A_1338 : i32 to vector<16x1xi32>
      %gather3A_1340 = vector.shape_cast %broadcast_in_dim3A_1339 : vector<16x1xi32> to vector<16xi32>
      %gather3A_1341 = tpu.dynamic_gather %convert_element_type3A_1317[%gather3A_1340] in [0] : vector<16xf32>, vector<16xi32> -> vector<16xf32>
      %broadcast_in_dim3A_1342 = arith.constant 6 : i32
      %broadcast_in_dim3A_1343 = vector.broadcast %broadcast_in_dim3A_1342 : i32 to vector<16x1xi32>
      %gather3A_1344 = vector.shape_cast %broadcast_in_dim3A_1343 : vector<16x1xi32> to vector<16xi32>
      %gather3A_1345 = tpu.dynamic_gather %convert_element_type3A_1317[%gather3A_1344] in [0] : vector<16xf32>, vector<16xi32> -> vector<16xf32>
      %broadcast_in_dim3A_1346 = arith.constant 7 : i32
      %broadcast_in_dim3A_1347 = vector.broadcast %broadcast_in_dim3A_1346 : i32 to vector<16x1xi32>
      %gather3A_1348 = vector.shape_cast %broadcast_in_dim3A_1347 : vector<16x1xi32> to vector<16xi32>
      %gather3A_1349 = tpu.dynamic_gather %convert_element_type3A_1317[%gather3A_1348] in [0] : vector<16xf32>, vector<16xi32> -> vector<16xf32>
      %broadcast_in_dim3A_1350 = arith.constant 8 : i32
      %broadcast_in_dim3A_1351 = vector.broadcast %broadcast_in_dim3A_1350 : i32 to vector<16x1xi32>
      %gather3A_1352 = vector.shape_cast %broadcast_in_dim3A_1351 : vector<16x1xi32> to vector<16xi32>
      %gather3A_1353 = tpu.dynamic_gather %convert_element_type3A_1317[%gather3A_1352] in [0] : vector<16xf32>, vector<16xi32> -> vector<16xf32>
      %broadcast_in_dim3A_1354 = arith.constant 9 : i32
      %broadcast_in_dim3A_1355 = vector.broadcast %broadcast_in_dim3A_1354 : i32 to vector<16x1xi32>
      %gather3A_1356 = vector.shape_cast %broadcast_in_dim3A_1355 : vector<16x1xi32> to vector<16xi32>
      %gather3A_1357 = tpu.dynamic_gather %convert_element_type3A_1317[%gather3A_1356] in [0] : vector<16xf32>, vector<16xi32> -> vector<16xf32>
      %broadcast_in_dim3A_1358 = arith.constant 10 : i32
      %broadcast_in_dim3A_1359 = vector.broadcast %broadcast_in_dim3A_1358 : i32 to vector<16x1xi32>
      %gather3A_1360 = vector.shape_cast %broadcast_in_dim3A_1359 : vector<16x1xi32> to vector<16xi32>
      %gather3A_1361 = tpu.dynamic_gather %convert_element_type3A_1317[%gather3A_1360] in [0] : vector<16xf32>, vector<16xi32> -> vector<16xf32>
      %broadcast_in_dim3A_1362 = arith.constant 11 : i32
      %broadcast_in_dim3A_1363 = vector.broadcast %broadcast_in_dim3A_1362 : i32 to vector<16x1xi32>
      %gather3A_1364 = vector.shape_cast %broadcast_in_dim3A_1363 : vector<16x1xi32> to vector<16xi32>
      %gather3A_1365 = tpu.dynamic_gather %convert_element_type3A_1317[%gather3A_1364] in [0] : vector<16xf32>, vector<16xi32> -> vector<16xf32>
      %broadcast_in_dim3A_1366 = arith.constant 12 : i32
      %broadcast_in_dim3A_1367 = vector.broadcast %broadcast_in_dim3A_1366 : i32 to vector<16x1xi32>
      %gather3A_1368 = vector.shape_cast %broadcast_in_dim3A_1367 : vector<16x1xi32> to vector<16xi32>
      %gather3A_1369 = tpu.dynamic_gather %convert_element_type3A_1317[%gather3A_1368] in [0] : vector<16xf32>, vector<16xi32> -> vector<16xf32>
      %broadcast_in_dim3A_1370 = arith.constant 13 : i32
      %broadcast_in_dim3A_1371 = vector.broadcast %broadcast_in_dim3A_1370 : i32 to vector<16x1xi32>
      %gather3A_1372 = vector.shape_cast %broadcast_in_dim3A_1371 : vector<16x1xi32> to vector<16xi32>
      %gather3A_1373 = tpu.dynamic_gather %convert_element_type3A_1317[%gather3A_1372] in [0] : vector<16xf32>, vector<16xi32> -> vector<16xf32>
      %broadcast_in_dim3A_1374 = arith.constant 14 : i32
      %broadcast_in_dim3A_1375 = vector.broadcast %broadcast_in_dim3A_1374 : i32 to vector<16x1xi32>
      %gather3A_1376 = vector.shape_cast %broadcast_in_dim3A_1375 : vector<16x1xi32> to vector<16xi32>
      %gather3A_1377 = tpu.dynamic_gather %convert_element_type3A_1317[%gather3A_1376] in [0] : vector<16xf32>, vector<16xi32> -> vector<16xf32>
      %broadcast_in_dim3A_1378 = arith.constant 15 : i32
      %broadcast_in_dim3A_1379 = vector.broadcast %broadcast_in_dim3A_1378 : i32 to vector<16x1xi32>
      %gather3A_1380 = vector.shape_cast %broadcast_in_dim3A_1379 : vector<16x1xi32> to vector<16xi32>
      %gather3A_1381 = tpu.dynamic_gather %convert_element_type3A_1317[%gather3A_1380] in [0] : vector<16xf32>, vector<16xi32> -> vector<16xf32>
      %scan3A_1382 = arith.constant 0 : i32
      %scan3A_1383 = arith.constant 0 : i32
      %scan3A_1384 = arith.constant 64 : i32
      %scan3A_1385 = arith.addi %scan3A_1383, %scan3A_1384 : i32
      %scan3A_1386 = arith.constant 1 : i32
      scf.for %scan3A_1622 = %scan3A_1383 to %scan3A_1385 step %scan3A_1386  : i32 {
        %mul3A_1623 = arith.constant 16 : i32
        %mul3A_1624 = arith.muli %scan3A_1622, %mul3A_1623 : i32
        %get3A_1625 = arith.index_cast %mul3A_1624 : i32 to index
        %get3A_1626 = tpu.vector_load %arg6[%get3A_1625] {strides = array<i32>} : memref<2048xf32, #tpu.memory_space<vmem>>, vector<16xf32>,
        %get3A_1627 = vector.shape_cast %get3A_1626 : vector<16xf32> to vector<16xf32>
        %mul3A_1628 = arith.constant 16 : i32
        %mul3A_1629 = arith.muli %scan3A_1622, %mul3A_1628 : i32
        %add3A_1630 = arith.constant 1024 : i32
        %add3A_1631 = arith.addi %add3A_1630, %mul3A_1629 : i32
        %get3A_1632 = arith.index_cast %add3A_1631 : i32 to index
        %get3A_1633 = tpu.vector_load %arg6[%get3A_1632] {strides = array<i32>} : memref<2048xf32, #tpu.memory_space<vmem>>, vector<16xf32>,
        %get3A_1634 = vector.shape_cast %get3A_1633 : vector<16xf32> to vector<16xf32>
        %sub3A_1635 = arith.subf %get3A_1634, %get3A_1627 : vector<16xf32>
        %mul3A_1636 = arith.mulf %gather3A_1321, %sub3A_1635 : vector<16xf32>
        %add3A_1637 = arith.addf %get3A_1627, %mul3A_1636 : vector<16xf32>
        %swap3A = arith.constant 0 : i32
        %swap3A_1638 = arith.index_cast %swap3A : i32 to index
        %swap3A_1639 = arith.index_cast %mul3A_1624 : i32 to index
        %swap3A_1640 = tpu.vector_load %arg9[%swap3A_1638, %swap3A_1639] {strides = array<i32>} : memref<16x1024xf32, #tpu.memory_space<vmem>>, vector<1x16xf32>,
        %swap3A_1641 = vector.shape_cast %swap3A_1640 : vector<1x16xf32> to vector<16xf32>
        %swap3A_1642 = vector.shape_cast %add3A_1637 : vector<16xf32> to vector<1x16xf32>
        tpu.vector_store %arg9[%swap3A_1638, %swap3A_1639], %swap3A_1642 {add = true, strides = array<i32>} : memref<16x1024xf32, #tpu.memory_space<vmem>>, vector<1x16xf32>,
        %mul3A_1643 = arith.mulf %gather3A_1325, %sub3A_1635 : vector<16xf32>
        %add3A_1644 = arith.addf %get3A_1627, %mul3A_1643 : vector<16xf32>
        %swap3A_1645 = arith.constant 1 : i32
        %swap3A_1646 = arith.index_cast %swap3A_1645 : i32 to index
        %swap3A_1647 = arith.index_cast %mul3A_1624 : i32 to index
        %swap3A_1648 = tpu.vector_load %arg9[%swap3A_1646, %swap3A_1647] {strides = array<i32>} : memref<16x1024xf32, #tpu.memory_space<vmem>>, vector<1x16xf32>,
        %swap3A_1649 = vector.shape_cast %swap3A_1648 : vector<1x16xf32> to vector<16xf32>
        %swap3A_1650 = vector.shape_cast %add3A_1644 : vector<16xf32> to vector<1x16xf32>
        tpu.vector_store %arg9[%swap3A_1646, %swap3A_1647], %swap3A_1650 {add = true, strides = array<i32>} : memref<16x1024xf32, #tpu.memory_space<vmem>>, vector<1x16xf32>,
        %mul3A_1651 = arith.mulf %gather3A_1329, %sub3A_1635 : vector<16xf32>
        %add3A_1652 = arith.addf %get3A_1627, %mul3A_1651 : vector<16xf32>
        %swap3A_1653 = arith.constant 2 : i32
        %swap3A_1654 = arith.index_cast %swap3A_1653 : i32 to index
        %swap3A_1655 = arith.index_cast %mul3A_1624 : i32 to index
        %swap3A_1656 = tpu.vector_load %arg9[%swap3A_1654, %swap3A_1655] {strides = array<i32>} : memref<16x1024xf32, #tpu.memory_space<vmem>>, vector<1x16xf32>,
        %swap3A_1657 = vector.shape_cast %swap3A_1656 : vector<1x16xf32> to vector<16xf32>
        %swap3A_1658 = vector.shape_cast %add3A_1652 : vector<16xf32> to vector<1x16xf32>
        tpu.vector_store %arg9[%swap3A_1654, %swap3A_1655], %swap3A_1658 {add = true, strides = array<i32>} : memref<16x1024xf32, #tpu.memory_space<vmem>>, vector<1x16xf32>,
        %mul3A_1659 = arith.mulf %gather3A_1333, %sub3A_1635 : vector<16xf32>
        %add3A_1660 = arith.addf %get3A_1627, %mul3A_1659 : vector<16xf32>
        %swap3A_1661 = arith.constant 3 : i32
        %swap3A_1662 = arith.index_cast %swap3A_1661 : i32 to index
        %swap3A_1663 = arith.index_cast %mul3A_1624 : i32 to index
        %swap3A_1664 = tpu.vector_load %arg9[%swap3A_1662, %swap3A_1663] {strides = array<i32>} : memref<16x1024xf32, #tpu.memory_space<vmem>>, vector<1x16xf32>,
        %swap3A_1665 = vector.shape_cast %swap3A_1664 : vector<1x16xf32> to vector<16xf32>
        %swap3A_1666 = vector.shape_cast %add3A_1660 : vector<16xf32> to vector<1x16xf32>
        tpu.vector_store %arg9[%swap3A_1662, %swap3A_1663], %swap3A_1666 {add = true, strides = array<i32>} : memref<16x1024xf32, #tpu.memory_space<vmem>>, vector<1x16xf32>,
        %mul3A_1667 = arith.mulf %gather3A_1337, %sub3A_1635 : vector<16xf32>
        %add3A_1668 = arith.addf %get3A_1627, %mul3A_1667 : vector<16xf32>
        %swap3A_1669 = arith.constant 4 : i32
        %swap3A_1670 = arith.index_cast %swap3A_1669 : i32 to index
        %swap3A_1671 = arith.index_cast %mul3A_1624 : i32 to index
        %swap3A_1672 = tpu.vector_load %arg9[%swap3A_1670, %swap3A_1671] {strides = array<i32>} : memref<16x1024xf32, #tpu.memory_space<vmem>>, vector<1x16xf32>,
        %swap3A_1673 = vector.shape_cast %swap3A_1672 : vector<1x16xf32> to vector<16xf32>
        %swap3A_1674 = vector.shape_cast %add3A_1668 : vector<16xf32> to vector<1x16xf32>
        tpu.vector_store %arg9[%swap3A_1670, %swap3A_1671], %swap3A_1674 {add = true, strides = array<i32>} : memref<16x1024xf32, #tpu.memory_space<vmem>>, vector<1x16xf32>,
        %mul3A_1675 = arith.mulf %gather3A_1341, %sub3A_1635 : vector<16xf32>
        %add3A_1676 = arith.addf %get3A_1627, %mul3A_1675 : vector<16xf32>
        %swap3A_1677 = arith.constant 5 : i32
        %swap3A_1678 = arith.index_cast %swap3A_1677 : i32 to index
        %swap3A_1679 = arith.index_cast %mul3A_1624 : i32 to index
        %swap3A_1680 = tpu.vector_load %arg9[%swap3A_1678, %swap3A_1679] {strides = array<i32>} : memref<16x1024xf32, #tpu.memory_space<vmem>>, vector<1x16xf32>,
        %swap3A_1681 = vector.shape_cast %swap3A_1680 : vector<1x16xf32> to vector<16xf32>
        %swap3A_1682 = vector.shape_cast %add3A_1676 : vector<16xf32> to vector<1x16xf32>
        tpu.vector_store %arg9[%swap3A_1678, %swap3A_1679], %swap3A_1682 {add = true, strides = array<i32>} : memref<16x1024xf32, #tpu.memory_space<vmem>>, vector<1x16xf32>,
        %mul3A_1683 = arith.mulf %gather3A_1345, %sub3A_1635 : vector<16xf32>
        %add3A_1684 = arith.addf %get3A_1627, %mul3A_1683 : vector<16xf32>
        %swap3A_1685 = arith.constant 6 : i32
        %swap3A_1686 = arith.index_cast %swap3A_1685 : i32 to index
        %swap3A_1687 = arith.index_cast %mul3A_1624 : i32 to index
        %swap3A_1688 = tpu.vector_load %arg9[%swap3A_1686, %swap3A_1687] {strides = array<i32>} : memref<16x1024xf32, #tpu.memory_space<vmem>>, vector<1x16xf32>,
        %swap3A_1689 = vector.shape_cast %swap3A_1688 : vector<1x16xf32> to vector<16xf32>
        %swap3A_1690 = vector.shape_cast %add3A_1684 : vector<16xf32> to vector<1x16xf32>
        tpu.vector_store %arg9[%swap3A_1686, %swap3A_1687], %swap3A_1690 {add = true, strides = array<i32>} : memref<16x1024xf32, #tpu.memory_space<vmem>>, vector<1x16xf32>,
        %mul3A_1691 = arith.mulf %gather3A_1349, %sub3A_1635 : vector<16xf32>
        %add3A_1692 = arith.addf %get3A_1627, %mul3A_1691 : vector<16xf32>
        %swap3A_1693 = arith.constant 7 : i32
        %swap3A_1694 = arith.index_cast %swap3A_1693 : i32 to index
        %swap3A_1695 = arith.index_cast %mul3A_1624 : i32 to index
        %swap3A_1696 = tpu.vector_load %arg9[%swap3A_1694, %swap3A_1695] {strides = array<i32>} : memref<16x1024xf32, #tpu.memory_space<vmem>>, vector<1x16xf32>,
        %swap3A_1697 = vector.shape_cast %swap3A_1696 : vector<1x16xf32> to vector<16xf32>
        %swap3A_1698 = vector.shape_cast %add3A_1692 : vector<16xf32> to vector<1x16xf32>
        tpu.vector_store %arg9[%swap3A_1694, %swap3A_1695], %swap3A_1698 {add = true, strides = array<i32>} : memref<16x1024xf32, #tpu.memory_space<vmem>>, vector<1x16xf32>,
        %mul3A_1699 = arith.mulf %gather3A_1353, %sub3A_1635 : vector<16xf32>
        %add3A_1700 = arith.addf %get3A_1627, %mul3A_1699 : vector<16xf32>
        %swap3A_1701 = arith.constant 8 : i32
        %swap3A_1702 = arith.index_cast %swap3A_1701 : i32 to index
        %swap3A_1703 = arith.index_cast %mul3A_1624 : i32 to index
        %swap3A_1704 = tpu.vector_load %arg9[%swap3A_1702, %swap3A_1703] {strides = array<i32>} : memref<16x1024xf32, #tpu.memory_space<vmem>>, vector<1x16xf32>,
        %swap3A_1705 = vector.shape_cast %swap3A_1704 : vector<1x16xf32> to vector<16xf32>
        %swap3A_1706 = vector.shape_cast %add3A_1700 : vector<16xf32> to vector<1x16xf32>
        tpu.vector_store %arg9[%swap3A_1702, %swap3A_1703], %swap3A_1706 {add = true, strides = array<i32>} : memref<16x1024xf32, #tpu.memory_space<vmem>>, vector<1x16xf32>,
        %mul3A_1707 = arith.mulf %gather3A_1357, %sub3A_1635 : vector<16xf32>
        %add3A_1708 = arith.addf %get3A_1627, %mul3A_1707 : vector<16xf32>
        %swap3A_1709 = arith.constant 9 : i32
        %swap3A_1710 = arith.index_cast %swap3A_1709 : i32 to index
        %swap3A_1711 = arith.index_cast %mul3A_1624 : i32 to index
        %swap3A_1712 = tpu.vector_load %arg9[%swap3A_1710, %swap3A_1711] {strides = array<i32>} : memref<16x1024xf32, #tpu.memory_space<vmem>>, vector<1x16xf32>,
        %swap3A_1713 = vector.shape_cast %swap3A_1712 : vector<1x16xf32> to vector<16xf32>
        %swap3A_1714 = vector.shape_cast %add3A_1708 : vector<16xf32> to vector<1x16xf32>
        tpu.vector_store %arg9[%swap3A_1710, %swap3A_1711], %swap3A_1714 {add = true, strides = array<i32>} : memref<16x1024xf32, #tpu.memory_space<vmem>>, vector<1x16xf32>,
        %mul3A_1715 = arith.mulf %gather3A_1361, %sub3A_1635 : vector<16xf32>
        %add3A_1716 = arith.addf %get3A_1627, %mul3A_1715 : vector<16xf32>
        %swap3A_1717 = arith.constant 10 : i32
        %swap3A_1718 = arith.index_cast %swap3A_1717 : i32 to index
        %swap3A_1719 = arith.index_cast %mul3A_1624 : i32 to index
        %swap3A_1720 = tpu.vector_load %arg9[%swap3A_1718, %swap3A_1719] {strides = array<i32>} : memref<16x1024xf32, #tpu.memory_space<vmem>>, vector<1x16xf32>,
        %swap3A_1721 = vector.shape_cast %swap3A_1720 : vector<1x16xf32> to vector<16xf32>
        %swap3A_1722 = vector.shape_cast %add3A_1716 : vector<16xf32> to vector<1x16xf32>
        tpu.vector_store %arg9[%swap3A_1718, %swap3A_1719], %swap3A_1722 {add = true, strides = array<i32>} : memref<16x1024xf32, #tpu.memory_space<vmem>>, vector<1x16xf32>,
        %mul3A_1723 = arith.mulf %gather3A_1365, %sub3A_1635 : vector<16xf32>
        %add3A_1724 = arith.addf %get3A_1627, %mul3A_1723 : vector<16xf32>
        %swap3A_1725 = arith.constant 11 : i32
        %swap3A_1726 = arith.index_cast %swap3A_1725 : i32 to index
        %swap3A_1727 = arith.index_cast %mul3A_1624 : i32 to index
        %swap3A_1728 = tpu.vector_load %arg9[%swap3A_1726, %swap3A_1727] {strides = array<i32>} : memref<16x1024xf32, #tpu.memory_space<vmem>>, vector<1x16xf32>,
        %swap3A_1729 = vector.shape_cast %swap3A_1728 : vector<1x16xf32> to vector<16xf32>
        %swap3A_1730 = vector.shape_cast %add3A_1724 : vector<16xf32> to vector<1x16xf32>
        tpu.vector_store %arg9[%swap3A_1726, %swap3A_1727], %swap3A_1730 {add = true, strides = array<i32>} : memref<16x1024xf32, #tpu.memory_space<vmem>>, vector<1x16xf32>,
        %mul3A_1731 = arith.mulf %gather3A_1369, %sub3A_1635 : vector<16xf32>
        %add3A_1732 = arith.addf %get3A_1627, %mul3A_1731 : vector<16xf32>
        %swap3A_1733 = arith.constant 12 : i32
        %swap3A_1734 = arith.index_cast %swap3A_1733 : i32 to index
        %swap3A_1735 = arith.index_cast %mul3A_1624 : i32 to index
        %swap3A_1736 = tpu.vector_load %arg9[%swap3A_1734, %swap3A_1735] {strides = array<i32>} : memref<16x1024xf32, #tpu.memory_space<vmem>>, vector<1x16xf32>,
        %swap3A_1737 = vector.shape_cast %swap3A_1736 : vector<1x16xf32> to vector<16xf32>
        %swap3A_1738 = vector.shape_cast %add3A_1732 : vector<16xf32> to vector<1x16xf32>
        tpu.vector_store %arg9[%swap3A_1734, %swap3A_1735], %swap3A_1738 {add = true, strides = array<i32>} : memref<16x1024xf32, #tpu.memory_space<vmem>>, vector<1x16xf32>,
        %mul3A_1739 = arith.mulf %gather3A_1373, %sub3A_1635 : vector<16xf32>
        %add3A_1740 = arith.addf %get3A_1627, %mul3A_1739 : vector<16xf32>
        %swap3A_1741 = arith.constant 13 : i32
        %swap3A_1742 = arith.index_cast %swap3A_1741 : i32 to index
        %swap3A_1743 = arith.index_cast %mul3A_1624 : i32 to index
        %swap3A_1744 = tpu.vector_load %arg9[%swap3A_1742, %swap3A_1743] {strides = array<i32>} : memref<16x1024xf32, #tpu.memory_space<vmem>>, vector<1x16xf32>,
        %swap3A_1745 = vector.shape_cast %swap3A_1744 : vector<1x16xf32> to vector<16xf32>
        %swap3A_1746 = vector.shape_cast %add3A_1740 : vector<16xf32> to vector<1x16xf32>
        tpu.vector_store %arg9[%swap3A_1742, %swap3A_1743], %swap3A_1746 {add = true, strides = array<i32>} : memref<16x1024xf32, #tpu.memory_space<vmem>>, vector<1x16xf32>,
        %mul3A_1747 = arith.mulf %gather3A_1377, %sub3A_1635 : vector<16xf32>
        %add3A_1748 = arith.addf %get3A_1627, %mul3A_1747 : vector<16xf32>
        %swap3A_1749 = arith.constant 14 : i32
        %swap3A_1750 = arith.index_cast %swap3A_1749 : i32 to index
        %swap3A_1751 = arith.index_cast %mul3A_1624 : i32 to index
        %swap3A_1752 = tpu.vector_load %arg9[%swap3A_1750, %swap3A_1751] {strides = array<i32>} : memref<16x1024xf32, #tpu.memory_space<vmem>>, vector<1x16xf32>,
        %swap3A_1753 = vector.shape_cast %swap3A_1752 : vector<1x16xf32> to vector<16xf32>
        %swap3A_1754 = vector.shape_cast %add3A_1748 : vector<16xf32> to vector<1x16xf32>
        tpu.vector_store %arg9[%swap3A_1750, %swap3A_1751], %swap3A_1754 {add = true, strides = array<i32>} : memref<16x1024xf32, #tpu.memory_space<vmem>>, vector<1x16xf32>,
        %mul3A_1755 = arith.mulf %gather3A_1381, %sub3A_1635 : vector<16xf32>
        %add3A_1756 = arith.addf %get3A_1627, %mul3A_1755 : vector<16xf32>
        %swap3A_1757 = arith.constant 15 : i32
        %swap3A_1758 = arith.index_cast %swap3A_1757 : i32 to index
        %swap3A_1759 = arith.index_cast %mul3A_1624 : i32 to index
        %swap3A_1760 = tpu.vector_load %arg9[%swap3A_1758, %swap3A_1759] {strides = array<i32>} : memref<16x1024xf32, #tpu.memory_space<vmem>>, vector<1x16xf32>,
        %swap3A_1761 = vector.shape_cast %swap3A_1760 : vector<1x16xf32> to vector<16xf32>
        %swap3A_1762 = vector.shape_cast %add3A_1756 : vector<16xf32> to vector<1x16xf32>
        tpu.vector_store %arg9[%swap3A_1758, %swap3A_1759], %swap3A_1762 {add = true, strides = array<i32>} : memref<16x1024xf32, #tpu.memory_space<vmem>>, vector<1x16xf32>,
      }
      %scan3A_1387 = arith.constant 64 : i32
      %mul3A_1388 = arith.constant 16 : i32
      %mul3A_1389 = arith.muli %add3A_1305, %mul3A_1388 : i32
      %add3A_1390 = arith.addi %mul3A_2, %mul3A_1389 : i32
      %dma_start3A_1391 = arith.constant 0 : i32
      %dma_start3A_1392 = tpu.memref_slice %arg5[%add3A_1390, %dma_start3A_1391] : memref<32768x1024xf32, #tpu.memory_space<hbm>> -> memref<16x1024xf32, #tpu.memory_space<hbm>>
      %dma_start3A_1393 = arith.constant 0 : i32
      %dma_start3A_1394 = tpu.memref_slice %arg5[%add3A_1390, %dma_start3A_1393] : memref<32768x1024xf32, #tpu.memory_space<hbm>> -> memref<16x1024xf32, #tpu.memory_space<hbm>>
      tpu.enqueue_dma source(%arg9 : memref<16x1024xf32, #tpu.memory_space<vmem>>) target(%dma_start3A_1394 : memref<16x1024xf32, #tpu.memory_space<hbm>>) target_semaphore(%arg21 : memref<!tpu.dma_semaphore, #tpu.memory_space<semaphore_mem>>)
      %dma_wait3A_1395 = arith.constant 0 : i32
      %dma_wait3A_1396 = arith.constant 0 : i32
      %dma_wait3A_1397 = tpu.memref_slice %arg5[%dma_wait3A_1395, %dma_wait3A_1396] : memref<32768x1024xf32, #tpu.memory_space<hbm>> -> memref<16x1024xf32, #tpu.memory_space<hbm>>
      %dma_wait3A_1398 = arith.constant 0 : i32
      %dma_wait3A_1399 = arith.constant 0 : i32
      %dma_wait3A_1400 = tpu.memref_slice %arg5[%dma_wait3A_1398, %dma_wait3A_1399] : memref<32768x1024xf32, #tpu.memory_space<hbm>> -> memref<16x1024xf32, #tpu.memory_space<hbm>>
      tpu.wait_dma2 semaphore(%arg25 : memref<!tpu.dma_semaphore, #tpu.memory_space<semaphore_mem>>) src(%arg13 : memref<16x1024xf32, #tpu.memory_space<vmem>>) dst(%dma_wait3A_1400 : memref<16x1024xf32, #tpu.memory_space<hbm>>)
      %add3A_1401 = arith.constant 4 : i32
      %add3A_1402 = arith.addi %add3A_1305, %add3A_1401 : i32
      %mul3A_1403 = arith.constant 16 : i32
      %mul3A_1404 = arith.muli %add3A_1402, %mul3A_1403 : i32
      %add3A_1405 = arith.addi %mul3A_2, %mul3A_1404 : i32
      %dma_start3A_1406 = arith.constant 0 : i32
      %dma_start3A_1407 = tpu.memref_slice %arg2[%add3A_1405, %dma_start3A_1406] : memref<32768x1024xf32, #tpu.memory_space<hbm>> -> memref<16x1024xf32, #tpu.memory_space<hbm>>
      %dma_start3A_1408 = arith.constant 0 : i32
      %dma_start3A_1409 = tpu.memref_slice %arg2[%add3A_1405, %dma_start3A_1408] : memref<32768x1024xf32, #tpu.memory_space<hbm>> -> memref<16x1024xf32, #tpu.memory_space<hbm>>
      tpu.enqueue_dma source(%dma_start3A_1409 : memref<16x1024xf32, #tpu.memory_space<hbm>>) target(%arg13 : memref<16x1024xf32, #tpu.memory_space<vmem>>) target_semaphore(%arg19 : memref<!tpu.dma_semaphore, #tpu.memory_space<semaphore_mem>>)
      %add3A_1410 = arith.constant 4 : i32
      %add3A_1411 = arith.addi %sub3A_985, %add3A_1410 : i32
      %dma_wait3A_1412 = arith.constant 0 : i32
      %dma_wait3A_1413 = arith.constant 0 : i32
      %dma_wait3A_1414 = tpu.memref_slice %arg2[%dma_wait3A_1412, %dma_wait3A_1413] : memref<32768x1024xf32, #tpu.memory_space<hbm>> -> memref<16x1024xf32, #tpu.memory_space<hbm>>
      %dma_wait3A_1415 = arith.constant 0 : i32
      %dma_wait3A_1416 = arith.constant 0 : i32
      %dma_wait3A_1417 = tpu.memref_slice %arg2[%dma_wait3A_1415, %dma_wait3A_1416] : memref<32768x1024xf32, #tpu.memory_space<hbm>> -> memref<16x1024xf32, #tpu.memory_space<hbm>>
      tpu.wait_dma2 semaphore(%arg16 : memref<!tpu.dma_semaphore, #tpu.memory_space<semaphore_mem>>) src(%dma_wait3A_1417 : memref<16x1024xf32, #tpu.memory_space<hbm>>) dst(%arg10 : memref<16x1024xf32, #tpu.memory_space<vmem>>)
      %mul3A_1418 = arith.constant 16 : i32
      %mul3A_1419 = arith.muli %add3A_1411, %mul3A_1418 : i32
      %get3A_1420 = arith.index_cast %mul3A_1419 : i32 to index
      %get3A_1421 = tpu.vector_load %arg7[%get3A_1420] {strides = array<i32>} : memref<1024xi32, #tpu.memory_space<vmem>>, vector<16xi32>,
      %get3A_1422 = vector.shape_cast %get3A_1421 : vector<16xi32> to vector<16xi32>
      %convert_element_type3A_1423 = arith.sitofp %get3A_1422 : vector<16xi32> to vector<16xf32>
      %broadcast_in_dim3A_1424 = arith.constant 0 : i32
      %broadcast_in_dim3A_1425 = vector.broadcast %broadcast_in_dim3A_1424 : i32 to vector<16x1xi32>
      %gather3A_1426 = vector.shape_cast %broadcast_in_dim3A_1425 : vector<16x1xi32> to vector<16xi32>
      %gather3A_1427 = tpu.dynamic_gather %convert_element_type3A_1423[%gather3A_1426] in [0] : vector<16xf32>, vector<16xi32> -> vector<16xf32>
      %broadcast_in_dim3A_1428 = arith.constant 1 : i32
      %broadcast_in_dim3A_1429 = vector.broadcast %broadcast_in_dim3A_1428 : i32 to vector<16x1xi32>
      %gather3A_1430 = vector.shape_cast %broadcast_in_dim3A_1429 : vector<16x1xi32> to vector<16xi32>
      %gather3A_1431 = tpu.dynamic_gather %convert_element_type3A_1423[%gather3A_1430] in [0] : vector<16xf32>, vector<16xi32> -> vector<16xf32>
      %broadcast_in_dim3A_1432 = arith.constant 2 : i32
      %broadcast_in_dim3A_1433 = vector.broadcast %broadcast_in_dim3A_1432 : i32 to vector<16x1xi32>
      %gather3A_1434 = vector.shape_cast %broadcast_in_dim3A_1433 : vector<16x1xi32> to vector<16xi32>
      %gather3A_1435 = tpu.dynamic_gather %convert_element_type3A_1423[%gather3A_1434] in [0] : vector<16xf32>, vector<16xi32> -> vector<16xf32>
      %broadcast_in_dim3A_1436 = arith.constant 3 : i32
      %broadcast_in_dim3A_1437 = vector.broadcast %broadcast_in_dim3A_1436 : i32 to vector<16x1xi32>
      %gather3A_1438 = vector.shape_cast %broadcast_in_dim3A_1437 : vector<16x1xi32> to vector<16xi32>
      %gather3A_1439 = tpu.dynamic_gather %convert_element_type3A_1423[%gather3A_1438] in [0] : vector<16xf32>, vector<16xi32> -> vector<16xf32>
      %broadcast_in_dim3A_1440 = arith.constant 4 : i32
      %broadcast_in_dim3A_1441 = vector.broadcast %broadcast_in_dim3A_1440 : i32 to vector<16x1xi32>
      %gather3A_1442 = vector.shape_cast %broadcast_in_dim3A_1441 : vector<16x1xi32> to vector<16xi32>
      %gather3A_1443 = tpu.dynamic_gather %convert_element_type3A_1423[%gather3A_1442] in [0] : vector<16xf32>, vector<16xi32> -> vector<16xf32>
      %broadcast_in_dim3A_1444 = arith.constant 5 : i32
      %broadcast_in_dim3A_1445 = vector.broadcast %broadcast_in_dim3A_1444 : i32 to vector<16x1xi32>
      %gather3A_1446 = vector.shape_cast %broadcast_in_dim3A_1445 : vector<16x1xi32> to vector<16xi32>
      %gather3A_1447 = tpu.dynamic_gather %convert_element_type3A_1423[%gather3A_1446] in [0] : vector<16xf32>, vector<16xi32> -> vector<16xf32>
      %broadcast_in_dim3A_1448 = arith.constant 6 : i32
      %broadcast_in_dim3A_1449 = vector.broadcast %broadcast_in_dim3A_1448 : i32 to vector<16x1xi32>
      %gather3A_1450 = vector.shape_cast %broadcast_in_dim3A_1449 : vector<16x1xi32> to vector<16xi32>
      %gather3A_1451 = tpu.dynamic_gather %convert_element_type3A_1423[%gather3A_1450] in [0] : vector<16xf32>, vector<16xi32> -> vector<16xf32>
      %broadcast_in_dim3A_1452 = arith.constant 7 : i32
      %broadcast_in_dim3A_1453 = vector.broadcast %broadcast_in_dim3A_1452 : i32 to vector<16x1xi32>
      %gather3A_1454 = vector.shape_cast %broadcast_in_dim3A_1453 : vector<16x1xi32> to vector<16xi32>
      %gather3A_1455 = tpu.dynamic_gather %convert_element_type3A_1423[%gather3A_1454] in [0] : vector<16xf32>, vector<16xi32> -> vector<16xf32>
      %broadcast_in_dim3A_1456 = arith.constant 8 : i32
      %broadcast_in_dim3A_1457 = vector.broadcast %broadcast_in_dim3A_1456 : i32 to vector<16x1xi32>
      %gather3A_1458 = vector.shape_cast %broadcast_in_dim3A_1457 : vector<16x1xi32> to vector<16xi32>
      %gather3A_1459 = tpu.dynamic_gather %convert_element_type3A_1423[%gather3A_1458] in [0] : vector<16xf32>, vector<16xi32> -> vector<16xf32>
      %broadcast_in_dim3A_1460 = arith.constant 9 : i32
      %broadcast_in_dim3A_1461 = vector.broadcast %broadcast_in_dim3A_1460 : i32 to vector<16x1xi32>
      %gather3A_1462 = vector.shape_cast %broadcast_in_dim3A_1461 : vector<16x1xi32> to vector<16xi32>
      %gather3A_1463 = tpu.dynamic_gather %convert_element_type3A_1423[%gather3A_1462] in [0] : vector<16xf32>, vector<16xi32> -> vector<16xf32>
      %broadcast_in_dim3A_1464 = arith.constant 10 : i32
      %broadcast_in_dim3A_1465 = vector.broadcast %broadcast_in_dim3A_1464 : i32 to vector<16x1xi32>
      %gather3A_1466 = vector.shape_cast %broadcast_in_dim3A_1465 : vector<16x1xi32> to vector<16xi32>
      %gather3A_1467 = tpu.dynamic_gather %convert_element_type3A_1423[%gather3A_1466] in [0] : vector<16xf32>, vector<16xi32> -> vector<16xf32>
      %broadcast_in_dim3A_1468 = arith.constant 11 : i32
      %broadcast_in_dim3A_1469 = vector.broadcast %broadcast_in_dim3A_1468 : i32 to vector<16x1xi32>
      %gather3A_1470 = vector.shape_cast %broadcast_in_dim3A_1469 : vector<16x1xi32> to vector<16xi32>
      %gather3A_1471 = tpu.dynamic_gather %convert_element_type3A_1423[%gather3A_1470] in [0] : vector<16xf32>, vector<16xi32> -> vector<16xf32>
      %broadcast_in_dim3A_1472 = arith.constant 12 : i32
      %broadcast_in_dim3A_1473 = vector.broadcast %broadcast_in_dim3A_1472 : i32 to vector<16x1xi32>
      %gather3A_1474 = vector.shape_cast %broadcast_in_dim3A_1473 : vector<16x1xi32> to vector<16xi32>
      %gather3A_1475 = tpu.dynamic_gather %convert_element_type3A_1423[%gather3A_1474] in [0] : vector<16xf32>, vector<16xi32> -> vector<16xf32>
      %broadcast_in_dim3A_1476 = arith.constant 13 : i32
      %broadcast_in_dim3A_1477 = vector.broadcast %broadcast_in_dim3A_1476 : i32 to vector<16x1xi32>
      %gather3A_1478 = vector.shape_cast %broadcast_in_dim3A_1477 : vector<16x1xi32> to vector<16xi32>
      %gather3A_1479 = tpu.dynamic_gather %convert_element_type3A_1423[%gather3A_1478] in [0] : vector<16xf32>, vector<16xi32> -> vector<16xf32>
      %broadcast_in_dim3A_1480 = arith.constant 14 : i32
      %broadcast_in_dim3A_1481 = vector.broadcast %broadcast_in_dim3A_1480 : i32 to vector<16x1xi32>
      %gather3A_1482 = vector.shape_cast %broadcast_in_dim3A_1481 : vector<16x1xi32> to vector<16xi32>
      %gather3A_1483 = tpu.dynamic_gather %convert_element_type3A_1423[%gather3A_1482] in [0] : vector<16xf32>, vector<16xi32> -> vector<16xf32>
      %broadcast_in_dim3A_1484 = arith.constant 15 : i32
      %broadcast_in_dim3A_1485 = vector.broadcast %broadcast_in_dim3A_1484 : i32 to vector<16x1xi32>
      %gather3A_1486 = vector.shape_cast %broadcast_in_dim3A_1485 : vector<16x1xi32> to vector<16xi32>
      %gather3A_1487 = tpu.dynamic_gather %convert_element_type3A_1423[%gather3A_1486] in [0] : vector<16xf32>, vector<16xi32> -> vector<16xf32>
      %scan3A_1488 = arith.constant 0 : i32
      %scan3A_1489 = arith.constant 0 : i32
      %scan3A_1490 = arith.constant 64 : i32
      %scan3A_1491 = arith.addi %scan3A_1489, %scan3A_1490 : i32
      %scan3A_1492 = arith.constant 1 : i32
      scf.for %scan3A_1622 = %scan3A_1489 to %scan3A_1491 step %scan3A_1492  : i32 {
        %mul3A_1623 = arith.constant 16 : i32
        %mul3A_1624 = arith.muli %scan3A_1622, %mul3A_1623 : i32
        %get3A_1625 = arith.index_cast %mul3A_1624 : i32 to index
        %get3A_1626 = tpu.vector_load %arg6[%get3A_1625] {strides = array<i32>} : memref<2048xf32, #tpu.memory_space<vmem>>, vector<16xf32>,
        %get3A_1627 = vector.shape_cast %get3A_1626 : vector<16xf32> to vector<16xf32>
        %mul3A_1628 = arith.constant 16 : i32
        %mul3A_1629 = arith.muli %scan3A_1622, %mul3A_1628 : i32
        %add3A_1630 = arith.constant 1024 : i32
        %add3A_1631 = arith.addi %add3A_1630, %mul3A_1629 : i32
        %get3A_1632 = arith.index_cast %add3A_1631 : i32 to index
        %get3A_1633 = tpu.vector_load %arg6[%get3A_1632] {strides = array<i32>} : memref<2048xf32, #tpu.memory_space<vmem>>, vector<16xf32>,
        %get3A_1634 = vector.shape_cast %get3A_1633 : vector<16xf32> to vector<16xf32>
        %sub3A_1635 = arith.subf %get3A_1634, %get3A_1627 : vector<16xf32>
        %mul3A_1636 = arith.mulf %gather3A_1427, %sub3A_1635 : vector<16xf32>
        %add3A_1637 = arith.addf %get3A_1627, %mul3A_1636 : vector<16xf32>
        %swap3A = arith.constant 0 : i32
        %swap3A_1638 = arith.index_cast %swap3A : i32 to index
        %swap3A_1639 = arith.index_cast %mul3A_1624 : i32 to index
        %swap3A_1640 = tpu.vector_load %arg10[%swap3A_1638, %swap3A_1639] {strides = array<i32>} : memref<16x1024xf32, #tpu.memory_space<vmem>>, vector<1x16xf32>,
        %swap3A_1641 = vector.shape_cast %swap3A_1640 : vector<1x16xf32> to vector<16xf32>
        %swap3A_1642 = vector.shape_cast %add3A_1637 : vector<16xf32> to vector<1x16xf32>
        tpu.vector_store %arg10[%swap3A_1638, %swap3A_1639], %swap3A_1642 {add = true, strides = array<i32>} : memref<16x1024xf32, #tpu.memory_space<vmem>>, vector<1x16xf32>,
        %mul3A_1643 = arith.mulf %gather3A_1431, %sub3A_1635 : vector<16xf32>
        %add3A_1644 = arith.addf %get3A_1627, %mul3A_1643 : vector<16xf32>
        %swap3A_1645 = arith.constant 1 : i32
        %swap3A_1646 = arith.index_cast %swap3A_1645 : i32 to index
        %swap3A_1647 = arith.index_cast %mul3A_1624 : i32 to index
        %swap3A_1648 = tpu.vector_load %arg10[%swap3A_1646, %swap3A_1647] {strides = array<i32>} : memref<16x1024xf32, #tpu.memory_space<vmem>>, vector<1x16xf32>,
        %swap3A_1649 = vector.shape_cast %swap3A_1648 : vector<1x16xf32> to vector<16xf32>
        %swap3A_1650 = vector.shape_cast %add3A_1644 : vector<16xf32> to vector<1x16xf32>
        tpu.vector_store %arg10[%swap3A_1646, %swap3A_1647], %swap3A_1650 {add = true, strides = array<i32>} : memref<16x1024xf32, #tpu.memory_space<vmem>>, vector<1x16xf32>,
        %mul3A_1651 = arith.mulf %gather3A_1435, %sub3A_1635 : vector<16xf32>
        %add3A_1652 = arith.addf %get3A_1627, %mul3A_1651 : vector<16xf32>
        %swap3A_1653 = arith.constant 2 : i32
        %swap3A_1654 = arith.index_cast %swap3A_1653 : i32 to index
        %swap3A_1655 = arith.index_cast %mul3A_1624 : i32 to index
        %swap3A_1656 = tpu.vector_load %arg10[%swap3A_1654, %swap3A_1655] {strides = array<i32>} : memref<16x1024xf32, #tpu.memory_space<vmem>>, vector<1x16xf32>,
        %swap3A_1657 = vector.shape_cast %swap3A_1656 : vector<1x16xf32> to vector<16xf32>
        %swap3A_1658 = vector.shape_cast %add3A_1652 : vector<16xf32> to vector<1x16xf32>
        tpu.vector_store %arg10[%swap3A_1654, %swap3A_1655], %swap3A_1658 {add = true, strides = array<i32>} : memref<16x1024xf32, #tpu.memory_space<vmem>>, vector<1x16xf32>,
        %mul3A_1659 = arith.mulf %gather3A_1439, %sub3A_1635 : vector<16xf32>
        %add3A_1660 = arith.addf %get3A_1627, %mul3A_1659 : vector<16xf32>
        %swap3A_1661 = arith.constant 3 : i32
        %swap3A_1662 = arith.index_cast %swap3A_1661 : i32 to index
        %swap3A_1663 = arith.index_cast %mul3A_1624 : i32 to index
        %swap3A_1664 = tpu.vector_load %arg10[%swap3A_1662, %swap3A_1663] {strides = array<i32>} : memref<16x1024xf32, #tpu.memory_space<vmem>>, vector<1x16xf32>,
        %swap3A_1665 = vector.shape_cast %swap3A_1664 : vector<1x16xf32> to vector<16xf32>
        %swap3A_1666 = vector.shape_cast %add3A_1660 : vector<16xf32> to vector<1x16xf32>
        tpu.vector_store %arg10[%swap3A_1662, %swap3A_1663], %swap3A_1666 {add = true, strides = array<i32>} : memref<16x1024xf32, #tpu.memory_space<vmem>>, vector<1x16xf32>,
        %mul3A_1667 = arith.mulf %gather3A_1443, %sub3A_1635 : vector<16xf32>
        %add3A_1668 = arith.addf %get3A_1627, %mul3A_1667 : vector<16xf32>
        %swap3A_1669 = arith.constant 4 : i32
        %swap3A_1670 = arith.index_cast %swap3A_1669 : i32 to index
        %swap3A_1671 = arith.index_cast %mul3A_1624 : i32 to index
        %swap3A_1672 = tpu.vector_load %arg10[%swap3A_1670, %swap3A_1671] {strides = array<i32>} : memref<16x1024xf32, #tpu.memory_space<vmem>>, vector<1x16xf32>,
        %swap3A_1673 = vector.shape_cast %swap3A_1672 : vector<1x16xf32> to vector<16xf32>
        %swap3A_1674 = vector.shape_cast %add3A_1668 : vector<16xf32> to vector<1x16xf32>
        tpu.vector_store %arg10[%swap3A_1670, %swap3A_1671], %swap3A_1674 {add = true, strides = array<i32>} : memref<16x1024xf32, #tpu.memory_space<vmem>>, vector<1x16xf32>,
        %mul3A_1675 = arith.mulf %gather3A_1447, %sub3A_1635 : vector<16xf32>
        %add3A_1676 = arith.addf %get3A_1627, %mul3A_1675 : vector<16xf32>
        %swap3A_1677 = arith.constant 5 : i32
        %swap3A_1678 = arith.index_cast %swap3A_1677 : i32 to index
        %swap3A_1679 = arith.index_cast %mul3A_1624 : i32 to index
        %swap3A_1680 = tpu.vector_load %arg10[%swap3A_1678, %swap3A_1679] {strides = array<i32>} : memref<16x1024xf32, #tpu.memory_space<vmem>>, vector<1x16xf32>,
        %swap3A_1681 = vector.shape_cast %swap3A_1680 : vector<1x16xf32> to vector<16xf32>
        %swap3A_1682 = vector.shape_cast %add3A_1676 : vector<16xf32> to vector<1x16xf32>
        tpu.vector_store %arg10[%swap3A_1678, %swap3A_1679], %swap3A_1682 {add = true, strides = array<i32>} : memref<16x1024xf32, #tpu.memory_space<vmem>>, vector<1x16xf32>,
        %mul3A_1683 = arith.mulf %gather3A_1451, %sub3A_1635 : vector<16xf32>
        %add3A_1684 = arith.addf %get3A_1627, %mul3A_1683 : vector<16xf32>
        %swap3A_1685 = arith.constant 6 : i32
        %swap3A_1686 = arith.index_cast %swap3A_1685 : i32 to index
        %swap3A_1687 = arith.index_cast %mul3A_1624 : i32 to index
        %swap3A_1688 = tpu.vector_load %arg10[%swap3A_1686, %swap3A_1687] {strides = array<i32>} : memref<16x1024xf32, #tpu.memory_space<vmem>>, vector<1x16xf32>,
        %swap3A_1689 = vector.shape_cast %swap3A_1688 : vector<1x16xf32> to vector<16xf32>
        %swap3A_1690 = vector.shape_cast %add3A_1684 : vector<16xf32> to vector<1x16xf32>
        tpu.vector_store %arg10[%swap3A_1686, %swap3A_1687], %swap3A_1690 {add = true, strides = array<i32>} : memref<16x1024xf32, #tpu.memory_space<vmem>>, vector<1x16xf32>,
        %mul3A_1691 = arith.mulf %gather3A_1455, %sub3A_1635 : vector<16xf32>
        %add3A_1692 = arith.addf %get3A_1627, %mul3A_1691 : vector<16xf32>
        %swap3A_1693 = arith.constant 7 : i32
        %swap3A_1694 = arith.index_cast %swap3A_1693 : i32 to index
        %swap3A_1695 = arith.index_cast %mul3A_1624 : i32 to index
        %swap3A_1696 = tpu.vector_load %arg10[%swap3A_1694, %swap3A_1695] {strides = array<i32>} : memref<16x1024xf32, #tpu.memory_space<vmem>>, vector<1x16xf32>,
        %swap3A_1697 = vector.shape_cast %swap3A_1696 : vector<1x16xf32> to vector<16xf32>
        %swap3A_1698 = vector.shape_cast %add3A_1692 : vector<16xf32> to vector<1x16xf32>
        tpu.vector_store %arg10[%swap3A_1694, %swap3A_1695], %swap3A_1698 {add = true, strides = array<i32>} : memref<16x1024xf32, #tpu.memory_space<vmem>>, vector<1x16xf32>,
        %mul3A_1699 = arith.mulf %gather3A_1459, %sub3A_1635 : vector<16xf32>
        %add3A_1700 = arith.addf %get3A_1627, %mul3A_1699 : vector<16xf32>
        %swap3A_1701 = arith.constant 8 : i32
        %swap3A_1702 = arith.index_cast %swap3A_1701 : i32 to index
        %swap3A_1703 = arith.index_cast %mul3A_1624 : i32 to index
        %swap3A_1704 = tpu.vector_load %arg10[%swap3A_1702, %swap3A_1703] {strides = array<i32>} : memref<16x1024xf32, #tpu.memory_space<vmem>>, vector<1x16xf32>,
        %swap3A_1705 = vector.shape_cast %swap3A_1704 : vector<1x16xf32> to vector<16xf32>
        %swap3A_1706 = vector.shape_cast %add3A_1700 : vector<16xf32> to vector<1x16xf32>
        tpu.vector_store %arg10[%swap3A_1702, %swap3A_1703], %swap3A_1706 {add = true, strides = array<i32>} : memref<16x1024xf32, #tpu.memory_space<vmem>>, vector<1x16xf32>,
        %mul3A_1707 = arith.mulf %gather3A_1463, %sub3A_1635 : vector<16xf32>
        %add3A_1708 = arith.addf %get3A_1627, %mul3A_1707 : vector<16xf32>
        %swap3A_1709 = arith.constant 9 : i32
        %swap3A_1710 = arith.index_cast %swap3A_1709 : i32 to index
        %swap3A_1711 = arith.index_cast %mul3A_1624 : i32 to index
        %swap3A_1712 = tpu.vector_load %arg10[%swap3A_1710, %swap3A_1711] {strides = array<i32>} : memref<16x1024xf32, #tpu.memory_space<vmem>>, vector<1x16xf32>,
        %swap3A_1713 = vector.shape_cast %swap3A_1712 : vector<1x16xf32> to vector<16xf32>
        %swap3A_1714 = vector.shape_cast %add3A_1708 : vector<16xf32> to vector<1x16xf32>
        tpu.vector_store %arg10[%swap3A_1710, %swap3A_1711], %swap3A_1714 {add = true, strides = array<i32>} : memref<16x1024xf32, #tpu.memory_space<vmem>>, vector<1x16xf32>,
        %mul3A_1715 = arith.mulf %gather3A_1467, %sub3A_1635 : vector<16xf32>
        %add3A_1716 = arith.addf %get3A_1627, %mul3A_1715 : vector<16xf32>
        %swap3A_1717 = arith.constant 10 : i32
        %swap3A_1718 = arith.index_cast %swap3A_1717 : i32 to index
        %swap3A_1719 = arith.index_cast %mul3A_1624 : i32 to index
        %swap3A_1720 = tpu.vector_load %arg10[%swap3A_1718, %swap3A_1719] {strides = array<i32>} : memref<16x1024xf32, #tpu.memory_space<vmem>>, vector<1x16xf32>,
        %swap3A_1721 = vector.shape_cast %swap3A_1720 : vector<1x16xf32> to vector<16xf32>
        %swap3A_1722 = vector.shape_cast %add3A_1716 : vector<16xf32> to vector<1x16xf32>
        tpu.vector_store %arg10[%swap3A_1718, %swap3A_1719], %swap3A_1722 {add = true, strides = array<i32>} : memref<16x1024xf32, #tpu.memory_space<vmem>>, vector<1x16xf32>,
        %mul3A_1723 = arith.mulf %gather3A_1471, %sub3A_1635 : vector<16xf32>
        %add3A_1724 = arith.addf %get3A_1627, %mul3A_1723 : vector<16xf32>
        %swap3A_1725 = arith.constant 11 : i32
        %swap3A_1726 = arith.index_cast %swap3A_1725 : i32 to index
        %swap3A_1727 = arith.index_cast %mul3A_1624 : i32 to index
        %swap3A_1728 = tpu.vector_load %arg10[%swap3A_1726, %swap3A_1727] {strides = array<i32>} : memref<16x1024xf32, #tpu.memory_space<vmem>>, vector<1x16xf32>,
        %swap3A_1729 = vector.shape_cast %swap3A_1728 : vector<1x16xf32> to vector<16xf32>
        %swap3A_1730 = vector.shape_cast %add3A_1724 : vector<16xf32> to vector<1x16xf32>
        tpu.vector_store %arg10[%swap3A_1726, %swap3A_1727], %swap3A_1730 {add = true, strides = array<i32>} : memref<16x1024xf32, #tpu.memory_space<vmem>>, vector<1x16xf32>,
        %mul3A_1731 = arith.mulf %gather3A_1475, %sub3A_1635 : vector<16xf32>
        %add3A_1732 = arith.addf %get3A_1627, %mul3A_1731 : vector<16xf32>
        %swap3A_1733 = arith.constant 12 : i32
        %swap3A_1734 = arith.index_cast %swap3A_1733 : i32 to index
        %swap3A_1735 = arith.index_cast %mul3A_1624 : i32 to index
        %swap3A_1736 = tpu.vector_load %arg10[%swap3A_1734, %swap3A_1735] {strides = array<i32>} : memref<16x1024xf32, #tpu.memory_space<vmem>>, vector<1x16xf32>,
        %swap3A_1737 = vector.shape_cast %swap3A_1736 : vector<1x16xf32> to vector<16xf32>
        %swap3A_1738 = vector.shape_cast %add3A_1732 : vector<16xf32> to vector<1x16xf32>
        tpu.vector_store %arg10[%swap3A_1734, %swap3A_1735], %swap3A_1738 {add = true, strides = array<i32>} : memref<16x1024xf32, #tpu.memory_space<vmem>>, vector<1x16xf32>,
        %mul3A_1739 = arith.mulf %gather3A_1479, %sub3A_1635 : vector<16xf32>
        %add3A_1740 = arith.addf %get3A_1627, %mul3A_1739 : vector<16xf32>
        %swap3A_1741 = arith.constant 13 : i32
        %swap3A_1742 = arith.index_cast %swap3A_1741 : i32 to index
        %swap3A_1743 = arith.index_cast %mul3A_1624 : i32 to index
        %swap3A_1744 = tpu.vector_load %arg10[%swap3A_1742, %swap3A_1743] {strides = array<i32>} : memref<16x1024xf32, #tpu.memory_space<vmem>>, vector<1x16xf32>,
        %swap3A_1745 = vector.shape_cast %swap3A_1744 : vector<1x16xf32> to vector<16xf32>
        %swap3A_1746 = vector.shape_cast %add3A_1740 : vector<16xf32> to vector<1x16xf32>
        tpu.vector_store %arg10[%swap3A_1742, %swap3A_1743], %swap3A_1746 {add = true, strides = array<i32>} : memref<16x1024xf32, #tpu.memory_space<vmem>>, vector<1x16xf32>,
        %mul3A_1747 = arith.mulf %gather3A_1483, %sub3A_1635 : vector<16xf32>
        %add3A_1748 = arith.addf %get3A_1627, %mul3A_1747 : vector<16xf32>
        %swap3A_1749 = arith.constant 14 : i32
        %swap3A_1750 = arith.index_cast %swap3A_1749 : i32 to index
        %swap3A_1751 = arith.index_cast %mul3A_1624 : i32 to index
        %swap3A_1752 = tpu.vector_load %arg10[%swap3A_1750, %swap3A_1751] {strides = array<i32>} : memref<16x1024xf32, #tpu.memory_space<vmem>>, vector<1x16xf32>,
        %swap3A_1753 = vector.shape_cast %swap3A_1752 : vector<1x16xf32> to vector<16xf32>
        %swap3A_1754 = vector.shape_cast %add3A_1748 : vector<16xf32> to vector<1x16xf32>
        tpu.vector_store %arg10[%swap3A_1750, %swap3A_1751], %swap3A_1754 {add = true, strides = array<i32>} : memref<16x1024xf32, #tpu.memory_space<vmem>>, vector<1x16xf32>,
        %mul3A_1755 = arith.mulf %gather3A_1487, %sub3A_1635 : vector<16xf32>
        %add3A_1756 = arith.addf %get3A_1627, %mul3A_1755 : vector<16xf32>
        %swap3A_1757 = arith.constant 15 : i32
        %swap3A_1758 = arith.index_cast %swap3A_1757 : i32 to index
        %swap3A_1759 = arith.index_cast %mul3A_1624 : i32 to index
        %swap3A_1760 = tpu.vector_load %arg10[%swap3A_1758, %swap3A_1759] {strides = array<i32>} : memref<16x1024xf32, #tpu.memory_space<vmem>>, vector<1x16xf32>,
        %swap3A_1761 = vector.shape_cast %swap3A_1760 : vector<1x16xf32> to vector<16xf32>
        %swap3A_1762 = vector.shape_cast %add3A_1756 : vector<16xf32> to vector<1x16xf32>
        tpu.vector_store %arg10[%swap3A_1758, %swap3A_1759], %swap3A_1762 {add = true, strides = array<i32>} : memref<16x1024xf32, #tpu.memory_space<vmem>>, vector<1x16xf32>,
      }
      %scan3A_1493 = arith.constant 64 : i32
      %mul3A_1494 = arith.constant 16 : i32
      %mul3A_1495 = arith.muli %add3A_1411, %mul3A_1494 : i32
      %add3A_1496 = arith.addi %mul3A_2, %mul3A_1495 : i32
      %dma_start3A_1497 = arith.constant 0 : i32
      %dma_start3A_1498 = tpu.memref_slice %arg5[%add3A_1496, %dma_start3A_1497] : memref<32768x1024xf32, #tpu.memory_space<hbm>> -> memref<16x1024xf32, #tpu.memory_space<hbm>>
      %dma_start3A_1499 = arith.constant 0 : i32
      %dma_start3A_1500 = tpu.memref_slice %arg5[%add3A_1496, %dma_start3A_1499] : memref<32768x1024xf32, #tpu.memory_space<hbm>> -> memref<16x1024xf32, #tpu.memory_space<hbm>>
      tpu.enqueue_dma source(%arg10 : memref<16x1024xf32, #tpu.memory_space<vmem>>) target(%dma_start3A_1500 : memref<16x1024xf32, #tpu.memory_space<hbm>>) target_semaphore(%arg22 : memref<!tpu.dma_semaphore, #tpu.memory_space<semaphore_mem>>)
      %dma_wait3A_1501 = arith.constant 0 : i32
      %dma_wait3A_1502 = arith.constant 0 : i32
      %dma_wait3A_1503 = tpu.memref_slice %arg5[%dma_wait3A_1501, %dma_wait3A_1502] : memref<32768x1024xf32, #tpu.memory_space<hbm>> -> memref<16x1024xf32, #tpu.memory_space<hbm>>
      %dma_wait3A_1504 = arith.constant 0 : i32
      %dma_wait3A_1505 = arith.constant 0 : i32
      %dma_wait3A_1506 = tpu.memref_slice %arg5[%dma_wait3A_1504, %dma_wait3A_1505] : memref<32768x1024xf32, #tpu.memory_space<hbm>> -> memref<16x1024xf32, #tpu.memory_space<hbm>>
      tpu.wait_dma2 semaphore(%arg20 : memref<!tpu.dma_semaphore, #tpu.memory_space<semaphore_mem>>) src(%arg8 : memref<16x1024xf32, #tpu.memory_space<vmem>>) dst(%dma_wait3A_1506 : memref<16x1024xf32, #tpu.memory_space<hbm>>)
      %add3A_1507 = arith.constant 4 : i32
      %add3A_1508 = arith.addi %add3A_1411, %add3A_1507 : i32
      %mul3A_1509 = arith.constant 16 : i32
      %mul3A_1510 = arith.muli %add3A_1508, %mul3A_1509 : i32
      %add3A_1511 = arith.addi %mul3A_2, %mul3A_1510 : i32
      %dma_start3A_1512 = arith.constant 0 : i32
      %dma_start3A_1513 = tpu.memref_slice %arg2[%add3A_1511, %dma_start3A_1512] : memref<32768x1024xf32, #tpu.memory_space<hbm>> -> memref<16x1024xf32, #tpu.memory_space<hbm>>
      %dma_start3A_1514 = arith.constant 0 : i32
      %dma_start3A_1515 = tpu.memref_slice %arg2[%add3A_1511, %dma_start3A_1514] : memref<32768x1024xf32, #tpu.memory_space<hbm>> -> memref<16x1024xf32, #tpu.memory_space<hbm>>
      tpu.enqueue_dma source(%dma_start3A_1515 : memref<16x1024xf32, #tpu.memory_space<hbm>>) target(%arg8 : memref<16x1024xf32, #tpu.memory_space<vmem>>) target_semaphore(%arg14 : memref<!tpu.dma_semaphore, #tpu.memory_space<semaphore_mem>>)
      %add3A_1516 = arith.constant 5 : i32
      %add3A_1517 = arith.addi %sub3A_985, %add3A_1516 : i32
      %dma_wait3A_1518 = arith.constant 0 : i32
      %dma_wait3A_1519 = arith.constant 0 : i32
      %dma_wait3A_1520 = tpu.memref_slice %arg2[%dma_wait3A_1518, %dma_wait3A_1519] : memref<32768x1024xf32, #tpu.memory_space<hbm>> -> memref<16x1024xf32, #tpu.memory_space<hbm>>
      %dma_wait3A_1521 = arith.constant 0 : i32
      %dma_wait3A_1522 = arith.constant 0 : i32
      %dma_wait3A_1523 = tpu.memref_slice %arg2[%dma_wait3A_1521, %dma_wait3A_1522] : memref<32768x1024xf32, #tpu.memory_space<hbm>> -> memref<16x1024xf32, #tpu.memory_space<hbm>>
      tpu.wait_dma2 semaphore(%arg17 : memref<!tpu.dma_semaphore, #tpu.memory_space<semaphore_mem>>) src(%dma_wait3A_1523 : memref<16x1024xf32, #tpu.memory_space<hbm>>) dst(%arg11 : memref<16x1024xf32, #tpu.memory_space<vmem>>)
      %mul3A_1524 = arith.constant 16 : i32
      %mul3A_1525 = arith.muli %add3A_1517, %mul3A_1524 : i32
      %get3A_1526 = arith.index_cast %mul3A_1525 : i32 to index
      %get3A_1527 = tpu.vector_load %arg7[%get3A_1526] {strides = array<i32>} : memref<1024xi32, #tpu.memory_space<vmem>>, vector<16xi32>,
      %get3A_1528 = vector.shape_cast %get3A_1527 : vector<16xi32> to vector<16xi32>
      %convert_element_type3A_1529 = arith.sitofp %get3A_1528 : vector<16xi32> to vector<16xf32>
      %broadcast_in_dim3A_1530 = arith.constant 0 : i32
      %broadcast_in_dim3A_1531 = vector.broadcast %broadcast_in_dim3A_1530 : i32 to vector<16x1xi32>
      %gather3A_1532 = vector.shape_cast %broadcast_in_dim3A_1531 : vector<16x1xi32> to vector<16xi32>
      %gather3A_1533 = tpu.dynamic_gather %convert_element_type3A_1529[%gather3A_1532] in [0] : vector<16xf32>, vector<16xi32> -> vector<16xf32>
      %broadcast_in_dim3A_1534 = arith.constant 1 : i32
      %broadcast_in_dim3A_1535 = vector.broadcast %broadcast_in_dim3A_1534 : i32 to vector<16x1xi32>
      %gather3A_1536 = vector.shape_cast %broadcast_in_dim3A_1535 : vector<16x1xi32> to vector<16xi32>
      %gather3A_1537 = tpu.dynamic_gather %convert_element_type3A_1529[%gather3A_1536] in [0] : vector<16xf32>, vector<16xi32> -> vector<16xf32>
      %broadcast_in_dim3A_1538 = arith.constant 2 : i32
      %broadcast_in_dim3A_1539 = vector.broadcast %broadcast_in_dim3A_1538 : i32 to vector<16x1xi32>
      %gather3A_1540 = vector.shape_cast %broadcast_in_dim3A_1539 : vector<16x1xi32> to vector<16xi32>
      %gather3A_1541 = tpu.dynamic_gather %convert_element_type3A_1529[%gather3A_1540] in [0] : vector<16xf32>, vector<16xi32> -> vector<16xf32>
      %broadcast_in_dim3A_1542 = arith.constant 3 : i32
      %broadcast_in_dim3A_1543 = vector.broadcast %broadcast_in_dim3A_1542 : i32 to vector<16x1xi32>
      %gather3A_1544 = vector.shape_cast %broadcast_in_dim3A_1543 : vector<16x1xi32> to vector<16xi32>
      %gather3A_1545 = tpu.dynamic_gather %convert_element_type3A_1529[%gather3A_1544] in [0] : vector<16xf32>, vector<16xi32> -> vector<16xf32>
      %broadcast_in_dim3A_1546 = arith.constant 4 : i32
      %broadcast_in_dim3A_1547 = vector.broadcast %broadcast_in_dim3A_1546 : i32 to vector<16x1xi32>
      %gather3A_1548 = vector.shape_cast %broadcast_in_dim3A_1547 : vector<16x1xi32> to vector<16xi32>
      %gather3A_1549 = tpu.dynamic_gather %convert_element_type3A_1529[%gather3A_1548] in [0] : vector<16xf32>, vector<16xi32> -> vector<16xf32>
      %broadcast_in_dim3A_1550 = arith.constant 5 : i32
      %broadcast_in_dim3A_1551 = vector.broadcast %broadcast_in_dim3A_1550 : i32 to vector<16x1xi32>
      %gather3A_1552 = vector.shape_cast %broadcast_in_dim3A_1551 : vector<16x1xi32> to vector<16xi32>
      %gather3A_1553 = tpu.dynamic_gather %convert_element_type3A_1529[%gather3A_1552] in [0] : vector<16xf32>, vector<16xi32> -> vector<16xf32>
      %broadcast_in_dim3A_1554 = arith.constant 6 : i32
      %broadcast_in_dim3A_1555 = vector.broadcast %broadcast_in_dim3A_1554 : i32 to vector<16x1xi32>
      %gather3A_1556 = vector.shape_cast %broadcast_in_dim3A_1555 : vector<16x1xi32> to vector<16xi32>
      %gather3A_1557 = tpu.dynamic_gather %convert_element_type3A_1529[%gather3A_1556] in [0] : vector<16xf32>, vector<16xi32> -> vector<16xf32>
      %broadcast_in_dim3A_1558 = arith.constant 7 : i32
      %broadcast_in_dim3A_1559 = vector.broadcast %broadcast_in_dim3A_1558 : i32 to vector<16x1xi32>
      %gather3A_1560 = vector.shape_cast %broadcast_in_dim3A_1559 : vector<16x1xi32> to vector<16xi32>
      %gather3A_1561 = tpu.dynamic_gather %convert_element_type3A_1529[%gather3A_1560] in [0] : vector<16xf32>, vector<16xi32> -> vector<16xf32>
      %broadcast_in_dim3A_1562 = arith.constant 8 : i32
      %broadcast_in_dim3A_1563 = vector.broadcast %broadcast_in_dim3A_1562 : i32 to vector<16x1xi32>
      %gather3A_1564 = vector.shape_cast %broadcast_in_dim3A_1563 : vector<16x1xi32> to vector<16xi32>
      %gather3A_1565 = tpu.dynamic_gather %convert_element_type3A_1529[%gather3A_1564] in [0] : vector<16xf32>, vector<16xi32> -> vector<16xf32>
      %broadcast_in_dim3A_1566 = arith.constant 9 : i32
      %broadcast_in_dim3A_1567 = vector.broadcast %broadcast_in_dim3A_1566 : i32 to vector<16x1xi32>
      %gather3A_1568 = vector.shape_cast %broadcast_in_dim3A_1567 : vector<16x1xi32> to vector<16xi32>
      %gather3A_1569 = tpu.dynamic_gather %convert_element_type3A_1529[%gather3A_1568] in [0] : vector<16xf32>, vector<16xi32> -> vector<16xf32>
      %broadcast_in_dim3A_1570 = arith.constant 10 : i32
      %broadcast_in_dim3A_1571 = vector.broadcast %broadcast_in_dim3A_1570 : i32 to vector<16x1xi32>
      %gather3A_1572 = vector.shape_cast %broadcast_in_dim3A_1571 : vector<16x1xi32> to vector<16xi32>
      %gather3A_1573 = tpu.dynamic_gather %convert_element_type3A_1529[%gather3A_1572] in [0] : vector<16xf32>, vector<16xi32> -> vector<16xf32>
      %broadcast_in_dim3A_1574 = arith.constant 11 : i32
      %broadcast_in_dim3A_1575 = vector.broadcast %broadcast_in_dim3A_1574 : i32 to vector<16x1xi32>
      %gather3A_1576 = vector.shape_cast %broadcast_in_dim3A_1575 : vector<16x1xi32> to vector<16xi32>
      %gather3A_1577 = tpu.dynamic_gather %convert_element_type3A_1529[%gather3A_1576] in [0] : vector<16xf32>, vector<16xi32> -> vector<16xf32>
      %broadcast_in_dim3A_1578 = arith.constant 12 : i32
      %broadcast_in_dim3A_1579 = vector.broadcast %broadcast_in_dim3A_1578 : i32 to vector<16x1xi32>
      %gather3A_1580 = vector.shape_cast %broadcast_in_dim3A_1579 : vector<16x1xi32> to vector<16xi32>
      %gather3A_1581 = tpu.dynamic_gather %convert_element_type3A_1529[%gather3A_1580] in [0] : vector<16xf32>, vector<16xi32> -> vector<16xf32>
      %broadcast_in_dim3A_1582 = arith.constant 13 : i32
      %broadcast_in_dim3A_1583 = vector.broadcast %broadcast_in_dim3A_1582 : i32 to vector<16x1xi32>
      %gather3A_1584 = vector.shape_cast %broadcast_in_dim3A_1583 : vector<16x1xi32> to vector<16xi32>
      %gather3A_1585 = tpu.dynamic_gather %convert_element_type3A_1529[%gather3A_1584] in [0] : vector<16xf32>, vector<16xi32> -> vector<16xf32>
      %broadcast_in_dim3A_1586 = arith.constant 14 : i32
      %broadcast_in_dim3A_1587 = vector.broadcast %broadcast_in_dim3A_1586 : i32 to vector<16x1xi32>
      %gather3A_1588 = vector.shape_cast %broadcast_in_dim3A_1587 : vector<16x1xi32> to vector<16xi32>
      %gather3A_1589 = tpu.dynamic_gather %convert_element_type3A_1529[%gather3A_1588] in [0] : vector<16xf32>, vector<16xi32> -> vector<16xf32>
      %broadcast_in_dim3A_1590 = arith.constant 15 : i32
      %broadcast_in_dim3A_1591 = vector.broadcast %broadcast_in_dim3A_1590 : i32 to vector<16x1xi32>
      %gather3A_1592 = vector.shape_cast %broadcast_in_dim3A_1591 : vector<16x1xi32> to vector<16xi32>
      %gather3A_1593 = tpu.dynamic_gather %convert_element_type3A_1529[%gather3A_1592] in [0] : vector<16xf32>, vector<16xi32> -> vector<16xf32>
      %scan3A_1594 = arith.constant 0 : i32
      %scan3A_1595 = arith.constant 0 : i32
      %scan3A_1596 = arith.constant 64 : i32
      %scan3A_1597 = arith.addi %scan3A_1595, %scan3A_1596 : i32
      %scan3A_1598 = arith.constant 1 : i32
      scf.for %scan3A_1622 = %scan3A_1595 to %scan3A_1597 step %scan3A_1598  : i32 {
        %mul3A_1623 = arith.constant 16 : i32
        %mul3A_1624 = arith.muli %scan3A_1622, %mul3A_1623 : i32
        %get3A_1625 = arith.index_cast %mul3A_1624 : i32 to index
        %get3A_1626 = tpu.vector_load %arg6[%get3A_1625] {strides = array<i32>} : memref<2048xf32, #tpu.memory_space<vmem>>, vector<16xf32>,
        %get3A_1627 = vector.shape_cast %get3A_1626 : vector<16xf32> to vector<16xf32>
        %mul3A_1628 = arith.constant 16 : i32
        %mul3A_1629 = arith.muli %scan3A_1622, %mul3A_1628 : i32
        %add3A_1630 = arith.constant 1024 : i32
        %add3A_1631 = arith.addi %add3A_1630, %mul3A_1629 : i32
        %get3A_1632 = arith.index_cast %add3A_1631 : i32 to index
        %get3A_1633 = tpu.vector_load %arg6[%get3A_1632] {strides = array<i32>} : memref<2048xf32, #tpu.memory_space<vmem>>, vector<16xf32>,
        %get3A_1634 = vector.shape_cast %get3A_1633 : vector<16xf32> to vector<16xf32>
        %sub3A_1635 = arith.subf %get3A_1634, %get3A_1627 : vector<16xf32>
        %mul3A_1636 = arith.mulf %gather3A_1533, %sub3A_1635 : vector<16xf32>
        %add3A_1637 = arith.addf %get3A_1627, %mul3A_1636 : vector<16xf32>
        %swap3A = arith.constant 0 : i32
        %swap3A_1638 = arith.index_cast %swap3A : i32 to index
        %swap3A_1639 = arith.index_cast %mul3A_1624 : i32 to index
        %swap3A_1640 = tpu.vector_load %arg11[%swap3A_1638, %swap3A_1639] {strides = array<i32>} : memref<16x1024xf32, #tpu.memory_space<vmem>>, vector<1x16xf32>,
        %swap3A_1641 = vector.shape_cast %swap3A_1640 : vector<1x16xf32> to vector<16xf32>
        %swap3A_1642 = vector.shape_cast %add3A_1637 : vector<16xf32> to vector<1x16xf32>
        tpu.vector_store %arg11[%swap3A_1638, %swap3A_1639], %swap3A_1642 {add = true, strides = array<i32>} : memref<16x1024xf32, #tpu.memory_space<vmem>>, vector<1x16xf32>,
        %mul3A_1643 = arith.mulf %gather3A_1537, %sub3A_1635 : vector<16xf32>
        %add3A_1644 = arith.addf %get3A_1627, %mul3A_1643 : vector<16xf32>
        %swap3A_1645 = arith.constant 1 : i32
        %swap3A_1646 = arith.index_cast %swap3A_1645 : i32 to index
        %swap3A_1647 = arith.index_cast %mul3A_1624 : i32 to index
        %swap3A_1648 = tpu.vector_load %arg11[%swap3A_1646, %swap3A_1647] {strides = array<i32>} : memref<16x1024xf32, #tpu.memory_space<vmem>>, vector<1x16xf32>,
        %swap3A_1649 = vector.shape_cast %swap3A_1648 : vector<1x16xf32> to vector<16xf32>
        %swap3A_1650 = vector.shape_cast %add3A_1644 : vector<16xf32> to vector<1x16xf32>
        tpu.vector_store %arg11[%swap3A_1646, %swap3A_1647], %swap3A_1650 {add = true, strides = array<i32>} : memref<16x1024xf32, #tpu.memory_space<vmem>>, vector<1x16xf32>,
        %mul3A_1651 = arith.mulf %gather3A_1541, %sub3A_1635 : vector<16xf32>
        %add3A_1652 = arith.addf %get3A_1627, %mul3A_1651 : vector<16xf32>
        %swap3A_1653 = arith.constant 2 : i32
        %swap3A_1654 = arith.index_cast %swap3A_1653 : i32 to index
        %swap3A_1655 = arith.index_cast %mul3A_1624 : i32 to index
        %swap3A_1656 = tpu.vector_load %arg11[%swap3A_1654, %swap3A_1655] {strides = array<i32>} : memref<16x1024xf32, #tpu.memory_space<vmem>>, vector<1x16xf32>,
        %swap3A_1657 = vector.shape_cast %swap3A_1656 : vector<1x16xf32> to vector<16xf32>
        %swap3A_1658 = vector.shape_cast %add3A_1652 : vector<16xf32> to vector<1x16xf32>
        tpu.vector_store %arg11[%swap3A_1654, %swap3A_1655], %swap3A_1658 {add = true, strides = array<i32>} : memref<16x1024xf32, #tpu.memory_space<vmem>>, vector<1x16xf32>,
        %mul3A_1659 = arith.mulf %gather3A_1545, %sub3A_1635 : vector<16xf32>
        %add3A_1660 = arith.addf %get3A_1627, %mul3A_1659 : vector<16xf32>
        %swap3A_1661 = arith.constant 3 : i32
        %swap3A_1662 = arith.index_cast %swap3A_1661 : i32 to index
        %swap3A_1663 = arith.index_cast %mul3A_1624 : i32 to index
        %swap3A_1664 = tpu.vector_load %arg11[%swap3A_1662, %swap3A_1663] {strides = array<i32>} : memref<16x1024xf32, #tpu.memory_space<vmem>>, vector<1x16xf32>,
        %swap3A_1665 = vector.shape_cast %swap3A_1664 : vector<1x16xf32> to vector<16xf32>
        %swap3A_1666 = vector.shape_cast %add3A_1660 : vector<16xf32> to vector<1x16xf32>
        tpu.vector_store %arg11[%swap3A_1662, %swap3A_1663], %swap3A_1666 {add = true, strides = array<i32>} : memref<16x1024xf32, #tpu.memory_space<vmem>>, vector<1x16xf32>,
        %mul3A_1667 = arith.mulf %gather3A_1549, %sub3A_1635 : vector<16xf32>
        %add3A_1668 = arith.addf %get3A_1627, %mul3A_1667 : vector<16xf32>
        %swap3A_1669 = arith.constant 4 : i32
        %swap3A_1670 = arith.index_cast %swap3A_1669 : i32 to index
        %swap3A_1671 = arith.index_cast %mul3A_1624 : i32 to index
        %swap3A_1672 = tpu.vector_load %arg11[%swap3A_1670, %swap3A_1671] {strides = array<i32>} : memref<16x1024xf32, #tpu.memory_space<vmem>>, vector<1x16xf32>,
        %swap3A_1673 = vector.shape_cast %swap3A_1672 : vector<1x16xf32> to vector<16xf32>
        %swap3A_1674 = vector.shape_cast %add3A_1668 : vector<16xf32> to vector<1x16xf32>
        tpu.vector_store %arg11[%swap3A_1670, %swap3A_1671], %swap3A_1674 {add = true, strides = array<i32>} : memref<16x1024xf32, #tpu.memory_space<vmem>>, vector<1x16xf32>,
        %mul3A_1675 = arith.mulf %gather3A_1553, %sub3A_1635 : vector<16xf32>
        %add3A_1676 = arith.addf %get3A_1627, %mul3A_1675 : vector<16xf32>
        %swap3A_1677 = arith.constant 5 : i32
        %swap3A_1678 = arith.index_cast %swap3A_1677 : i32 to index
        %swap3A_1679 = arith.index_cast %mul3A_1624 : i32 to index
        %swap3A_1680 = tpu.vector_load %arg11[%swap3A_1678, %swap3A_1679] {strides = array<i32>} : memref<16x1024xf32, #tpu.memory_space<vmem>>, vector<1x16xf32>,
        %swap3A_1681 = vector.shape_cast %swap3A_1680 : vector<1x16xf32> to vector<16xf32>
        %swap3A_1682 = vector.shape_cast %add3A_1676 : vector<16xf32> to vector<1x16xf32>
        tpu.vector_store %arg11[%swap3A_1678, %swap3A_1679], %swap3A_1682 {add = true, strides = array<i32>} : memref<16x1024xf32, #tpu.memory_space<vmem>>, vector<1x16xf32>,
        %mul3A_1683 = arith.mulf %gather3A_1557, %sub3A_1635 : vector<16xf32>
        %add3A_1684 = arith.addf %get3A_1627, %mul3A_1683 : vector<16xf32>
        %swap3A_1685 = arith.constant 6 : i32
        %swap3A_1686 = arith.index_cast %swap3A_1685 : i32 to index
        %swap3A_1687 = arith.index_cast %mul3A_1624 : i32 to index
        %swap3A_1688 = tpu.vector_load %arg11[%swap3A_1686, %swap3A_1687] {strides = array<i32>} : memref<16x1024xf32, #tpu.memory_space<vmem>>, vector<1x16xf32>,
        %swap3A_1689 = vector.shape_cast %swap3A_1688 : vector<1x16xf32> to vector<16xf32>
        %swap3A_1690 = vector.shape_cast %add3A_1684 : vector<16xf32> to vector<1x16xf32>
        tpu.vector_store %arg11[%swap3A_1686, %swap3A_1687], %swap3A_1690 {add = true, strides = array<i32>} : memref<16x1024xf32, #tpu.memory_space<vmem>>, vector<1x16xf32>,
        %mul3A_1691 = arith.mulf %gather3A_1561, %sub3A_1635 : vector<16xf32>
        %add3A_1692 = arith.addf %get3A_1627, %mul3A_1691 : vector<16xf32>
        %swap3A_1693 = arith.constant 7 : i32
        %swap3A_1694 = arith.index_cast %swap3A_1693 : i32 to index
        %swap3A_1695 = arith.index_cast %mul3A_1624 : i32 to index
        %swap3A_1696 = tpu.vector_load %arg11[%swap3A_1694, %swap3A_1695] {strides = array<i32>} : memref<16x1024xf32, #tpu.memory_space<vmem>>, vector<1x16xf32>,
        %swap3A_1697 = vector.shape_cast %swap3A_1696 : vector<1x16xf32> to vector<16xf32>
        %swap3A_1698 = vector.shape_cast %add3A_1692 : vector<16xf32> to vector<1x16xf32>
        tpu.vector_store %arg11[%swap3A_1694, %swap3A_1695], %swap3A_1698 {add = true, strides = array<i32>} : memref<16x1024xf32, #tpu.memory_space<vmem>>, vector<1x16xf32>,
        %mul3A_1699 = arith.mulf %gather3A_1565, %sub3A_1635 : vector<16xf32>
        %add3A_1700 = arith.addf %get3A_1627, %mul3A_1699 : vector<16xf32>
        %swap3A_1701 = arith.constant 8 : i32
        %swap3A_1702 = arith.index_cast %swap3A_1701 : i32 to index
        %swap3A_1703 = arith.index_cast %mul3A_1624 : i32 to index
        %swap3A_1704 = tpu.vector_load %arg11[%swap3A_1702, %swap3A_1703] {strides = array<i32>} : memref<16x1024xf32, #tpu.memory_space<vmem>>, vector<1x16xf32>,
        %swap3A_1705 = vector.shape_cast %swap3A_1704 : vector<1x16xf32> to vector<16xf32>
        %swap3A_1706 = vector.shape_cast %add3A_1700 : vector<16xf32> to vector<1x16xf32>
        tpu.vector_store %arg11[%swap3A_1702, %swap3A_1703], %swap3A_1706 {add = true, strides = array<i32>} : memref<16x1024xf32, #tpu.memory_space<vmem>>, vector<1x16xf32>,
        %mul3A_1707 = arith.mulf %gather3A_1569, %sub3A_1635 : vector<16xf32>
        %add3A_1708 = arith.addf %get3A_1627, %mul3A_1707 : vector<16xf32>
        %swap3A_1709 = arith.constant 9 : i32
        %swap3A_1710 = arith.index_cast %swap3A_1709 : i32 to index
        %swap3A_1711 = arith.index_cast %mul3A_1624 : i32 to index
        %swap3A_1712 = tpu.vector_load %arg11[%swap3A_1710, %swap3A_1711] {strides = array<i32>} : memref<16x1024xf32, #tpu.memory_space<vmem>>, vector<1x16xf32>,
        %swap3A_1713 = vector.shape_cast %swap3A_1712 : vector<1x16xf32> to vector<16xf32>
        %swap3A_1714 = vector.shape_cast %add3A_1708 : vector<16xf32> to vector<1x16xf32>
        tpu.vector_store %arg11[%swap3A_1710, %swap3A_1711], %swap3A_1714 {add = true, strides = array<i32>} : memref<16x1024xf32, #tpu.memory_space<vmem>>, vector<1x16xf32>,
        %mul3A_1715 = arith.mulf %gather3A_1573, %sub3A_1635 : vector<16xf32>
        %add3A_1716 = arith.addf %get3A_1627, %mul3A_1715 : vector<16xf32>
        %swap3A_1717 = arith.constant 10 : i32
        %swap3A_1718 = arith.index_cast %swap3A_1717 : i32 to index
        %swap3A_1719 = arith.index_cast %mul3A_1624 : i32 to index
        %swap3A_1720 = tpu.vector_load %arg11[%swap3A_1718, %swap3A_1719] {strides = array<i32>} : memref<16x1024xf32, #tpu.memory_space<vmem>>, vector<1x16xf32>,
        %swap3A_1721 = vector.shape_cast %swap3A_1720 : vector<1x16xf32> to vector<16xf32>
        %swap3A_1722 = vector.shape_cast %add3A_1716 : vector<16xf32> to vector<1x16xf32>
        tpu.vector_store %arg11[%swap3A_1718, %swap3A_1719], %swap3A_1722 {add = true, strides = array<i32>} : memref<16x1024xf32, #tpu.memory_space<vmem>>, vector<1x16xf32>,
        %mul3A_1723 = arith.mulf %gather3A_1577, %sub3A_1635 : vector<16xf32>
        %add3A_1724 = arith.addf %get3A_1627, %mul3A_1723 : vector<16xf32>
        %swap3A_1725 = arith.constant 11 : i32
        %swap3A_1726 = arith.index_cast %swap3A_1725 : i32 to index
        %swap3A_1727 = arith.index_cast %mul3A_1624 : i32 to index
        %swap3A_1728 = tpu.vector_load %arg11[%swap3A_1726, %swap3A_1727] {strides = array<i32>} : memref<16x1024xf32, #tpu.memory_space<vmem>>, vector<1x16xf32>,
        %swap3A_1729 = vector.shape_cast %swap3A_1728 : vector<1x16xf32> to vector<16xf32>
        %swap3A_1730 = vector.shape_cast %add3A_1724 : vector<16xf32> to vector<1x16xf32>
        tpu.vector_store %arg11[%swap3A_1726, %swap3A_1727], %swap3A_1730 {add = true, strides = array<i32>} : memref<16x1024xf32, #tpu.memory_space<vmem>>, vector<1x16xf32>,
        %mul3A_1731 = arith.mulf %gather3A_1581, %sub3A_1635 : vector<16xf32>
        %add3A_1732 = arith.addf %get3A_1627, %mul3A_1731 : vector<16xf32>
        %swap3A_1733 = arith.constant 12 : i32
        %swap3A_1734 = arith.index_cast %swap3A_1733 : i32 to index
        %swap3A_1735 = arith.index_cast %mul3A_1624 : i32 to index
        %swap3A_1736 = tpu.vector_load %arg11[%swap3A_1734, %swap3A_1735] {strides = array<i32>} : memref<16x1024xf32, #tpu.memory_space<vmem>>, vector<1x16xf32>,
        %swap3A_1737 = vector.shape_cast %swap3A_1736 : vector<1x16xf32> to vector<16xf32>
        %swap3A_1738 = vector.shape_cast %add3A_1732 : vector<16xf32> to vector<1x16xf32>
        tpu.vector_store %arg11[%swap3A_1734, %swap3A_1735], %swap3A_1738 {add = true, strides = array<i32>} : memref<16x1024xf32, #tpu.memory_space<vmem>>, vector<1x16xf32>,
        %mul3A_1739 = arith.mulf %gather3A_1585, %sub3A_1635 : vector<16xf32>
        %add3A_1740 = arith.addf %get3A_1627, %mul3A_1739 : vector<16xf32>
        %swap3A_1741 = arith.constant 13 : i32
        %swap3A_1742 = arith.index_cast %swap3A_1741 : i32 to index
        %swap3A_1743 = arith.index_cast %mul3A_1624 : i32 to index
        %swap3A_1744 = tpu.vector_load %arg11[%swap3A_1742, %swap3A_1743] {strides = array<i32>} : memref<16x1024xf32, #tpu.memory_space<vmem>>, vector<1x16xf32>,
        %swap3A_1745 = vector.shape_cast %swap3A_1744 : vector<1x16xf32> to vector<16xf32>
        %swap3A_1746 = vector.shape_cast %add3A_1740 : vector<16xf32> to vector<1x16xf32>
        tpu.vector_store %arg11[%swap3A_1742, %swap3A_1743], %swap3A_1746 {add = true, strides = array<i32>} : memref<16x1024xf32, #tpu.memory_space<vmem>>, vector<1x16xf32>,
        %mul3A_1747 = arith.mulf %gather3A_1589, %sub3A_1635 : vector<16xf32>
        %add3A_1748 = arith.addf %get3A_1627, %mul3A_1747 : vector<16xf32>
        %swap3A_1749 = arith.constant 14 : i32
        %swap3A_1750 = arith.index_cast %swap3A_1749 : i32 to index
        %swap3A_1751 = arith.index_cast %mul3A_1624 : i32 to index
        %swap3A_1752 = tpu.vector_load %arg11[%swap3A_1750, %swap3A_1751] {strides = array<i32>} : memref<16x1024xf32, #tpu.memory_space<vmem>>, vector<1x16xf32>,
        %swap3A_1753 = vector.shape_cast %swap3A_1752 : vector<1x16xf32> to vector<16xf32>
        %swap3A_1754 = vector.shape_cast %add3A_1748 : vector<16xf32> to vector<1x16xf32>
        tpu.vector_store %arg11[%swap3A_1750, %swap3A_1751], %swap3A_1754 {add = true, strides = array<i32>} : memref<16x1024xf32, #tpu.memory_space<vmem>>, vector<1x16xf32>,
        %mul3A_1755 = arith.mulf %gather3A_1593, %sub3A_1635 : vector<16xf32>
        %add3A_1756 = arith.addf %get3A_1627, %mul3A_1755 : vector<16xf32>
        %swap3A_1757 = arith.constant 15 : i32
        %swap3A_1758 = arith.index_cast %swap3A_1757 : i32 to index
        %swap3A_1759 = arith.index_cast %mul3A_1624 : i32 to index
        %swap3A_1760 = tpu.vector_load %arg11[%swap3A_1758, %swap3A_1759] {strides = array<i32>} : memref<16x1024xf32, #tpu.memory_space<vmem>>, vector<1x16xf32>,
        %swap3A_1761 = vector.shape_cast %swap3A_1760 : vector<1x16xf32> to vector<16xf32>
        %swap3A_1762 = vector.shape_cast %add3A_1756 : vector<16xf32> to vector<1x16xf32>
        tpu.vector_store %arg11[%swap3A_1758, %swap3A_1759], %swap3A_1762 {add = true, strides = array<i32>} : memref<16x1024xf32, #tpu.memory_space<vmem>>, vector<1x16xf32>,
      }
      %scan3A_1599 = arith.constant 64 : i32
      %mul3A_1600 = arith.constant 16 : i32
      %mul3A_1601 = arith.muli %add3A_1517, %mul3A_1600 : i32
      %add3A_1602 = arith.addi %mul3A_2, %mul3A_1601 : i32
      %dma_start3A_1603 = arith.constant 0 : i32
      %dma_start3A_1604 = tpu.memref_slice %arg5[%add3A_1602, %dma_start3A_1603] : memref<32768x1024xf32, #tpu.memory_space<hbm>> -> memref<16x1024xf32, #tpu.memory_space<hbm>>
      %dma_start3A_1605 = arith.constant 0 : i32
      %dma_start3A_1606 = tpu.memref_slice %arg5[%add3A_1602, %dma_start3A_1605] : memref<32768x1024xf32, #tpu.memory_space<hbm>> -> memref<16x1024xf32, #tpu.memory_space<hbm>>
      tpu.enqueue_dma source(%arg11 : memref<16x1024xf32, #tpu.memory_space<vmem>>) target(%dma_start3A_1606 : memref<16x1024xf32, #tpu.memory_space<hbm>>) target_semaphore(%arg23 : memref<!tpu.dma_semaphore, #tpu.memory_space<semaphore_mem>>)
      %dma_wait3A_1607 = arith.constant 0 : i32
      %dma_wait3A_1608 = arith.constant 0 : i32
      %dma_wait3A_1609 = tpu.memref_slice %arg5[%dma_wait3A_1607, %dma_wait3A_1608] : memref<32768x1024xf32, #tpu.memory_space<hbm>> -> memref<16x1024xf32, #tpu.memory_space<hbm>>
      %dma_wait3A_1610 = arith.constant 0 : i32
      %dma_wait3A_1611 = arith.constant 0 : i32
      %dma_wait3A_1612 = tpu.memref_slice %arg5[%dma_wait3A_1610, %dma_wait3A_1611] : memref<32768x1024xf32, #tpu.memory_space<hbm>> -> memref<16x1024xf32, #tpu.memory_space<hbm>>
      tpu.wait_dma2 semaphore(%arg21 : memref<!tpu.dma_semaphore, #tpu.memory_space<semaphore_mem>>) src(%arg9 : memref<16x1024xf32, #tpu.memory_space<vmem>>) dst(%dma_wait3A_1612 : memref<16x1024xf32, #tpu.memory_space<hbm>>)
      %add3A_1613 = arith.constant 4 : i32
      %add3A_1614 = arith.addi %add3A_1517, %add3A_1613 : i32
      %mul3A_1615 = arith.constant 16 : i32
      %mul3A_1616 = arith.muli %add3A_1614, %mul3A_1615 : i32
      %add3A_1617 = arith.addi %mul3A_2, %mul3A_1616 : i32
      %dma_start3A_1618 = arith.constant 0 : i32
      %dma_start3A_1619 = tpu.memref_slice %arg2[%add3A_1617, %dma_start3A_1618] : memref<32768x1024xf32, #tpu.memory_space<hbm>> -> memref<16x1024xf32, #tpu.memory_space<hbm>>
      %dma_start3A_1620 = arith.constant 0 : i32
      %dma_start3A_1621 = tpu.memref_slice %arg2[%add3A_1617, %dma_start3A_1620] : memref<32768x1024xf32, #tpu.memory_space<hbm>> -> memref<16x1024xf32, #tpu.memory_space<hbm>>
      tpu.enqueue_dma source(%dma_start3A_1621 : memref<16x1024xf32, #tpu.memory_space<hbm>>) target(%arg9 : memref<16x1024xf32, #tpu.memory_space<vmem>>) target_semaphore(%arg15 : memref<!tpu.dma_semaphore, #tpu.memory_space<semaphore_mem>>)
    }
    %scan3A_405 = arith.constant 9 : i32
    %dma_wait3A_406 = arith.constant 0 : i32
    %dma_wait3A_407 = arith.constant 0 : i32
    %dma_wait3A_408 = tpu.memref_slice %arg2[%dma_wait3A_406, %dma_wait3A_407] : memref<32768x1024xf32, #tpu.memory_space<hbm>> -> memref<16x1024xf32, #tpu.memory_space<hbm>>
    %dma_wait3A_409 = arith.constant 0 : i32
    %dma_wait3A_410 = arith.constant 0 : i32
    %dma_wait3A_411 = tpu.memref_slice %arg2[%dma_wait3A_409, %dma_wait3A_410] : memref<32768x1024xf32, #tpu.memory_space<hbm>> -> memref<16x1024xf32, #tpu.memory_space<hbm>>
    tpu.wait_dma2 semaphore(%arg18 : memref<!tpu.dma_semaphore, #tpu.memory_space<semaphore_mem>>) src(%dma_wait3A_411 : memref<16x1024xf32, #tpu.memory_space<hbm>>) dst(%arg12 : memref<16x1024xf32, #tpu.memory_space<vmem>>)
    %get3A_412 = arith.constant 928 : index
    %get3A_413 = tpu.vector_load %arg7[%get3A_412] {strides = array<i32>} : memref<1024xi32, #tpu.memory_space<vmem>>, vector<16xi32>,
    %get3A_414 = vector.shape_cast %get3A_413 : vector<16xi32> to vector<16xi32>
    %convert_element_type3A_415 = arith.sitofp %get3A_414 : vector<16xi32> to vector<16xf32>
    %broadcast_in_dim3A_416 = arith.constant 0 : i32
    %broadcast_in_dim3A_417 = vector.broadcast %broadcast_in_dim3A_416 : i32 to vector<16x1xi32>
    %gather3A_418 = vector.shape_cast %broadcast_in_dim3A_417 : vector<16x1xi32> to vector<16xi32>
    %gather3A_419 = tpu.dynamic_gather %convert_element_type3A_415[%gather3A_418] in [0] : vector<16xf32>, vector<16xi32> -> vector<16xf32>
    %broadcast_in_dim3A_420 = arith.constant 1 : i32
    %broadcast_in_dim3A_421 = vector.broadcast %broadcast_in_dim3A_420 : i32 to vector<16x1xi32>
    %gather3A_422 = vector.shape_cast %broadcast_in_dim3A_421 : vector<16x1xi32> to vector<16xi32>
    %gather3A_423 = tpu.dynamic_gather %convert_element_type3A_415[%gather3A_422] in [0] : vector<16xf32>, vector<16xi32> -> vector<16xf32>
    %broadcast_in_dim3A_424 = arith.constant 2 : i32
    %broadcast_in_dim3A_425 = vector.broadcast %broadcast_in_dim3A_424 : i32 to vector<16x1xi32>
    %gather3A_426 = vector.shape_cast %broadcast_in_dim3A_425 : vector<16x1xi32> to vector<16xi32>
    %gather3A_427 = tpu.dynamic_gather %convert_element_type3A_415[%gather3A_426] in [0] : vector<16xf32>, vector<16xi32> -> vector<16xf32>
    %broadcast_in_dim3A_428 = arith.constant 3 : i32
    %broadcast_in_dim3A_429 = vector.broadcast %broadcast_in_dim3A_428 : i32 to vector<16x1xi32>
    %gather3A_430 = vector.shape_cast %broadcast_in_dim3A_429 : vector<16x1xi32> to vector<16xi32>
    %gather3A_431 = tpu.dynamic_gather %convert_element_type3A_415[%gather3A_430] in [0] : vector<16xf32>, vector<16xi32> -> vector<16xf32>
    %broadcast_in_dim3A_432 = arith.constant 4 : i32
    %broadcast_in_dim3A_433 = vector.broadcast %broadcast_in_dim3A_432 : i32 to vector<16x1xi32>
    %gather3A_434 = vector.shape_cast %broadcast_in_dim3A_433 : vector<16x1xi32> to vector<16xi32>
    %gather3A_435 = tpu.dynamic_gather %convert_element_type3A_415[%gather3A_434] in [0] : vector<16xf32>, vector<16xi32> -> vector<16xf32>
    %broadcast_in_dim3A_436 = arith.constant 5 : i32
    %broadcast_in_dim3A_437 = vector.broadcast %broadcast_in_dim3A_436 : i32 to vector<16x1xi32>
    %gather3A_438 = vector.shape_cast %broadcast_in_dim3A_437 : vector<16x1xi32> to vector<16xi32>
    %gather3A_439 = tpu.dynamic_gather %convert_element_type3A_415[%gather3A_438] in [0] : vector<16xf32>, vector<16xi32> -> vector<16xf32>
    %broadcast_in_dim3A_440 = arith.constant 6 : i32
    %broadcast_in_dim3A_441 = vector.broadcast %broadcast_in_dim3A_440 : i32 to vector<16x1xi32>
    %gather3A_442 = vector.shape_cast %broadcast_in_dim3A_441 : vector<16x1xi32> to vector<16xi32>
    %gather3A_443 = tpu.dynamic_gather %convert_element_type3A_415[%gather3A_442] in [0] : vector<16xf32>, vector<16xi32> -> vector<16xf32>
    %broadcast_in_dim3A_444 = arith.constant 7 : i32
    %broadcast_in_dim3A_445 = vector.broadcast %broadcast_in_dim3A_444 : i32 to vector<16x1xi32>
    %gather3A_446 = vector.shape_cast %broadcast_in_dim3A_445 : vector<16x1xi32> to vector<16xi32>
    %gather3A_447 = tpu.dynamic_gather %convert_element_type3A_415[%gather3A_446] in [0] : vector<16xf32>, vector<16xi32> -> vector<16xf32>
    %broadcast_in_dim3A_448 = arith.constant 8 : i32
    %broadcast_in_dim3A_449 = vector.broadcast %broadcast_in_dim3A_448 : i32 to vector<16x1xi32>
    %gather3A_450 = vector.shape_cast %broadcast_in_dim3A_449 : vector<16x1xi32> to vector<16xi32>
    %gather3A_451 = tpu.dynamic_gather %convert_element_type3A_415[%gather3A_450] in [0] : vector<16xf32>, vector<16xi32> -> vector<16xf32>
    %broadcast_in_dim3A_452 = arith.constant 9 : i32
    %broadcast_in_dim3A_453 = vector.broadcast %broadcast_in_dim3A_452 : i32 to vector<16x1xi32>
    %gather3A_454 = vector.shape_cast %broadcast_in_dim3A_453 : vector<16x1xi32> to vector<16xi32>
    %gather3A_455 = tpu.dynamic_gather %convert_element_type3A_415[%gather3A_454] in [0] : vector<16xf32>, vector<16xi32> -> vector<16xf32>
    %broadcast_in_dim3A_456 = arith.constant 10 : i32
    %broadcast_in_dim3A_457 = vector.broadcast %broadcast_in_dim3A_456 : i32 to vector<16x1xi32>
    %gather3A_458 = vector.shape_cast %broadcast_in_dim3A_457 : vector<16x1xi32> to vector<16xi32>
    %gather3A_459 = tpu.dynamic_gather %convert_element_type3A_415[%gather3A_458] in [0] : vector<16xf32>, vector<16xi32> -> vector<16xf32>
    %broadcast_in_dim3A_460 = arith.constant 11 : i32
    %broadcast_in_dim3A_461 = vector.broadcast %broadcast_in_dim3A_460 : i32 to vector<16x1xi32>
    %gather3A_462 = vector.shape_cast %broadcast_in_dim3A_461 : vector<16x1xi32> to vector<16xi32>
    %gather3A_463 = tpu.dynamic_gather %convert_element_type3A_415[%gather3A_462] in [0] : vector<16xf32>, vector<16xi32> -> vector<16xf32>
    %broadcast_in_dim3A_464 = arith.constant 12 : i32
    %broadcast_in_dim3A_465 = vector.broadcast %broadcast_in_dim3A_464 : i32 to vector<16x1xi32>
    %gather3A_466 = vector.shape_cast %broadcast_in_dim3A_465 : vector<16x1xi32> to vector<16xi32>
    %gather3A_467 = tpu.dynamic_gather %convert_element_type3A_415[%gather3A_466] in [0] : vector<16xf32>, vector<16xi32> -> vector<16xf32>
    %broadcast_in_dim3A_468 = arith.constant 13 : i32
    %broadcast_in_dim3A_469 = vector.broadcast %broadcast_in_dim3A_468 : i32 to vector<16x1xi32>
    %gather3A_470 = vector.shape_cast %broadcast_in_dim3A_469 : vector<16x1xi32> to vector<16xi32>
    %gather3A_471 = tpu.dynamic_gather %convert_element_type3A_415[%gather3A_470] in [0] : vector<16xf32>, vector<16xi32> -> vector<16xf32>
    %broadcast_in_dim3A_472 = arith.constant 14 : i32
    %broadcast_in_dim3A_473 = vector.broadcast %broadcast_in_dim3A_472 : i32 to vector<16x1xi32>
    %gather3A_474 = vector.shape_cast %broadcast_in_dim3A_473 : vector<16x1xi32> to vector<16xi32>
    %gather3A_475 = tpu.dynamic_gather %convert_element_type3A_415[%gather3A_474] in [0] : vector<16xf32>, vector<16xi32> -> vector<16xf32>
    %broadcast_in_dim3A_476 = arith.constant 15 : i32
    %broadcast_in_dim3A_477 = vector.broadcast %broadcast_in_dim3A_476 : i32 to vector<16x1xi32>
    %gather3A_478 = vector.shape_cast %broadcast_in_dim3A_477 : vector<16x1xi32> to vector<16xi32>
    %gather3A_479 = tpu.dynamic_gather %convert_element_type3A_415[%gather3A_478] in [0] : vector<16xf32>, vector<16xi32> -> vector<16xf32>
    %scan3A_480 = arith.constant 0 : i32
    %scan3A_481 = arith.constant 0 : i32
    %scan3A_482 = arith.constant 64 : i32
    %scan3A_483 = arith.addi %scan3A_481, %scan3A_482 : i32
    %scan3A_484 = arith.constant 1 : i32
    scf.for %scan3A_982 = %scan3A_481 to %scan3A_483 step %scan3A_484  : i32 {
      %mul3A_983 = arith.constant 16 : i32
      %mul3A_984 = arith.muli %scan3A_982, %mul3A_983 : i32
      %get3A_985 = arith.index_cast %mul3A_984 : i32 to index
      %get3A_986 = tpu.vector_load %arg6[%get3A_985] {strides = array<i32>} : memref<2048xf32, #tpu.memory_space<vmem>>, vector<16xf32>,
      %get3A_987 = vector.shape_cast %get3A_986 : vector<16xf32> to vector<16xf32>
      %mul3A_988 = arith.constant 16 : i32
      %mul3A_989 = arith.muli %scan3A_982, %mul3A_988 : i32
      %add3A_990 = arith.constant 1024 : i32
      %add3A_991 = arith.addi %add3A_990, %mul3A_989 : i32
      %get3A_992 = arith.index_cast %add3A_991 : i32 to index
      %get3A_993 = tpu.vector_load %arg6[%get3A_992] {strides = array<i32>} : memref<2048xf32, #tpu.memory_space<vmem>>, vector<16xf32>,
      %get3A_994 = vector.shape_cast %get3A_993 : vector<16xf32> to vector<16xf32>
      %sub3A = arith.subf %get3A_994, %get3A_987 : vector<16xf32>
      %mul3A_995 = arith.mulf %gather3A_419, %sub3A : vector<16xf32>
      %add3A_996 = arith.addf %get3A_987, %mul3A_995 : vector<16xf32>
      %swap3A = arith.constant 0 : i32
      %swap3A_997 = arith.index_cast %swap3A : i32 to index
      %swap3A_998 = arith.index_cast %mul3A_984 : i32 to index
      %swap3A_999 = tpu.vector_load %arg12[%swap3A_997, %swap3A_998] {strides = array<i32>} : memref<16x1024xf32, #tpu.memory_space<vmem>>, vector<1x16xf32>,
      %swap3A_1000 = vector.shape_cast %swap3A_999 : vector<1x16xf32> to vector<16xf32>
      %swap3A_1001 = vector.shape_cast %add3A_996 : vector<16xf32> to vector<1x16xf32>
      tpu.vector_store %arg12[%swap3A_997, %swap3A_998], %swap3A_1001 {add = true, strides = array<i32>} : memref<16x1024xf32, #tpu.memory_space<vmem>>, vector<1x16xf32>,
      %mul3A_1002 = arith.mulf %gather3A_423, %sub3A : vector<16xf32>
      %add3A_1003 = arith.addf %get3A_987, %mul3A_1002 : vector<16xf32>
      %swap3A_1004 = arith.constant 1 : i32
      %swap3A_1005 = arith.index_cast %swap3A_1004 : i32 to index
      %swap3A_1006 = arith.index_cast %mul3A_984 : i32 to index
      %swap3A_1007 = tpu.vector_load %arg12[%swap3A_1005, %swap3A_1006] {strides = array<i32>} : memref<16x1024xf32, #tpu.memory_space<vmem>>, vector<1x16xf32>,
      %swap3A_1008 = vector.shape_cast %swap3A_1007 : vector<1x16xf32> to vector<16xf32>
      %swap3A_1009 = vector.shape_cast %add3A_1003 : vector<16xf32> to vector<1x16xf32>
      tpu.vector_store %arg12[%swap3A_1005, %swap3A_1006], %swap3A_1009 {add = true, strides = array<i32>} : memref<16x1024xf32, #tpu.memory_space<vmem>>, vector<1x16xf32>,
      %mul3A_1010 = arith.mulf %gather3A_427, %sub3A : vector<16xf32>
      %add3A_1011 = arith.addf %get3A_987, %mul3A_1010 : vector<16xf32>
      %swap3A_1012 = arith.constant 2 : i32
      %swap3A_1013 = arith.index_cast %swap3A_1012 : i32 to index
      %swap3A_1014 = arith.index_cast %mul3A_984 : i32 to index
      %swap3A_1015 = tpu.vector_load %arg12[%swap3A_1013, %swap3A_1014] {strides = array<i32>} : memref<16x1024xf32, #tpu.memory_space<vmem>>, vector<1x16xf32>,
      %swap3A_1016 = vector.shape_cast %swap3A_1015 : vector<1x16xf32> to vector<16xf32>
      %swap3A_1017 = vector.shape_cast %add3A_1011 : vector<16xf32> to vector<1x16xf32>
      tpu.vector_store %arg12[%swap3A_1013, %swap3A_1014], %swap3A_1017 {add = true, strides = array<i32>} : memref<16x1024xf32, #tpu.memory_space<vmem>>, vector<1x16xf32>,
      %mul3A_1018 = arith.mulf %gather3A_431, %sub3A : vector<16xf32>
      %add3A_1019 = arith.addf %get3A_987, %mul3A_1018 : vector<16xf32>
      %swap3A_1020 = arith.constant 3 : i32
      %swap3A_1021 = arith.index_cast %swap3A_1020 : i32 to index
      %swap3A_1022 = arith.index_cast %mul3A_984 : i32 to index
      %swap3A_1023 = tpu.vector_load %arg12[%swap3A_1021, %swap3A_1022] {strides = array<i32>} : memref<16x1024xf32, #tpu.memory_space<vmem>>, vector<1x16xf32>,
      %swap3A_1024 = vector.shape_cast %swap3A_1023 : vector<1x16xf32> to vector<16xf32>
      %swap3A_1025 = vector.shape_cast %add3A_1019 : vector<16xf32> to vector<1x16xf32>
      tpu.vector_store %arg12[%swap3A_1021, %swap3A_1022], %swap3A_1025 {add = true, strides = array<i32>} : memref<16x1024xf32, #tpu.memory_space<vmem>>, vector<1x16xf32>,
      %mul3A_1026 = arith.mulf %gather3A_435, %sub3A : vector<16xf32>
      %add3A_1027 = arith.addf %get3A_987, %mul3A_1026 : vector<16xf32>
      %swap3A_1028 = arith.constant 4 : i32
      %swap3A_1029 = arith.index_cast %swap3A_1028 : i32 to index
      %swap3A_1030 = arith.index_cast %mul3A_984 : i32 to index
      %swap3A_1031 = tpu.vector_load %arg12[%swap3A_1029, %swap3A_1030] {strides = array<i32>} : memref<16x1024xf32, #tpu.memory_space<vmem>>, vector<1x16xf32>,
      %swap3A_1032 = vector.shape_cast %swap3A_1031 : vector<1x16xf32> to vector<16xf32>
      %swap3A_1033 = vector.shape_cast %add3A_1027 : vector<16xf32> to vector<1x16xf32>
      tpu.vector_store %arg12[%swap3A_1029, %swap3A_1030], %swap3A_1033 {add = true, strides = array<i32>} : memref<16x1024xf32, #tpu.memory_space<vmem>>, vector<1x16xf32>,
      %mul3A_1034 = arith.mulf %gather3A_439, %sub3A : vector<16xf32>
      %add3A_1035 = arith.addf %get3A_987, %mul3A_1034 : vector<16xf32>
      %swap3A_1036 = arith.constant 5 : i32
      %swap3A_1037 = arith.index_cast %swap3A_1036 : i32 to index
      %swap3A_1038 = arith.index_cast %mul3A_984 : i32 to index
      %swap3A_1039 = tpu.vector_load %arg12[%swap3A_1037, %swap3A_1038] {strides = array<i32>} : memref<16x1024xf32, #tpu.memory_space<vmem>>, vector<1x16xf32>,
      %swap3A_1040 = vector.shape_cast %swap3A_1039 : vector<1x16xf32> to vector<16xf32>
      %swap3A_1041 = vector.shape_cast %add3A_1035 : vector<16xf32> to vector<1x16xf32>
      tpu.vector_store %arg12[%swap3A_1037, %swap3A_1038], %swap3A_1041 {add = true, strides = array<i32>} : memref<16x1024xf32, #tpu.memory_space<vmem>>, vector<1x16xf32>,
      %mul3A_1042 = arith.mulf %gather3A_443, %sub3A : vector<16xf32>
      %add3A_1043 = arith.addf %get3A_987, %mul3A_1042 : vector<16xf32>
      %swap3A_1044 = arith.constant 6 : i32
      %swap3A_1045 = arith.index_cast %swap3A_1044 : i32 to index
      %swap3A_1046 = arith.index_cast %mul3A_984 : i32 to index
      %swap3A_1047 = tpu.vector_load %arg12[%swap3A_1045, %swap3A_1046] {strides = array<i32>} : memref<16x1024xf32, #tpu.memory_space<vmem>>, vector<1x16xf32>,
      %swap3A_1048 = vector.shape_cast %swap3A_1047 : vector<1x16xf32> to vector<16xf32>
      %swap3A_1049 = vector.shape_cast %add3A_1043 : vector<16xf32> to vector<1x16xf32>
      tpu.vector_store %arg12[%swap3A_1045, %swap3A_1046], %swap3A_1049 {add = true, strides = array<i32>} : memref<16x1024xf32, #tpu.memory_space<vmem>>, vector<1x16xf32>,
      %mul3A_1050 = arith.mulf %gather3A_447, %sub3A : vector<16xf32>
      %add3A_1051 = arith.addf %get3A_987, %mul3A_1050 : vector<16xf32>
      %swap3A_1052 = arith.constant 7 : i32
      %swap3A_1053 = arith.index_cast %swap3A_1052 : i32 to index
      %swap3A_1054 = arith.index_cast %mul3A_984 : i32 to index
      %swap3A_1055 = tpu.vector_load %arg12[%swap3A_1053, %swap3A_1054] {strides = array<i32>} : memref<16x1024xf32, #tpu.memory_space<vmem>>, vector<1x16xf32>,
      %swap3A_1056 = vector.shape_cast %swap3A_1055 : vector<1x16xf32> to vector<16xf32>
      %swap3A_1057 = vector.shape_cast %add3A_1051 : vector<16xf32> to vector<1x16xf32>
      tpu.vector_store %arg12[%swap3A_1053, %swap3A_1054], %swap3A_1057 {add = true, strides = array<i32>} : memref<16x1024xf32, #tpu.memory_space<vmem>>, vector<1x16xf32>,
      %mul3A_1058 = arith.mulf %gather3A_451, %sub3A : vector<16xf32>
      %add3A_1059 = arith.addf %get3A_987, %mul3A_1058 : vector<16xf32>
      %swap3A_1060 = arith.constant 8 : i32
      %swap3A_1061 = arith.index_cast %swap3A_1060 : i32 to index
      %swap3A_1062 = arith.index_cast %mul3A_984 : i32 to index
      %swap3A_1063 = tpu.vector_load %arg12[%swap3A_1061, %swap3A_1062] {strides = array<i32>} : memref<16x1024xf32, #tpu.memory_space<vmem>>, vector<1x16xf32>,
      %swap3A_1064 = vector.shape_cast %swap3A_1063 : vector<1x16xf32> to vector<16xf32>
      %swap3A_1065 = vector.shape_cast %add3A_1059 : vector<16xf32> to vector<1x16xf32>
      tpu.vector_store %arg12[%swap3A_1061, %swap3A_1062], %swap3A_1065 {add = true, strides = array<i32>} : memref<16x1024xf32, #tpu.memory_space<vmem>>, vector<1x16xf32>,
      %mul3A_1066 = arith.mulf %gather3A_455, %sub3A : vector<16xf32>
      %add3A_1067 = arith.addf %get3A_987, %mul3A_1066 : vector<16xf32>
      %swap3A_1068 = arith.constant 9 : i32
      %swap3A_1069 = arith.index_cast %swap3A_1068 : i32 to index
      %swap3A_1070 = arith.index_cast %mul3A_984 : i32 to index
      %swap3A_1071 = tpu.vector_load %arg12[%swap3A_1069, %swap3A_1070] {strides = array<i32>} : memref<16x1024xf32, #tpu.memory_space<vmem>>, vector<1x16xf32>,
      %swap3A_1072 = vector.shape_cast %swap3A_1071 : vector<1x16xf32> to vector<16xf32>
      %swap3A_1073 = vector.shape_cast %add3A_1067 : vector<16xf32> to vector<1x16xf32>
      tpu.vector_store %arg12[%swap3A_1069, %swap3A_1070], %swap3A_1073 {add = true, strides = array<i32>} : memref<16x1024xf32, #tpu.memory_space<vmem>>, vector<1x16xf32>,
      %mul3A_1074 = arith.mulf %gather3A_459, %sub3A : vector<16xf32>
      %add3A_1075 = arith.addf %get3A_987, %mul3A_1074 : vector<16xf32>
      %swap3A_1076 = arith.constant 10 : i32
      %swap3A_1077 = arith.index_cast %swap3A_1076 : i32 to index
      %swap3A_1078 = arith.index_cast %mul3A_984 : i32 to index
      %swap3A_1079 = tpu.vector_load %arg12[%swap3A_1077, %swap3A_1078] {strides = array<i32>} : memref<16x1024xf32, #tpu.memory_space<vmem>>, vector<1x16xf32>,
      %swap3A_1080 = vector.shape_cast %swap3A_1079 : vector<1x16xf32> to vector<16xf32>
      %swap3A_1081 = vector.shape_cast %add3A_1075 : vector<16xf32> to vector<1x16xf32>
      tpu.vector_store %arg12[%swap3A_1077, %swap3A_1078], %swap3A_1081 {add = true, strides = array<i32>} : memref<16x1024xf32, #tpu.memory_space<vmem>>, vector<1x16xf32>,
      %mul3A_1082 = arith.mulf %gather3A_463, %sub3A : vector<16xf32>
      %add3A_1083 = arith.addf %get3A_987, %mul3A_1082 : vector<16xf32>
      %swap3A_1084 = arith.constant 11 : i32
      %swap3A_1085 = arith.index_cast %swap3A_1084 : i32 to index
      %swap3A_1086 = arith.index_cast %mul3A_984 : i32 to index
      %swap3A_1087 = tpu.vector_load %arg12[%swap3A_1085, %swap3A_1086] {strides = array<i32>} : memref<16x1024xf32, #tpu.memory_space<vmem>>, vector<1x16xf32>,
      %swap3A_1088 = vector.shape_cast %swap3A_1087 : vector<1x16xf32> to vector<16xf32>
      %swap3A_1089 = vector.shape_cast %add3A_1083 : vector<16xf32> to vector<1x16xf32>
      tpu.vector_store %arg12[%swap3A_1085, %swap3A_1086], %swap3A_1089 {add = true, strides = array<i32>} : memref<16x1024xf32, #tpu.memory_space<vmem>>, vector<1x16xf32>,
      %mul3A_1090 = arith.mulf %gather3A_467, %sub3A : vector<16xf32>
      %add3A_1091 = arith.addf %get3A_987, %mul3A_1090 : vector<16xf32>
      %swap3A_1092 = arith.constant 12 : i32
      %swap3A_1093 = arith.index_cast %swap3A_1092 : i32 to index
      %swap3A_1094 = arith.index_cast %mul3A_984 : i32 to index
      %swap3A_1095 = tpu.vector_load %arg12[%swap3A_1093, %swap3A_1094] {strides = array<i32>} : memref<16x1024xf32, #tpu.memory_space<vmem>>, vector<1x16xf32>,
      %swap3A_1096 = vector.shape_cast %swap3A_1095 : vector<1x16xf32> to vector<16xf32>
      %swap3A_1097 = vector.shape_cast %add3A_1091 : vector<16xf32> to vector<1x16xf32>
      tpu.vector_store %arg12[%swap3A_1093, %swap3A_1094], %swap3A_1097 {add = true, strides = array<i32>} : memref<16x1024xf32, #tpu.memory_space<vmem>>, vector<1x16xf32>,
      %mul3A_1098 = arith.mulf %gather3A_471, %sub3A : vector<16xf32>
      %add3A_1099 = arith.addf %get3A_987, %mul3A_1098 : vector<16xf32>
      %swap3A_1100 = arith.constant 13 : i32
      %swap3A_1101 = arith.index_cast %swap3A_1100 : i32 to index
      %swap3A_1102 = arith.index_cast %mul3A_984 : i32 to index
      %swap3A_1103 = tpu.vector_load %arg12[%swap3A_1101, %swap3A_1102] {strides = array<i32>} : memref<16x1024xf32, #tpu.memory_space<vmem>>, vector<1x16xf32>,
      %swap3A_1104 = vector.shape_cast %swap3A_1103 : vector<1x16xf32> to vector<16xf32>
      %swap3A_1105 = vector.shape_cast %add3A_1099 : vector<16xf32> to vector<1x16xf32>
      tpu.vector_store %arg12[%swap3A_1101, %swap3A_1102], %swap3A_1105 {add = true, strides = array<i32>} : memref<16x1024xf32, #tpu.memory_space<vmem>>, vector<1x16xf32>,
      %mul3A_1106 = arith.mulf %gather3A_475, %sub3A : vector<16xf32>
      %add3A_1107 = arith.addf %get3A_987, %mul3A_1106 : vector<16xf32>
      %swap3A_1108 = arith.constant 14 : i32
      %swap3A_1109 = arith.index_cast %swap3A_1108 : i32 to index
      %swap3A_1110 = arith.index_cast %mul3A_984 : i32 to index
      %swap3A_1111 = tpu.vector_load %arg12[%swap3A_1109, %swap3A_1110] {strides = array<i32>} : memref<16x1024xf32, #tpu.memory_space<vmem>>, vector<1x16xf32>,
      %swap3A_1112 = vector.shape_cast %swap3A_1111 : vector<1x16xf32> to vector<16xf32>
      %swap3A_1113 = vector.shape_cast %add3A_1107 : vector<16xf32> to vector<1x16xf32>
      tpu.vector_store %arg12[%swap3A_1109, %swap3A_1110], %swap3A_1113 {add = true, strides = array<i32>} : memref<16x1024xf32, #tpu.memory_space<vmem>>, vector<1x16xf32>,
      %mul3A_1114 = arith.mulf %gather3A_479, %sub3A : vector<16xf32>
      %add3A_1115 = arith.addf %get3A_987, %mul3A_1114 : vector<16xf32>
      %swap3A_1116 = arith.constant 15 : i32
      %swap3A_1117 = arith.index_cast %swap3A_1116 : i32 to index
      %swap3A_1118 = arith.index_cast %mul3A_984 : i32 to index
      %swap3A_1119 = tpu.vector_load %arg12[%swap3A_1117, %swap3A_1118] {strides = array<i32>} : memref<16x1024xf32, #tpu.memory_space<vmem>>, vector<1x16xf32>,
      %swap3A_1120 = vector.shape_cast %swap3A_1119 : vector<1x16xf32> to vector<16xf32>
      %swap3A_1121 = vector.shape_cast %add3A_1115 : vector<16xf32> to vector<1x16xf32>
      tpu.vector_store %arg12[%swap3A_1117, %swap3A_1118], %swap3A_1121 {add = true, strides = array<i32>} : memref<16x1024xf32, #tpu.memory_space<vmem>>, vector<1x16xf32>,
    }
    %scan3A_485 = arith.constant 64 : i32
    %add3A_486 = arith.constant 928 : i32
    %add3A_487 = arith.addi %mul3A_2, %add3A_486 : i32
    %dma_start3A_488 = arith.constant 0 : i32
    %dma_start3A_489 = tpu.memref_slice %arg5[%add3A_487, %dma_start3A_488] : memref<32768x1024xf32, #tpu.memory_space<hbm>> -> memref<16x1024xf32, #tpu.memory_space<hbm>>
    %dma_start3A_490 = arith.constant 0 : i32
    %dma_start3A_491 = tpu.memref_slice %arg5[%add3A_487, %dma_start3A_490] : memref<32768x1024xf32, #tpu.memory_space<hbm>> -> memref<16x1024xf32, #tpu.memory_space<hbm>>
    tpu.enqueue_dma source(%arg12 : memref<16x1024xf32, #tpu.memory_space<vmem>>) target(%dma_start3A_491 : memref<16x1024xf32, #tpu.memory_space<hbm>>) target_semaphore(%arg24 : memref<!tpu.dma_semaphore, #tpu.memory_space<semaphore_mem>>)
    %dma_wait3A_492 = arith.constant 0 : i32
    %dma_wait3A_493 = arith.constant 0 : i32
    %dma_wait3A_494 = tpu.memref_slice %arg5[%dma_wait3A_492, %dma_wait3A_493] : memref<32768x1024xf32, #tpu.memory_space<hbm>> -> memref<16x1024xf32, #tpu.memory_space<hbm>>
    %dma_wait3A_495 = arith.constant 0 : i32
    %dma_wait3A_496 = arith.constant 0 : i32
    %dma_wait3A_497 = tpu.memref_slice %arg5[%dma_wait3A_495, %dma_wait3A_496] : memref<32768x1024xf32, #tpu.memory_space<hbm>> -> memref<16x1024xf32, #tpu.memory_space<hbm>>
    tpu.wait_dma2 semaphore(%arg22 : memref<!tpu.dma_semaphore, #tpu.memory_space<semaphore_mem>>) src(%arg10 : memref<16x1024xf32, #tpu.memory_space<vmem>>) dst(%dma_wait3A_497 : memref<16x1024xf32, #tpu.memory_space<hbm>>)
    %add3A_498 = arith.constant 992 : i32
    %add3A_499 = arith.addi %mul3A_2, %add3A_498 : i32
    %dma_start3A_500 = arith.constant 0 : i32
    %dma_start3A_501 = tpu.memref_slice %arg2[%add3A_499, %dma_start3A_500] : memref<32768x1024xf32, #tpu.memory_space<hbm>> -> memref<16x1024xf32, #tpu.memory_space<hbm>>
    %dma_start3A_502 = arith.constant 0 : i32
    %dma_start3A_503 = tpu.memref_slice %arg2[%add3A_499, %dma_start3A_502] : memref<32768x1024xf32, #tpu.memory_space<hbm>> -> memref<16x1024xf32, #tpu.memory_space<hbm>>
    tpu.enqueue_dma source(%dma_start3A_503 : memref<16x1024xf32, #tpu.memory_space<hbm>>) target(%arg10 : memref<16x1024xf32, #tpu.memory_space<vmem>>) target_semaphore(%arg16 : memref<!tpu.dma_semaphore, #tpu.memory_space<semaphore_mem>>)
    %dma_wait3A_504 = arith.constant 0 : i32
    %dma_wait3A_505 = arith.constant 0 : i32
    %dma_wait3A_506 = tpu.memref_slice %arg2[%dma_wait3A_504, %dma_wait3A_505] : memref<32768x1024xf32, #tpu.memory_space<hbm>> -> memref<16x1024xf32, #tpu.memory_space<hbm>>
    %dma_wait3A_507 = arith.constant 0 : i32
    %dma_wait3A_508 = arith.constant 0 : i32
    %dma_wait3A_509 = tpu.memref_slice %arg2[%dma_wait3A_507, %dma_wait3A_508] : memref<32768x1024xf32, #tpu.memory_space<hbm>> -> memref<16x1024xf32, #tpu.memory_space<hbm>>
    tpu.wait_dma2 semaphore(%arg19 : memref<!tpu.dma_semaphore, #tpu.memory_space<semaphore_mem>>) src(%dma_wait3A_509 : memref<16x1024xf32, #tpu.memory_space<hbm>>) dst(%arg13 : memref<16x1024xf32, #tpu.memory_space<vmem>>)
    %get3A_510 = arith.constant 944 : index
    %get3A_511 = tpu.vector_load %arg7[%get3A_510] {strides = array<i32>} : memref<1024xi32, #tpu.memory_space<vmem>>, vector<16xi32>,
    %get3A_512 = vector.shape_cast %get3A_511 : vector<16xi32> to vector<16xi32>
    %convert_element_type3A_513 = arith.sitofp %get3A_512 : vector<16xi32> to vector<16xf32>
    %broadcast_in_dim3A_514 = arith.constant 0 : i32
    %broadcast_in_dim3A_515 = vector.broadcast %broadcast_in_dim3A_514 : i32 to vector<16x1xi32>
    %gather3A_516 = vector.shape_cast %broadcast_in_dim3A_515 : vector<16x1xi32> to vector<16xi32>
    %gather3A_517 = tpu.dynamic_gather %convert_element_type3A_513[%gather3A_516] in [0] : vector<16xf32>, vector<16xi32> -> vector<16xf32>
    %broadcast_in_dim3A_518 = arith.constant 1 : i32
    %broadcast_in_dim3A_519 = vector.broadcast %broadcast_in_dim3A_518 : i32 to vector<16x1xi32>
    %gather3A_520 = vector.shape_cast %broadcast_in_dim3A_519 : vector<16x1xi32> to vector<16xi32>
    %gather3A_521 = tpu.dynamic_gather %convert_element_type3A_513[%gather3A_520] in [0] : vector<16xf32>, vector<16xi32> -> vector<16xf32>
    %broadcast_in_dim3A_522 = arith.constant 2 : i32
    %broadcast_in_dim3A_523 = vector.broadcast %broadcast_in_dim3A_522 : i32 to vector<16x1xi32>
    %gather3A_524 = vector.shape_cast %broadcast_in_dim3A_523 : vector<16x1xi32> to vector<16xi32>
    %gather3A_525 = tpu.dynamic_gather %convert_element_type3A_513[%gather3A_524] in [0] : vector<16xf32>, vector<16xi32> -> vector<16xf32>
    %broadcast_in_dim3A_526 = arith.constant 3 : i32
    %broadcast_in_dim3A_527 = vector.broadcast %broadcast_in_dim3A_526 : i32 to vector<16x1xi32>
    %gather3A_528 = vector.shape_cast %broadcast_in_dim3A_527 : vector<16x1xi32> to vector<16xi32>
    %gather3A_529 = tpu.dynamic_gather %convert_element_type3A_513[%gather3A_528] in [0] : vector<16xf32>, vector<16xi32> -> vector<16xf32>
    %broadcast_in_dim3A_530 = arith.constant 4 : i32
    %broadcast_in_dim3A_531 = vector.broadcast %broadcast_in_dim3A_530 : i32 to vector<16x1xi32>
    %gather3A_532 = vector.shape_cast %broadcast_in_dim3A_531 : vector<16x1xi32> to vector<16xi32>
    %gather3A_533 = tpu.dynamic_gather %convert_element_type3A_513[%gather3A_532] in [0] : vector<16xf32>, vector<16xi32> -> vector<16xf32>
    %broadcast_in_dim3A_534 = arith.constant 5 : i32
    %broadcast_in_dim3A_535 = vector.broadcast %broadcast_in_dim3A_534 : i32 to vector<16x1xi32>
    %gather3A_536 = vector.shape_cast %broadcast_in_dim3A_535 : vector<16x1xi32> to vector<16xi32>
    %gather3A_537 = tpu.dynamic_gather %convert_element_type3A_513[%gather3A_536] in [0] : vector<16xf32>, vector<16xi32> -> vector<16xf32>
    %broadcast_in_dim3A_538 = arith.constant 6 : i32
    %broadcast_in_dim3A_539 = vector.broadcast %broadcast_in_dim3A_538 : i32 to vector<16x1xi32>
    %gather3A_540 = vector.shape_cast %broadcast_in_dim3A_539 : vector<16x1xi32> to vector<16xi32>
    %gather3A_541 = tpu.dynamic_gather %convert_element_type3A_513[%gather3A_540] in [0] : vector<16xf32>, vector<16xi32> -> vector<16xf32>
    %broadcast_in_dim3A_542 = arith.constant 7 : i32
    %broadcast_in_dim3A_543 = vector.broadcast %broadcast_in_dim3A_542 : i32 to vector<16x1xi32>
    %gather3A_544 = vector.shape_cast %broadcast_in_dim3A_543 : vector<16x1xi32> to vector<16xi32>
    %gather3A_545 = tpu.dynamic_gather %convert_element_type3A_513[%gather3A_544] in [0] : vector<16xf32>, vector<16xi32> -> vector<16xf32>
    %broadcast_in_dim3A_546 = arith.constant 8 : i32
    %broadcast_in_dim3A_547 = vector.broadcast %broadcast_in_dim3A_546 : i32 to vector<16x1xi32>
    %gather3A_548 = vector.shape_cast %broadcast_in_dim3A_547 : vector<16x1xi32> to vector<16xi32>
    %gather3A_549 = tpu.dynamic_gather %convert_element_type3A_513[%gather3A_548] in [0] : vector<16xf32>, vector<16xi32> -> vector<16xf32>
    %broadcast_in_dim3A_550 = arith.constant 9 : i32
    %broadcast_in_dim3A_551 = vector.broadcast %broadcast_in_dim3A_550 : i32 to vector<16x1xi32>
    %gather3A_552 = vector.shape_cast %broadcast_in_dim3A_551 : vector<16x1xi32> to vector<16xi32>
    %gather3A_553 = tpu.dynamic_gather %convert_element_type3A_513[%gather3A_552] in [0] : vector<16xf32>, vector<16xi32> -> vector<16xf32>
    %broadcast_in_dim3A_554 = arith.constant 10 : i32
    %broadcast_in_dim3A_555 = vector.broadcast %broadcast_in_dim3A_554 : i32 to vector<16x1xi32>
    %gather3A_556 = vector.shape_cast %broadcast_in_dim3A_555 : vector<16x1xi32> to vector<16xi32>
    %gather3A_557 = tpu.dynamic_gather %convert_element_type3A_513[%gather3A_556] in [0] : vector<16xf32>, vector<16xi32> -> vector<16xf32>
    %broadcast_in_dim3A_558 = arith.constant 11 : i32
    %broadcast_in_dim3A_559 = vector.broadcast %broadcast_in_dim3A_558 : i32 to vector<16x1xi32>
    %gather3A_560 = vector.shape_cast %broadcast_in_dim3A_559 : vector<16x1xi32> to vector<16xi32>
    %gather3A_561 = tpu.dynamic_gather %convert_element_type3A_513[%gather3A_560] in [0] : vector<16xf32>, vector<16xi32> -> vector<16xf32>
    %broadcast_in_dim3A_562 = arith.constant 12 : i32
    %broadcast_in_dim3A_563 = vector.broadcast %broadcast_in_dim3A_562 : i32 to vector<16x1xi32>
    %gather3A_564 = vector.shape_cast %broadcast_in_dim3A_563 : vector<16x1xi32> to vector<16xi32>
    %gather3A_565 = tpu.dynamic_gather %convert_element_type3A_513[%gather3A_564] in [0] : vector<16xf32>, vector<16xi32> -> vector<16xf32>
    %broadcast_in_dim3A_566 = arith.constant 13 : i32
    %broadcast_in_dim3A_567 = vector.broadcast %broadcast_in_dim3A_566 : i32 to vector<16x1xi32>
    %gather3A_568 = vector.shape_cast %broadcast_in_dim3A_567 : vector<16x1xi32> to vector<16xi32>
    %gather3A_569 = tpu.dynamic_gather %convert_element_type3A_513[%gather3A_568] in [0] : vector<16xf32>, vector<16xi32> -> vector<16xf32>
    %broadcast_in_dim3A_570 = arith.constant 14 : i32
    %broadcast_in_dim3A_571 = vector.broadcast %broadcast_in_dim3A_570 : i32 to vector<16x1xi32>
    %gather3A_572 = vector.shape_cast %broadcast_in_dim3A_571 : vector<16x1xi32> to vector<16xi32>
    %gather3A_573 = tpu.dynamic_gather %convert_element_type3A_513[%gather3A_572] in [0] : vector<16xf32>, vector<16xi32> -> vector<16xf32>
    %broadcast_in_dim3A_574 = arith.constant 15 : i32
    %broadcast_in_dim3A_575 = vector.broadcast %broadcast_in_dim3A_574 : i32 to vector<16x1xi32>
    %gather3A_576 = vector.shape_cast %broadcast_in_dim3A_575 : vector<16x1xi32> to vector<16xi32>
    %gather3A_577 = tpu.dynamic_gather %convert_element_type3A_513[%gather3A_576] in [0] : vector<16xf32>, vector<16xi32> -> vector<16xf32>
    %scan3A_578 = arith.constant 0 : i32
    %scan3A_579 = arith.constant 0 : i32
    %scan3A_580 = arith.constant 64 : i32
    %scan3A_581 = arith.addi %scan3A_579, %scan3A_580 : i32
    %scan3A_582 = arith.constant 1 : i32
    scf.for %scan3A_982 = %scan3A_579 to %scan3A_581 step %scan3A_582  : i32 {
      %mul3A_983 = arith.constant 16 : i32
      %mul3A_984 = arith.muli %scan3A_982, %mul3A_983 : i32
      %get3A_985 = arith.index_cast %mul3A_984 : i32 to index
      %get3A_986 = tpu.vector_load %arg6[%get3A_985] {strides = array<i32>} : memref<2048xf32, #tpu.memory_space<vmem>>, vector<16xf32>,
      %get3A_987 = vector.shape_cast %get3A_986 : vector<16xf32> to vector<16xf32>
      %mul3A_988 = arith.constant 16 : i32
      %mul3A_989 = arith.muli %scan3A_982, %mul3A_988 : i32
      %add3A_990 = arith.constant 1024 : i32
      %add3A_991 = arith.addi %add3A_990, %mul3A_989 : i32
      %get3A_992 = arith.index_cast %add3A_991 : i32 to index
      %get3A_993 = tpu.vector_load %arg6[%get3A_992] {strides = array<i32>} : memref<2048xf32, #tpu.memory_space<vmem>>, vector<16xf32>,
      %get3A_994 = vector.shape_cast %get3A_993 : vector<16xf32> to vector<16xf32>
      %sub3A = arith.subf %get3A_994, %get3A_987 : vector<16xf32>
      %mul3A_995 = arith.mulf %gather3A_517, %sub3A : vector<16xf32>
      %add3A_996 = arith.addf %get3A_987, %mul3A_995 : vector<16xf32>
      %swap3A = arith.constant 0 : i32
      %swap3A_997 = arith.index_cast %swap3A : i32 to index
      %swap3A_998 = arith.index_cast %mul3A_984 : i32 to index
      %swap3A_999 = tpu.vector_load %arg13[%swap3A_997, %swap3A_998] {strides = array<i32>} : memref<16x1024xf32, #tpu.memory_space<vmem>>, vector<1x16xf32>,
      %swap3A_1000 = vector.shape_cast %swap3A_999 : vector<1x16xf32> to vector<16xf32>
      %swap3A_1001 = vector.shape_cast %add3A_996 : vector<16xf32> to vector<1x16xf32>
      tpu.vector_store %arg13[%swap3A_997, %swap3A_998], %swap3A_1001 {add = true, strides = array<i32>} : memref<16x1024xf32, #tpu.memory_space<vmem>>, vector<1x16xf32>,
      %mul3A_1002 = arith.mulf %gather3A_521, %sub3A : vector<16xf32>
      %add3A_1003 = arith.addf %get3A_987, %mul3A_1002 : vector<16xf32>
      %swap3A_1004 = arith.constant 1 : i32
      %swap3A_1005 = arith.index_cast %swap3A_1004 : i32 to index
      %swap3A_1006 = arith.index_cast %mul3A_984 : i32 to index
      %swap3A_1007 = tpu.vector_load %arg13[%swap3A_1005, %swap3A_1006] {strides = array<i32>} : memref<16x1024xf32, #tpu.memory_space<vmem>>, vector<1x16xf32>,
      %swap3A_1008 = vector.shape_cast %swap3A_1007 : vector<1x16xf32> to vector<16xf32>
      %swap3A_1009 = vector.shape_cast %add3A_1003 : vector<16xf32> to vector<1x16xf32>
      tpu.vector_store %arg13[%swap3A_1005, %swap3A_1006], %swap3A_1009 {add = true, strides = array<i32>} : memref<16x1024xf32, #tpu.memory_space<vmem>>, vector<1x16xf32>,
      %mul3A_1010 = arith.mulf %gather3A_525, %sub3A : vector<16xf32>
      %add3A_1011 = arith.addf %get3A_987, %mul3A_1010 : vector<16xf32>
      %swap3A_1012 = arith.constant 2 : i32
      %swap3A_1013 = arith.index_cast %swap3A_1012 : i32 to index
      %swap3A_1014 = arith.index_cast %mul3A_984 : i32 to index
      %swap3A_1015 = tpu.vector_load %arg13[%swap3A_1013, %swap3A_1014] {strides = array<i32>} : memref<16x1024xf32, #tpu.memory_space<vmem>>, vector<1x16xf32>,
      %swap3A_1016 = vector.shape_cast %swap3A_1015 : vector<1x16xf32> to vector<16xf32>
      %swap3A_1017 = vector.shape_cast %add3A_1011 : vector<16xf32> to vector<1x16xf32>
      tpu.vector_store %arg13[%swap3A_1013, %swap3A_1014], %swap3A_1017 {add = true, strides = array<i32>} : memref<16x1024xf32, #tpu.memory_space<vmem>>, vector<1x16xf32>,
      %mul3A_1018 = arith.mulf %gather3A_529, %sub3A : vector<16xf32>
      %add3A_1019 = arith.addf %get3A_987, %mul3A_1018 : vector<16xf32>
      %swap3A_1020 = arith.constant 3 : i32
      %swap3A_1021 = arith.index_cast %swap3A_1020 : i32 to index
      %swap3A_1022 = arith.index_cast %mul3A_984 : i32 to index
      %swap3A_1023 = tpu.vector_load %arg13[%swap3A_1021, %swap3A_1022] {strides = array<i32>} : memref<16x1024xf32, #tpu.memory_space<vmem>>, vector<1x16xf32>,
      %swap3A_1024 = vector.shape_cast %swap3A_1023 : vector<1x16xf32> to vector<16xf32>
      %swap3A_1025 = vector.shape_cast %add3A_1019 : vector<16xf32> to vector<1x16xf32>
      tpu.vector_store %arg13[%swap3A_1021, %swap3A_1022], %swap3A_1025 {add = true, strides = array<i32>} : memref<16x1024xf32, #tpu.memory_space<vmem>>, vector<1x16xf32>,
      %mul3A_1026 = arith.mulf %gather3A_533, %sub3A : vector<16xf32>
      %add3A_1027 = arith.addf %get3A_987, %mul3A_1026 : vector<16xf32>
      %swap3A_1028 = arith.constant 4 : i32
      %swap3A_1029 = arith.index_cast %swap3A_1028 : i32 to index
      %swap3A_1030 = arith.index_cast %mul3A_984 : i32 to index
      %swap3A_1031 = tpu.vector_load %arg13[%swap3A_1029, %swap3A_1030] {strides = array<i32>} : memref<16x1024xf32, #tpu.memory_space<vmem>>, vector<1x16xf32>,
      %swap3A_1032 = vector.shape_cast %swap3A_1031 : vector<1x16xf32> to vector<16xf32>
      %swap3A_1033 = vector.shape_cast %add3A_1027 : vector<16xf32> to vector<1x16xf32>
      tpu.vector_store %arg13[%swap3A_1029, %swap3A_1030], %swap3A_1033 {add = true, strides = array<i32>} : memref<16x1024xf32, #tpu.memory_space<vmem>>, vector<1x16xf32>,
      %mul3A_1034 = arith.mulf %gather3A_537, %sub3A : vector<16xf32>
      %add3A_1035 = arith.addf %get3A_987, %mul3A_1034 : vector<16xf32>
      %swap3A_1036 = arith.constant 5 : i32
      %swap3A_1037 = arith.index_cast %swap3A_1036 : i32 to index
      %swap3A_1038 = arith.index_cast %mul3A_984 : i32 to index
      %swap3A_1039 = tpu.vector_load %arg13[%swap3A_1037, %swap3A_1038] {strides = array<i32>} : memref<16x1024xf32, #tpu.memory_space<vmem>>, vector<1x16xf32>,
      %swap3A_1040 = vector.shape_cast %swap3A_1039 : vector<1x16xf32> to vector<16xf32>
      %swap3A_1041 = vector.shape_cast %add3A_1035 : vector<16xf32> to vector<1x16xf32>
      tpu.vector_store %arg13[%swap3A_1037, %swap3A_1038], %swap3A_1041 {add = true, strides = array<i32>} : memref<16x1024xf32, #tpu.memory_space<vmem>>, vector<1x16xf32>,
      %mul3A_1042 = arith.mulf %gather3A_541, %sub3A : vector<16xf32>
      %add3A_1043 = arith.addf %get3A_987, %mul3A_1042 : vector<16xf32>
      %swap3A_1044 = arith.constant 6 : i32
      %swap3A_1045 = arith.index_cast %swap3A_1044 : i32 to index
      %swap3A_1046 = arith.index_cast %mul3A_984 : i32 to index
      %swap3A_1047 = tpu.vector_load %arg13[%swap3A_1045, %swap3A_1046] {strides = array<i32>} : memref<16x1024xf32, #tpu.memory_space<vmem>>, vector<1x16xf32>,
      %swap3A_1048 = vector.shape_cast %swap3A_1047 : vector<1x16xf32> to vector<16xf32>
      %swap3A_1049 = vector.shape_cast %add3A_1043 : vector<16xf32> to vector<1x16xf32>
      tpu.vector_store %arg13[%swap3A_1045, %swap3A_1046], %swap3A_1049 {add = true, strides = array<i32>} : memref<16x1024xf32, #tpu.memory_space<vmem>>, vector<1x16xf32>,
      %mul3A_1050 = arith.mulf %gather3A_545, %sub3A : vector<16xf32>
      %add3A_1051 = arith.addf %get3A_987, %mul3A_1050 : vector<16xf32>
      %swap3A_1052 = arith.constant 7 : i32
      %swap3A_1053 = arith.index_cast %swap3A_1052 : i32 to index
      %swap3A_1054 = arith.index_cast %mul3A_984 : i32 to index
      %swap3A_1055 = tpu.vector_load %arg13[%swap3A_1053, %swap3A_1054] {strides = array<i32>} : memref<16x1024xf32, #tpu.memory_space<vmem>>, vector<1x16xf32>,
      %swap3A_1056 = vector.shape_cast %swap3A_1055 : vector<1x16xf32> to vector<16xf32>
      %swap3A_1057 = vector.shape_cast %add3A_1051 : vector<16xf32> to vector<1x16xf32>
      tpu.vector_store %arg13[%swap3A_1053, %swap3A_1054], %swap3A_1057 {add = true, strides = array<i32>} : memref<16x1024xf32, #tpu.memory_space<vmem>>, vector<1x16xf32>,
      %mul3A_1058 = arith.mulf %gather3A_549, %sub3A : vector<16xf32>
      %add3A_1059 = arith.addf %get3A_987, %mul3A_1058 : vector<16xf32>
      %swap3A_1060 = arith.constant 8 : i32
      %swap3A_1061 = arith.index_cast %swap3A_1060 : i32 to index
      %swap3A_1062 = arith.index_cast %mul3A_984 : i32 to index
      %swap3A_1063 = tpu.vector_load %arg13[%swap3A_1061, %swap3A_1062] {strides = array<i32>} : memref<16x1024xf32, #tpu.memory_space<vmem>>, vector<1x16xf32>,
      %swap3A_1064 = vector.shape_cast %swap3A_1063 : vector<1x16xf32> to vector<16xf32>
      %swap3A_1065 = vector.shape_cast %add3A_1059 : vector<16xf32> to vector<1x16xf32>
      tpu.vector_store %arg13[%swap3A_1061, %swap3A_1062], %swap3A_1065 {add = true, strides = array<i32>} : memref<16x1024xf32, #tpu.memory_space<vmem>>, vector<1x16xf32>,
      %mul3A_1066 = arith.mulf %gather3A_553, %sub3A : vector<16xf32>
      %add3A_1067 = arith.addf %get3A_987, %mul3A_1066 : vector<16xf32>
      %swap3A_1068 = arith.constant 9 : i32
      %swap3A_1069 = arith.index_cast %swap3A_1068 : i32 to index
      %swap3A_1070 = arith.index_cast %mul3A_984 : i32 to index
      %swap3A_1071 = tpu.vector_load %arg13[%swap3A_1069, %swap3A_1070] {strides = array<i32>} : memref<16x1024xf32, #tpu.memory_space<vmem>>, vector<1x16xf32>,
      %swap3A_1072 = vector.shape_cast %swap3A_1071 : vector<1x16xf32> to vector<16xf32>
      %swap3A_1073 = vector.shape_cast %add3A_1067 : vector<16xf32> to vector<1x16xf32>
      tpu.vector_store %arg13[%swap3A_1069, %swap3A_1070], %swap3A_1073 {add = true, strides = array<i32>} : memref<16x1024xf32, #tpu.memory_space<vmem>>, vector<1x16xf32>,
      %mul3A_1074 = arith.mulf %gather3A_557, %sub3A : vector<16xf32>
      %add3A_1075 = arith.addf %get3A_987, %mul3A_1074 : vector<16xf32>
      %swap3A_1076 = arith.constant 10 : i32
      %swap3A_1077 = arith.index_cast %swap3A_1076 : i32 to index
      %swap3A_1078 = arith.index_cast %mul3A_984 : i32 to index
      %swap3A_1079 = tpu.vector_load %arg13[%swap3A_1077, %swap3A_1078] {strides = array<i32>} : memref<16x1024xf32, #tpu.memory_space<vmem>>, vector<1x16xf32>,
      %swap3A_1080 = vector.shape_cast %swap3A_1079 : vector<1x16xf32> to vector<16xf32>
      %swap3A_1081 = vector.shape_cast %add3A_1075 : vector<16xf32> to vector<1x16xf32>
      tpu.vector_store %arg13[%swap3A_1077, %swap3A_1078], %swap3A_1081 {add = true, strides = array<i32>} : memref<16x1024xf32, #tpu.memory_space<vmem>>, vector<1x16xf32>,
      %mul3A_1082 = arith.mulf %gather3A_561, %sub3A : vector<16xf32>
      %add3A_1083 = arith.addf %get3A_987, %mul3A_1082 : vector<16xf32>
      %swap3A_1084 = arith.constant 11 : i32
      %swap3A_1085 = arith.index_cast %swap3A_1084 : i32 to index
      %swap3A_1086 = arith.index_cast %mul3A_984 : i32 to index
      %swap3A_1087 = tpu.vector_load %arg13[%swap3A_1085, %swap3A_1086] {strides = array<i32>} : memref<16x1024xf32, #tpu.memory_space<vmem>>, vector<1x16xf32>,
      %swap3A_1088 = vector.shape_cast %swap3A_1087 : vector<1x16xf32> to vector<16xf32>
      %swap3A_1089 = vector.shape_cast %add3A_1083 : vector<16xf32> to vector<1x16xf32>
      tpu.vector_store %arg13[%swap3A_1085, %swap3A_1086], %swap3A_1089 {add = true, strides = array<i32>} : memref<16x1024xf32, #tpu.memory_space<vmem>>, vector<1x16xf32>,
      %mul3A_1090 = arith.mulf %gather3A_565, %sub3A : vector<16xf32>
      %add3A_1091 = arith.addf %get3A_987, %mul3A_1090 : vector<16xf32>
      %swap3A_1092 = arith.constant 12 : i32
      %swap3A_1093 = arith.index_cast %swap3A_1092 : i32 to index
      %swap3A_1094 = arith.index_cast %mul3A_984 : i32 to index
      %swap3A_1095 = tpu.vector_load %arg13[%swap3A_1093, %swap3A_1094] {strides = array<i32>} : memref<16x1024xf32, #tpu.memory_space<vmem>>, vector<1x16xf32>,
      %swap3A_1096 = vector.shape_cast %swap3A_1095 : vector<1x16xf32> to vector<16xf32>
      %swap3A_1097 = vector.shape_cast %add3A_1091 : vector<16xf32> to vector<1x16xf32>
      tpu.vector_store %arg13[%swap3A_1093, %swap3A_1094], %swap3A_1097 {add = true, strides = array<i32>} : memref<16x1024xf32, #tpu.memory_space<vmem>>, vector<1x16xf32>,
      %mul3A_1098 = arith.mulf %gather3A_569, %sub3A : vector<16xf32>
      %add3A_1099 = arith.addf %get3A_987, %mul3A_1098 : vector<16xf32>
      %swap3A_1100 = arith.constant 13 : i32
      %swap3A_1101 = arith.index_cast %swap3A_1100 : i32 to index
      %swap3A_1102 = arith.index_cast %mul3A_984 : i32 to index
      %swap3A_1103 = tpu.vector_load %arg13[%swap3A_1101, %swap3A_1102] {strides = array<i32>} : memref<16x1024xf32, #tpu.memory_space<vmem>>, vector<1x16xf32>,
      %swap3A_1104 = vector.shape_cast %swap3A_1103 : vector<1x16xf32> to vector<16xf32>
      %swap3A_1105 = vector.shape_cast %add3A_1099 : vector<16xf32> to vector<1x16xf32>
      tpu.vector_store %arg13[%swap3A_1101, %swap3A_1102], %swap3A_1105 {add = true, strides = array<i32>} : memref<16x1024xf32, #tpu.memory_space<vmem>>, vector<1x16xf32>,
      %mul3A_1106 = arith.mulf %gather3A_573, %sub3A : vector<16xf32>
      %add3A_1107 = arith.addf %get3A_987, %mul3A_1106 : vector<16xf32>
      %swap3A_1108 = arith.constant 14 : i32
      %swap3A_1109 = arith.index_cast %swap3A_1108 : i32 to index
      %swap3A_1110 = arith.index_cast %mul3A_984 : i32 to index
      %swap3A_1111 = tpu.vector_load %arg13[%swap3A_1109, %swap3A_1110] {strides = array<i32>} : memref<16x1024xf32, #tpu.memory_space<vmem>>, vector<1x16xf32>,
      %swap3A_1112 = vector.shape_cast %swap3A_1111 : vector<1x16xf32> to vector<16xf32>
      %swap3A_1113 = vector.shape_cast %add3A_1107 : vector<16xf32> to vector<1x16xf32>
      tpu.vector_store %arg13[%swap3A_1109, %swap3A_1110], %swap3A_1113 {add = true, strides = array<i32>} : memref<16x1024xf32, #tpu.memory_space<vmem>>, vector<1x16xf32>,
      %mul3A_1114 = arith.mulf %gather3A_577, %sub3A : vector<16xf32>
      %add3A_1115 = arith.addf %get3A_987, %mul3A_1114 : vector<16xf32>
      %swap3A_1116 = arith.constant 15 : i32
      %swap3A_1117 = arith.index_cast %swap3A_1116 : i32 to index
      %swap3A_1118 = arith.index_cast %mul3A_984 : i32 to index
      %swap3A_1119 = tpu.vector_load %arg13[%swap3A_1117, %swap3A_1118] {strides = array<i32>} : memref<16x1024xf32, #tpu.memory_space<vmem>>, vector<1x16xf32>,
      %swap3A_1120 = vector.shape_cast %swap3A_1119 : vector<1x16xf32> to vector<16xf32>
      %swap3A_1121 = vector.shape_cast %add3A_1115 : vector<16xf32> to vector<1x16xf32>
      tpu.vector_store %arg13[%swap3A_1117, %swap3A_1118], %swap3A_1121 {add = true, strides = array<i32>} : memref<16x1024xf32, #tpu.memory_space<vmem>>, vector<1x16xf32>,
    }
    %scan3A_583 = arith.constant 64 : i32
    %add3A_584 = arith.constant 944 : i32
    %add3A_585 = arith.addi %mul3A_2, %add3A_584 : i32
    %dma_start3A_586 = arith.constant 0 : i32
    %dma_start3A_587 = tpu.memref_slice %arg5[%add3A_585, %dma_start3A_586] : memref<32768x1024xf32, #tpu.memory_space<hbm>> -> memref<16x1024xf32, #tpu.memory_space<hbm>>
    %dma_start3A_588 = arith.constant 0 : i32
    %dma_start3A_589 = tpu.memref_slice %arg5[%add3A_585, %dma_start3A_588] : memref<32768x1024xf32, #tpu.memory_space<hbm>> -> memref<16x1024xf32, #tpu.memory_space<hbm>>
    tpu.enqueue_dma source(%arg13 : memref<16x1024xf32, #tpu.memory_space<vmem>>) target(%dma_start3A_589 : memref<16x1024xf32, #tpu.memory_space<hbm>>) target_semaphore(%arg25 : memref<!tpu.dma_semaphore, #tpu.memory_space<semaphore_mem>>)
    %dma_wait3A_590 = arith.constant 0 : i32
    %dma_wait3A_591 = arith.constant 0 : i32
    %dma_wait3A_592 = tpu.memref_slice %arg5[%dma_wait3A_590, %dma_wait3A_591] : memref<32768x1024xf32, #tpu.memory_space<hbm>> -> memref<16x1024xf32, #tpu.memory_space<hbm>>
    %dma_wait3A_593 = arith.constant 0 : i32
    %dma_wait3A_594 = arith.constant 0 : i32
    %dma_wait3A_595 = tpu.memref_slice %arg5[%dma_wait3A_593, %dma_wait3A_594] : memref<32768x1024xf32, #tpu.memory_space<hbm>> -> memref<16x1024xf32, #tpu.memory_space<hbm>>
    tpu.wait_dma2 semaphore(%arg23 : memref<!tpu.dma_semaphore, #tpu.memory_space<semaphore_mem>>) src(%arg11 : memref<16x1024xf32, #tpu.memory_space<vmem>>) dst(%dma_wait3A_595 : memref<16x1024xf32, #tpu.memory_space<hbm>>)
    %add3A_596 = arith.constant 1008 : i32
    %add3A_597 = arith.addi %mul3A_2, %add3A_596 : i32
    %dma_start3A_598 = arith.constant 0 : i32
    %dma_start3A_599 = tpu.memref_slice %arg2[%add3A_597, %dma_start3A_598] : memref<32768x1024xf32, #tpu.memory_space<hbm>> -> memref<16x1024xf32, #tpu.memory_space<hbm>>
    %dma_start3A_600 = arith.constant 0 : i32
    %dma_start3A_601 = tpu.memref_slice %arg2[%add3A_597, %dma_start3A_600] : memref<32768x1024xf32, #tpu.memory_space<hbm>> -> memref<16x1024xf32, #tpu.memory_space<hbm>>
    tpu.enqueue_dma source(%dma_start3A_601 : memref<16x1024xf32, #tpu.memory_space<hbm>>) target(%arg11 : memref<16x1024xf32, #tpu.memory_space<vmem>>) target_semaphore(%arg17 : memref<!tpu.dma_semaphore, #tpu.memory_space<semaphore_mem>>)
    %dma_wait3A_602 = arith.constant 0 : i32
    %dma_wait3A_603 = arith.constant 0 : i32
    %dma_wait3A_604 = tpu.memref_slice %arg2[%dma_wait3A_602, %dma_wait3A_603] : memref<32768x1024xf32, #tpu.memory_space<hbm>> -> memref<16x1024xf32, #tpu.memory_space<hbm>>
    %dma_wait3A_605 = arith.constant 0 : i32
    %dma_wait3A_606 = arith.constant 0 : i32
    %dma_wait3A_607 = tpu.memref_slice %arg2[%dma_wait3A_605, %dma_wait3A_606] : memref<32768x1024xf32, #tpu.memory_space<hbm>> -> memref<16x1024xf32, #tpu.memory_space<hbm>>
    tpu.wait_dma2 semaphore(%arg14 : memref<!tpu.dma_semaphore, #tpu.memory_space<semaphore_mem>>) src(%dma_wait3A_607 : memref<16x1024xf32, #tpu.memory_space<hbm>>) dst(%arg8 : memref<16x1024xf32, #tpu.memory_space<vmem>>)
    %get3A_608 = arith.constant 960 : index
    %get3A_609 = tpu.vector_load %arg7[%get3A_608] {strides = array<i32>} : memref<1024xi32, #tpu.memory_space<vmem>>, vector<16xi32>,
    %get3A_610 = vector.shape_cast %get3A_609 : vector<16xi32> to vector<16xi32>
    %convert_element_type3A_611 = arith.sitofp %get3A_610 : vector<16xi32> to vector<16xf32>
    %broadcast_in_dim3A_612 = arith.constant 0 : i32
    %broadcast_in_dim3A_613 = vector.broadcast %broadcast_in_dim3A_612 : i32 to vector<16x1xi32>
    %gather3A_614 = vector.shape_cast %broadcast_in_dim3A_613 : vector<16x1xi32> to vector<16xi32>
    %gather3A_615 = tpu.dynamic_gather %convert_element_type3A_611[%gather3A_614] in [0] : vector<16xf32>, vector<16xi32> -> vector<16xf32>
    %broadcast_in_dim3A_616 = arith.constant 1 : i32
    %broadcast_in_dim3A_617 = vector.broadcast %broadcast_in_dim3A_616 : i32 to vector<16x1xi32>
    %gather3A_618 = vector.shape_cast %broadcast_in_dim3A_617 : vector<16x1xi32> to vector<16xi32>
    %gather3A_619 = tpu.dynamic_gather %convert_element_type3A_611[%gather3A_618] in [0] : vector<16xf32>, vector<16xi32> -> vector<16xf32>
    %broadcast_in_dim3A_620 = arith.constant 2 : i32
    %broadcast_in_dim3A_621 = vector.broadcast %broadcast_in_dim3A_620 : i32 to vector<16x1xi32>
    %gather3A_622 = vector.shape_cast %broadcast_in_dim3A_621 : vector<16x1xi32> to vector<16xi32>
    %gather3A_623 = tpu.dynamic_gather %convert_element_type3A_611[%gather3A_622] in [0] : vector<16xf32>, vector<16xi32> -> vector<16xf32>
    %broadcast_in_dim3A_624 = arith.constant 3 : i32
    %broadcast_in_dim3A_625 = vector.broadcast %broadcast_in_dim3A_624 : i32 to vector<16x1xi32>
    %gather3A_626 = vector.shape_cast %broadcast_in_dim3A_625 : vector<16x1xi32> to vector<16xi32>
    %gather3A_627 = tpu.dynamic_gather %convert_element_type3A_611[%gather3A_626] in [0] : vector<16xf32>, vector<16xi32> -> vector<16xf32>
    %broadcast_in_dim3A_628 = arith.constant 4 : i32
    %broadcast_in_dim3A_629 = vector.broadcast %broadcast_in_dim3A_628 : i32 to vector<16x1xi32>
    %gather3A_630 = vector.shape_cast %broadcast_in_dim3A_629 : vector<16x1xi32> to vector<16xi32>
    %gather3A_631 = tpu.dynamic_gather %convert_element_type3A_611[%gather3A_630] in [0] : vector<16xf32>, vector<16xi32> -> vector<16xf32>
    %broadcast_in_dim3A_632 = arith.constant 5 : i32
    %broadcast_in_dim3A_633 = vector.broadcast %broadcast_in_dim3A_632 : i32 to vector<16x1xi32>
    %gather3A_634 = vector.shape_cast %broadcast_in_dim3A_633 : vector<16x1xi32> to vector<16xi32>
    %gather3A_635 = tpu.dynamic_gather %convert_element_type3A_611[%gather3A_634] in [0] : vector<16xf32>, vector<16xi32> -> vector<16xf32>
    %broadcast_in_dim3A_636 = arith.constant 6 : i32
    %broadcast_in_dim3A_637 = vector.broadcast %broadcast_in_dim3A_636 : i32 to vector<16x1xi32>
    %gather3A_638 = vector.shape_cast %broadcast_in_dim3A_637 : vector<16x1xi32> to vector<16xi32>
    %gather3A_639 = tpu.dynamic_gather %convert_element_type3A_611[%gather3A_638] in [0] : vector<16xf32>, vector<16xi32> -> vector<16xf32>
    %broadcast_in_dim3A_640 = arith.constant 7 : i32
    %broadcast_in_dim3A_641 = vector.broadcast %broadcast_in_dim3A_640 : i32 to vector<16x1xi32>
    %gather3A_642 = vector.shape_cast %broadcast_in_dim3A_641 : vector<16x1xi32> to vector<16xi32>
    %gather3A_643 = tpu.dynamic_gather %convert_element_type3A_611[%gather3A_642] in [0] : vector<16xf32>, vector<16xi32> -> vector<16xf32>
    %broadcast_in_dim3A_644 = arith.constant 8 : i32
    %broadcast_in_dim3A_645 = vector.broadcast %broadcast_in_dim3A_644 : i32 to vector<16x1xi32>
    %gather3A_646 = vector.shape_cast %broadcast_in_dim3A_645 : vector<16x1xi32> to vector<16xi32>
    %gather3A_647 = tpu.dynamic_gather %convert_element_type3A_611[%gather3A_646] in [0] : vector<16xf32>, vector<16xi32> -> vector<16xf32>
    %broadcast_in_dim3A_648 = arith.constant 9 : i32
    %broadcast_in_dim3A_649 = vector.broadcast %broadcast_in_dim3A_648 : i32 to vector<16x1xi32>
    %gather3A_650 = vector.shape_cast %broadcast_in_dim3A_649 : vector<16x1xi32> to vector<16xi32>
    %gather3A_651 = tpu.dynamic_gather %convert_element_type3A_611[%gather3A_650] in [0] : vector<16xf32>, vector<16xi32> -> vector<16xf32>
    %broadcast_in_dim3A_652 = arith.constant 10 : i32
    %broadcast_in_dim3A_653 = vector.broadcast %broadcast_in_dim3A_652 : i32 to vector<16x1xi32>
    %gather3A_654 = vector.shape_cast %broadcast_in_dim3A_653 : vector<16x1xi32> to vector<16xi32>
    %gather3A_655 = tpu.dynamic_gather %convert_element_type3A_611[%gather3A_654] in [0] : vector<16xf32>, vector<16xi32> -> vector<16xf32>
    %broadcast_in_dim3A_656 = arith.constant 11 : i32
    %broadcast_in_dim3A_657 = vector.broadcast %broadcast_in_dim3A_656 : i32 to vector<16x1xi32>
    %gather3A_658 = vector.shape_cast %broadcast_in_dim3A_657 : vector<16x1xi32> to vector<16xi32>
    %gather3A_659 = tpu.dynamic_gather %convert_element_type3A_611[%gather3A_658] in [0] : vector<16xf32>, vector<16xi32> -> vector<16xf32>
    %broadcast_in_dim3A_660 = arith.constant 12 : i32
    %broadcast_in_dim3A_661 = vector.broadcast %broadcast_in_dim3A_660 : i32 to vector<16x1xi32>
    %gather3A_662 = vector.shape_cast %broadcast_in_dim3A_661 : vector<16x1xi32> to vector<16xi32>
    %gather3A_663 = tpu.dynamic_gather %convert_element_type3A_611[%gather3A_662] in [0] : vector<16xf32>, vector<16xi32> -> vector<16xf32>
    %broadcast_in_dim3A_664 = arith.constant 13 : i32
    %broadcast_in_dim3A_665 = vector.broadcast %broadcast_in_dim3A_664 : i32 to vector<16x1xi32>
    %gather3A_666 = vector.shape_cast %broadcast_in_dim3A_665 : vector<16x1xi32> to vector<16xi32>
    %gather3A_667 = tpu.dynamic_gather %convert_element_type3A_611[%gather3A_666] in [0] : vector<16xf32>, vector<16xi32> -> vector<16xf32>
    %broadcast_in_dim3A_668 = arith.constant 14 : i32
    %broadcast_in_dim3A_669 = vector.broadcast %broadcast_in_dim3A_668 : i32 to vector<16x1xi32>
    %gather3A_670 = vector.shape_cast %broadcast_in_dim3A_669 : vector<16x1xi32> to vector<16xi32>
    %gather3A_671 = tpu.dynamic_gather %convert_element_type3A_611[%gather3A_670] in [0] : vector<16xf32>, vector<16xi32> -> vector<16xf32>
    %broadcast_in_dim3A_672 = arith.constant 15 : i32
    %broadcast_in_dim3A_673 = vector.broadcast %broadcast_in_dim3A_672 : i32 to vector<16x1xi32>
    %gather3A_674 = vector.shape_cast %broadcast_in_dim3A_673 : vector<16x1xi32> to vector<16xi32>
    %gather3A_675 = tpu.dynamic_gather %convert_element_type3A_611[%gather3A_674] in [0] : vector<16xf32>, vector<16xi32> -> vector<16xf32>
    %scan3A_676 = arith.constant 0 : i32
    %scan3A_677 = arith.constant 0 : i32
    %scan3A_678 = arith.constant 64 : i32
    %scan3A_679 = arith.addi %scan3A_677, %scan3A_678 : i32
    %scan3A_680 = arith.constant 1 : i32
    scf.for %scan3A_982 = %scan3A_677 to %scan3A_679 step %scan3A_680  : i32 {
      %mul3A_983 = arith.constant 16 : i32
      %mul3A_984 = arith.muli %scan3A_982, %mul3A_983 : i32
      %get3A_985 = arith.index_cast %mul3A_984 : i32 to index
      %get3A_986 = tpu.vector_load %arg6[%get3A_985] {strides = array<i32>} : memref<2048xf32, #tpu.memory_space<vmem>>, vector<16xf32>,
      %get3A_987 = vector.shape_cast %get3A_986 : vector<16xf32> to vector<16xf32>
      %mul3A_988 = arith.constant 16 : i32
      %mul3A_989 = arith.muli %scan3A_982, %mul3A_988 : i32
      %add3A_990 = arith.constant 1024 : i32
      %add3A_991 = arith.addi %add3A_990, %mul3A_989 : i32
      %get3A_992 = arith.index_cast %add3A_991 : i32 to index
      %get3A_993 = tpu.vector_load %arg6[%get3A_992] {strides = array<i32>} : memref<2048xf32, #tpu.memory_space<vmem>>, vector<16xf32>,
      %get3A_994 = vector.shape_cast %get3A_993 : vector<16xf32> to vector<16xf32>
      %sub3A = arith.subf %get3A_994, %get3A_987 : vector<16xf32>
      %mul3A_995 = arith.mulf %gather3A_615, %sub3A : vector<16xf32>
      %add3A_996 = arith.addf %get3A_987, %mul3A_995 : vector<16xf32>
      %swap3A = arith.constant 0 : i32
      %swap3A_997 = arith.index_cast %swap3A : i32 to index
      %swap3A_998 = arith.index_cast %mul3A_984 : i32 to index
      %swap3A_999 = tpu.vector_load %arg8[%swap3A_997, %swap3A_998] {strides = array<i32>} : memref<16x1024xf32, #tpu.memory_space<vmem>>, vector<1x16xf32>,
      %swap3A_1000 = vector.shape_cast %swap3A_999 : vector<1x16xf32> to vector<16xf32>
      %swap3A_1001 = vector.shape_cast %add3A_996 : vector<16xf32> to vector<1x16xf32>
      tpu.vector_store %arg8[%swap3A_997, %swap3A_998], %swap3A_1001 {add = true, strides = array<i32>} : memref<16x1024xf32, #tpu.memory_space<vmem>>, vector<1x16xf32>,
      %mul3A_1002 = arith.mulf %gather3A_619, %sub3A : vector<16xf32>
      %add3A_1003 = arith.addf %get3A_987, %mul3A_1002 : vector<16xf32>
      %swap3A_1004 = arith.constant 1 : i32
      %swap3A_1005 = arith.index_cast %swap3A_1004 : i32 to index
      %swap3A_1006 = arith.index_cast %mul3A_984 : i32 to index
      %swap3A_1007 = tpu.vector_load %arg8[%swap3A_1005, %swap3A_1006] {strides = array<i32>} : memref<16x1024xf32, #tpu.memory_space<vmem>>, vector<1x16xf32>,
      %swap3A_1008 = vector.shape_cast %swap3A_1007 : vector<1x16xf32> to vector<16xf32>
      %swap3A_1009 = vector.shape_cast %add3A_1003 : vector<16xf32> to vector<1x16xf32>
      tpu.vector_store %arg8[%swap3A_1005, %swap3A_1006], %swap3A_1009 {add = true, strides = array<i32>} : memref<16x1024xf32, #tpu.memory_space<vmem>>, vector<1x16xf32>,
      %mul3A_1010 = arith.mulf %gather3A_623, %sub3A : vector<16xf32>
      %add3A_1011 = arith.addf %get3A_987, %mul3A_1010 : vector<16xf32>
      %swap3A_1012 = arith.constant 2 : i32
      %swap3A_1013 = arith.index_cast %swap3A_1012 : i32 to index
      %swap3A_1014 = arith.index_cast %mul3A_984 : i32 to index
      %swap3A_1015 = tpu.vector_load %arg8[%swap3A_1013, %swap3A_1014] {strides = array<i32>} : memref<16x1024xf32, #tpu.memory_space<vmem>>, vector<1x16xf32>,
      %swap3A_1016 = vector.shape_cast %swap3A_1015 : vector<1x16xf32> to vector<16xf32>
      %swap3A_1017 = vector.shape_cast %add3A_1011 : vector<16xf32> to vector<1x16xf32>
      tpu.vector_store %arg8[%swap3A_1013, %swap3A_1014], %swap3A_1017 {add = true, strides = array<i32>} : memref<16x1024xf32, #tpu.memory_space<vmem>>, vector<1x16xf32>,
      %mul3A_1018 = arith.mulf %gather3A_627, %sub3A : vector<16xf32>
      %add3A_1019 = arith.addf %get3A_987, %mul3A_1018 : vector<16xf32>
      %swap3A_1020 = arith.constant 3 : i32
      %swap3A_1021 = arith.index_cast %swap3A_1020 : i32 to index
      %swap3A_1022 = arith.index_cast %mul3A_984 : i32 to index
      %swap3A_1023 = tpu.vector_load %arg8[%swap3A_1021, %swap3A_1022] {strides = array<i32>} : memref<16x1024xf32, #tpu.memory_space<vmem>>, vector<1x16xf32>,
      %swap3A_1024 = vector.shape_cast %swap3A_1023 : vector<1x16xf32> to vector<16xf32>
      %swap3A_1025 = vector.shape_cast %add3A_1019 : vector<16xf32> to vector<1x16xf32>
      tpu.vector_store %arg8[%swap3A_1021, %swap3A_1022], %swap3A_1025 {add = true, strides = array<i32>} : memref<16x1024xf32, #tpu.memory_space<vmem>>, vector<1x16xf32>,
      %mul3A_1026 = arith.mulf %gather3A_631, %sub3A : vector<16xf32>
      %add3A_1027 = arith.addf %get3A_987, %mul3A_1026 : vector<16xf32>
      %swap3A_1028 = arith.constant 4 : i32
      %swap3A_1029 = arith.index_cast %swap3A_1028 : i32 to index
      %swap3A_1030 = arith.index_cast %mul3A_984 : i32 to index
      %swap3A_1031 = tpu.vector_load %arg8[%swap3A_1029, %swap3A_1030] {strides = array<i32>} : memref<16x1024xf32, #tpu.memory_space<vmem>>, vector<1x16xf32>,
      %swap3A_1032 = vector.shape_cast %swap3A_1031 : vector<1x16xf32> to vector<16xf32>
      %swap3A_1033 = vector.shape_cast %add3A_1027 : vector<16xf32> to vector<1x16xf32>
      tpu.vector_store %arg8[%swap3A_1029, %swap3A_1030], %swap3A_1033 {add = true, strides = array<i32>} : memref<16x1024xf32, #tpu.memory_space<vmem>>, vector<1x16xf32>,
      %mul3A_1034 = arith.mulf %gather3A_635, %sub3A : vector<16xf32>
      %add3A_1035 = arith.addf %get3A_987, %mul3A_1034 : vector<16xf32>
      %swap3A_1036 = arith.constant 5 : i32
      %swap3A_1037 = arith.index_cast %swap3A_1036 : i32 to index
      %swap3A_1038 = arith.index_cast %mul3A_984 : i32 to index
      %swap3A_1039 = tpu.vector_load %arg8[%swap3A_1037, %swap3A_1038] {strides = array<i32>} : memref<16x1024xf32, #tpu.memory_space<vmem>>, vector<1x16xf32>,
      %swap3A_1040 = vector.shape_cast %swap3A_1039 : vector<1x16xf32> to vector<16xf32>
      %swap3A_1041 = vector.shape_cast %add3A_1035 : vector<16xf32> to vector<1x16xf32>
      tpu.vector_store %arg8[%swap3A_1037, %swap3A_1038], %swap3A_1041 {add = true, strides = array<i32>} : memref<16x1024xf32, #tpu.memory_space<vmem>>, vector<1x16xf32>,
      %mul3A_1042 = arith.mulf %gather3A_639, %sub3A : vector<16xf32>
      %add3A_1043 = arith.addf %get3A_987, %mul3A_1042 : vector<16xf32>
      %swap3A_1044 = arith.constant 6 : i32
      %swap3A_1045 = arith.index_cast %swap3A_1044 : i32 to index
      %swap3A_1046 = arith.index_cast %mul3A_984 : i32 to index
      %swap3A_1047 = tpu.vector_load %arg8[%swap3A_1045, %swap3A_1046] {strides = array<i32>} : memref<16x1024xf32, #tpu.memory_space<vmem>>, vector<1x16xf32>,
      %swap3A_1048 = vector.shape_cast %swap3A_1047 : vector<1x16xf32> to vector<16xf32>
      %swap3A_1049 = vector.shape_cast %add3A_1043 : vector<16xf32> to vector<1x16xf32>
      tpu.vector_store %arg8[%swap3A_1045, %swap3A_1046], %swap3A_1049 {add = true, strides = array<i32>} : memref<16x1024xf32, #tpu.memory_space<vmem>>, vector<1x16xf32>,
      %mul3A_1050 = arith.mulf %gather3A_643, %sub3A : vector<16xf32>
      %add3A_1051 = arith.addf %get3A_987, %mul3A_1050 : vector<16xf32>
      %swap3A_1052 = arith.constant 7 : i32
      %swap3A_1053 = arith.index_cast %swap3A_1052 : i32 to index
      %swap3A_1054 = arith.index_cast %mul3A_984 : i32 to index
      %swap3A_1055 = tpu.vector_load %arg8[%swap3A_1053, %swap3A_1054] {strides = array<i32>} : memref<16x1024xf32, #tpu.memory_space<vmem>>, vector<1x16xf32>,
      %swap3A_1056 = vector.shape_cast %swap3A_1055 : vector<1x16xf32> to vector<16xf32>
      %swap3A_1057 = vector.shape_cast %add3A_1051 : vector<16xf32> to vector<1x16xf32>
      tpu.vector_store %arg8[%swap3A_1053, %swap3A_1054], %swap3A_1057 {add = true, strides = array<i32>} : memref<16x1024xf32, #tpu.memory_space<vmem>>, vector<1x16xf32>,
      %mul3A_1058 = arith.mulf %gather3A_647, %sub3A : vector<16xf32>
      %add3A_1059 = arith.addf %get3A_987, %mul3A_1058 : vector<16xf32>
      %swap3A_1060 = arith.constant 8 : i32
      %swap3A_1061 = arith.index_cast %swap3A_1060 : i32 to index
      %swap3A_1062 = arith.index_cast %mul3A_984 : i32 to index
      %swap3A_1063 = tpu.vector_load %arg8[%swap3A_1061, %swap3A_1062] {strides = array<i32>} : memref<16x1024xf32, #tpu.memory_space<vmem>>, vector<1x16xf32>,
      %swap3A_1064 = vector.shape_cast %swap3A_1063 : vector<1x16xf32> to vector<16xf32>
      %swap3A_1065 = vector.shape_cast %add3A_1059 : vector<16xf32> to vector<1x16xf32>
      tpu.vector_store %arg8[%swap3A_1061, %swap3A_1062], %swap3A_1065 {add = true, strides = array<i32>} : memref<16x1024xf32, #tpu.memory_space<vmem>>, vector<1x16xf32>,
      %mul3A_1066 = arith.mulf %gather3A_651, %sub3A : vector<16xf32>
      %add3A_1067 = arith.addf %get3A_987, %mul3A_1066 : vector<16xf32>
      %swap3A_1068 = arith.constant 9 : i32
      %swap3A_1069 = arith.index_cast %swap3A_1068 : i32 to index
      %swap3A_1070 = arith.index_cast %mul3A_984 : i32 to index
      %swap3A_1071 = tpu.vector_load %arg8[%swap3A_1069, %swap3A_1070] {strides = array<i32>} : memref<16x1024xf32, #tpu.memory_space<vmem>>, vector<1x16xf32>,
      %swap3A_1072 = vector.shape_cast %swap3A_1071 : vector<1x16xf32> to vector<16xf32>
      %swap3A_1073 = vector.shape_cast %add3A_1067 : vector<16xf32> to vector<1x16xf32>
      tpu.vector_store %arg8[%swap3A_1069, %swap3A_1070], %swap3A_1073 {add = true, strides = array<i32>} : memref<16x1024xf32, #tpu.memory_space<vmem>>, vector<1x16xf32>,
      %mul3A_1074 = arith.mulf %gather3A_655, %sub3A : vector<16xf32>
      %add3A_1075 = arith.addf %get3A_987, %mul3A_1074 : vector<16xf32>
      %swap3A_1076 = arith.constant 10 : i32
      %swap3A_1077 = arith.index_cast %swap3A_1076 : i32 to index
      %swap3A_1078 = arith.index_cast %mul3A_984 : i32 to index
      %swap3A_1079 = tpu.vector_load %arg8[%swap3A_1077, %swap3A_1078] {strides = array<i32>} : memref<16x1024xf32, #tpu.memory_space<vmem>>, vector<1x16xf32>,
      %swap3A_1080 = vector.shape_cast %swap3A_1079 : vector<1x16xf32> to vector<16xf32>
      %swap3A_1081 = vector.shape_cast %add3A_1075 : vector<16xf32> to vector<1x16xf32>
      tpu.vector_store %arg8[%swap3A_1077, %swap3A_1078], %swap3A_1081 {add = true, strides = array<i32>} : memref<16x1024xf32, #tpu.memory_space<vmem>>, vector<1x16xf32>,
      %mul3A_1082 = arith.mulf %gather3A_659, %sub3A : vector<16xf32>
      %add3A_1083 = arith.addf %get3A_987, %mul3A_1082 : vector<16xf32>
      %swap3A_1084 = arith.constant 11 : i32
      %swap3A_1085 = arith.index_cast %swap3A_1084 : i32 to index
      %swap3A_1086 = arith.index_cast %mul3A_984 : i32 to index
      %swap3A_1087 = tpu.vector_load %arg8[%swap3A_1085, %swap3A_1086] {strides = array<i32>} : memref<16x1024xf32, #tpu.memory_space<vmem>>, vector<1x16xf32>,
      %swap3A_1088 = vector.shape_cast %swap3A_1087 : vector<1x16xf32> to vector<16xf32>
      %swap3A_1089 = vector.shape_cast %add3A_1083 : vector<16xf32> to vector<1x16xf32>
      tpu.vector_store %arg8[%swap3A_1085, %swap3A_1086], %swap3A_1089 {add = true, strides = array<i32>} : memref<16x1024xf32, #tpu.memory_space<vmem>>, vector<1x16xf32>,
      %mul3A_1090 = arith.mulf %gather3A_663, %sub3A : vector<16xf32>
      %add3A_1091 = arith.addf %get3A_987, %mul3A_1090 : vector<16xf32>
      %swap3A_1092 = arith.constant 12 : i32
      %swap3A_1093 = arith.index_cast %swap3A_1092 : i32 to index
      %swap3A_1094 = arith.index_cast %mul3A_984 : i32 to index
      %swap3A_1095 = tpu.vector_load %arg8[%swap3A_1093, %swap3A_1094] {strides = array<i32>} : memref<16x1024xf32, #tpu.memory_space<vmem>>, vector<1x16xf32>,
      %swap3A_1096 = vector.shape_cast %swap3A_1095 : vector<1x16xf32> to vector<16xf32>
      %swap3A_1097 = vector.shape_cast %add3A_1091 : vector<16xf32> to vector<1x16xf32>
      tpu.vector_store %arg8[%swap3A_1093, %swap3A_1094], %swap3A_1097 {add = true, strides = array<i32>} : memref<16x1024xf32, #tpu.memory_space<vmem>>, vector<1x16xf32>,
      %mul3A_1098 = arith.mulf %gather3A_667, %sub3A : vector<16xf32>
      %add3A_1099 = arith.addf %get3A_987, %mul3A_1098 : vector<16xf32>
      %swap3A_1100 = arith.constant 13 : i32
      %swap3A_1101 = arith.index_cast %swap3A_1100 : i32 to index
      %swap3A_1102 = arith.index_cast %mul3A_984 : i32 to index
      %swap3A_1103 = tpu.vector_load %arg8[%swap3A_1101, %swap3A_1102] {strides = array<i32>} : memref<16x1024xf32, #tpu.memory_space<vmem>>, vector<1x16xf32>,
      %swap3A_1104 = vector.shape_cast %swap3A_1103 : vector<1x16xf32> to vector<16xf32>
      %swap3A_1105 = vector.shape_cast %add3A_1099 : vector<16xf32> to vector<1x16xf32>
      tpu.vector_store %arg8[%swap3A_1101, %swap3A_1102], %swap3A_1105 {add = true, strides = array<i32>} : memref<16x1024xf32, #tpu.memory_space<vmem>>, vector<1x16xf32>,
      %mul3A_1106 = arith.mulf %gather3A_671, %sub3A : vector<16xf32>
      %add3A_1107 = arith.addf %get3A_987, %mul3A_1106 : vector<16xf32>
      %swap3A_1108 = arith.constant 14 : i32
      %swap3A_1109 = arith.index_cast %swap3A_1108 : i32 to index
      %swap3A_1110 = arith.index_cast %mul3A_984 : i32 to index
      %swap3A_1111 = tpu.vector_load %arg8[%swap3A_1109, %swap3A_1110] {strides = array<i32>} : memref<16x1024xf32, #tpu.memory_space<vmem>>, vector<1x16xf32>,
      %swap3A_1112 = vector.shape_cast %swap3A_1111 : vector<1x16xf32> to vector<16xf32>
      %swap3A_1113 = vector.shape_cast %add3A_1107 : vector<16xf32> to vector<1x16xf32>
      tpu.vector_store %arg8[%swap3A_1109, %swap3A_1110], %swap3A_1113 {add = true, strides = array<i32>} : memref<16x1024xf32, #tpu.memory_space<vmem>>, vector<1x16xf32>,
      %mul3A_1114 = arith.mulf %gather3A_675, %sub3A : vector<16xf32>
      %add3A_1115 = arith.addf %get3A_987, %mul3A_1114 : vector<16xf32>
      %swap3A_1116 = arith.constant 15 : i32
      %swap3A_1117 = arith.index_cast %swap3A_1116 : i32 to index
      %swap3A_1118 = arith.index_cast %mul3A_984 : i32 to index
      %swap3A_1119 = tpu.vector_load %arg8[%swap3A_1117, %swap3A_1118] {strides = array<i32>} : memref<16x1024xf32, #tpu.memory_space<vmem>>, vector<1x16xf32>,
      %swap3A_1120 = vector.shape_cast %swap3A_1119 : vector<1x16xf32> to vector<16xf32>
      %swap3A_1121 = vector.shape_cast %add3A_1115 : vector<16xf32> to vector<1x16xf32>
      tpu.vector_store %arg8[%swap3A_1117, %swap3A_1118], %swap3A_1121 {add = true, strides = array<i32>} : memref<16x1024xf32, #tpu.memory_space<vmem>>, vector<1x16xf32>,
    }
    %scan3A_681 = arith.constant 64 : i32
    %add3A_682 = arith.constant 960 : i32
    %add3A_683 = arith.addi %mul3A_2, %add3A_682 : i32
    %dma_start3A_684 = arith.constant 0 : i32
    %dma_start3A_685 = tpu.memref_slice %arg5[%add3A_683, %dma_start3A_684] : memref<32768x1024xf32, #tpu.memory_space<hbm>> -> memref<16x1024xf32, #tpu.memory_space<hbm>>
    %dma_start3A_686 = arith.constant 0 : i32
    %dma_start3A_687 = tpu.memref_slice %arg5[%add3A_683, %dma_start3A_686] : memref<32768x1024xf32, #tpu.memory_space<hbm>> -> memref<16x1024xf32, #tpu.memory_space<hbm>>
    tpu.enqueue_dma source(%arg8 : memref<16x1024xf32, #tpu.memory_space<vmem>>) target(%dma_start3A_687 : memref<16x1024xf32, #tpu.memory_space<hbm>>) target_semaphore(%arg20 : memref<!tpu.dma_semaphore, #tpu.memory_space<semaphore_mem>>)
    %dma_wait3A_688 = arith.constant 0 : i32
    %dma_wait3A_689 = arith.constant 0 : i32
    %dma_wait3A_690 = tpu.memref_slice %arg2[%dma_wait3A_688, %dma_wait3A_689] : memref<32768x1024xf32, #tpu.memory_space<hbm>> -> memref<16x1024xf32, #tpu.memory_space<hbm>>
    %dma_wait3A_691 = arith.constant 0 : i32
    %dma_wait3A_692 = arith.constant 0 : i32
    %dma_wait3A_693 = tpu.memref_slice %arg2[%dma_wait3A_691, %dma_wait3A_692] : memref<32768x1024xf32, #tpu.memory_space<hbm>> -> memref<16x1024xf32, #tpu.memory_space<hbm>>
    tpu.wait_dma2 semaphore(%arg15 : memref<!tpu.dma_semaphore, #tpu.memory_space<semaphore_mem>>) src(%dma_wait3A_693 : memref<16x1024xf32, #tpu.memory_space<hbm>>) dst(%arg9 : memref<16x1024xf32, #tpu.memory_space<vmem>>)
    %get3A_694 = arith.constant 976 : index
    %get3A_695 = tpu.vector_load %arg7[%get3A_694] {strides = array<i32>} : memref<1024xi32, #tpu.memory_space<vmem>>, vector<16xi32>,
    %get3A_696 = vector.shape_cast %get3A_695 : vector<16xi32> to vector<16xi32>
    %convert_element_type3A_697 = arith.sitofp %get3A_696 : vector<16xi32> to vector<16xf32>
    %broadcast_in_dim3A_698 = arith.constant 0 : i32
    %broadcast_in_dim3A_699 = vector.broadcast %broadcast_in_dim3A_698 : i32 to vector<16x1xi32>
    %gather3A_700 = vector.shape_cast %broadcast_in_dim3A_699 : vector<16x1xi32> to vector<16xi32>
    %gather3A_701 = tpu.dynamic_gather %convert_element_type3A_697[%gather3A_700] in [0] : vector<16xf32>, vector<16xi32> -> vector<16xf32>
    %broadcast_in_dim3A_702 = arith.constant 1 : i32
    %broadcast_in_dim3A_703 = vector.broadcast %broadcast_in_dim3A_702 : i32 to vector<16x1xi32>
    %gather3A_704 = vector.shape_cast %broadcast_in_dim3A_703 : vector<16x1xi32> to vector<16xi32>
    %gather3A_705 = tpu.dynamic_gather %convert_element_type3A_697[%gather3A_704] in [0] : vector<16xf32>, vector<16xi32> -> vector<16xf32>
    %broadcast_in_dim3A_706 = arith.constant 2 : i32
    %broadcast_in_dim3A_707 = vector.broadcast %broadcast_in_dim3A_706 : i32 to vector<16x1xi32>
    %gather3A_708 = vector.shape_cast %broadcast_in_dim3A_707 : vector<16x1xi32> to vector<16xi32>
    %gather3A_709 = tpu.dynamic_gather %convert_element_type3A_697[%gather3A_708] in [0] : vector<16xf32>, vector<16xi32> -> vector<16xf32>
    %broadcast_in_dim3A_710 = arith.constant 3 : i32
    %broadcast_in_dim3A_711 = vector.broadcast %broadcast_in_dim3A_710 : i32 to vector<16x1xi32>
    %gather3A_712 = vector.shape_cast %broadcast_in_dim3A_711 : vector<16x1xi32> to vector<16xi32>
    %gather3A_713 = tpu.dynamic_gather %convert_element_type3A_697[%gather3A_712] in [0] : vector<16xf32>, vector<16xi32> -> vector<16xf32>
    %broadcast_in_dim3A_714 = arith.constant 4 : i32
    %broadcast_in_dim3A_715 = vector.broadcast %broadcast_in_dim3A_714 : i32 to vector<16x1xi32>
    %gather3A_716 = vector.shape_cast %broadcast_in_dim3A_715 : vector<16x1xi32> to vector<16xi32>
    %gather3A_717 = tpu.dynamic_gather %convert_element_type3A_697[%gather3A_716] in [0] : vector<16xf32>, vector<16xi32> -> vector<16xf32>
    %broadcast_in_dim3A_718 = arith.constant 5 : i32
    %broadcast_in_dim3A_719 = vector.broadcast %broadcast_in_dim3A_718 : i32 to vector<16x1xi32>
    %gather3A_720 = vector.shape_cast %broadcast_in_dim3A_719 : vector<16x1xi32> to vector<16xi32>
    %gather3A_721 = tpu.dynamic_gather %convert_element_type3A_697[%gather3A_720] in [0] : vector<16xf32>, vector<16xi32> -> vector<16xf32>
    %broadcast_in_dim3A_722 = arith.constant 6 : i32
    %broadcast_in_dim3A_723 = vector.broadcast %broadcast_in_dim3A_722 : i32 to vector<16x1xi32>
    %gather3A_724 = vector.shape_cast %broadcast_in_dim3A_723 : vector<16x1xi32> to vector<16xi32>
    %gather3A_725 = tpu.dynamic_gather %convert_element_type3A_697[%gather3A_724] in [0] : vector<16xf32>, vector<16xi32> -> vector<16xf32>
    %broadcast_in_dim3A_726 = arith.constant 7 : i32
    %broadcast_in_dim3A_727 = vector.broadcast %broadcast_in_dim3A_726 : i32 to vector<16x1xi32>
    %gather3A_728 = vector.shape_cast %broadcast_in_dim3A_727 : vector<16x1xi32> to vector<16xi32>
    %gather3A_729 = tpu.dynamic_gather %convert_element_type3A_697[%gather3A_728] in [0] : vector<16xf32>, vector<16xi32> -> vector<16xf32>
    %broadcast_in_dim3A_730 = arith.constant 8 : i32
    %broadcast_in_dim3A_731 = vector.broadcast %broadcast_in_dim3A_730 : i32 to vector<16x1xi32>
    %gather3A_732 = vector.shape_cast %broadcast_in_dim3A_731 : vector<16x1xi32> to vector<16xi32>
    %gather3A_733 = tpu.dynamic_gather %convert_element_type3A_697[%gather3A_732] in [0] : vector<16xf32>, vector<16xi32> -> vector<16xf32>
    %broadcast_in_dim3A_734 = arith.constant 9 : i32
    %broadcast_in_dim3A_735 = vector.broadcast %broadcast_in_dim3A_734 : i32 to vector<16x1xi32>
    %gather3A_736 = vector.shape_cast %broadcast_in_dim3A_735 : vector<16x1xi32> to vector<16xi32>
    %gather3A_737 = tpu.dynamic_gather %convert_element_type3A_697[%gather3A_736] in [0] : vector<16xf32>, vector<16xi32> -> vector<16xf32>
    %broadcast_in_dim3A_738 = arith.constant 10 : i32
    %broadcast_in_dim3A_739 = vector.broadcast %broadcast_in_dim3A_738 : i32 to vector<16x1xi32>
    %gather3A_740 = vector.shape_cast %broadcast_in_dim3A_739 : vector<16x1xi32> to vector<16xi32>
    %gather3A_741 = tpu.dynamic_gather %convert_element_type3A_697[%gather3A_740] in [0] : vector<16xf32>, vector<16xi32> -> vector<16xf32>
    %broadcast_in_dim3A_742 = arith.constant 11 : i32
    %broadcast_in_dim3A_743 = vector.broadcast %broadcast_in_dim3A_742 : i32 to vector<16x1xi32>
    %gather3A_744 = vector.shape_cast %broadcast_in_dim3A_743 : vector<16x1xi32> to vector<16xi32>
    %gather3A_745 = tpu.dynamic_gather %convert_element_type3A_697[%gather3A_744] in [0] : vector<16xf32>, vector<16xi32> -> vector<16xf32>
    %broadcast_in_dim3A_746 = arith.constant 12 : i32
    %broadcast_in_dim3A_747 = vector.broadcast %broadcast_in_dim3A_746 : i32 to vector<16x1xi32>
    %gather3A_748 = vector.shape_cast %broadcast_in_dim3A_747 : vector<16x1xi32> to vector<16xi32>
    %gather3A_749 = tpu.dynamic_gather %convert_element_type3A_697[%gather3A_748] in [0] : vector<16xf32>, vector<16xi32> -> vector<16xf32>
    %broadcast_in_dim3A_750 = arith.constant 13 : i32
    %broadcast_in_dim3A_751 = vector.broadcast %broadcast_in_dim3A_750 : i32 to vector<16x1xi32>
    %gather3A_752 = vector.shape_cast %broadcast_in_dim3A_751 : vector<16x1xi32> to vector<16xi32>
    %gather3A_753 = tpu.dynamic_gather %convert_element_type3A_697[%gather3A_752] in [0] : vector<16xf32>, vector<16xi32> -> vector<16xf32>
    %broadcast_in_dim3A_754 = arith.constant 14 : i32
    %broadcast_in_dim3A_755 = vector.broadcast %broadcast_in_dim3A_754 : i32 to vector<16x1xi32>
    %gather3A_756 = vector.shape_cast %broadcast_in_dim3A_755 : vector<16x1xi32> to vector<16xi32>
    %gather3A_757 = tpu.dynamic_gather %convert_element_type3A_697[%gather3A_756] in [0] : vector<16xf32>, vector<16xi32> -> vector<16xf32>
    %broadcast_in_dim3A_758 = arith.constant 15 : i32
    %broadcast_in_dim3A_759 = vector.broadcast %broadcast_in_dim3A_758 : i32 to vector<16x1xi32>
    %gather3A_760 = vector.shape_cast %broadcast_in_dim3A_759 : vector<16x1xi32> to vector<16xi32>
    %gather3A_761 = tpu.dynamic_gather %convert_element_type3A_697[%gather3A_760] in [0] : vector<16xf32>, vector<16xi32> -> vector<16xf32>
    %scan3A_762 = arith.constant 0 : i32
    %scan3A_763 = arith.constant 0 : i32
    %scan3A_764 = arith.constant 64 : i32
    %scan3A_765 = arith.addi %scan3A_763, %scan3A_764 : i32
    %scan3A_766 = arith.constant 1 : i32
    scf.for %scan3A_982 = %scan3A_763 to %scan3A_765 step %scan3A_766  : i32 {
      %mul3A_983 = arith.constant 16 : i32
      %mul3A_984 = arith.muli %scan3A_982, %mul3A_983 : i32
      %get3A_985 = arith.index_cast %mul3A_984 : i32 to index
      %get3A_986 = tpu.vector_load %arg6[%get3A_985] {strides = array<i32>} : memref<2048xf32, #tpu.memory_space<vmem>>, vector<16xf32>,
      %get3A_987 = vector.shape_cast %get3A_986 : vector<16xf32> to vector<16xf32>
      %mul3A_988 = arith.constant 16 : i32
      %mul3A_989 = arith.muli %scan3A_982, %mul3A_988 : i32
      %add3A_990 = arith.constant 1024 : i32
      %add3A_991 = arith.addi %add3A_990, %mul3A_989 : i32
      %get3A_992 = arith.index_cast %add3A_991 : i32 to index
      %get3A_993 = tpu.vector_load %arg6[%get3A_992] {strides = array<i32>} : memref<2048xf32, #tpu.memory_space<vmem>>, vector<16xf32>,
      %get3A_994 = vector.shape_cast %get3A_993 : vector<16xf32> to vector<16xf32>
      %sub3A = arith.subf %get3A_994, %get3A_987 : vector<16xf32>
      %mul3A_995 = arith.mulf %gather3A_701, %sub3A : vector<16xf32>
      %add3A_996 = arith.addf %get3A_987, %mul3A_995 : vector<16xf32>
      %swap3A = arith.constant 0 : i32
      %swap3A_997 = arith.index_cast %swap3A : i32 to index
      %swap3A_998 = arith.index_cast %mul3A_984 : i32 to index
      %swap3A_999 = tpu.vector_load %arg9[%swap3A_997, %swap3A_998] {strides = array<i32>} : memref<16x1024xf32, #tpu.memory_space<vmem>>, vector<1x16xf32>,
      %swap3A_1000 = vector.shape_cast %swap3A_999 : vector<1x16xf32> to vector<16xf32>
      %swap3A_1001 = vector.shape_cast %add3A_996 : vector<16xf32> to vector<1x16xf32>
      tpu.vector_store %arg9[%swap3A_997, %swap3A_998], %swap3A_1001 {add = true, strides = array<i32>} : memref<16x1024xf32, #tpu.memory_space<vmem>>, vector<1x16xf32>,
      %mul3A_1002 = arith.mulf %gather3A_705, %sub3A : vector<16xf32>
      %add3A_1003 = arith.addf %get3A_987, %mul3A_1002 : vector<16xf32>
      %swap3A_1004 = arith.constant 1 : i32
      %swap3A_1005 = arith.index_cast %swap3A_1004 : i32 to index
      %swap3A_1006 = arith.index_cast %mul3A_984 : i32 to index
      %swap3A_1007 = tpu.vector_load %arg9[%swap3A_1005, %swap3A_1006] {strides = array<i32>} : memref<16x1024xf32, #tpu.memory_space<vmem>>, vector<1x16xf32>,
      %swap3A_1008 = vector.shape_cast %swap3A_1007 : vector<1x16xf32> to vector<16xf32>
      %swap3A_1009 = vector.shape_cast %add3A_1003 : vector<16xf32> to vector<1x16xf32>
      tpu.vector_store %arg9[%swap3A_1005, %swap3A_1006], %swap3A_1009 {add = true, strides = array<i32>} : memref<16x1024xf32, #tpu.memory_space<vmem>>, vector<1x16xf32>,
      %mul3A_1010 = arith.mulf %gather3A_709, %sub3A : vector<16xf32>
      %add3A_1011 = arith.addf %get3A_987, %mul3A_1010 : vector<16xf32>
      %swap3A_1012 = arith.constant 2 : i32
      %swap3A_1013 = arith.index_cast %swap3A_1012 : i32 to index
      %swap3A_1014 = arith.index_cast %mul3A_984 : i32 to index
      %swap3A_1015 = tpu.vector_load %arg9[%swap3A_1013, %swap3A_1014] {strides = array<i32>} : memref<16x1024xf32, #tpu.memory_space<vmem>>, vector<1x16xf32>,
      %swap3A_1016 = vector.shape_cast %swap3A_1015 : vector<1x16xf32> to vector<16xf32>
      %swap3A_1017 = vector.shape_cast %add3A_1011 : vector<16xf32> to vector<1x16xf32>
      tpu.vector_store %arg9[%swap3A_1013, %swap3A_1014], %swap3A_1017 {add = true, strides = array<i32>} : memref<16x1024xf32, #tpu.memory_space<vmem>>, vector<1x16xf32>,
      %mul3A_1018 = arith.mulf %gather3A_713, %sub3A : vector<16xf32>
      %add3A_1019 = arith.addf %get3A_987, %mul3A_1018 : vector<16xf32>
      %swap3A_1020 = arith.constant 3 : i32
      %swap3A_1021 = arith.index_cast %swap3A_1020 : i32 to index
      %swap3A_1022 = arith.index_cast %mul3A_984 : i32 to index
      %swap3A_1023 = tpu.vector_load %arg9[%swap3A_1021, %swap3A_1022] {strides = array<i32>} : memref<16x1024xf32, #tpu.memory_space<vmem>>, vector<1x16xf32>,
      %swap3A_1024 = vector.shape_cast %swap3A_1023 : vector<1x16xf32> to vector<16xf32>
      %swap3A_1025 = vector.shape_cast %add3A_1019 : vector<16xf32> to vector<1x16xf32>
      tpu.vector_store %arg9[%swap3A_1021, %swap3A_1022], %swap3A_1025 {add = true, strides = array<i32>} : memref<16x1024xf32, #tpu.memory_space<vmem>>, vector<1x16xf32>,
      %mul3A_1026 = arith.mulf %gather3A_717, %sub3A : vector<16xf32>
      %add3A_1027 = arith.addf %get3A_987, %mul3A_1026 : vector<16xf32>
      %swap3A_1028 = arith.constant 4 : i32
      %swap3A_1029 = arith.index_cast %swap3A_1028 : i32 to index
      %swap3A_1030 = arith.index_cast %mul3A_984 : i32 to index
      %swap3A_1031 = tpu.vector_load %arg9[%swap3A_1029, %swap3A_1030] {strides = array<i32>} : memref<16x1024xf32, #tpu.memory_space<vmem>>, vector<1x16xf32>,
      %swap3A_1032 = vector.shape_cast %swap3A_1031 : vector<1x16xf32> to vector<16xf32>
      %swap3A_1033 = vector.shape_cast %add3A_1027 : vector<16xf32> to vector<1x16xf32>
      tpu.vector_store %arg9[%swap3A_1029, %swap3A_1030], %swap3A_1033 {add = true, strides = array<i32>} : memref<16x1024xf32, #tpu.memory_space<vmem>>, vector<1x16xf32>,
      %mul3A_1034 = arith.mulf %gather3A_721, %sub3A : vector<16xf32>
      %add3A_1035 = arith.addf %get3A_987, %mul3A_1034 : vector<16xf32>
      %swap3A_1036 = arith.constant 5 : i32
      %swap3A_1037 = arith.index_cast %swap3A_1036 : i32 to index
      %swap3A_1038 = arith.index_cast %mul3A_984 : i32 to index
      %swap3A_1039 = tpu.vector_load %arg9[%swap3A_1037, %swap3A_1038] {strides = array<i32>} : memref<16x1024xf32, #tpu.memory_space<vmem>>, vector<1x16xf32>,
      %swap3A_1040 = vector.shape_cast %swap3A_1039 : vector<1x16xf32> to vector<16xf32>
      %swap3A_1041 = vector.shape_cast %add3A_1035 : vector<16xf32> to vector<1x16xf32>
      tpu.vector_store %arg9[%swap3A_1037, %swap3A_1038], %swap3A_1041 {add = true, strides = array<i32>} : memref<16x1024xf32, #tpu.memory_space<vmem>>, vector<1x16xf32>,
      %mul3A_1042 = arith.mulf %gather3A_725, %sub3A : vector<16xf32>
      %add3A_1043 = arith.addf %get3A_987, %mul3A_1042 : vector<16xf32>
      %swap3A_1044 = arith.constant 6 : i32
      %swap3A_1045 = arith.index_cast %swap3A_1044 : i32 to index
      %swap3A_1046 = arith.index_cast %mul3A_984 : i32 to index
      %swap3A_1047 = tpu.vector_load %arg9[%swap3A_1045, %swap3A_1046] {strides = array<i32>} : memref<16x1024xf32, #tpu.memory_space<vmem>>, vector<1x16xf32>,
      %swap3A_1048 = vector.shape_cast %swap3A_1047 : vector<1x16xf32> to vector<16xf32>
      %swap3A_1049 = vector.shape_cast %add3A_1043 : vector<16xf32> to vector<1x16xf32>
      tpu.vector_store %arg9[%swap3A_1045, %swap3A_1046], %swap3A_1049 {add = true, strides = array<i32>} : memref<16x1024xf32, #tpu.memory_space<vmem>>, vector<1x16xf32>,
      %mul3A_1050 = arith.mulf %gather3A_729, %sub3A : vector<16xf32>
      %add3A_1051 = arith.addf %get3A_987, %mul3A_1050 : vector<16xf32>
      %swap3A_1052 = arith.constant 7 : i32
      %swap3A_1053 = arith.index_cast %swap3A_1052 : i32 to index
      %swap3A_1054 = arith.index_cast %mul3A_984 : i32 to index
      %swap3A_1055 = tpu.vector_load %arg9[%swap3A_1053, %swap3A_1054] {strides = array<i32>} : memref<16x1024xf32, #tpu.memory_space<vmem>>, vector<1x16xf32>,
      %swap3A_1056 = vector.shape_cast %swap3A_1055 : vector<1x16xf32> to vector<16xf32>
      %swap3A_1057 = vector.shape_cast %add3A_1051 : vector<16xf32> to vector<1x16xf32>
      tpu.vector_store %arg9[%swap3A_1053, %swap3A_1054], %swap3A_1057 {add = true, strides = array<i32>} : memref<16x1024xf32, #tpu.memory_space<vmem>>, vector<1x16xf32>,
      %mul3A_1058 = arith.mulf %gather3A_733, %sub3A : vector<16xf32>
      %add3A_1059 = arith.addf %get3A_987, %mul3A_1058 : vector<16xf32>
      %swap3A_1060 = arith.constant 8 : i32
      %swap3A_1061 = arith.index_cast %swap3A_1060 : i32 to index
      %swap3A_1062 = arith.index_cast %mul3A_984 : i32 to index
      %swap3A_1063 = tpu.vector_load %arg9[%swap3A_1061, %swap3A_1062] {strides = array<i32>} : memref<16x1024xf32, #tpu.memory_space<vmem>>, vector<1x16xf32>,
      %swap3A_1064 = vector.shape_cast %swap3A_1063 : vector<1x16xf32> to vector<16xf32>
      %swap3A_1065 = vector.shape_cast %add3A_1059 : vector<16xf32> to vector<1x16xf32>
      tpu.vector_store %arg9[%swap3A_1061, %swap3A_1062], %swap3A_1065 {add = true, strides = array<i32>} : memref<16x1024xf32, #tpu.memory_space<vmem>>, vector<1x16xf32>,
      %mul3A_1066 = arith.mulf %gather3A_737, %sub3A : vector<16xf32>
      %add3A_1067 = arith.addf %get3A_987, %mul3A_1066 : vector<16xf32>
      %swap3A_1068 = arith.constant 9 : i32
      %swap3A_1069 = arith.index_cast %swap3A_1068 : i32 to index
      %swap3A_1070 = arith.index_cast %mul3A_984 : i32 to index
      %swap3A_1071 = tpu.vector_load %arg9[%swap3A_1069, %swap3A_1070] {strides = array<i32>} : memref<16x1024xf32, #tpu.memory_space<vmem>>, vector<1x16xf32>,
      %swap3A_1072 = vector.shape_cast %swap3A_1071 : vector<1x16xf32> to vector<16xf32>
      %swap3A_1073 = vector.shape_cast %add3A_1067 : vector<16xf32> to vector<1x16xf32>
      tpu.vector_store %arg9[%swap3A_1069, %swap3A_1070], %swap3A_1073 {add = true, strides = array<i32>} : memref<16x1024xf32, #tpu.memory_space<vmem>>, vector<1x16xf32>,
      %mul3A_1074 = arith.mulf %gather3A_741, %sub3A : vector<16xf32>
      %add3A_1075 = arith.addf %get3A_987, %mul3A_1074 : vector<16xf32>
      %swap3A_1076 = arith.constant 10 : i32
      %swap3A_1077 = arith.index_cast %swap3A_1076 : i32 to index
      %swap3A_1078 = arith.index_cast %mul3A_984 : i32 to index
      %swap3A_1079 = tpu.vector_load %arg9[%swap3A_1077, %swap3A_1078] {strides = array<i32>} : memref<16x1024xf32, #tpu.memory_space<vmem>>, vector<1x16xf32>,
      %swap3A_1080 = vector.shape_cast %swap3A_1079 : vector<1x16xf32> to vector<16xf32>
      %swap3A_1081 = vector.shape_cast %add3A_1075 : vector<16xf32> to vector<1x16xf32>
      tpu.vector_store %arg9[%swap3A_1077, %swap3A_1078], %swap3A_1081 {add = true, strides = array<i32>} : memref<16x1024xf32, #tpu.memory_space<vmem>>, vector<1x16xf32>,
      %mul3A_1082 = arith.mulf %gather3A_745, %sub3A : vector<16xf32>
      %add3A_1083 = arith.addf %get3A_987, %mul3A_1082 : vector<16xf32>
      %swap3A_1084 = arith.constant 11 : i32
      %swap3A_1085 = arith.index_cast %swap3A_1084 : i32 to index
      %swap3A_1086 = arith.index_cast %mul3A_984 : i32 to index
      %swap3A_1087 = tpu.vector_load %arg9[%swap3A_1085, %swap3A_1086] {strides = array<i32>} : memref<16x1024xf32, #tpu.memory_space<vmem>>, vector<1x16xf32>,
      %swap3A_1088 = vector.shape_cast %swap3A_1087 : vector<1x16xf32> to vector<16xf32>
      %swap3A_1089 = vector.shape_cast %add3A_1083 : vector<16xf32> to vector<1x16xf32>
      tpu.vector_store %arg9[%swap3A_1085, %swap3A_1086], %swap3A_1089 {add = true, strides = array<i32>} : memref<16x1024xf32, #tpu.memory_space<vmem>>, vector<1x16xf32>,
      %mul3A_1090 = arith.mulf %gather3A_749, %sub3A : vector<16xf32>
      %add3A_1091 = arith.addf %get3A_987, %mul3A_1090 : vector<16xf32>
      %swap3A_1092 = arith.constant 12 : i32
      %swap3A_1093 = arith.index_cast %swap3A_1092 : i32 to index
      %swap3A_1094 = arith.index_cast %mul3A_984 : i32 to index
      %swap3A_1095 = tpu.vector_load %arg9[%swap3A_1093, %swap3A_1094] {strides = array<i32>} : memref<16x1024xf32, #tpu.memory_space<vmem>>, vector<1x16xf32>,
      %swap3A_1096 = vector.shape_cast %swap3A_1095 : vector<1x16xf32> to vector<16xf32>
      %swap3A_1097 = vector.shape_cast %add3A_1091 : vector<16xf32> to vector<1x16xf32>
      tpu.vector_store %arg9[%swap3A_1093, %swap3A_1094], %swap3A_1097 {add = true, strides = array<i32>} : memref<16x1024xf32, #tpu.memory_space<vmem>>, vector<1x16xf32>,
      %mul3A_1098 = arith.mulf %gather3A_753, %sub3A : vector<16xf32>
      %add3A_1099 = arith.addf %get3A_987, %mul3A_1098 : vector<16xf32>
      %swap3A_1100 = arith.constant 13 : i32
      %swap3A_1101 = arith.index_cast %swap3A_1100 : i32 to index
      %swap3A_1102 = arith.index_cast %mul3A_984 : i32 to index
      %swap3A_1103 = tpu.vector_load %arg9[%swap3A_1101, %swap3A_1102] {strides = array<i32>} : memref<16x1024xf32, #tpu.memory_space<vmem>>, vector<1x16xf32>,
      %swap3A_1104 = vector.shape_cast %swap3A_1103 : vector<1x16xf32> to vector<16xf32>
      %swap3A_1105 = vector.shape_cast %add3A_1099 : vector<16xf32> to vector<1x16xf32>
      tpu.vector_store %arg9[%swap3A_1101, %swap3A_1102], %swap3A_1105 {add = true, strides = array<i32>} : memref<16x1024xf32, #tpu.memory_space<vmem>>, vector<1x16xf32>,
      %mul3A_1106 = arith.mulf %gather3A_757, %sub3A : vector<16xf32>
      %add3A_1107 = arith.addf %get3A_987, %mul3A_1106 : vector<16xf32>
      %swap3A_1108 = arith.constant 14 : i32
      %swap3A_1109 = arith.index_cast %swap3A_1108 : i32 to index
      %swap3A_1110 = arith.index_cast %mul3A_984 : i32 to index
      %swap3A_1111 = tpu.vector_load %arg9[%swap3A_1109, %swap3A_1110] {strides = array<i32>} : memref<16x1024xf32, #tpu.memory_space<vmem>>, vector<1x16xf32>,
      %swap3A_1112 = vector.shape_cast %swap3A_1111 : vector<1x16xf32> to vector<16xf32>
      %swap3A_1113 = vector.shape_cast %add3A_1107 : vector<16xf32> to vector<1x16xf32>
      tpu.vector_store %arg9[%swap3A_1109, %swap3A_1110], %swap3A_1113 {add = true, strides = array<i32>} : memref<16x1024xf32, #tpu.memory_space<vmem>>, vector<1x16xf32>,
      %mul3A_1114 = arith.mulf %gather3A_761, %sub3A : vector<16xf32>
      %add3A_1115 = arith.addf %get3A_987, %mul3A_1114 : vector<16xf32>
      %swap3A_1116 = arith.constant 15 : i32
      %swap3A_1117 = arith.index_cast %swap3A_1116 : i32 to index
      %swap3A_1118 = arith.index_cast %mul3A_984 : i32 to index
      %swap3A_1119 = tpu.vector_load %arg9[%swap3A_1117, %swap3A_1118] {strides = array<i32>} : memref<16x1024xf32, #tpu.memory_space<vmem>>, vector<1x16xf32>,
      %swap3A_1120 = vector.shape_cast %swap3A_1119 : vector<1x16xf32> to vector<16xf32>
      %swap3A_1121 = vector.shape_cast %add3A_1115 : vector<16xf32> to vector<1x16xf32>
      tpu.vector_store %arg9[%swap3A_1117, %swap3A_1118], %swap3A_1121 {add = true, strides = array<i32>} : memref<16x1024xf32, #tpu.memory_space<vmem>>, vector<1x16xf32>,
    }
    %scan3A_767 = arith.constant 64 : i32
    %add3A_768 = arith.constant 976 : i32
    %add3A_769 = arith.addi %mul3A_2, %add3A_768 : i32
    %dma_start3A_770 = arith.constant 0 : i32
    %dma_start3A_771 = tpu.memref_slice %arg5[%add3A_769, %dma_start3A_770] : memref<32768x1024xf32, #tpu.memory_space<hbm>> -> memref<16x1024xf32, #tpu.memory_space<hbm>>
    %dma_start3A_772 = arith.constant 0 : i32
    %dma_start3A_773 = tpu.memref_slice %arg5[%add3A_769, %dma_start3A_772] : memref<32768x1024xf32, #tpu.memory_space<hbm>> -> memref<16x1024xf32, #tpu.memory_space<hbm>>
    tpu.enqueue_dma source(%arg9 : memref<16x1024xf32, #tpu.memory_space<vmem>>) target(%dma_start3A_773 : memref<16x1024xf32, #tpu.memory_space<hbm>>) target_semaphore(%arg21 : memref<!tpu.dma_semaphore, #tpu.memory_space<semaphore_mem>>)
    %dma_wait3A_774 = arith.constant 0 : i32
    %dma_wait3A_775 = arith.constant 0 : i32
    %dma_wait3A_776 = tpu.memref_slice %arg2[%dma_wait3A_774, %dma_wait3A_775] : memref<32768x1024xf32, #tpu.memory_space<hbm>> -> memref<16x1024xf32, #tpu.memory_space<hbm>>
    %dma_wait3A_777 = arith.constant 0 : i32
    %dma_wait3A_778 = arith.constant 0 : i32
    %dma_wait3A_779 = tpu.memref_slice %arg2[%dma_wait3A_777, %dma_wait3A_778] : memref<32768x1024xf32, #tpu.memory_space<hbm>> -> memref<16x1024xf32, #tpu.memory_space<hbm>>
    tpu.wait_dma2 semaphore(%arg16 : memref<!tpu.dma_semaphore, #tpu.memory_space<semaphore_mem>>) src(%dma_wait3A_779 : memref<16x1024xf32, #tpu.memory_space<hbm>>) dst(%arg10 : memref<16x1024xf32, #tpu.memory_space<vmem>>)
    %get3A_780 = arith.constant 992 : index
    %get3A_781 = tpu.vector_load %arg7[%get3A_780] {strides = array<i32>} : memref<1024xi32, #tpu.memory_space<vmem>>, vector<16xi32>,
    %get3A_782 = vector.shape_cast %get3A_781 : vector<16xi32> to vector<16xi32>
    %convert_element_type3A_783 = arith.sitofp %get3A_782 : vector<16xi32> to vector<16xf32>
    %broadcast_in_dim3A_784 = arith.constant 0 : i32
    %broadcast_in_dim3A_785 = vector.broadcast %broadcast_in_dim3A_784 : i32 to vector<16x1xi32>
    %gather3A_786 = vector.shape_cast %broadcast_in_dim3A_785 : vector<16x1xi32> to vector<16xi32>
    %gather3A_787 = tpu.dynamic_gather %convert_element_type3A_783[%gather3A_786] in [0] : vector<16xf32>, vector<16xi32> -> vector<16xf32>
    %broadcast_in_dim3A_788 = arith.constant 1 : i32
    %broadcast_in_dim3A_789 = vector.broadcast %broadcast_in_dim3A_788 : i32 to vector<16x1xi32>
    %gather3A_790 = vector.shape_cast %broadcast_in_dim3A_789 : vector<16x1xi32> to vector<16xi32>
    %gather3A_791 = tpu.dynamic_gather %convert_element_type3A_783[%gather3A_790] in [0] : vector<16xf32>, vector<16xi32> -> vector<16xf32>
    %broadcast_in_dim3A_792 = arith.constant 2 : i32
    %broadcast_in_dim3A_793 = vector.broadcast %broadcast_in_dim3A_792 : i32 to vector<16x1xi32>
    %gather3A_794 = vector.shape_cast %broadcast_in_dim3A_793 : vector<16x1xi32> to vector<16xi32>
    %gather3A_795 = tpu.dynamic_gather %convert_element_type3A_783[%gather3A_794] in [0] : vector<16xf32>, vector<16xi32> -> vector<16xf32>
    %broadcast_in_dim3A_796 = arith.constant 3 : i32
    %broadcast_in_dim3A_797 = vector.broadcast %broadcast_in_dim3A_796 : i32 to vector<16x1xi32>
    %gather3A_798 = vector.shape_cast %broadcast_in_dim3A_797 : vector<16x1xi32> to vector<16xi32>
    %gather3A_799 = tpu.dynamic_gather %convert_element_type3A_783[%gather3A_798] in [0] : vector<16xf32>, vector<16xi32> -> vector<16xf32>
    %broadcast_in_dim3A_800 = arith.constant 4 : i32
    %broadcast_in_dim3A_801 = vector.broadcast %broadcast_in_dim3A_800 : i32 to vector<16x1xi32>
    %gather3A_802 = vector.shape_cast %broadcast_in_dim3A_801 : vector<16x1xi32> to vector<16xi32>
    %gather3A_803 = tpu.dynamic_gather %convert_element_type3A_783[%gather3A_802] in [0] : vector<16xf32>, vector<16xi32> -> vector<16xf32>
    %broadcast_in_dim3A_804 = arith.constant 5 : i32
    %broadcast_in_dim3A_805 = vector.broadcast %broadcast_in_dim3A_804 : i32 to vector<16x1xi32>
    %gather3A_806 = vector.shape_cast %broadcast_in_dim3A_805 : vector<16x1xi32> to vector<16xi32>
    %gather3A_807 = tpu.dynamic_gather %convert_element_type3A_783[%gather3A_806] in [0] : vector<16xf32>, vector<16xi32> -> vector<16xf32>
    %broadcast_in_dim3A_808 = arith.constant 6 : i32
    %broadcast_in_dim3A_809 = vector.broadcast %broadcast_in_dim3A_808 : i32 to vector<16x1xi32>
    %gather3A_810 = vector.shape_cast %broadcast_in_dim3A_809 : vector<16x1xi32> to vector<16xi32>
    %gather3A_811 = tpu.dynamic_gather %convert_element_type3A_783[%gather3A_810] in [0] : vector<16xf32>, vector<16xi32> -> vector<16xf32>
    %broadcast_in_dim3A_812 = arith.constant 7 : i32
    %broadcast_in_dim3A_813 = vector.broadcast %broadcast_in_dim3A_812 : i32 to vector<16x1xi32>
    %gather3A_814 = vector.shape_cast %broadcast_in_dim3A_813 : vector<16x1xi32> to vector<16xi32>
    %gather3A_815 = tpu.dynamic_gather %convert_element_type3A_783[%gather3A_814] in [0] : vector<16xf32>, vector<16xi32> -> vector<16xf32>
    %broadcast_in_dim3A_816 = arith.constant 8 : i32
    %broadcast_in_dim3A_817 = vector.broadcast %broadcast_in_dim3A_816 : i32 to vector<16x1xi32>
    %gather3A_818 = vector.shape_cast %broadcast_in_dim3A_817 : vector<16x1xi32> to vector<16xi32>
    %gather3A_819 = tpu.dynamic_gather %convert_element_type3A_783[%gather3A_818] in [0] : vector<16xf32>, vector<16xi32> -> vector<16xf32>
    %broadcast_in_dim3A_820 = arith.constant 9 : i32
    %broadcast_in_dim3A_821 = vector.broadcast %broadcast_in_dim3A_820 : i32 to vector<16x1xi32>
    %gather3A_822 = vector.shape_cast %broadcast_in_dim3A_821 : vector<16x1xi32> to vector<16xi32>
    %gather3A_823 = tpu.dynamic_gather %convert_element_type3A_783[%gather3A_822] in [0] : vector<16xf32>, vector<16xi32> -> vector<16xf32>
    %broadcast_in_dim3A_824 = arith.constant 10 : i32
    %broadcast_in_dim3A_825 = vector.broadcast %broadcast_in_dim3A_824 : i32 to vector<16x1xi32>
    %gather3A_826 = vector.shape_cast %broadcast_in_dim3A_825 : vector<16x1xi32> to vector<16xi32>
    %gather3A_827 = tpu.dynamic_gather %convert_element_type3A_783[%gather3A_826] in [0] : vector<16xf32>, vector<16xi32> -> vector<16xf32>
    %broadcast_in_dim3A_828 = arith.constant 11 : i32
    %broadcast_in_dim3A_829 = vector.broadcast %broadcast_in_dim3A_828 : i32 to vector<16x1xi32>
    %gather3A_830 = vector.shape_cast %broadcast_in_dim3A_829 : vector<16x1xi32> to vector<16xi32>
    %gather3A_831 = tpu.dynamic_gather %convert_element_type3A_783[%gather3A_830] in [0] : vector<16xf32>, vector<16xi32> -> vector<16xf32>
    %broadcast_in_dim3A_832 = arith.constant 12 : i32
    %broadcast_in_dim3A_833 = vector.broadcast %broadcast_in_dim3A_832 : i32 to vector<16x1xi32>
    %gather3A_834 = vector.shape_cast %broadcast_in_dim3A_833 : vector<16x1xi32> to vector<16xi32>
    %gather3A_835 = tpu.dynamic_gather %convert_element_type3A_783[%gather3A_834] in [0] : vector<16xf32>, vector<16xi32> -> vector<16xf32>
    %broadcast_in_dim3A_836 = arith.constant 13 : i32
    %broadcast_in_dim3A_837 = vector.broadcast %broadcast_in_dim3A_836 : i32 to vector<16x1xi32>
    %gather3A_838 = vector.shape_cast %broadcast_in_dim3A_837 : vector<16x1xi32> to vector<16xi32>
    %gather3A_839 = tpu.dynamic_gather %convert_element_type3A_783[%gather3A_838] in [0] : vector<16xf32>, vector<16xi32> -> vector<16xf32>
    %broadcast_in_dim3A_840 = arith.constant 14 : i32
    %broadcast_in_dim3A_841 = vector.broadcast %broadcast_in_dim3A_840 : i32 to vector<16x1xi32>
    %gather3A_842 = vector.shape_cast %broadcast_in_dim3A_841 : vector<16x1xi32> to vector<16xi32>
    %gather3A_843 = tpu.dynamic_gather %convert_element_type3A_783[%gather3A_842] in [0] : vector<16xf32>, vector<16xi32> -> vector<16xf32>
    %broadcast_in_dim3A_844 = arith.constant 15 : i32
    %broadcast_in_dim3A_845 = vector.broadcast %broadcast_in_dim3A_844 : i32 to vector<16x1xi32>
    %gather3A_846 = vector.shape_cast %broadcast_in_dim3A_845 : vector<16x1xi32> to vector<16xi32>
    %gather3A_847 = tpu.dynamic_gather %convert_element_type3A_783[%gather3A_846] in [0] : vector<16xf32>, vector<16xi32> -> vector<16xf32>
    %scan3A_848 = arith.constant 0 : i32
    %scan3A_849 = arith.constant 0 : i32
    %scan3A_850 = arith.constant 64 : i32
    %scan3A_851 = arith.addi %scan3A_849, %scan3A_850 : i32
    %scan3A_852 = arith.constant 1 : i32
    scf.for %scan3A_982 = %scan3A_849 to %scan3A_851 step %scan3A_852  : i32 {
      %mul3A_983 = arith.constant 16 : i32
      %mul3A_984 = arith.muli %scan3A_982, %mul3A_983 : i32
      %get3A_985 = arith.index_cast %mul3A_984 : i32 to index
      %get3A_986 = tpu.vector_load %arg6[%get3A_985] {strides = array<i32>} : memref<2048xf32, #tpu.memory_space<vmem>>, vector<16xf32>,
      %get3A_987 = vector.shape_cast %get3A_986 : vector<16xf32> to vector<16xf32>
      %mul3A_988 = arith.constant 16 : i32
      %mul3A_989 = arith.muli %scan3A_982, %mul3A_988 : i32
      %add3A_990 = arith.constant 1024 : i32
      %add3A_991 = arith.addi %add3A_990, %mul3A_989 : i32
      %get3A_992 = arith.index_cast %add3A_991 : i32 to index
      %get3A_993 = tpu.vector_load %arg6[%get3A_992] {strides = array<i32>} : memref<2048xf32, #tpu.memory_space<vmem>>, vector<16xf32>,
      %get3A_994 = vector.shape_cast %get3A_993 : vector<16xf32> to vector<16xf32>
      %sub3A = arith.subf %get3A_994, %get3A_987 : vector<16xf32>
      %mul3A_995 = arith.mulf %gather3A_787, %sub3A : vector<16xf32>
      %add3A_996 = arith.addf %get3A_987, %mul3A_995 : vector<16xf32>
      %swap3A = arith.constant 0 : i32
      %swap3A_997 = arith.index_cast %swap3A : i32 to index
      %swap3A_998 = arith.index_cast %mul3A_984 : i32 to index
      %swap3A_999 = tpu.vector_load %arg10[%swap3A_997, %swap3A_998] {strides = array<i32>} : memref<16x1024xf32, #tpu.memory_space<vmem>>, vector<1x16xf32>,
      %swap3A_1000 = vector.shape_cast %swap3A_999 : vector<1x16xf32> to vector<16xf32>
      %swap3A_1001 = vector.shape_cast %add3A_996 : vector<16xf32> to vector<1x16xf32>
      tpu.vector_store %arg10[%swap3A_997, %swap3A_998], %swap3A_1001 {add = true, strides = array<i32>} : memref<16x1024xf32, #tpu.memory_space<vmem>>, vector<1x16xf32>,
      %mul3A_1002 = arith.mulf %gather3A_791, %sub3A : vector<16xf32>
      %add3A_1003 = arith.addf %get3A_987, %mul3A_1002 : vector<16xf32>
      %swap3A_1004 = arith.constant 1 : i32
      %swap3A_1005 = arith.index_cast %swap3A_1004 : i32 to index
      %swap3A_1006 = arith.index_cast %mul3A_984 : i32 to index
      %swap3A_1007 = tpu.vector_load %arg10[%swap3A_1005, %swap3A_1006] {strides = array<i32>} : memref<16x1024xf32, #tpu.memory_space<vmem>>, vector<1x16xf32>,
      %swap3A_1008 = vector.shape_cast %swap3A_1007 : vector<1x16xf32> to vector<16xf32>
      %swap3A_1009 = vector.shape_cast %add3A_1003 : vector<16xf32> to vector<1x16xf32>
      tpu.vector_store %arg10[%swap3A_1005, %swap3A_1006], %swap3A_1009 {add = true, strides = array<i32>} : memref<16x1024xf32, #tpu.memory_space<vmem>>, vector<1x16xf32>,
      %mul3A_1010 = arith.mulf %gather3A_795, %sub3A : vector<16xf32>
      %add3A_1011 = arith.addf %get3A_987, %mul3A_1010 : vector<16xf32>
      %swap3A_1012 = arith.constant 2 : i32
      %swap3A_1013 = arith.index_cast %swap3A_1012 : i32 to index
      %swap3A_1014 = arith.index_cast %mul3A_984 : i32 to index
      %swap3A_1015 = tpu.vector_load %arg10[%swap3A_1013, %swap3A_1014] {strides = array<i32>} : memref<16x1024xf32, #tpu.memory_space<vmem>>, vector<1x16xf32>,
      %swap3A_1016 = vector.shape_cast %swap3A_1015 : vector<1x16xf32> to vector<16xf32>
      %swap3A_1017 = vector.shape_cast %add3A_1011 : vector<16xf32> to vector<1x16xf32>
      tpu.vector_store %arg10[%swap3A_1013, %swap3A_1014], %swap3A_1017 {add = true, strides = array<i32>} : memref<16x1024xf32, #tpu.memory_space<vmem>>, vector<1x16xf32>,
      %mul3A_1018 = arith.mulf %gather3A_799, %sub3A : vector<16xf32>
      %add3A_1019 = arith.addf %get3A_987, %mul3A_1018 : vector<16xf32>
      %swap3A_1020 = arith.constant 3 : i32
      %swap3A_1021 = arith.index_cast %swap3A_1020 : i32 to index
      %swap3A_1022 = arith.index_cast %mul3A_984 : i32 to index
      %swap3A_1023 = tpu.vector_load %arg10[%swap3A_1021, %swap3A_1022] {strides = array<i32>} : memref<16x1024xf32, #tpu.memory_space<vmem>>, vector<1x16xf32>,
      %swap3A_1024 = vector.shape_cast %swap3A_1023 : vector<1x16xf32> to vector<16xf32>
      %swap3A_1025 = vector.shape_cast %add3A_1019 : vector<16xf32> to vector<1x16xf32>
      tpu.vector_store %arg10[%swap3A_1021, %swap3A_1022], %swap3A_1025 {add = true, strides = array<i32>} : memref<16x1024xf32, #tpu.memory_space<vmem>>, vector<1x16xf32>,
      %mul3A_1026 = arith.mulf %gather3A_803, %sub3A : vector<16xf32>
      %add3A_1027 = arith.addf %get3A_987, %mul3A_1026 : vector<16xf32>
      %swap3A_1028 = arith.constant 4 : i32
      %swap3A_1029 = arith.index_cast %swap3A_1028 : i32 to index
      %swap3A_1030 = arith.index_cast %mul3A_984 : i32 to index
      %swap3A_1031 = tpu.vector_load %arg10[%swap3A_1029, %swap3A_1030] {strides = array<i32>} : memref<16x1024xf32, #tpu.memory_space<vmem>>, vector<1x16xf32>,
      %swap3A_1032 = vector.shape_cast %swap3A_1031 : vector<1x16xf32> to vector<16xf32>
      %swap3A_1033 = vector.shape_cast %add3A_1027 : vector<16xf32> to vector<1x16xf32>
      tpu.vector_store %arg10[%swap3A_1029, %swap3A_1030], %swap3A_1033 {add = true, strides = array<i32>} : memref<16x1024xf32, #tpu.memory_space<vmem>>, vector<1x16xf32>,
      %mul3A_1034 = arith.mulf %gather3A_807, %sub3A : vector<16xf32>
      %add3A_1035 = arith.addf %get3A_987, %mul3A_1034 : vector<16xf32>
      %swap3A_1036 = arith.constant 5 : i32
      %swap3A_1037 = arith.index_cast %swap3A_1036 : i32 to index
      %swap3A_1038 = arith.index_cast %mul3A_984 : i32 to index
      %swap3A_1039 = tpu.vector_load %arg10[%swap3A_1037, %swap3A_1038] {strides = array<i32>} : memref<16x1024xf32, #tpu.memory_space<vmem>>, vector<1x16xf32>,
      %swap3A_1040 = vector.shape_cast %swap3A_1039 : vector<1x16xf32> to vector<16xf32>
      %swap3A_1041 = vector.shape_cast %add3A_1035 : vector<16xf32> to vector<1x16xf32>
      tpu.vector_store %arg10[%swap3A_1037, %swap3A_1038], %swap3A_1041 {add = true, strides = array<i32>} : memref<16x1024xf32, #tpu.memory_space<vmem>>, vector<1x16xf32>,
      %mul3A_1042 = arith.mulf %gather3A_811, %sub3A : vector<16xf32>
      %add3A_1043 = arith.addf %get3A_987, %mul3A_1042 : vector<16xf32>
      %swap3A_1044 = arith.constant 6 : i32
      %swap3A_1045 = arith.index_cast %swap3A_1044 : i32 to index
      %swap3A_1046 = arith.index_cast %mul3A_984 : i32 to index
      %swap3A_1047 = tpu.vector_load %arg10[%swap3A_1045, %swap3A_1046] {strides = array<i32>} : memref<16x1024xf32, #tpu.memory_space<vmem>>, vector<1x16xf32>,
      %swap3A_1048 = vector.shape_cast %swap3A_1047 : vector<1x16xf32> to vector<16xf32>
      %swap3A_1049 = vector.shape_cast %add3A_1043 : vector<16xf32> to vector<1x16xf32>
      tpu.vector_store %arg10[%swap3A_1045, %swap3A_1046], %swap3A_1049 {add = true, strides = array<i32>} : memref<16x1024xf32, #tpu.memory_space<vmem>>, vector<1x16xf32>,
      %mul3A_1050 = arith.mulf %gather3A_815, %sub3A : vector<16xf32>
      %add3A_1051 = arith.addf %get3A_987, %mul3A_1050 : vector<16xf32>
      %swap3A_1052 = arith.constant 7 : i32
      %swap3A_1053 = arith.index_cast %swap3A_1052 : i32 to index
      %swap3A_1054 = arith.index_cast %mul3A_984 : i32 to index
      %swap3A_1055 = tpu.vector_load %arg10[%swap3A_1053, %swap3A_1054] {strides = array<i32>} : memref<16x1024xf32, #tpu.memory_space<vmem>>, vector<1x16xf32>,
      %swap3A_1056 = vector.shape_cast %swap3A_1055 : vector<1x16xf32> to vector<16xf32>
      %swap3A_1057 = vector.shape_cast %add3A_1051 : vector<16xf32> to vector<1x16xf32>
      tpu.vector_store %arg10[%swap3A_1053, %swap3A_1054], %swap3A_1057 {add = true, strides = array<i32>} : memref<16x1024xf32, #tpu.memory_space<vmem>>, vector<1x16xf32>,
      %mul3A_1058 = arith.mulf %gather3A_819, %sub3A : vector<16xf32>
      %add3A_1059 = arith.addf %get3A_987, %mul3A_1058 : vector<16xf32>
      %swap3A_1060 = arith.constant 8 : i32
      %swap3A_1061 = arith.index_cast %swap3A_1060 : i32 to index
      %swap3A_1062 = arith.index_cast %mul3A_984 : i32 to index
      %swap3A_1063 = tpu.vector_load %arg10[%swap3A_1061, %swap3A_1062] {strides = array<i32>} : memref<16x1024xf32, #tpu.memory_space<vmem>>, vector<1x16xf32>,
      %swap3A_1064 = vector.shape_cast %swap3A_1063 : vector<1x16xf32> to vector<16xf32>
      %swap3A_1065 = vector.shape_cast %add3A_1059 : vector<16xf32> to vector<1x16xf32>
      tpu.vector_store %arg10[%swap3A_1061, %swap3A_1062], %swap3A_1065 {add = true, strides = array<i32>} : memref<16x1024xf32, #tpu.memory_space<vmem>>, vector<1x16xf32>,
      %mul3A_1066 = arith.mulf %gather3A_823, %sub3A : vector<16xf32>
      %add3A_1067 = arith.addf %get3A_987, %mul3A_1066 : vector<16xf32>
      %swap3A_1068 = arith.constant 9 : i32
      %swap3A_1069 = arith.index_cast %swap3A_1068 : i32 to index
      %swap3A_1070 = arith.index_cast %mul3A_984 : i32 to index
      %swap3A_1071 = tpu.vector_load %arg10[%swap3A_1069, %swap3A_1070] {strides = array<i32>} : memref<16x1024xf32, #tpu.memory_space<vmem>>, vector<1x16xf32>,
      %swap3A_1072 = vector.shape_cast %swap3A_1071 : vector<1x16xf32> to vector<16xf32>
      %swap3A_1073 = vector.shape_cast %add3A_1067 : vector<16xf32> to vector<1x16xf32>
      tpu.vector_store %arg10[%swap3A_1069, %swap3A_1070], %swap3A_1073 {add = true, strides = array<i32>} : memref<16x1024xf32, #tpu.memory_space<vmem>>, vector<1x16xf32>,
      %mul3A_1074 = arith.mulf %gather3A_827, %sub3A : vector<16xf32>
      %add3A_1075 = arith.addf %get3A_987, %mul3A_1074 : vector<16xf32>
      %swap3A_1076 = arith.constant 10 : i32
      %swap3A_1077 = arith.index_cast %swap3A_1076 : i32 to index
      %swap3A_1078 = arith.index_cast %mul3A_984 : i32 to index
      %swap3A_1079 = tpu.vector_load %arg10[%swap3A_1077, %swap3A_1078] {strides = array<i32>} : memref<16x1024xf32, #tpu.memory_space<vmem>>, vector<1x16xf32>,
      %swap3A_1080 = vector.shape_cast %swap3A_1079 : vector<1x16xf32> to vector<16xf32>
      %swap3A_1081 = vector.shape_cast %add3A_1075 : vector<16xf32> to vector<1x16xf32>
      tpu.vector_store %arg10[%swap3A_1077, %swap3A_1078], %swap3A_1081 {add = true, strides = array<i32>} : memref<16x1024xf32, #tpu.memory_space<vmem>>, vector<1x16xf32>,
      %mul3A_1082 = arith.mulf %gather3A_831, %sub3A : vector<16xf32>
      %add3A_1083 = arith.addf %get3A_987, %mul3A_1082 : vector<16xf32>
      %swap3A_1084 = arith.constant 11 : i32
      %swap3A_1085 = arith.index_cast %swap3A_1084 : i32 to index
      %swap3A_1086 = arith.index_cast %mul3A_984 : i32 to index
      %swap3A_1087 = tpu.vector_load %arg10[%swap3A_1085, %swap3A_1086] {strides = array<i32>} : memref<16x1024xf32, #tpu.memory_space<vmem>>, vector<1x16xf32>,
      %swap3A_1088 = vector.shape_cast %swap3A_1087 : vector<1x16xf32> to vector<16xf32>
      %swap3A_1089 = vector.shape_cast %add3A_1083 : vector<16xf32> to vector<1x16xf32>
      tpu.vector_store %arg10[%swap3A_1085, %swap3A_1086], %swap3A_1089 {add = true, strides = array<i32>} : memref<16x1024xf32, #tpu.memory_space<vmem>>, vector<1x16xf32>,
      %mul3A_1090 = arith.mulf %gather3A_835, %sub3A : vector<16xf32>
      %add3A_1091 = arith.addf %get3A_987, %mul3A_1090 : vector<16xf32>
      %swap3A_1092 = arith.constant 12 : i32
      %swap3A_1093 = arith.index_cast %swap3A_1092 : i32 to index
      %swap3A_1094 = arith.index_cast %mul3A_984 : i32 to index
      %swap3A_1095 = tpu.vector_load %arg10[%swap3A_1093, %swap3A_1094] {strides = array<i32>} : memref<16x1024xf32, #tpu.memory_space<vmem>>, vector<1x16xf32>,
      %swap3A_1096 = vector.shape_cast %swap3A_1095 : vector<1x16xf32> to vector<16xf32>
      %swap3A_1097 = vector.shape_cast %add3A_1091 : vector<16xf32> to vector<1x16xf32>
      tpu.vector_store %arg10[%swap3A_1093, %swap3A_1094], %swap3A_1097 {add = true, strides = array<i32>} : memref<16x1024xf32, #tpu.memory_space<vmem>>, vector<1x16xf32>,
      %mul3A_1098 = arith.mulf %gather3A_839, %sub3A : vector<16xf32>
      %add3A_1099 = arith.addf %get3A_987, %mul3A_1098 : vector<16xf32>
      %swap3A_1100 = arith.constant 13 : i32
      %swap3A_1101 = arith.index_cast %swap3A_1100 : i32 to index
      %swap3A_1102 = arith.index_cast %mul3A_984 : i32 to index
      %swap3A_1103 = tpu.vector_load %arg10[%swap3A_1101, %swap3A_1102] {strides = array<i32>} : memref<16x1024xf32, #tpu.memory_space<vmem>>, vector<1x16xf32>,
      %swap3A_1104 = vector.shape_cast %swap3A_1103 : vector<1x16xf32> to vector<16xf32>
      %swap3A_1105 = vector.shape_cast %add3A_1099 : vector<16xf32> to vector<1x16xf32>
      tpu.vector_store %arg10[%swap3A_1101, %swap3A_1102], %swap3A_1105 {add = true, strides = array<i32>} : memref<16x1024xf32, #tpu.memory_space<vmem>>, vector<1x16xf32>,
      %mul3A_1106 = arith.mulf %gather3A_843, %sub3A : vector<16xf32>
      %add3A_1107 = arith.addf %get3A_987, %mul3A_1106 : vector<16xf32>
      %swap3A_1108 = arith.constant 14 : i32
      %swap3A_1109 = arith.index_cast %swap3A_1108 : i32 to index
      %swap3A_1110 = arith.index_cast %mul3A_984 : i32 to index
      %swap3A_1111 = tpu.vector_load %arg10[%swap3A_1109, %swap3A_1110] {strides = array<i32>} : memref<16x1024xf32, #tpu.memory_space<vmem>>, vector<1x16xf32>,
      %swap3A_1112 = vector.shape_cast %swap3A_1111 : vector<1x16xf32> to vector<16xf32>
      %swap3A_1113 = vector.shape_cast %add3A_1107 : vector<16xf32> to vector<1x16xf32>
      tpu.vector_store %arg10[%swap3A_1109, %swap3A_1110], %swap3A_1113 {add = true, strides = array<i32>} : memref<16x1024xf32, #tpu.memory_space<vmem>>, vector<1x16xf32>,
      %mul3A_1114 = arith.mulf %gather3A_847, %sub3A : vector<16xf32>
      %add3A_1115 = arith.addf %get3A_987, %mul3A_1114 : vector<16xf32>
      %swap3A_1116 = arith.constant 15 : i32
      %swap3A_1117 = arith.index_cast %swap3A_1116 : i32 to index
      %swap3A_1118 = arith.index_cast %mul3A_984 : i32 to index
      %swap3A_1119 = tpu.vector_load %arg10[%swap3A_1117, %swap3A_1118] {strides = array<i32>} : memref<16x1024xf32, #tpu.memory_space<vmem>>, vector<1x16xf32>,
      %swap3A_1120 = vector.shape_cast %swap3A_1119 : vector<1x16xf32> to vector<16xf32>
      %swap3A_1121 = vector.shape_cast %add3A_1115 : vector<16xf32> to vector<1x16xf32>
      tpu.vector_store %arg10[%swap3A_1117, %swap3A_1118], %swap3A_1121 {add = true, strides = array<i32>} : memref<16x1024xf32, #tpu.memory_space<vmem>>, vector<1x16xf32>,
    }
    %scan3A_853 = arith.constant 64 : i32
    %add3A_854 = arith.constant 992 : i32
    %add3A_855 = arith.addi %mul3A_2, %add3A_854 : i32
    %dma_start3A_856 = arith.constant 0 : i32
    %dma_start3A_857 = tpu.memref_slice %arg5[%add3A_855, %dma_start3A_856] : memref<32768x1024xf32, #tpu.memory_space<hbm>> -> memref<16x1024xf32, #tpu.memory_space<hbm>>
    %dma_start3A_858 = arith.constant 0 : i32
    %dma_start3A_859 = tpu.memref_slice %arg5[%add3A_855, %dma_start3A_858] : memref<32768x1024xf32, #tpu.memory_space<hbm>> -> memref<16x1024xf32, #tpu.memory_space<hbm>>
    tpu.enqueue_dma source(%arg10 : memref<16x1024xf32, #tpu.memory_space<vmem>>) target(%dma_start3A_859 : memref<16x1024xf32, #tpu.memory_space<hbm>>) target_semaphore(%arg22 : memref<!tpu.dma_semaphore, #tpu.memory_space<semaphore_mem>>)
    %dma_wait3A_860 = arith.constant 0 : i32
    %dma_wait3A_861 = arith.constant 0 : i32
    %dma_wait3A_862 = tpu.memref_slice %arg2[%dma_wait3A_860, %dma_wait3A_861] : memref<32768x1024xf32, #tpu.memory_space<hbm>> -> memref<16x1024xf32, #tpu.memory_space<hbm>>
    %dma_wait3A_863 = arith.constant 0 : i32
    %dma_wait3A_864 = arith.constant 0 : i32
    %dma_wait3A_865 = tpu.memref_slice %arg2[%dma_wait3A_863, %dma_wait3A_864] : memref<32768x1024xf32, #tpu.memory_space<hbm>> -> memref<16x1024xf32, #tpu.memory_space<hbm>>
    tpu.wait_dma2 semaphore(%arg17 : memref<!tpu.dma_semaphore, #tpu.memory_space<semaphore_mem>>) src(%dma_wait3A_865 : memref<16x1024xf32, #tpu.memory_space<hbm>>) dst(%arg11 : memref<16x1024xf32, #tpu.memory_space<vmem>>)
    %get3A_866 = arith.constant 1008 : index
    %get3A_867 = tpu.vector_load %arg7[%get3A_866] {strides = array<i32>} : memref<1024xi32, #tpu.memory_space<vmem>>, vector<16xi32>,
    %get3A_868 = vector.shape_cast %get3A_867 : vector<16xi32> to vector<16xi32>
    %convert_element_type3A_869 = arith.sitofp %get3A_868 : vector<16xi32> to vector<16xf32>
    %broadcast_in_dim3A_870 = arith.constant 0 : i32
    %broadcast_in_dim3A_871 = vector.broadcast %broadcast_in_dim3A_870 : i32 to vector<16x1xi32>
    %gather3A_872 = vector.shape_cast %broadcast_in_dim3A_871 : vector<16x1xi32> to vector<16xi32>
    %gather3A_873 = tpu.dynamic_gather %convert_element_type3A_869[%gather3A_872] in [0] : vector<16xf32>, vector<16xi32> -> vector<16xf32>
    %broadcast_in_dim3A_874 = arith.constant 1 : i32
    %broadcast_in_dim3A_875 = vector.broadcast %broadcast_in_dim3A_874 : i32 to vector<16x1xi32>
    %gather3A_876 = vector.shape_cast %broadcast_in_dim3A_875 : vector<16x1xi32> to vector<16xi32>
    %gather3A_877 = tpu.dynamic_gather %convert_element_type3A_869[%gather3A_876] in [0] : vector<16xf32>, vector<16xi32> -> vector<16xf32>
    %broadcast_in_dim3A_878 = arith.constant 2 : i32
    %broadcast_in_dim3A_879 = vector.broadcast %broadcast_in_dim3A_878 : i32 to vector<16x1xi32>
    %gather3A_880 = vector.shape_cast %broadcast_in_dim3A_879 : vector<16x1xi32> to vector<16xi32>
    %gather3A_881 = tpu.dynamic_gather %convert_element_type3A_869[%gather3A_880] in [0] : vector<16xf32>, vector<16xi32> -> vector<16xf32>
    %broadcast_in_dim3A_882 = arith.constant 3 : i32
    %broadcast_in_dim3A_883 = vector.broadcast %broadcast_in_dim3A_882 : i32 to vector<16x1xi32>
    %gather3A_884 = vector.shape_cast %broadcast_in_dim3A_883 : vector<16x1xi32> to vector<16xi32>
    %gather3A_885 = tpu.dynamic_gather %convert_element_type3A_869[%gather3A_884] in [0] : vector<16xf32>, vector<16xi32> -> vector<16xf32>
    %broadcast_in_dim3A_886 = arith.constant 4 : i32
    %broadcast_in_dim3A_887 = vector.broadcast %broadcast_in_dim3A_886 : i32 to vector<16x1xi32>
    %gather3A_888 = vector.shape_cast %broadcast_in_dim3A_887 : vector<16x1xi32> to vector<16xi32>
    %gather3A_889 = tpu.dynamic_gather %convert_element_type3A_869[%gather3A_888] in [0] : vector<16xf32>, vector<16xi32> -> vector<16xf32>
    %broadcast_in_dim3A_890 = arith.constant 5 : i32
    %broadcast_in_dim3A_891 = vector.broadcast %broadcast_in_dim3A_890 : i32 to vector<16x1xi32>
    %gather3A_892 = vector.shape_cast %broadcast_in_dim3A_891 : vector<16x1xi32> to vector<16xi32>
    %gather3A_893 = tpu.dynamic_gather %convert_element_type3A_869[%gather3A_892] in [0] : vector<16xf32>, vector<16xi32> -> vector<16xf32>
    %broadcast_in_dim3A_894 = arith.constant 6 : i32
    %broadcast_in_dim3A_895 = vector.broadcast %broadcast_in_dim3A_894 : i32 to vector<16x1xi32>
    %gather3A_896 = vector.shape_cast %broadcast_in_dim3A_895 : vector<16x1xi32> to vector<16xi32>
    %gather3A_897 = tpu.dynamic_gather %convert_element_type3A_869[%gather3A_896] in [0] : vector<16xf32>, vector<16xi32> -> vector<16xf32>
    %broadcast_in_dim3A_898 = arith.constant 7 : i32
    %broadcast_in_dim3A_899 = vector.broadcast %broadcast_in_dim3A_898 : i32 to vector<16x1xi32>
    %gather3A_900 = vector.shape_cast %broadcast_in_dim3A_899 : vector<16x1xi32> to vector<16xi32>
    %gather3A_901 = tpu.dynamic_gather %convert_element_type3A_869[%gather3A_900] in [0] : vector<16xf32>, vector<16xi32> -> vector<16xf32>
    %broadcast_in_dim3A_902 = arith.constant 8 : i32
    %broadcast_in_dim3A_903 = vector.broadcast %broadcast_in_dim3A_902 : i32 to vector<16x1xi32>
    %gather3A_904 = vector.shape_cast %broadcast_in_dim3A_903 : vector<16x1xi32> to vector<16xi32>
    %gather3A_905 = tpu.dynamic_gather %convert_element_type3A_869[%gather3A_904] in [0] : vector<16xf32>, vector<16xi32> -> vector<16xf32>
    %broadcast_in_dim3A_906 = arith.constant 9 : i32
    %broadcast_in_dim3A_907 = vector.broadcast %broadcast_in_dim3A_906 : i32 to vector<16x1xi32>
    %gather3A_908 = vector.shape_cast %broadcast_in_dim3A_907 : vector<16x1xi32> to vector<16xi32>
    %gather3A_909 = tpu.dynamic_gather %convert_element_type3A_869[%gather3A_908] in [0] : vector<16xf32>, vector<16xi32> -> vector<16xf32>
    %broadcast_in_dim3A_910 = arith.constant 10 : i32
    %broadcast_in_dim3A_911 = vector.broadcast %broadcast_in_dim3A_910 : i32 to vector<16x1xi32>
    %gather3A_912 = vector.shape_cast %broadcast_in_dim3A_911 : vector<16x1xi32> to vector<16xi32>
    %gather3A_913 = tpu.dynamic_gather %convert_element_type3A_869[%gather3A_912] in [0] : vector<16xf32>, vector<16xi32> -> vector<16xf32>
    %broadcast_in_dim3A_914 = arith.constant 11 : i32
    %broadcast_in_dim3A_915 = vector.broadcast %broadcast_in_dim3A_914 : i32 to vector<16x1xi32>
    %gather3A_916 = vector.shape_cast %broadcast_in_dim3A_915 : vector<16x1xi32> to vector<16xi32>
    %gather3A_917 = tpu.dynamic_gather %convert_element_type3A_869[%gather3A_916] in [0] : vector<16xf32>, vector<16xi32> -> vector<16xf32>
    %broadcast_in_dim3A_918 = arith.constant 12 : i32
    %broadcast_in_dim3A_919 = vector.broadcast %broadcast_in_dim3A_918 : i32 to vector<16x1xi32>
    %gather3A_920 = vector.shape_cast %broadcast_in_dim3A_919 : vector<16x1xi32> to vector<16xi32>
    %gather3A_921 = tpu.dynamic_gather %convert_element_type3A_869[%gather3A_920] in [0] : vector<16xf32>, vector<16xi32> -> vector<16xf32>
    %broadcast_in_dim3A_922 = arith.constant 13 : i32
    %broadcast_in_dim3A_923 = vector.broadcast %broadcast_in_dim3A_922 : i32 to vector<16x1xi32>
    %gather3A_924 = vector.shape_cast %broadcast_in_dim3A_923 : vector<16x1xi32> to vector<16xi32>
    %gather3A_925 = tpu.dynamic_gather %convert_element_type3A_869[%gather3A_924] in [0] : vector<16xf32>, vector<16xi32> -> vector<16xf32>
    %broadcast_in_dim3A_926 = arith.constant 14 : i32
    %broadcast_in_dim3A_927 = vector.broadcast %broadcast_in_dim3A_926 : i32 to vector<16x1xi32>
    %gather3A_928 = vector.shape_cast %broadcast_in_dim3A_927 : vector<16x1xi32> to vector<16xi32>
    %gather3A_929 = tpu.dynamic_gather %convert_element_type3A_869[%gather3A_928] in [0] : vector<16xf32>, vector<16xi32> -> vector<16xf32>
    %broadcast_in_dim3A_930 = arith.constant 15 : i32
    %broadcast_in_dim3A_931 = vector.broadcast %broadcast_in_dim3A_930 : i32 to vector<16x1xi32>
    %gather3A_932 = vector.shape_cast %broadcast_in_dim3A_931 : vector<16x1xi32> to vector<16xi32>
    %gather3A_933 = tpu.dynamic_gather %convert_element_type3A_869[%gather3A_932] in [0] : vector<16xf32>, vector<16xi32> -> vector<16xf32>
    %scan3A_934 = arith.constant 0 : i32
    %scan3A_935 = arith.constant 0 : i32
    %scan3A_936 = arith.constant 64 : i32
    %scan3A_937 = arith.addi %scan3A_935, %scan3A_936 : i32
    %scan3A_938 = arith.constant 1 : i32
    scf.for %scan3A_982 = %scan3A_935 to %scan3A_937 step %scan3A_938  : i32 {
      %mul3A_983 = arith.constant 16 : i32
      %mul3A_984 = arith.muli %scan3A_982, %mul3A_983 : i32
      %get3A_985 = arith.index_cast %mul3A_984 : i32 to index
      %get3A_986 = tpu.vector_load %arg6[%get3A_985] {strides = array<i32>} : memref<2048xf32, #tpu.memory_space<vmem>>, vector<16xf32>,
      %get3A_987 = vector.shape_cast %get3A_986 : vector<16xf32> to vector<16xf32>
      %mul3A_988 = arith.constant 16 : i32
      %mul3A_989 = arith.muli %scan3A_982, %mul3A_988 : i32
      %add3A_990 = arith.constant 1024 : i32
      %add3A_991 = arith.addi %add3A_990, %mul3A_989 : i32
      %get3A_992 = arith.index_cast %add3A_991 : i32 to index
      %get3A_993 = tpu.vector_load %arg6[%get3A_992] {strides = array<i32>} : memref<2048xf32, #tpu.memory_space<vmem>>, vector<16xf32>,
      %get3A_994 = vector.shape_cast %get3A_993 : vector<16xf32> to vector<16xf32>
      %sub3A = arith.subf %get3A_994, %get3A_987 : vector<16xf32>
      %mul3A_995 = arith.mulf %gather3A_873, %sub3A : vector<16xf32>
      %add3A_996 = arith.addf %get3A_987, %mul3A_995 : vector<16xf32>
      %swap3A = arith.constant 0 : i32
      %swap3A_997 = arith.index_cast %swap3A : i32 to index
      %swap3A_998 = arith.index_cast %mul3A_984 : i32 to index
      %swap3A_999 = tpu.vector_load %arg11[%swap3A_997, %swap3A_998] {strides = array<i32>} : memref<16x1024xf32, #tpu.memory_space<vmem>>, vector<1x16xf32>,
      %swap3A_1000 = vector.shape_cast %swap3A_999 : vector<1x16xf32> to vector<16xf32>
      %swap3A_1001 = vector.shape_cast %add3A_996 : vector<16xf32> to vector<1x16xf32>
      tpu.vector_store %arg11[%swap3A_997, %swap3A_998], %swap3A_1001 {add = true, strides = array<i32>} : memref<16x1024xf32, #tpu.memory_space<vmem>>, vector<1x16xf32>,
      %mul3A_1002 = arith.mulf %gather3A_877, %sub3A : vector<16xf32>
      %add3A_1003 = arith.addf %get3A_987, %mul3A_1002 : vector<16xf32>
      %swap3A_1004 = arith.constant 1 : i32
      %swap3A_1005 = arith.index_cast %swap3A_1004 : i32 to index
      %swap3A_1006 = arith.index_cast %mul3A_984 : i32 to index
      %swap3A_1007 = tpu.vector_load %arg11[%swap3A_1005, %swap3A_1006] {strides = array<i32>} : memref<16x1024xf32, #tpu.memory_space<vmem>>, vector<1x16xf32>,
      %swap3A_1008 = vector.shape_cast %swap3A_1007 : vector<1x16xf32> to vector<16xf32>
      %swap3A_1009 = vector.shape_cast %add3A_1003 : vector<16xf32> to vector<1x16xf32>
      tpu.vector_store %arg11[%swap3A_1005, %swap3A_1006], %swap3A_1009 {add = true, strides = array<i32>} : memref<16x1024xf32, #tpu.memory_space<vmem>>, vector<1x16xf32>,
      %mul3A_1010 = arith.mulf %gather3A_881, %sub3A : vector<16xf32>
      %add3A_1011 = arith.addf %get3A_987, %mul3A_1010 : vector<16xf32>
      %swap3A_1012 = arith.constant 2 : i32
      %swap3A_1013 = arith.index_cast %swap3A_1012 : i32 to index
      %swap3A_1014 = arith.index_cast %mul3A_984 : i32 to index
      %swap3A_1015 = tpu.vector_load %arg11[%swap3A_1013, %swap3A_1014] {strides = array<i32>} : memref<16x1024xf32, #tpu.memory_space<vmem>>, vector<1x16xf32>,
      %swap3A_1016 = vector.shape_cast %swap3A_1015 : vector<1x16xf32> to vector<16xf32>
      %swap3A_1017 = vector.shape_cast %add3A_1011 : vector<16xf32> to vector<1x16xf32>
      tpu.vector_store %arg11[%swap3A_1013, %swap3A_1014], %swap3A_1017 {add = true, strides = array<i32>} : memref<16x1024xf32, #tpu.memory_space<vmem>>, vector<1x16xf32>,
      %mul3A_1018 = arith.mulf %gather3A_885, %sub3A : vector<16xf32>
      %add3A_1019 = arith.addf %get3A_987, %mul3A_1018 : vector<16xf32>
      %swap3A_1020 = arith.constant 3 : i32
      %swap3A_1021 = arith.index_cast %swap3A_1020 : i32 to index
      %swap3A_1022 = arith.index_cast %mul3A_984 : i32 to index
      %swap3A_1023 = tpu.vector_load %arg11[%swap3A_1021, %swap3A_1022] {strides = array<i32>} : memref<16x1024xf32, #tpu.memory_space<vmem>>, vector<1x16xf32>,
      %swap3A_1024 = vector.shape_cast %swap3A_1023 : vector<1x16xf32> to vector<16xf32>
      %swap3A_1025 = vector.shape_cast %add3A_1019 : vector<16xf32> to vector<1x16xf32>
      tpu.vector_store %arg11[%swap3A_1021, %swap3A_1022], %swap3A_1025 {add = true, strides = array<i32>} : memref<16x1024xf32, #tpu.memory_space<vmem>>, vector<1x16xf32>,
      %mul3A_1026 = arith.mulf %gather3A_889, %sub3A : vector<16xf32>
      %add3A_1027 = arith.addf %get3A_987, %mul3A_1026 : vector<16xf32>
      %swap3A_1028 = arith.constant 4 : i32
      %swap3A_1029 = arith.index_cast %swap3A_1028 : i32 to index
      %swap3A_1030 = arith.index_cast %mul3A_984 : i32 to index
      %swap3A_1031 = tpu.vector_load %arg11[%swap3A_1029, %swap3A_1030] {strides = array<i32>} : memref<16x1024xf32, #tpu.memory_space<vmem>>, vector<1x16xf32>,
      %swap3A_1032 = vector.shape_cast %swap3A_1031 : vector<1x16xf32> to vector<16xf32>
      %swap3A_1033 = vector.shape_cast %add3A_1027 : vector<16xf32> to vector<1x16xf32>
      tpu.vector_store %arg11[%swap3A_1029, %swap3A_1030], %swap3A_1033 {add = true, strides = array<i32>} : memref<16x1024xf32, #tpu.memory_space<vmem>>, vector<1x16xf32>,
      %mul3A_1034 = arith.mulf %gather3A_893, %sub3A : vector<16xf32>
      %add3A_1035 = arith.addf %get3A_987, %mul3A_1034 : vector<16xf32>
      %swap3A_1036 = arith.constant 5 : i32
      %swap3A_1037 = arith.index_cast %swap3A_1036 : i32 to index
      %swap3A_1038 = arith.index_cast %mul3A_984 : i32 to index
      %swap3A_1039 = tpu.vector_load %arg11[%swap3A_1037, %swap3A_1038] {strides = array<i32>} : memref<16x1024xf32, #tpu.memory_space<vmem>>, vector<1x16xf32>,
      %swap3A_1040 = vector.shape_cast %swap3A_1039 : vector<1x16xf32> to vector<16xf32>
      %swap3A_1041 = vector.shape_cast %add3A_1035 : vector<16xf32> to vector<1x16xf32>
      tpu.vector_store %arg11[%swap3A_1037, %swap3A_1038], %swap3A_1041 {add = true, strides = array<i32>} : memref<16x1024xf32, #tpu.memory_space<vmem>>, vector<1x16xf32>,
      %mul3A_1042 = arith.mulf %gather3A_897, %sub3A : vector<16xf32>
      %add3A_1043 = arith.addf %get3A_987, %mul3A_1042 : vector<16xf32>
      %swap3A_1044 = arith.constant 6 : i32
      %swap3A_1045 = arith.index_cast %swap3A_1044 : i32 to index
      %swap3A_1046 = arith.index_cast %mul3A_984 : i32 to index
      %swap3A_1047 = tpu.vector_load %arg11[%swap3A_1045, %swap3A_1046] {strides = array<i32>} : memref<16x1024xf32, #tpu.memory_space<vmem>>, vector<1x16xf32>,
      %swap3A_1048 = vector.shape_cast %swap3A_1047 : vector<1x16xf32> to vector<16xf32>
      %swap3A_1049 = vector.shape_cast %add3A_1043 : vector<16xf32> to vector<1x16xf32>
      tpu.vector_store %arg11[%swap3A_1045, %swap3A_1046], %swap3A_1049 {add = true, strides = array<i32>} : memref<16x1024xf32, #tpu.memory_space<vmem>>, vector<1x16xf32>,
      %mul3A_1050 = arith.mulf %gather3A_901, %sub3A : vector<16xf32>
      %add3A_1051 = arith.addf %get3A_987, %mul3A_1050 : vector<16xf32>
      %swap3A_1052 = arith.constant 7 : i32
      %swap3A_1053 = arith.index_cast %swap3A_1052 : i32 to index
      %swap3A_1054 = arith.index_cast %mul3A_984 : i32 to index
      %swap3A_1055 = tpu.vector_load %arg11[%swap3A_1053, %swap3A_1054] {strides = array<i32>} : memref<16x1024xf32, #tpu.memory_space<vmem>>, vector<1x16xf32>,
      %swap3A_1056 = vector.shape_cast %swap3A_1055 : vector<1x16xf32> to vector<16xf32>
      %swap3A_1057 = vector.shape_cast %add3A_1051 : vector<16xf32> to vector<1x16xf32>
      tpu.vector_store %arg11[%swap3A_1053, %swap3A_1054], %swap3A_1057 {add = true, strides = array<i32>} : memref<16x1024xf32, #tpu.memory_space<vmem>>, vector<1x16xf32>,
      %mul3A_1058 = arith.mulf %gather3A_905, %sub3A : vector<16xf32>
      %add3A_1059 = arith.addf %get3A_987, %mul3A_1058 : vector<16xf32>
      %swap3A_1060 = arith.constant 8 : i32
      %swap3A_1061 = arith.index_cast %swap3A_1060 : i32 to index
      %swap3A_1062 = arith.index_cast %mul3A_984 : i32 to index
      %swap3A_1063 = tpu.vector_load %arg11[%swap3A_1061, %swap3A_1062] {strides = array<i32>} : memref<16x1024xf32, #tpu.memory_space<vmem>>, vector<1x16xf32>,
      %swap3A_1064 = vector.shape_cast %swap3A_1063 : vector<1x16xf32> to vector<16xf32>
      %swap3A_1065 = vector.shape_cast %add3A_1059 : vector<16xf32> to vector<1x16xf32>
      tpu.vector_store %arg11[%swap3A_1061, %swap3A_1062], %swap3A_1065 {add = true, strides = array<i32>} : memref<16x1024xf32, #tpu.memory_space<vmem>>, vector<1x16xf32>,
      %mul3A_1066 = arith.mulf %gather3A_909, %sub3A : vector<16xf32>
      %add3A_1067 = arith.addf %get3A_987, %mul3A_1066 : vector<16xf32>
      %swap3A_1068 = arith.constant 9 : i32
      %swap3A_1069 = arith.index_cast %swap3A_1068 : i32 to index
      %swap3A_1070 = arith.index_cast %mul3A_984 : i32 to index
      %swap3A_1071 = tpu.vector_load %arg11[%swap3A_1069, %swap3A_1070] {strides = array<i32>} : memref<16x1024xf32, #tpu.memory_space<vmem>>, vector<1x16xf32>,
      %swap3A_1072 = vector.shape_cast %swap3A_1071 : vector<1x16xf32> to vector<16xf32>
      %swap3A_1073 = vector.shape_cast %add3A_1067 : vector<16xf32> to vector<1x16xf32>
      tpu.vector_store %arg11[%swap3A_1069, %swap3A_1070], %swap3A_1073 {add = true, strides = array<i32>} : memref<16x1024xf32, #tpu.memory_space<vmem>>, vector<1x16xf32>,
      %mul3A_1074 = arith.mulf %gather3A_913, %sub3A : vector<16xf32>
      %add3A_1075 = arith.addf %get3A_987, %mul3A_1074 : vector<16xf32>
      %swap3A_1076 = arith.constant 10 : i32
      %swap3A_1077 = arith.index_cast %swap3A_1076 : i32 to index
      %swap3A_1078 = arith.index_cast %mul3A_984 : i32 to index
      %swap3A_1079 = tpu.vector_load %arg11[%swap3A_1077, %swap3A_1078] {strides = array<i32>} : memref<16x1024xf32, #tpu.memory_space<vmem>>, vector<1x16xf32>,
      %swap3A_1080 = vector.shape_cast %swap3A_1079 : vector<1x16xf32> to vector<16xf32>
      %swap3A_1081 = vector.shape_cast %add3A_1075 : vector<16xf32> to vector<1x16xf32>
      tpu.vector_store %arg11[%swap3A_1077, %swap3A_1078], %swap3A_1081 {add = true, strides = array<i32>} : memref<16x1024xf32, #tpu.memory_space<vmem>>, vector<1x16xf32>,
      %mul3A_1082 = arith.mulf %gather3A_917, %sub3A : vector<16xf32>
      %add3A_1083 = arith.addf %get3A_987, %mul3A_1082 : vector<16xf32>
      %swap3A_1084 = arith.constant 11 : i32
      %swap3A_1085 = arith.index_cast %swap3A_1084 : i32 to index
      %swap3A_1086 = arith.index_cast %mul3A_984 : i32 to index
      %swap3A_1087 = tpu.vector_load %arg11[%swap3A_1085, %swap3A_1086] {strides = array<i32>} : memref<16x1024xf32, #tpu.memory_space<vmem>>, vector<1x16xf32>,
      %swap3A_1088 = vector.shape_cast %swap3A_1087 : vector<1x16xf32> to vector<16xf32>
      %swap3A_1089 = vector.shape_cast %add3A_1083 : vector<16xf32> to vector<1x16xf32>
      tpu.vector_store %arg11[%swap3A_1085, %swap3A_1086], %swap3A_1089 {add = true, strides = array<i32>} : memref<16x1024xf32, #tpu.memory_space<vmem>>, vector<1x16xf32>,
      %mul3A_1090 = arith.mulf %gather3A_921, %sub3A : vector<16xf32>
      %add3A_1091 = arith.addf %get3A_987, %mul3A_1090 : vector<16xf32>
      %swap3A_1092 = arith.constant 12 : i32
      %swap3A_1093 = arith.index_cast %swap3A_1092 : i32 to index
      %swap3A_1094 = arith.index_cast %mul3A_984 : i32 to index
      %swap3A_1095 = tpu.vector_load %arg11[%swap3A_1093, %swap3A_1094] {strides = array<i32>} : memref<16x1024xf32, #tpu.memory_space<vmem>>, vector<1x16xf32>,
      %swap3A_1096 = vector.shape_cast %swap3A_1095 : vector<1x16xf32> to vector<16xf32>
      %swap3A_1097 = vector.shape_cast %add3A_1091 : vector<16xf32> to vector<1x16xf32>
      tpu.vector_store %arg11[%swap3A_1093, %swap3A_1094], %swap3A_1097 {add = true, strides = array<i32>} : memref<16x1024xf32, #tpu.memory_space<vmem>>, vector<1x16xf32>,
      %mul3A_1098 = arith.mulf %gather3A_925, %sub3A : vector<16xf32>
      %add3A_1099 = arith.addf %get3A_987, %mul3A_1098 : vector<16xf32>
      %swap3A_1100 = arith.constant 13 : i32
      %swap3A_1101 = arith.index_cast %swap3A_1100 : i32 to index
      %swap3A_1102 = arith.index_cast %mul3A_984 : i32 to index
      %swap3A_1103 = tpu.vector_load %arg11[%swap3A_1101, %swap3A_1102] {strides = array<i32>} : memref<16x1024xf32, #tpu.memory_space<vmem>>, vector<1x16xf32>,
      %swap3A_1104 = vector.shape_cast %swap3A_1103 : vector<1x16xf32> to vector<16xf32>
      %swap3A_1105 = vector.shape_cast %add3A_1099 : vector<16xf32> to vector<1x16xf32>
      tpu.vector_store %arg11[%swap3A_1101, %swap3A_1102], %swap3A_1105 {add = true, strides = array<i32>} : memref<16x1024xf32, #tpu.memory_space<vmem>>, vector<1x16xf32>,
      %mul3A_1106 = arith.mulf %gather3A_929, %sub3A : vector<16xf32>
      %add3A_1107 = arith.addf %get3A_987, %mul3A_1106 : vector<16xf32>
      %swap3A_1108 = arith.constant 14 : i32
      %swap3A_1109 = arith.index_cast %swap3A_1108 : i32 to index
      %swap3A_1110 = arith.index_cast %mul3A_984 : i32 to index
      %swap3A_1111 = tpu.vector_load %arg11[%swap3A_1109, %swap3A_1110] {strides = array<i32>} : memref<16x1024xf32, #tpu.memory_space<vmem>>, vector<1x16xf32>,
      %swap3A_1112 = vector.shape_cast %swap3A_1111 : vector<1x16xf32> to vector<16xf32>
      %swap3A_1113 = vector.shape_cast %add3A_1107 : vector<16xf32> to vector<1x16xf32>
      tpu.vector_store %arg11[%swap3A_1109, %swap3A_1110], %swap3A_1113 {add = true, strides = array<i32>} : memref<16x1024xf32, #tpu.memory_space<vmem>>, vector<1x16xf32>,
      %mul3A_1114 = arith.mulf %gather3A_933, %sub3A : vector<16xf32>
      %add3A_1115 = arith.addf %get3A_987, %mul3A_1114 : vector<16xf32>
      %swap3A_1116 = arith.constant 15 : i32
      %swap3A_1117 = arith.index_cast %swap3A_1116 : i32 to index
      %swap3A_1118 = arith.index_cast %mul3A_984 : i32 to index
      %swap3A_1119 = tpu.vector_load %arg11[%swap3A_1117, %swap3A_1118] {strides = array<i32>} : memref<16x1024xf32, #tpu.memory_space<vmem>>, vector<1x16xf32>,
      %swap3A_1120 = vector.shape_cast %swap3A_1119 : vector<1x16xf32> to vector<16xf32>
      %swap3A_1121 = vector.shape_cast %add3A_1115 : vector<16xf32> to vector<1x16xf32>
      tpu.vector_store %arg11[%swap3A_1117, %swap3A_1118], %swap3A_1121 {add = true, strides = array<i32>} : memref<16x1024xf32, #tpu.memory_space<vmem>>, vector<1x16xf32>,
    }
    %scan3A_939 = arith.constant 64 : i32
    %add3A_940 = arith.constant 1008 : i32
    %add3A_941 = arith.addi %mul3A_2, %add3A_940 : i32
    %dma_start3A_942 = arith.constant 0 : i32
    %dma_start3A_943 = tpu.memref_slice %arg5[%add3A_941, %dma_start3A_942] : memref<32768x1024xf32, #tpu.memory_space<hbm>> -> memref<16x1024xf32, #tpu.memory_space<hbm>>
    %dma_start3A_944 = arith.constant 0 : i32
    %dma_start3A_945 = tpu.memref_slice %arg5[%add3A_941, %dma_start3A_944] : memref<32768x1024xf32, #tpu.memory_space<hbm>> -> memref<16x1024xf32, #tpu.memory_space<hbm>>
    tpu.enqueue_dma source(%arg11 : memref<16x1024xf32, #tpu.memory_space<vmem>>) target(%dma_start3A_945 : memref<16x1024xf32, #tpu.memory_space<hbm>>) target_semaphore(%arg23 : memref<!tpu.dma_semaphore, #tpu.memory_space<semaphore_mem>>)
    %dma_wait3A_946 = arith.constant 0 : i32
    %dma_wait3A_947 = arith.constant 0 : i32
    %dma_wait3A_948 = tpu.memref_slice %arg5[%dma_wait3A_946, %dma_wait3A_947] : memref<32768x1024xf32, #tpu.memory_space<hbm>> -> memref<16x1024xf32, #tpu.memory_space<hbm>>
    %dma_wait3A_949 = arith.constant 0 : i32
    %dma_wait3A_950 = arith.constant 0 : i32
    %dma_wait3A_951 = tpu.memref_slice %arg5[%dma_wait3A_949, %dma_wait3A_950] : memref<32768x1024xf32, #tpu.memory_space<hbm>> -> memref<16x1024xf32, #tpu.memory_space<hbm>>
    tpu.wait_dma2 semaphore(%arg24 : memref<!tpu.dma_semaphore, #tpu.memory_space<semaphore_mem>>) src(%arg12 : memref<16x1024xf32, #tpu.memory_space<vmem>>) dst(%dma_wait3A_951 : memref<16x1024xf32, #tpu.memory_space<hbm>>)
    %dma_wait3A_952 = arith.constant 0 : i32
    %dma_wait3A_953 = arith.constant 0 : i32
    %dma_wait3A_954 = tpu.memref_slice %arg5[%dma_wait3A_952, %dma_wait3A_953] : memref<32768x1024xf32, #tpu.memory_space<hbm>> -> memref<16x1024xf32, #tpu.memory_space<hbm>>
    %dma_wait3A_955 = arith.constant 0 : i32
    %dma_wait3A_956 = arith.constant 0 : i32
    %dma_wait3A_957 = tpu.memref_slice %arg5[%dma_wait3A_955, %dma_wait3A_956] : memref<32768x1024xf32, #tpu.memory_space<hbm>> -> memref<16x1024xf32, #tpu.memory_space<hbm>>
    tpu.wait_dma2 semaphore(%arg25 : memref<!tpu.dma_semaphore, #tpu.memory_space<semaphore_mem>>) src(%arg13 : memref<16x1024xf32, #tpu.memory_space<vmem>>) dst(%dma_wait3A_957 : memref<16x1024xf32, #tpu.memory_space<hbm>>)
    %dma_wait3A_958 = arith.constant 0 : i32
    %dma_wait3A_959 = arith.constant 0 : i32
    %dma_wait3A_960 = tpu.memref_slice %arg5[%dma_wait3A_958, %dma_wait3A_959] : memref<32768x1024xf32, #tpu.memory_space<hbm>> -> memref<16x1024xf32, #tpu.memory_space<hbm>>
    %dma_wait3A_961 = arith.constant 0 : i32
    %dma_wait3A_962 = arith.constant 0 : i32
    %dma_wait3A_963 = tpu.memref_slice %arg5[%dma_wait3A_961, %dma_wait3A_962] : memref<32768x1024xf32, #tpu.memory_space<hbm>> -> memref<16x1024xf32, #tpu.memory_space<hbm>>
    tpu.wait_dma2 semaphore(%arg20 : memref<!tpu.dma_semaphore, #tpu.memory_space<semaphore_mem>>) src(%arg8 : memref<16x1024xf32, #tpu.memory_space<vmem>>) dst(%dma_wait3A_963 : memref<16x1024xf32, #tpu.memory_space<hbm>>)
    %dma_wait3A_964 = arith.constant 0 : i32
    %dma_wait3A_965 = arith.constant 0 : i32
    %dma_wait3A_966 = tpu.memref_slice %arg5[%dma_wait3A_964, %dma_wait3A_965] : memref<32768x1024xf32, #tpu.memory_space<hbm>> -> memref<16x1024xf32, #tpu.memory_space<hbm>>
    %dma_wait3A_967 = arith.constant 0 : i32
    %dma_wait3A_968 = arith.constant 0 : i32
    %dma_wait3A_969 = tpu.memref_slice %arg5[%dma_wait3A_967, %dma_wait3A_968] : memref<32768x1024xf32, #tpu.memory_space<hbm>> -> memref<16x1024xf32, #tpu.memory_space<hbm>>
    tpu.wait_dma2 semaphore(%arg21 : memref<!tpu.dma_semaphore, #tpu.memory_space<semaphore_mem>>) src(%arg9 : memref<16x1024xf32, #tpu.memory_space<vmem>>) dst(%dma_wait3A_969 : memref<16x1024xf32, #tpu.memory_space<hbm>>)
    %dma_wait3A_970 = arith.constant 0 : i32
    %dma_wait3A_971 = arith.constant 0 : i32
    %dma_wait3A_972 = tpu.memref_slice %arg5[%dma_wait3A_970, %dma_wait3A_971] : memref<32768x1024xf32, #tpu.memory_space<hbm>> -> memref<16x1024xf32, #tpu.memory_space<hbm>>
    %dma_wait3A_973 = arith.constant 0 : i32
    %dma_wait3A_974 = arith.constant 0 : i32
    %dma_wait3A_975 = tpu.memref_slice %arg5[%dma_wait3A_973, %dma_wait3A_974] : memref<32768x1024xf32, #tpu.memory_space<hbm>> -> memref<16x1024xf32, #tpu.memory_space<hbm>>
    tpu.wait_dma2 semaphore(%arg22 : memref<!tpu.dma_semaphore, #tpu.memory_space<semaphore_mem>>) src(%arg10 : memref<16x1024xf32, #tpu.memory_space<vmem>>) dst(%dma_wait3A_975 : memref<16x1024xf32, #tpu.memory_space<hbm>>)
    %dma_wait3A_976 = arith.constant 0 : i32
    %dma_wait3A_977 = arith.constant 0 : i32
    %dma_wait3A_978 = tpu.memref_slice %arg5[%dma_wait3A_976, %dma_wait3A_977] : memref<32768x1024xf32, #tpu.memory_space<hbm>> -> memref<16x1024xf32, #tpu.memory_space<hbm>>
    %dma_wait3A_979 = arith.constant 0 : i32
    %dma_wait3A_980 = arith.constant 0 : i32
    %dma_wait3A_981 = tpu.memref_slice %arg5[%dma_wait3A_979, %dma_wait3A_980] : memref<32768x1024xf32, #tpu.memory_space<hbm>> -> memref<16x1024xf32, #tpu.memory_space<hbm>>
    tpu.wait_dma2 semaphore(%arg23 : memref<!tpu.dma_semaphore, #tpu.memory_space<semaphore_mem>>) src(%arg11 : memref<16x1024xf32, #tpu.memory_space<vmem>>) dst(%dma_wait3A_981 : memref<16x1024xf32, #tpu.memory_space<hbm>>)
    return
  }
}

</mosaic_0001>

<sc_bundles>
// kernel: _sc_call.3.cloned.1.call-start
scs
__scs_entry_jumppad:
0x0: {  	(pc) =	sbr.rel $0x88, $3  }
0x1: {  	(tag) =	ssettag $0x0;
	lr =	simm.s32 $0x1  }
0x2: {  	[smem:$0x3F9E] =	sst lr;
	_ =	strace $0xD0000000  }
0x3: {  	_ = 	snop  }
0x4: {  	_ = 	snop  }
0x5: {  	_ = 	snop  }
0x6: {  	_ = 	snop  }
0x7: {  	_ = 	snop  }
__scs_overlays_trampoline_lowered:
0x8: {  	[smem:$0x3FAD] =	sst s0  }
0x9: {  	[smem:$0x3FAE] =	sst s1  }
0xa: {  	[smem:$0x3FAF] =	sst s2  }
0xb: {  	[smem:$0x3FB0] =	sst s3  }
0xc: {  	[smem:$0x3FB1] =	sst s4  }
0xd: {  	[smem:$0x3FB2] =	sst s5  }
0xe: {  	[smem:$0x3FB3] =	sst s6  }
0xf: {  	[smem:$0x3FB4] =	sst s7  }
0x10: {  	[smem:$0x3FB5] =	sst s8  }
0x11: {  	[smem:$0x3FB6] =	sst s9;
	s0 =	simm.s32 @!p0 $0x0  }
0x12: {  	s1 =	sld [smem:$0x3F9C];
	s0 =	simm.s32 @p0 $0x1  }
0x13: {  	[smem:$0x3FB7] =	sst s0;
	s0 =	simm.s32 @!p1 $0x0  }
0x14: {  	s2 =	sld [smem:$0x3F9B];
	s0 =	simm.s32 @p1 $0x1  }
0x15: {  	[smem:$0x3FB8] =	sst s0;
	s0 =	simm.s32 @!p2 $0x0  }
0x16: {  	s3 =	sld [smem:$0x3FDB];
	s0 =	simm.s32 @p2 $0x1  }
0x17: {  	s4 =	simm.s32 $0x1BF5;
	[smem:$0x3FBA] =	sst s0  }
0x18: {  	s0 =	sld [smem:$0x3F9D];
	_ =	swait.ge [sflag:s4], $0x0  }
0x19: {  	s7 =	sld [smem:$0x3F9E]  }
0x1a: {  	s8 =	sadd.s32 $0xFFFFE003, lr  }
0x1b: {  	s9 =	sadd.s32 $0xFFFFFEF7, lr;
	s5 =	simm.s32 $0xFFFFFFFF;
	p2 =	slt.u32 s8, $0xFFFFF086  }
0x1c: {  	p1 =	slt.u32 s9, $0xF7A;
	s5 =	simm.s32 @!p2 $0x0  }
0x1d: {  	s5 =	simm.s32 @p1 $0x1;
	p0 =	seq.s32 s7, s2  }
0x1e: {  	s7 =	smul.u32 @!p0 $0xF7A, s2;
	p2 =	seq.s32 @!p0 s5, $0x0  }
0x1f: {  	s9 =	smul.u32 $0xF7A, s1;
	s8 =	simm.s32 @!p0 $0x1BF5;
	p2 =	por !p2, p0  }
0x20: {  	[sflag:s8] =	ssyncset.s32 @!p0 $0xFFFFF086;
	s6 =	sadd.s32 @!p0 s3, s7;
	s7 =	simm.s32 @!p0 $0x108  }
0x21: {  	s3 =	sadd.s32 s3, s9;
	s6 =	sadd.s32 @!p0 $0x88, s6;
	s7 =	simm.s32 @p2 $0x1082  }
0x22: {  	[simem:s7], [sflag:s8] =	dma.local @!p0 [hbm:s6], $0xF7A  }
0x23: {  	s9 =	sor.u32 $0xD0000000, s2;
	s6 =	simm.s32 $0x108;
	_ =	swait.ge @!p0 [sflag:s8], $0x0  }
0x24: {  	s3 =	sadd.s32 $0x88, s3;
	s6 =	simm.s32 @!p1 $0x1082;
	[sflag:s4] =	ssyncset.s32 $0xFFFFF086  }
0x25: {  	[simem:s6], [sflag:s4] =	dma.local [hbm:s3], $0xF7A  }
0x26: {  	[smem:$0x3F9E] =	sst s1;
	(tag) =	ssettag s2;
	_ =	strace s9  }
0x27: {  	s1 =	sld [smem:$0x3FAE]  }
0x28: {  	s2 =	sld [smem:$0x3FAF]  }
0x29: {  	s4 =	sld [smem:$0x3FB1]  }
0x2a: {  	p0 =	seq.s32 s5, $0x0;
	s5 =	sld [smem:$0x3FB2]  }
0x2b: {  	s6 =	sld [smem:$0x3FB3]  }
0x2c: {  	s7 =	sld [smem:$0x3FB4]  }
0x2d: {  	s3 =	simm.s32 $0x108;
	s8 =	sld [smem:$0x3FB5]  }
0x2e: {  	s3 =	simm.s32 @!p0 $0x1082;
	s9 =	sld [smem:$0x3FB6]  }
0x2f: {  	lr =	sadd.s32 s0, s3;
	s0 =	sld [smem:$0x3FAD]  }
0x30: {  	s3 =	sld [smem:$0x3FB0]  }
0x31: {  	[smem:$0x3FB9] =	sst s10  }
0x32: {  	s10 =	sld [smem:$0x3FB7];
	_ =	sdelay $0x3  }
0x33: {  	p0 =	seq.s32 s10, $0x1;
	s10 =	sld [smem:$0x3FB9];
	_ =	sdelay $0x3  }
0x34: {  	[smem:$0x3FB9] =	sst s10  }
0x35: {  	s10 =	sld [smem:$0x3FB8];
	_ =	sdelay $0x3  }
0x36: {  	p1 =	seq.s32 s10, $0x1;
	s10 =	sld [smem:$0x3FB9];
	_ =	sdelay $0x3  }
0x37: {  	[smem:$0x3FB9] =	sst s10  }
0x38: {  	s10 =	sld [smem:$0x3FBA]  }
0x39: {  	_ = 	snop;
	(pc) =	sbr.ind lr, $3  }
0x3a: {  	_ = 	snop  }
0x3b: {  	_ = 	snop  }
0x3c: {  	p2 =	seq.s32 s10, $0x1;
	s10 =	sld [smem:$0x3FB9]  }
0x3d: {  	_ =	shalt  }
0x3e: {  	_ =	shalt  }
0x3f: {  	_ =	shalt  }
0x40: {  	_ =	shalt  }
0x41: {  	_ =	shalt  }
0x42: {  	_ =	shalt  }
0x43: {  	_ =	shalt  }
0x44: {  	_ =	shalt  }
0x45: {  	_ =	shalt  }
0x46: {  	_ =	shalt  }
0x47: {  	_ =	shalt  }
0x48: {  	_ =	shalt  }
0x49: {  	_ =	shalt  }
0x4a: {  	_ =	shalt  }
0x4b: {  	_ =	shalt  }
0x4c: {  	_ =	shalt  }
0x4d: {  	_ =	shalt  }
0x4e: {  	_ =	shalt  }
0x4f: {  	_ =	shalt  }
0x50: {  	_ =	shalt  }
0x51: {  	_ =	shalt  }
0x52: {  	_ =	shalt  }
0x53: {  	_ =	shalt  }
0x54: {  	_ =	shalt  }
0x55: {  	_ =	shalt  }
0x56: {  	_ =	shalt  }
0x57: {  	_ =	shalt  }
0x58: {  	_ =	shalt  }
0x59: {  	_ =	shalt  }
0x5a: {  	_ =	shalt  }
0x5b: {  	_ =	shalt  }
0x5c: {  	_ =	shalt  }
0x5d: {  	_ =	shalt  }
0x5e: {  	_ =	shalt  }
0x5f: {  	_ =	shalt  }
0x60: {  	_ =	shalt  }
0x61: {  	_ =	shalt  }
0x62: {  	_ =	shalt  }
0x63: {  	_ =	shalt  }
0x64: {  	_ =	shalt  }
0x65: {  	_ =	shalt  }
0x66: {  	_ =	shalt  }
0x67: {  	_ =	shalt  }
0x68: {  	_ =	shalt  }
0x69: {  	_ =	shalt  }
0x6a: {  	_ =	shalt  }
0x6b: {  	_ =	shalt  }
0x6c: {  	_ =	shalt  }
0x6d: {  	_ =	shalt  }
0x6e: {  	_ =	shalt  }
0x6f: {  	_ =	shalt  }
0x70: {  	_ =	shalt  }
0x71: {  	_ =	shalt  }
0x72: {  	_ =	shalt  }
0x73: {  	_ =	shalt  }
0x74: {  	_ =	shalt  }
0x75: {  	_ =	shalt  }
0x76: {  	_ =	shalt  }
0x77: {  	_ =	shalt  }
0x78: {  	_ =	shalt  }
0x79: {  	_ =	shalt  }
0x7a: {  	_ =	shalt  }
0x7b: {  	_ =	shalt  }
0x7c: {  	_ =	shalt  }
0x7d: {  	_ =	shalt  }
0x7e: {  	_ =	shalt  }
0x7f: {  	_ =	shalt  }
0x80: {  	_ =	shalt  }
0x81: {  	_ =	shalt  }
0x82: {  	_ =	shalt  }
0x83: {  	_ =	shalt  }
0x84: {  	_ =	shalt  }
0x85: {  	_ =	shalt  }
0x86: {  	_ =	shalt  }
0x87: {  	_ =	shalt  }
.Lfunc_end0:
.L_simem_size_0:
called_computation_lowered:
.L_overlay_start_0:
0x88: {  	s2 =	sld [smem:$0x3FD9]  }
0x89: {  	s3 =	sld [smem:$0x3FFE];
	_ =	sdelay $0x1  }
0x8a: {  	s1 =	srdreg.scid  }
0x8b: {  	s0 =	sand.u32 $0x1, s1  }
0x8c: {  	s18 =	sshll.u32 s0, $0xA;
	s2 =	sadd.s32 s3, s2  }
0x8d: {  	s2 =	sadd.s32 s2, s18  }
0x8e: {  	[smem:$0x3FC5] =	sst s2  }
0x8f: {  	_ = 	snop  }
0x90: {  	s2 =	sld [smem:$0x3FC9]  }
0x91: {  	s19 =	sld [smem:$0x3FC8]  }
0x92: {  	s4 =	sld [smem:$0x3FC7]  }
0x93: {  	s5 =	sld [smem:$0x3FD0];
	(tm) =	ssettm $0x1  }
0x94: {  	s6 =	sld [smem:$0x3FFB];
	_ =	sdelay $0x3  }
0x95: {  	_ =	strace s6  }
0x96: {  	s6 =	sld [smem:$0x3FFC];
	_ =	sdelay $0x3  }
0x97: {  	_ =	strace s6  }
0x98: {  	s6 =	sld [smem:$0x3FFD];
	_ =	sdelay $0x3  }
0x99: {  	_ =	strace s6  }
0x9a: {  	_ =	strace $0x8FFFFFFF  }
0x9b: {  	s20 =	sld [smem:$0x3FDB];
	_ =	sdelay $0x1  }
0x9c: {  	s7 =	simm.s32 $_scs_section_size  }
0x9d: {  	s8 =	simm.s32 $_size__tile_overlayer_lowered;
	s9 =	simm.s32 $_tile_overlayer_lowered  }
0x9e: {  	s23 =	simm.s32 $0x1BFF;
	s22 =	sshll.u32 s9, $0x1;
	s6 =	sadd.s32 s7, s20  }
0x9f: {  	s10 =	simm.s32 $0x0;
	s21 =	sshll.u32 s8, $0x1;
	s8 =	sadd.s32 s22, s6  }
0xa0: {  	[timem:s10], [sflag:s23] =	dma.local [hbm:s8], s21  }
0xa1: {  	_ =	swait.ge [sflag:s23], s21  }
0xa2: {  	s7 =	ssub.s32 $0x0, s21;
	[sflag:s23] =	ssyncset.done $0x0  }
0xa3: {  	[sflag:s23] =	ssyncadd.s32 s7;
	_ =	sdelay $0x1  }
0xa4: {  	s24 =	simm.s32 $0x1B8B  }
0xa5: {  	_ =	swait.ge [sflag:s24], $0x1  }
0xa6: {  	[sflag:s24] =	ssyncset.done $0x0  }
0xa7: {  	s25 =	simm.s32 $0x1B8E;
	[sflag:s24] =	ssyncadd.s32 $0xFFFFFFFF  }
0xa8: {  	s26 =	simm.s32 $execute0_lowered;
	[smem:$0x3FD2] =	sst s25  }
0xa9: {  	s7 =	sshll.u32 s26, $0x1;
	_ =	strace $0x80000046;
	[dreg:$0x1] =	wrdreg $0xFFFFFFFF  }
0xaa: {  	s28 =	simm.s32 $_size_execute0_lowered;
	s6 =	sadd.s32 s6, s7;
	[dreg:$0x0] =	wrdreg $0x0  }
0xab: {  	s7 =	sshll.u32 s28, $0x1;
	[dreg:$0x2] =	wrdreg s6  }
0xac: {  	[dreg:$0x3] =	wrdreg s7  }
0xad: {  	[dreg:$0x4] =	wrdreg $0xC0  }
0xae: {  	_ =	task [dreg:s10], $0x5FFFF  }
0xaf: {  	[dreg:$0x1] =	wrdreg $0xFFFFFFFF  }
0xb0: {  	[dreg:$0x0] =	wrdreg $0x60  }
0xb1: {  	[dreg:$0x2] =	wrdreg s2  }
0xb2: {  	[dreg:$0x3] =	wrdreg s19  }
0xb3: {  	[dreg:$0x4] =	wrdreg s4  }
0xb4: {  	[dreg:$0x5] =	wrdreg s5  }
0xb5: {  	[dreg:$0x6] =	wrdreg $0x9  }
0xb6: {  	_ =	task.clear_ibuf [dreg:s10], $0x7FFFF;
	_ =	strace $0x90000046  }
0xb7: {  	s29 =	simm.s32 $0x9;
	_ =	strace $0x80000048  }
0xb8: {  	_ =	swait.ge [sflag:s29], $0x1  }
0xb9: {  	[sflag:s29] =	ssyncadd.s32 $0xFFFFFFFF  }
0xba: {  	_ =	strace $0x90000048  }
0xbb: {  	_ =	sfence  }
0xbc: {  	s30 =	sld [smem:$0x0];
	_ =	sdelay $0x2  }
0xbd: {  	s31 =	sshll.u32 s1, $0xD;
	s1 =	sshrl.u32 s1, $0x2  }
0xbe: {  	s3 =	sand.u32 $0x4000, s31;
	s1 =	sadd.s32 s1, s30  }
0xbf: {  	s0 =	sor.u32 s3, s0;
	s1 =	sshll.u32 s1, $0x11  }
0xc0: {  	s0 =	sor.u32 s1, s0  }
0xc1: {  	s0 =	sadd.s32 $0x8F2B, s0  }
0xc2: {  	[sflag:s0] =	ssyncadd.remote.s32 $0x1  }
0xc3: {  	_ =	sfence.sel $0xFFFF  }
0xc4: {  	[dreg:$0x0] =	wrdreg $0xFFFFFFFF;
	(pc) =	sbr.abs _section_cstart, $3  }
0xc5: {  	[dreg:$0x1] =	wrdreg $0xFFFFFFFF  }
0xc6: {  	_ =	task.clear_ibuf [dreg:s10], $0x2FFFF;
	_ =	strace $0x9FFFFFFF  }
0xc7: {  	(tm) =	ssettm $0x7FFFFFFF  }
tec
execute0_lowered:
.L_overlay_start_1:
0x0: {  	(tag) =	ssettag $0x1  }
0x1: {  	s1 =	rddreg [dreg:$0x0]  }
0x2: {  	s0 =	rddreg [dreg:$0x1]  }
0x3: {  	s4 =	rddreg [dreg:$0x3];
	s2 =	srdreg.scid  }
0x4: {  	s3 =	stileid.u32;
	s5 =	simm.s32 $0x0;
	s2 =	sand.u32 $0x1, s2  }
0x5: {  	s3 =	sshll.u32 s3, $0xB;
	[smem:$0x7FF] =	sst s5;
	s6 =	sshll.u32 s2, $0xA  }
0x6: {  	s2 =	ssub.s32 $0x2, s2;
	_ =	strace $0x80000047;
	s6 =	sor.u32 s6, s3  }
0x7: {  	s19 =	sshrl.u32 s2, $0x1;
	s23 =	sshrl.u32 s6, $0x3;
	s13 =	sor.u32 $0x40, s6  }
0x8: {  	s7 =	sshll.u32 s6, $0x7;
	s0 =	sadd.s32 s0, s23;
	[dreg:$0x12] =	wrdreg s13  }
0x9: {  	s2 =	ssub.s32 s2, s19;
	s11 =	sadd.s32 s1, s7;
	[dreg:$0x9] =	wrdreg s0  }
0xa: {  	s20 =	sor.u32 $0x800, s7;
	s19 =	smax.u32 s2, $0x1;
	[dreg:$0x5] =	wrdreg s11  }
0xb: {  	s21 =	sor.u32 $0x1000, s7;
	s8 =	sadd.s32 s1, s20;
	[dreg:$0x17] =	wrdreg s19  }
0xc: {  	s9 =	sor.u32 $0x1800, s7;
	s10 =	sadd.s32 s1, s21;
	[dreg:$0x6] =	wrdreg s8  }
0xd: {  	s22 =	sadd.s32 s1, s9;
	[dreg:$0x7] =	wrdreg s10  }
0xe: {  	s24 =	sadd.s32 $0x2000, s11;
	[dreg:$0x8] =	wrdreg s22  }
0xf: {  	s25 =	sadd.s32 s4, s20;
	[dreg:$0xb] =	wrdreg s24  }
0x10: {  	s26 =	sadd.s32 $0x2800, s11;
	[dreg:$0xc] =	wrdreg s25  }
0x11: {  	s3 =	sadd.s32 s4, s21;
	[dreg:$0xd] =	wrdreg s26  }
0x12: {  	s9 =	sadd.s32 s4, s9;
	[dreg:$0xe] =	wrdreg s3  }
0x13: {  	s14 =	sor.u32 $0x1F000, s7;
	s12 =	sadd.s32 $0x3800, s11;
	[dreg:$0x10] =	wrdreg s9  }
0x14: {  	s15 =	sor.u32 $0x1F800, s7;
	s16 =	sadd.s32 s1, s14;
	[dreg:$0x11] =	wrdreg s12  }
0x15: {  	s17 =	sadd.s32 s1, s15;
	[dreg:$0x13] =	wrdreg s16  }
0x16: {  	s28 =	simm.s32 $0x4C00;
	s0 =	sadd.s32 s4, s14;
	[dreg:$0x14] =	wrdreg s17  }
0x17: {  	s29 =	simm.s32 $0x8C00;
	s18 =	sadd.s32 s4, s15;
	[dreg:$0x15] =	wrdreg s0  }
0x18: {  	s30 =	simm.s32 $0xB;
	s20 =	sor.u32 $0x50, s6;
	[dreg:$0x16] =	wrdreg s18  }
0x19: {  	s31 =	simm.s32 $0xC;
	s21 =	sor.u32 $0x60, s6;
	[dreg:$0x18] =	wrdreg s20  }
0x1a: {  	s13 =	simm.s32 $0x1;
	s8 =	sadd.s32 $0x3000, s11;
	[dreg:$0x19] =	wrdreg s21  }
0x1b: {  	s2 =	simm.s32 $0x0;
	s22 =	sor.u32 $0x70, s6;
	[dreg:$0xf] =	wrdreg s8  }
0x1c: {  	s15 =	simm.s32 $0x2;
	s10 =	sadd.s32 s4, s7;
	[dreg:$0x1a] =	wrdreg s22  }
0x1d: {  	v0 =	vimm.s32 $0x0;
	s19 =	simm.s32 $0x4;
	s23 =	sadd.s32 $0x1D000, s10;
	[dreg:$0xa] =	wrdreg s10  }
0x1e: {  	v1 =	vimm.s32 $0x1;
	v2 =	vimm.s32 $0x2;
	v3 =	vimm.s32 $0x3;
	s17 =	simm.s32 $0x3;
	s24 =	sadd.s32 $0x1D800, s10;
	[dreg:$0x1b] =	wrdreg s23  }
0x1f: {  	v4 =	vimm.s32 $0x4;
	v5 =	vimm.s32 $0x5;
	v6 =	vimm.s32 $0x6;
	s18 =	simm.s32 $0x7;
	s25 =	sadd.s32 $0x1E000, s10;
	[dreg:$0x1c] =	wrdreg s24  }
0x20: {  	v7 =	vimm.s32 $0x7;
	v8 =	vimm.s32 $0x8;
	v9 =	vimm.s32 $0x9;
	s21 =	simm.s32 $0x8;
	s26 =	sadd.s32 $0x1E800, s10;
	[dreg:$0x1d] =	wrdreg s25  }
0x21: {  	v10 =	vimm.s32 $0xA;
	v11 =	vimm.s32 $0xB;
	v12 =	vimm.s32 $0xC;
	s10 =	simm.s32 $0xCC00;
	s22 =	simm.s32 $0x5;
	[dreg:$0x1e] =	wrdreg s26  }
0x22: {  	v13 =	vimm.s32 $0xD;
	v14 =	vimm.s32 $0xE;
	v15 =	vimm.s32 $0xF;
	s23 =	simm.s32 $0x9;
	s24 =	simm.s32 $0x6;
	s25 =	simm.s32 $0xA  }
.LBB2_1:
0x23: {  	[dreg:$0x1f] =	wrdreg s2  }
0x24: {  	s0 =	rddreg [dreg:$0x5];
	s3 =	simm.s32 $0xC00  }
0x25: {  	[tilespmem:s3], [sflag:$0x1] =	stream.linear.gather [hbm4b:s0+s5], $0x4000, $0x38;
	[tilespmem:$0x18C00] =	vst v63  }
0x26: {  	s7 =	rddreg [dreg:$0x6]  }
0x27: {  	[tilespmem:s28], [sflag:$0x2] =	stream.linear.gather [hbm4b:s7+s5], $0x4000, $0x38;
	[tilespmem:$0x18C00] =	vst v63  }
0x28: {  	s8 =	rddreg [dreg:$0x7]  }
0x29: {  	[tilespmem:s29], [sflag:$0x3] =	stream.linear.gather [hbm4b:s8+s5], $0x4000, $0x38;
	[tilespmem:$0x18C00] =	vst v63  }
0x2a: {  	s9 =	rddreg [dreg:$0x8]  }
0x2b: {  	[tilespmem:s10], [sflag:$0x4] =	stream.linear.gather [hbm4b:s9+s5], $0x4000, $0x38;
	[tilespmem:$0x18C00] =	vst v63  }
0x2c: {  	s11 =	rddreg [dreg:$0x2];
	s12 =	simm.s32 $0xD  }
0x2d: {  	[tilespmem:s5], [sflag:$0xD] =	stream.linear.gather [hbm4b:s11+s5], $0x800, $0x38;
	[tilespmem:$0x18C00] =	vst v63  }
0x2e: {  	_ =	swait.ge [sflag:s12], $0x800  }
0x2f: {  	[sflag:s12] =	ssyncset.done $0x0  }
0x30: {  	s3 =	simm.s32 $0x800;
	s14 =	rddreg [dreg:$0x9];
	[sflag:s12] =	ssyncadd.s32 $0xFFFFF800  }
0x31: {  	[tilespmem:s3], [sflag:$0xD] =	stream.linear.gather [hbm4b:s14+s5], $0x400, $0x38;
	[tilespmem:$0x18C00] =	vst v63  }
0x32: {  	_ =	swait.ge [sflag:s12], $0x400  }
0x33: {  	[sflag:s12] =	ssyncset.done $0x0  }
0x34: {  	[sflag:s12] =	ssyncadd.s32 $0xFFFFFC00  }
0x35: {  	_ =	swait.ge [sflag:s13], $0x4000  }
0x36: {  	[sflag:s13] =	ssyncset.done $0x0  }
0x37: {  	[sflag:s13] =	ssyncadd.s32 $0xFFFFC000  }
0x38: {  	v16 =	vld [tilespmem:$0x800];
	_ =	sdelay $0x4  }
0x39: {  	v32 =	vcvt.s32.f32 v16;
	_ =	sdelay $0x1  }
0x3a: {  	s16 =	sand.u32 $0x3F0, s5;
	v17 =	vld [tilespmem:s5+$0x0];
	v21 =	vperm.xlane v32, v0;
	v22 =	vperm.xlane v32, v1  }
0x3b: {  	v26 =	vld [tilespmem:s16+$0x400];
	v23 =	vperm.xlane v32, v2;
	v24 =	vperm.xlane v32, v3  }
0x3c: {  	v27 =	vperm.xlane v32, v4;
	v28 =	vperm.xlane v32, v5  }
0x3d: {  	v29 =	vperm.xlane v32, v6;
	v30 =	vperm.xlane v32, v7  }
0x3e: {  	v31 =	vperm.xlane v32, v8;
	v19 =	vperm.xlane v32, v9  }
0x3f: {  	v25 =	vperm.xlane v32, v10;
	v18 =	vperm.xlane v32, v11  }
0x40: {  	v33 =	vsub.f32 v26, v17;
	v16 =	vperm.xlane v32, v12;
	v20 =	vperm.xlane v32, v13  }
0x41: {  	v26 =	vperm.xlane v32, v14;
	v32 =	vperm.xlane v32, v15  }
0x42: {  	v34 =	vmul.f32 v33, v21;
	v35 =	vmul.f32 v33, v29  }
0x43: {  	v36 =	vmul.f32 v33, v23;
	v40 =	vmul.f32 v33, v27  }
0x44: {  	s20 =	sand.u32 $0x70, s5;
	s26 =	sand.u32 $0x1C00, s5;
	v38 =	vmul.f32 v33, v22;
	v63 =	vmul.f32 v33, v24;
	v34 =	vadd.f32 v34, v17  }
0x45: {  	s0 =	sor.u32 s20, s26;
	v39 =	vmul.f32 v33, v28;
	v42 =	vadd.f32 v35, v17;
	v37 =	vadd.f32 v36, v17  }
0x46: {  	s2 =	sor.u32 s5, s5;
	v41 =	vadd.f32 v38, v17;
	v35 =	vmul.f32 v33, v30;
	v38 =	vadd.f32 v63, v17;
	[tilespmem:s0+$0xC00] =	vst.add.f32.msk $0xffff, v34  }
0x47: {  	s7 =	simm.s32 $0x10;
	s11 =	simm.s32 $0x0;
	s12 =	simm.s32 $0x0;
	v36 =	vadd.f32 v40, v17;
	v40 =	vmul.f32 v33, v32;
	v34 =	vmul.f32 v33, v31;
	[tilespmem:s0+$0xF00] =	vst.add.f32.msk $0xffff, v42  }
.LBB2_2:
0x48: {  	p0 =	sne.s32 s7, $0x3F0;
	[tilespmem:s0+$0xC80] =	vst.add.f32.msk $0xffff, v41;
	v39 =	vadd.f32 v39, v17;
	v41 =	vmul.f32 v33, v25;
	v42 =	vmul.f32 v33, v26;
	s11 =	sadd.s32 $0x80, s11;
	s12 =	sadd.s32 $0x10, s12  }
0x49: {  	v43 =	vmul.f32 v33, v20;
	s14 =	smov.u32 s7;
	s3 =	sor.u32 s11, s7;
	[tilespmem:s0+$0xD00] =	vst.add.f32.msk $0xffff, v37;
	v37 =	vmul.f32 v33, v19;
	v40 =	vadd.f32 v40, v17;
	s7 =	sadd.s32 $0x10, s7  }
0x4a: {  	[tilespmem:s0+$0xD80] =	vst.add.f32.msk $0xffff, v38;
	v38 =	vadd.f32 v41, v17;
	v41 =	vmul.f32 v33, v18;
	v42 =	vadd.f32 v42, v17  }
0x4b: {  	v35 =	vadd.f32 v35, v17;
	v33 =	vmul.f32 v33, v16;
	[tilespmem:s0+$0xE80] =	vst.add.f32.msk $0xffff, v39;
	v37 =	vadd.f32 v37, v17  }
0x4c: {  	s16 =	sor.u32 $0x380, s2;
	v34 =	vadd.f32 v34, v17;
	s2 =	smov.u32 s3;
	[tilespmem:s0+$0xE00] =	vst.add.f32.msk $0xffff, v36;
	v36 =	vadd.f32 v43, v17  }
0x4d: {  	[tilespmem:s16+$0xC00] =	vst.add.f32.msk $0xffff, v35;
	v35 =	vadd.f32 v41, v17;
	v17 =	vadd.f32 v33, v17  }
0x4e: {  	[tilespmem:s0+$0x2C00] =	vst.add.f32.msk $0xffff, v34  }
0x4f: {  	[tilespmem:s0+$0x2F80] =	vst.add.f32.msk $0xffff, v40  }
0x50: {  	[tilespmem:s0+$0x2D00] =	vst.add.f32.msk $0xffff, v38  }
0x51: {  	[tilespmem:s0+$0x2F00] =	vst.add.f32.msk $0xffff, v42  }
0x52: {  	[tilespmem:s0+$0x2C80] =	vst.add.f32.msk $0xffff, v37  }
0x53: {  	[tilespmem:s0+$0x2E80] =	vst.add.f32.msk $0xffff, v36  }
0x54: {  	[tilespmem:s0+$0x2D80] =	vst.add.f32.msk $0xffff, v35  }
0x55: {  	[tilespmem:s0+$0x2E00] =	vst.add.f32.msk $0xffff, v17  }
0x56: {  	s0 =	sand.u32 $0x3F0, s14;
	v17 =	vld [tilespmem:s12+$0x0]  }
0x57: {  	v33 =	vld [tilespmem:s0+$0x400];
	_ =	sdelay $0x4  }
0x58: {  	v33 =	vsub.f32 v33, v17;
	_ =	sdelay $0x1  }
0x59: {  	v34 =	vmul.f32 v33, v21;
	v35 =	vmul.f32 v33, v29  }
.Ltmp0:
0x5a: {  	v36 =	vmul.f32 v33, v23;
	v40 =	vmul.f32 v33, v27;
	(pc) =	sbr.rel @p0 .LBB2_2-.Ltmp0, $4  }
0x5b: {  	s3 =	sand.u32 $0x1C00, s11;
	s0 =	sand.u32 $0x70, s14;
	v38 =	vmul.f32 v33, v22;
	v34 =	vadd.f32 v34, v17;
	v42 =	vadd.f32 v35, v17  }
0x5c: {  	s0 =	sor.u32 s0, s3;
	v39 =	vmul.f32 v33, v28;
	v37 =	vadd.f32 v36, v17;
	v36 =	vmul.f32 v33, v24  }
0x5d: {  	v41 =	vadd.f32 v38, v17;
	v35 =	vmul.f32 v33, v30;
	[tilespmem:s0+$0xC00] =	vst.add.f32.msk $0xffff, v34;
	v34 =	vmul.f32 v33, v31  }
0x5e: {  	v38 =	vadd.f32 v36, v17;
	v36 =	vadd.f32 v40, v17;
	v40 =	vmul.f32 v33, v32;
	[tilespmem:s0+$0xF00] =	vst.add.f32.msk $0xffff, v42  }
0x5f: {  	[tilespmem:s0+$0xC80] =	vst.add.f32.msk $0xffff, v41  }
0x60: {  	v21 =	vadd.f32 v39, v17;
	[tilespmem:s0+$0xD00] =	vst.add.f32.msk $0xffff, v37  }
0x61: {  	[tilespmem:s0+$0xD80] =	vst.add.f32.msk $0xffff, v38  }
0x62: {  	[tilespmem:s0+$0xE80] =	vst.add.f32.msk $0xffff, v21;
	v21 =	vadd.f32 v35, v17  }
0x63: {  	s2 =	sor.u32 $0x380, s2;
	v23 =	vadd.f32 v34, v17;
	v19 =	vmul.f32 v33, v19;
	[tilespmem:s0+$0xE00] =	vst.add.f32.msk $0xffff, v36  }
0x64: {  	v22 =	vmul.f32 v33, v25;
	v20 =	vmul.f32 v33, v20;
	v25 =	vadd.f32 v40, v17;
	[tilespmem:s2+$0xC00] =	vst.add.f32.msk $0xffff, v21  }
0x65: {  	v18 =	vmul.f32 v33, v18;
	v19 =	vadd.f32 v19, v17;
	[tilespmem:s0+$0x2C00] =	vst.add.f32.msk $0xffff, v23  }
0x66: {  	v16 =	vmul.f32 v33, v16;
	v20 =	vadd.f32 v20, v17;
	[tilespmem:s0+$0x2F80] =	vst.add.f32.msk $0xffff, v25  }
0x67: {  	v18 =	vadd.f32 v18, v17;
	[tilespmem:s0+$0x2C80] =	vst.add.f32.msk $0xffff, v19  }
0x68: {  	v24 =	vmul.f32 v33, v26;
	v16 =	vadd.f32 v16, v17;
	[tilespmem:s0+$0x2E80] =	vst.add.f32.msk $0xffff, v20  }
0x69: {  	v21 =	vadd.f32 v22, v17;
	[tilespmem:s0+$0x2D80] =	vst.add.f32.msk $0xffff, v18  }
0x6a: {  	v22 =	vadd.f32 v24, v17;
	[tilespmem:s0+$0x2E00] =	vst.add.f32.msk $0xffff, v16  }
0x6b: {  	[tilespmem:s0+$0x2D00] =	vst.add.f32.msk $0xffff, v21  }
0x6c: {  	s11 =	rddreg [dreg:$0xa];
	s3 =	simm.s32 $0xC00;
	[tilespmem:s0+$0x2F00] =	vst.add.f32.msk $0xffff, v22;
	s0 =	simm.s32 $0x0  }
0x6d: {  	[hbm4b:s11+s0] =	stream.linear.scatter [tilespmem:s3], [sflag:$0x7], $0x4000, $0x38;
	[tilespmem:$0x18C00] =	vst v63  }
0x6e: {  	s12 =	rddreg [dreg:$0xb];
	s14 =	simm.s32 $0x10C00  }
0x6f: {  	[tilespmem:s14], [sflag:$0x5] =	stream.linear.gather [hbm4b:s12+s0], $0x4000, $0x38;
	[tilespmem:$0x18C00] =	vst v63  }
0x70: {  	_ =	swait.ge [sflag:s15], $0x4000  }
0x71: {  	[sflag:s15] =	ssyncset.done $0x0  }
0x72: {  	[sflag:s15] =	ssyncadd.s32 $0xFFFFC000  }
0x73: {  	v16 =	vld [tilespmem:$0x810];
	_ =	sdelay $0x4  }
0x74: {  	v32 =	vcvt.s32.f32 v16;
	_ =	sdelay $0x1  }
0x75: {  	s16 =	sand.u32 $0x3F0, s0;
	v17 =	vld [tilespmem:s0+$0x0];
	v21 =	vperm.xlane v32, v0;
	v22 =	vperm.xlane v32, v1  }
0x76: {  	v26 =	vld [tilespmem:s16+$0x400];
	v23 =	vperm.xlane v32, v2;
	v24 =	vperm.xlane v32, v3  }
0x77: {  	v27 =	vperm.xlane v32, v4;
	v28 =	vperm.xlane v32, v5  }
0x78: {  	v29 =	vperm.xlane v32, v6;
	v30 =	vperm.xlane v32, v7  }
0x79: {  	v31 =	vperm.xlane v32, v8;
	v19 =	vperm.xlane v32, v9  }
0x7a: {  	v25 =	vperm.xlane v32, v10;
	v18 =	vperm.xlane v32, v11  }
0x7b: {  	v33 =	vsub.f32 v26, v17;
	v16 =	vperm.xlane v32, v12;
	v20 =	vperm.xlane v32, v13  }
0x7c: {  	v26 =	vperm.xlane v32, v14;
	v32 =	vperm.xlane v32, v15  }
0x7d: {  	v58 =	vmul.f32 v33, v21;
	v59 =	vmul.f32 v33, v29  }
0x7e: {  	v60 =	vmul.f32 v33, v23;
	v61 =	vmul.f32 v33, v27  }
0x7f: {  	s20 =	sand.u32 $0x70, s0;
	s26 =	sand.u32 $0x1C00, s0;
	v62 =	vmul.f32 v33, v22;
	v63 =	vmul.f32 v33, v24;
	v34 =	vadd.f32 v58, v17  }
0x80: {  	s2 =	sor.u32 s20, s26;
	v39 =	vmul.f32 v33, v28;
	v35 =	vmul.f32 v33, v30;
	v42 =	vadd.f32 v59, v17  }
0x81: {  	v40 =	vmul.f32 v33, v32;
	v37 =	vadd.f32 v60, v17;
	v41 =	vadd.f32 v62, v17;
	[tilespmem:s2+$0x4C00] =	vst.add.f32.msk $0xffff, v34  }
0x82: {  	s7 =	sor.u32 s0, s0;
	s11 =	simm.s32 $0x10;
	s12 =	simm.s32 $0x0;
	v38 =	vadd.f32 v63, v17;
	v36 =	vadd.f32 v61, v17;
	v34 =	vmul.f32 v33, v31;
	[tilespmem:s2+$0x4F00] =	vst.add.f32.msk $0xffff, v42  }
.LBB2_4:
0x83: {  	p0 =	sne.s32 s11, $0x3F0;
	[tilespmem:s2+$0x4C80] =	vst.add.f32.msk $0xffff, v41;
	v39 =	vadd.f32 v39, v17;
	v41 =	vmul.f32 v33, v25;
	v42 =	vmul.f32 v33, v26;
	s0 =	sadd.s32 $0x80, s0;
	s12 =	sadd.s32 $0x10, s12  }
0x84: {  	v43 =	vmul.f32 v33, v20;
	s14 =	smov.u32 s11;
	s3 =	sor.u32 s0, s11;
	[tilespmem:s2+$0x4D00] =	vst.add.f32.msk $0xffff, v37;
	v37 =	vmul.f32 v33, v19;
	v40 =	vadd.f32 v40, v17;
	s11 =	sadd.s32 $0x10, s11  }
0x85: {  	[tilespmem:s2+$0x4D80] =	vst.add.f32.msk $0xffff, v38;
	v38 =	vadd.f32 v41, v17;
	v41 =	vmul.f32 v33, v18;
	v42 =	vadd.f32 v42, v17  }
0x86: {  	v35 =	vadd.f32 v35, v17;
	v33 =	vmul.f32 v33, v16;
	[tilespmem:s2+$0x4E80] =	vst.add.f32.msk $0xffff, v39;
	v37 =	vadd.f32 v37, v17  }
0x87: {  	s16 =	sor.u32 $0x380, s7;
	v34 =	vadd.f32 v34, v17;
	s7 =	smov.u32 s3;
	[tilespmem:s2+$0x4E00] =	vst.add.f32.msk $0xffff, v36;
	v36 =	vadd.f32 v43, v17  }
0x88: {  	[tilespmem:s16+$0x4C00] =	vst.add.f32.msk $0xffff, v35;
	v35 =	vadd.f32 v41, v17;
	v17 =	vadd.f32 v33, v17  }
0x89: {  	[tilespmem:s2+$0x6C00] =	vst.add.f32.msk $0xffff, v34  }
0x8a: {  	[tilespmem:s2+$0x6F80] =	vst.add.f32.msk $0xffff, v40  }
0x8b: {  	[tilespmem:s2+$0x6D00] =	vst.add.f32.msk $0xffff, v38  }
0x8c: {  	[tilespmem:s2+$0x6F00] =	vst.add.f32.msk $0xffff, v42  }
0x8d: {  	[tilespmem:s2+$0x6C80] =	vst.add.f32.msk $0xffff, v37  }
0x8e: {  	[tilespmem:s2+$0x6E80] =	vst.add.f32.msk $0xffff, v36  }
0x8f: {  	[tilespmem:s2+$0x6D80] =	vst.add.f32.msk $0xffff, v35  }
0x90: {  	[tilespmem:s2+$0x6E00] =	vst.add.f32.msk $0xffff, v17  }
0x91: {  	s2 =	sand.u32 $0x3F0, s14;
	v17 =	vld [tilespmem:s12+$0x0]  }
0x92: {  	v33 =	vld [tilespmem:s2+$0x400];
	_ =	sdelay $0x4  }
0x93: {  	v33 =	vsub.f32 v33, v17;
	_ =	sdelay $0x1  }
0x94: {  	v34 =	vmul.f32 v33, v21;
	v35 =	vmul.f32 v33, v29  }
.Ltmp1:
0x95: {  	v36 =	vmul.f32 v33, v23;
	v40 =	vmul.f32 v33, v27;
	(pc) =	sbr.rel @p0 .LBB2_4-.Ltmp1, $4  }
0x96: {  	s3 =	sand.u32 $0x1C00, s0;
	s2 =	sand.u32 $0x70, s14;
	v38 =	vmul.f32 v33, v22;
	v34 =	vadd.f32 v34, v17;
	v42 =	vadd.f32 v35, v17  }
0x97: {  	s2 =	sor.u32 s2, s3;
	v39 =	vmul.f32 v33, v28;
	v37 =	vadd.f32 v36, v17;
	v36 =	vmul.f32 v33, v24  }
0x98: {  	v41 =	vadd.f32 v38, v17;
	v35 =	vmul.f32 v33, v30;
	[tilespmem:s2+$0x4C00] =	vst.add.f32.msk $0xffff, v34;
	v34 =	vmul.f32 v33, v31  }
0x99: {  	v38 =	vadd.f32 v36, v17;
	v36 =	vadd.f32 v40, v17;
	v40 =	vmul.f32 v33, v32;
	[tilespmem:s2+$0x4F00] =	vst.add.f32.msk $0xffff, v42  }
0x9a: {  	[tilespmem:s2+$0x4C80] =	vst.add.f32.msk $0xffff, v41  }
0x9b: {  	v21 =	vadd.f32 v39, v17;
	[tilespmem:s2+$0x4D00] =	vst.add.f32.msk $0xffff, v37  }
0x9c: {  	[tilespmem:s2+$0x4D80] =	vst.add.f32.msk $0xffff, v38  }
0x9d: {  	[tilespmem:s2+$0x4E80] =	vst.add.f32.msk $0xffff, v21;
	v21 =	vadd.f32 v35, v17  }
0x9e: {  	s0 =	sor.u32 $0x380, s7;
	v23 =	vadd.f32 v34, v17;
	v19 =	vmul.f32 v33, v19;
	[tilespmem:s2+$0x4E00] =	vst.add.f32.msk $0xffff, v36  }
0x9f: {  	v22 =	vmul.f32 v33, v25;
	v20 =	vmul.f32 v33, v20;
	v25 =	vadd.f32 v40, v17;
	[tilespmem:s0+$0x4C00] =	vst.add.f32.msk $0xffff, v21  }
0xa0: {  	v18 =	vmul.f32 v33, v18;
	v19 =	vadd.f32 v19, v17;
	[tilespmem:s2+$0x6C00] =	vst.add.f32.msk $0xffff, v23  }
0xa1: {  	v16 =	vmul.f32 v33, v16;
	v20 =	vadd.f32 v20, v17;
	[tilespmem:s2+$0x6F80] =	vst.add.f32.msk $0xffff, v25  }
0xa2: {  	v18 =	vadd.f32 v18, v17;
	[tilespmem:s2+$0x6C80] =	vst.add.f32.msk $0xffff, v19  }
0xa3: {  	v24 =	vmul.f32 v33, v26;
	v16 =	vadd.f32 v16, v17;
	[tilespmem:s2+$0x6E80] =	vst.add.f32.msk $0xffff, v20  }
0xa4: {  	v21 =	vadd.f32 v22, v17;
	[tilespmem:s2+$0x6D80] =	vst.add.f32.msk $0xffff, v18  }
0xa5: {  	v22 =	vadd.f32 v24, v17;
	[tilespmem:s2+$0x6E00] =	vst.add.f32.msk $0xffff, v16  }
0xa6: {  	[tilespmem:s2+$0x6D00] =	vst.add.f32.msk $0xffff, v21  }
0xa7: {  	s12 =	rddreg [dreg:$0xc];
	s0 =	simm.s32 $0x0;
	[tilespmem:s2+$0x6F00] =	vst.add.f32.msk $0xffff, v22  }
0xa8: {  	[hbm4b:s12+s0] =	stream.linear.scatter [tilespmem:s28], [sflag:$0x8], $0x4000, $0x38;
	[tilespmem:$0x18C00] =	vst v63  }
0xa9: {  	s14 =	rddreg [dreg:$0xd];
	s3 =	simm.s32 $0x14C00  }
0xaa: {  	[tilespmem:s3], [sflag:$0x6] =	stream.linear.gather [hbm4b:s14+s0], $0x4000, $0x38;
	[tilespmem:$0x18C00] =	vst v63  }
0xab: {  	_ =	swait.ge [sflag:s17], $0x4000  }
0xac: {  	[sflag:s17] =	ssyncset.done $0x0  }
0xad: {  	[sflag:s17] =	ssyncadd.s32 $0xFFFFC000  }
0xae: {  	v16 =	vld [tilespmem:$0x820];
	_ =	sdelay $0x4  }
0xaf: {  	v32 =	vcvt.s32.f32 v16;
	_ =	sdelay $0x1  }
0xb0: {  	s16 =	sand.u32 $0x3F0, s0;
	v17 =	vld [tilespmem:s0+$0x0];
	v21 =	vperm.xlane v32, v0;
	v22 =	vperm.xlane v32, v1  }
0xb1: {  	v26 =	vld [tilespmem:s16+$0x400];
	v23 =	vperm.xlane v32, v2;
	v24 =	vperm.xlane v32, v3  }
0xb2: {  	v27 =	vperm.xlane v32, v4;
	v28 =	vperm.xlane v32, v5  }
0xb3: {  	v29 =	vperm.xlane v32, v6;
	v30 =	vperm.xlane v32, v7  }
0xb4: {  	v31 =	vperm.xlane v32, v8;
	v19 =	vperm.xlane v32, v9  }
0xb5: {  	v25 =	vperm.xlane v32, v10;
	v18 =	vperm.xlane v32, v11  }
0xb6: {  	v33 =	vsub.f32 v26, v17;
	v16 =	vperm.xlane v32, v12;
	v20 =	vperm.xlane v32, v13  }
0xb7: {  	v26 =	vperm.xlane v32, v14;
	v32 =	vperm.xlane v32, v15  }
0xb8: {  	v58 =	vmul.f32 v33, v21;
	v59 =	vmul.f32 v33, v29  }
0xb9: {  	v60 =	vmul.f32 v33, v23;
	v61 =	vmul.f32 v33, v27  }
0xba: {  	s20 =	sand.u32 $0x70, s0;
	s26 =	sand.u32 $0x1C00, s0;
	v62 =	vmul.f32 v33, v22;
	v63 =	vmul.f32 v33, v24;
	v34 =	vadd.f32 v58, v17  }
0xbb: {  	s2 =	sor.u32 s20, s26;
	v39 =	vmul.f32 v33, v28;
	v35 =	vmul.f32 v33, v30;
	v42 =	vadd.f32 v59, v17  }
0xbc: {  	v40 =	vmul.f32 v33, v32;
	v37 =	vadd.f32 v60, v17;
	v41 =	vadd.f32 v62, v17;
	[tilespmem:s2+$0x8C00] =	vst.add.f32.msk $0xffff, v34  }
0xbd: {  	s11 =	simm.s32 $0x10;
	s7 =	sor.u32 s0, s0;
	s12 =	simm.s32 $0x0;
	v38 =	vadd.f32 v63, v17;
	v36 =	vadd.f32 v61, v17;
	v34 =	vmul.f32 v33, v31;
	[tilespmem:s2+$0x8F00] =	vst.add.f32.msk $0xffff, v42  }
.LBB2_6:
0xbe: {  	p0 =	sne.s32 s11, $0x3F0;
	[tilespmem:s2+$0x8C80] =	vst.add.f32.msk $0xffff, v41;
	v39 =	vadd.f32 v39, v17;
	v41 =	vmul.f32 v33, v25;
	v42 =	vmul.f32 v33, v26;
	s0 =	sadd.s32 $0x80, s0;
	s12 =	sadd.s32 $0x10, s12  }
0xbf: {  	v43 =	vmul.f32 v33, v20;
	s14 =	smov.u32 s11;
	s3 =	sor.u32 s0, s11;
	[tilespmem:s2+$0x8D00] =	vst.add.f32.msk $0xffff, v37;
	v37 =	vmul.f32 v33, v19;
	v40 =	vadd.f32 v40, v17;
	s11 =	sadd.s32 $0x10, s11  }
0xc0: {  	[tilespmem:s2+$0x8D80] =	vst.add.f32.msk $0xffff, v38;
	v38 =	vadd.f32 v41, v17;
	v41 =	vmul.f32 v33, v18;
	v42 =	vadd.f32 v42, v17  }
0xc1: {  	v35 =	vadd.f32 v35, v17;
	v33 =	vmul.f32 v33, v16;
	[tilespmem:s2+$0x8E80] =	vst.add.f32.msk $0xffff, v39;
	v37 =	vadd.f32 v37, v17  }
0xc2: {  	s16 =	sor.u32 $0x380, s7;
	v34 =	vadd.f32 v34, v17;
	s7 =	smov.u32 s3;
	[tilespmem:s2+$0x8E00] =	vst.add.f32.msk $0xffff, v36;
	v36 =	vadd.f32 v43, v17  }
0xc3: {  	[tilespmem:s16+$0x8C00] =	vst.add.f32.msk $0xffff, v35;
	v35 =	vadd.f32 v41, v17;
	v17 =	vadd.f32 v33, v17  }
0xc4: {  	[tilespmem:s2+$0xAC00] =	vst.add.f32.msk $0xffff, v34  }
0xc5: {  	[tilespmem:s2+$0xAF80] =	vst.add.f32.msk $0xffff, v40  }
0xc6: {  	[tilespmem:s2+$0xAD00] =	vst.add.f32.msk $0xffff, v38  }
0xc7: {  	[tilespmem:s2+$0xAF00] =	vst.add.f32.msk $0xffff, v42  }
0xc8: {  	[tilespmem:s2+$0xAC80] =	vst.add.f32.msk $0xffff, v37  }
0xc9: {  	[tilespmem:s2+$0xAE80] =	vst.add.f32.msk $0xffff, v36  }
0xca: {  	[tilespmem:s2+$0xAD80] =	vst.add.f32.msk $0xffff, v35  }
0xcb: {  	[tilespmem:s2+$0xAE00] =	vst.add.f32.msk $0xffff, v17  }
0xcc: {  	s2 =	sand.u32 $0x3F0, s14;
	v17 =	vld [tilespmem:s12+$0x0]  }
0xcd: {  	v33 =	vld [tilespmem:s2+$0x400];
	_ =	sdelay $0x4  }
0xce: {  	v33 =	vsub.f32 v33, v17;
	_ =	sdelay $0x1  }
0xcf: {  	v34 =	vmul.f32 v33, v21;
	v35 =	vmul.f32 v33, v29  }
.Ltmp2:
0xd0: {  	v36 =	vmul.f32 v33, v23;
	v40 =	vmul.f32 v33, v27;
	(pc) =	sbr.rel @p0 .LBB2_6-.Ltmp2, $4  }
0xd1: {  	s3 =	sand.u32 $0x1C00, s0;
	s2 =	sand.u32 $0x70, s14;
	v38 =	vmul.f32 v33, v22;
	v34 =	vadd.f32 v34, v17;
	v42 =	vadd.f32 v35, v17  }
0xd2: {  	s2 =	sor.u32 s2, s3;
	v39 =	vmul.f32 v33, v28;
	v37 =	vadd.f32 v36, v17;
	v36 =	vmul.f32 v33, v24  }
0xd3: {  	v41 =	vadd.f32 v38, v17;
	v35 =	vmul.f32 v33, v30;
	[tilespmem:s2+$0x8C00] =	vst.add.f32.msk $0xffff, v34;
	v34 =	vmul.f32 v33, v31  }
0xd4: {  	v38 =	vadd.f32 v36, v17;
	v36 =	vadd.f32 v40, v17;
	v40 =	vmul.f32 v33, v32;
	[tilespmem:s2+$0x8F00] =	vst.add.f32.msk $0xffff, v42  }
0xd5: {  	[tilespmem:s2+$0x8C80] =	vst.add.f32.msk $0xffff, v41  }
0xd6: {  	v21 =	vadd.f32 v39, v17;
	[tilespmem:s2+$0x8D00] =	vst.add.f32.msk $0xffff, v37  }
0xd7: {  	[tilespmem:s2+$0x8D80] =	vst.add.f32.msk $0xffff, v38  }
0xd8: {  	[tilespmem:s2+$0x8E80] =	vst.add.f32.msk $0xffff, v21;
	v21 =	vadd.f32 v35, v17  }
0xd9: {  	s0 =	sor.u32 $0x380, s7;
	v23 =	vadd.f32 v34, v17;
	v19 =	vmul.f32 v33, v19;
	[tilespmem:s2+$0x8E00] =	vst.add.f32.msk $0xffff, v36  }
0xda: {  	v22 =	vmul.f32 v33, v25;
	v20 =	vmul.f32 v33, v20;
	v25 =	vadd.f32 v40, v17;
	[tilespmem:s0+$0x8C00] =	vst.add.f32.msk $0xffff, v21  }
0xdb: {  	v18 =	vmul.f32 v33, v18;
	v19 =	vadd.f32 v19, v17;
	[tilespmem:s2+$0xAC00] =	vst.add.f32.msk $0xffff, v23  }
0xdc: {  	v16 =	vmul.f32 v33, v16;
	v20 =	vadd.f32 v20, v17;
	[tilespmem:s2+$0xAF80] =	vst.add.f32.msk $0xffff, v25  }
0xdd: {  	v18 =	vadd.f32 v18, v17;
	[tilespmem:s2+$0xAC80] =	vst.add.f32.msk $0xffff, v19  }
0xde: {  	v24 =	vmul.f32 v33, v26;
	v16 =	vadd.f32 v16, v17;
	[tilespmem:s2+$0xAE80] =	vst.add.f32.msk $0xffff, v20  }
0xdf: {  	v21 =	vadd.f32 v22, v17;
	[tilespmem:s2+$0xAD80] =	vst.add.f32.msk $0xffff, v18  }
0xe0: {  	v22 =	vadd.f32 v24, v17;
	[tilespmem:s2+$0xAE00] =	vst.add.f32.msk $0xffff, v16  }
0xe1: {  	[tilespmem:s2+$0xAD00] =	vst.add.f32.msk $0xffff, v21  }
0xe2: {  	s12 =	rddreg [dreg:$0xe];
	s0 =	simm.s32 $0x0;
	[tilespmem:s2+$0xAF00] =	vst.add.f32.msk $0xffff, v22  }
0xe3: {  	[hbm4b:s12+s0] =	stream.linear.scatter [tilespmem:s29], [sflag:$0x9], $0x4000, $0x38;
	[tilespmem:$0x18C00] =	vst v63  }
0xe4: {  	_ =	swait.ge [sflag:s18], $0x4000  }
0xe5: {  	[sflag:s18] =	ssyncset.done $0x0  }
0xe6: {  	s3 =	simm.s32 $0xC00;
	s14 =	rddreg [dreg:$0xf];
	[sflag:s18] =	ssyncadd.s32 $0xFFFFC000  }
0xe7: {  	[tilespmem:s3], [sflag:$0x1] =	stream.linear.gather [hbm4b:s14+s0], $0x4000, $0x38;
	[tilespmem:$0x18C00] =	vst v63  }
0xe8: {  	_ =	swait.ge [sflag:s19], $0x4000  }
0xe9: {  	[sflag:s19] =	ssyncset.done $0x0  }
0xea: {  	[sflag:s19] =	ssyncadd.s32 $0xFFFFC000  }
0xeb: {  	v16 =	vld [tilespmem:$0x830];
	_ =	sdelay $0x4  }
0xec: {  	v32 =	vcvt.s32.f32 v16;
	_ =	sdelay $0x1  }
0xed: {  	s16 =	sand.u32 $0x3F0, s0;
	v17 =	vld [tilespmem:s0+$0x0];
	v21 =	vperm.xlane v32, v0;
	v22 =	vperm.xlane v32, v1  }
0xee: {  	v26 =	vld [tilespmem:s16+$0x400];
	v23 =	vperm.xlane v32, v2;
	v24 =	vperm.xlane v32, v3  }
0xef: {  	v27 =	vperm.xlane v32, v4;
	v28 =	vperm.xlane v32, v5  }
0xf0: {  	v29 =	vperm.xlane v32, v6;
	v30 =	vperm.xlane v32, v7  }
0xf1: {  	v31 =	vperm.xlane v32, v8;
	v19 =	vperm.xlane v32, v9  }
0xf2: {  	v25 =	vperm.xlane v32, v10;
	v18 =	vperm.xlane v32, v11  }
0xf3: {  	v33 =	vsub.f32 v26, v17;
	v16 =	vperm.xlane v32, v12;
	v20 =	vperm.xlane v32, v13  }
0xf4: {  	v26 =	vperm.xlane v32, v14;
	v32 =	vperm.xlane v32, v15  }
0xf5: {  	v58 =	vmul.f32 v33, v21;
	v59 =	vmul.f32 v33, v29  }
0xf6: {  	v60 =	vmul.f32 v33, v23;
	v61 =	vmul.f32 v33, v27  }
0xf7: {  	s20 =	sand.u32 $0x70, s0;
	s26 =	sand.u32 $0x1C00, s0;
	v62 =	vmul.f32 v33, v22;
	v63 =	vmul.f32 v33, v24;
	v34 =	vadd.f32 v58, v17  }
0xf8: {  	s2 =	sor.u32 s20, s26;
	v39 =	vmul.f32 v33, v28;
	v35 =	vmul.f32 v33, v30;
	v42 =	vadd.f32 v59, v17  }
0xf9: {  	v40 =	vmul.f32 v33, v32;
	v37 =	vadd.f32 v60, v17;
	v41 =	vadd.f32 v62, v17;
	[tilespmem:s2+$0xCC00] =	vst.add.f32.msk $0xffff, v34  }
0xfa: {  	s11 =	simm.s32 $0x10;
	s7 =	sor.u32 s0, s0;
	s12 =	simm.s32 $0x0;
	v38 =	vadd.f32 v63, v17;
	v36 =	vadd.f32 v61, v17;
	v34 =	vmul.f32 v33, v31;
	[tilespmem:s2+$0xCF00] =	vst.add.f32.msk $0xffff, v42  }
.LBB2_8:
0xfb: {  	p0 =	sne.s32 s11, $0x3F0;
	[tilespmem:s2+$0xCC80] =	vst.add.f32.msk $0xffff, v41;
	v39 =	vadd.f32 v39, v17;
	v41 =	vmul.f32 v33, v25;
	v42 =	vmul.f32 v33, v26;
	s0 =	sadd.s32 $0x80, s0;
	s12 =	sadd.s32 $0x10, s12  }
0xfc: {  	v43 =	vmul.f32 v33, v20;
	s14 =	smov.u32 s11;
	s3 =	sor.u32 s0, s11;
	[tilespmem:s2+$0xCD00] =	vst.add.f32.msk $0xffff, v37;
	v37 =	vmul.f32 v33, v19;
	v40 =	vadd.f32 v40, v17;
	s11 =	sadd.s32 $0x10, s11  }
0xfd: {  	[tilespmem:s2+$0xCD80] =	vst.add.f32.msk $0xffff, v38;
	v38 =	vadd.f32 v41, v17;
	v41 =	vmul.f32 v33, v18;
	v42 =	vadd.f32 v42, v17  }
0xfe: {  	v35 =	vadd.f32 v35, v17;
	v33 =	vmul.f32 v33, v16;
	[tilespmem:s2+$0xCE80] =	vst.add.f32.msk $0xffff, v39;
	v37 =	vadd.f32 v37, v17  }
0xff: {  	s16 =	sor.u32 $0x380, s7;
	v34 =	vadd.f32 v34, v17;
	s7 =	smov.u32 s3;
	[tilespmem:s2+$0xCE00] =	vst.add.f32.msk $0xffff, v36;
	v36 =	vadd.f32 v43, v17  }
0x100: {  	[tilespmem:s16+$0xCC00] =	vst.add.f32.msk $0xffff, v35;
	v35 =	vadd.f32 v41, v17;
	v17 =	vadd.f32 v33, v17  }
0x101: {  	[tilespmem:s2+$0xEC00] =	vst.add.f32.msk $0xffff, v34  }
0x102: {  	[tilespmem:s2+$0xEF80] =	vst.add.f32.msk $0xffff, v40  }
0x103: {  	[tilespmem:s2+$0xED00] =	vst.add.f32.msk $0xffff, v38  }
0x104: {  	[tilespmem:s2+$0xEF00] =	vst.add.f32.msk $0xffff, v42  }
0x105: {  	[tilespmem:s2+$0xEC80] =	vst.add.f32.msk $0xffff, v37  }
0x106: {  	[tilespmem:s2+$0xEE80] =	vst.add.f32.msk $0xffff, v36  }
0x107: {  	[tilespmem:s2+$0xED80] =	vst.add.f32.msk $0xffff, v35  }
0x108: {  	[tilespmem:s2+$0xEE00] =	vst.add.f32.msk $0xffff, v17  }
0x109: {  	s2 =	sand.u32 $0x3F0, s14;
	v17 =	vld [tilespmem:s12+$0x0]  }
0x10a: {  	v33 =	vld [tilespmem:s2+$0x400];
	_ =	sdelay $0x4  }
0x10b: {  	v33 =	vsub.f32 v33, v17;
	_ =	sdelay $0x1  }
0x10c: {  	v34 =	vmul.f32 v33, v21;
	v35 =	vmul.f32 v33, v29  }
.Ltmp3:
0x10d: {  	v36 =	vmul.f32 v33, v23;
	v40 =	vmul.f32 v33, v27;
	(pc) =	sbr.rel @p0 .LBB2_8-.Ltmp3, $4  }
0x10e: {  	s3 =	sand.u32 $0x1C00, s0;
	s2 =	sand.u32 $0x70, s14;
	v38 =	vmul.f32 v33, v22;
	v34 =	vadd.f32 v34, v17;
	v42 =	vadd.f32 v35, v17  }
0x10f: {  	s2 =	sor.u32 s2, s3;
	v39 =	vmul.f32 v33, v28;
	v37 =	vadd.f32 v36, v17;
	v36 =	vmul.f32 v33, v24  }
0x110: {  	v41 =	vadd.f32 v38, v17;
	v35 =	vmul.f32 v33, v30;
	[tilespmem:s2+$0xCC00] =	vst.add.f32.msk $0xffff, v34;
	v34 =	vmul.f32 v33, v31  }
0x111: {  	v38 =	vadd.f32 v36, v17;
	v36 =	vadd.f32 v40, v17;
	v40 =	vmul.f32 v33, v32;
	[tilespmem:s2+$0xCF00] =	vst.add.f32.msk $0xffff, v42  }
0x112: {  	[tilespmem:s2+$0xCC80] =	vst.add.f32.msk $0xffff, v41  }
0x113: {  	[tilespmem:s2+$0xCD00] =	vst.add.f32.msk $0xffff, v37  }
0x114: {  	v21 =	vadd.f32 v39, v17;
	[tilespmem:s2+$0xCD80] =	vst.add.f32.msk $0xffff, v38  }
0x115: {  	v60 =	vadd.f32 v35, v17;
	[tilespmem:s2+$0xCE00] =	vst.add.f32.msk $0xffff, v36  }
0x116: {  	v22 =	vmul.f32 v33, v25;
	s0 =	sor.u32 $0x380, s7;
	v23 =	vadd.f32 v34, v17;
	[tilespmem:s2+$0xCE80] =	vst.add.f32.msk $0xffff, v21  }
0x117: {  	v24 =	vmul.f32 v33, v26;
	v61 =	vadd.f32 v40, v17;
	[tilespmem:s0+$0xCC00] =	vst.add.f32.msk $0xffff, v60  }
0x118: {  	v19 =	vmul.f32 v33, v19;
	v62 =	vadd.f32 v22, v17;
	[tilespmem:s2+$0xEC00] =	vst.add.f32.msk $0xffff, v23  }
0x119: {  	v20 =	vmul.f32 v33, v20;
	v63 =	vadd.f32 v24, v17;
	[tilespmem:s2+$0xEF80] =	vst.add.f32.msk $0xffff, v61  }
0x11a: {  	v18 =	vmul.f32 v33, v18;
	v19 =	vadd.f32 v19, v17;
	[tilespmem:s2+$0xED00] =	vst.add.f32.msk $0xffff, v62  }
0x11b: {  	v16 =	vmul.f32 v33, v16;
	v20 =	vadd.f32 v20, v17;
	[tilespmem:s2+$0xEF00] =	vst.add.f32.msk $0xffff, v63  }
0x11c: {  	v18 =	vadd.f32 v18, v17;
	[tilespmem:s2+$0xEC80] =	vst.add.f32.msk $0xffff, v19  }
0x11d: {  	v16 =	vadd.f32 v16, v17;
	[tilespmem:s2+$0xEE80] =	vst.add.f32.msk $0xffff, v20  }
0x11e: {  	[tilespmem:s2+$0xED80] =	vst.add.f32.msk $0xffff, v18  }
0x11f: {  	s20 =	rddreg [dreg:$0x10];
	[tilespmem:s2+$0xEE00] =	vst.add.f32.msk $0xffff, v16  }
0x120: {  	[hbm4b:s20+s5] =	stream.linear.scatter [tilespmem:s10], [sflag:$0xA], $0x4000, $0x38;
	[tilespmem:$0x18C00] =	vst v63  }
0x121: {  	_ =	swait.ge [sflag:s21], $0x4000  }
0x122: {  	[sflag:s21] =	ssyncset.done $0x0  }
0x123: {  	s2 =	simm.s32 $0x1;
	s26 =	rddreg [dreg:$0x11];
	[sflag:s21] =	ssyncadd.s32 $0xFFFFC000  }
0x124: {  	[tilespmem:s28], [sflag:$0x2] =	stream.linear.gather [hbm4b:s26+s5], $0x4000, $0x38;
	[tilespmem:$0x18C00] =	vst v63  }
.LBB2_10:
0x125: {  	_ =	swait.ge [sflag:s22], $0x4000  }
0x126: {  	s7 =	smul.u32 $0x60, s2;
	[sflag:s22] =	ssyncset.done $0x0  }
0x127: {  	[sflag:s22] =	ssyncadd.s32 $0xFFFFC000  }
0x128: {  	v16 =	vld [tilespmem:s7+$0x7E0];
	_ =	sdelay $0x4  }
0x129: {  	v31 =	vcvt.s32.f32 v16  }
0x12a: {  	s0 =	simm.s32 $0x0  }
0x12b: {  	s3 =	sand.u32 $0x3F0, s0;
	v37 =	vld [tilespmem:s0+$0x0];
	v16 =	vperm.xlane v31, v0  }
0x12c: {  	v30 =	vld [tilespmem:s3+$0x400];
	v17 =	vperm.xlane v31, v1;
	v18 =	vperm.xlane v31, v2  }
0x12d: {  	v19 =	vperm.xlane v31, v3;
	v20 =	vperm.xlane v31, v4  }
0x12e: {  	v21 =	vperm.xlane v31, v5;
	v22 =	vperm.xlane v31, v6  }
0x12f: {  	v23 =	vperm.xlane v31, v7;
	v24 =	vperm.xlane v31, v8  }
0x130: {  	v25 =	vperm.xlane v31, v9;
	v26 =	vperm.xlane v31, v10  }
0x131: {  	v35 =	vsub.f32 v30, v37;
	v27 =	vperm.xlane v31, v11;
	v28 =	vperm.xlane v31, v12  }
0x132: {  	v29 =	vperm.xlane v31, v13;
	v30 =	vperm.xlane v31, v14  }
0x133: {  	v31 =	vperm.xlane v31, v15;
	v32 =	vmul.f32 v35, v16  }
0x134: {  	v33 =	vmul.f32 v35, v17;
	v34 =	vmul.f32 v35, v18  }
0x135: {  	s8 =	sand.u32 $0x70, s0;
	s11 =	sand.u32 $0x1C00, s0;
	v36 =	vmul.f32 v35, v19;
	v38 =	vmul.f32 v35, v20  }
0x136: {  	s11 =	sor.u32 s8, s11;
	v39 =	vmul.f32 v35, v21;
	v40 =	vmul.f32 v35, v22;
	v32 =	vadd.f32 v32, v37  }
0x137: {  	s3 =	sadd.s32 $0x10C00, s11;
	v41 =	vmul.f32 v35, v23;
	v57 =	vmul.f32 v35, v31;
	v33 =	vadd.f32 v33, v37  }
0x138: {  	s12 =	sor.u32 $0x80, s3;
	v60 =	vmul.f32 v35, v30;
	v42 =	vmul.f32 v35, v29;
	v55 =	vadd.f32 v34, v37;
	[tilespmem:s11+$0x10C00] =	vst.add.f32.msk $0xffff, v32  }
0x139: {  	s9 =	sor.u32 $0x100, s3;
	v43 =	vmul.f32 v35, v28;
	v61 =	vmul.f32 v35, v26;
	v58 =	vadd.f32 v36, v37;
	[tilespmem:s12+$0x0] =	vst.add.f32.msk $0xffff, v33  }
0x13a: {  	s14 =	sor.u32 $0x180, s3;
	v62 =	vmul.f32 v35, v27;
	v56 =	vadd.f32 v38, v37;
	v59 =	vadd.f32 v39, v37;
	[tilespmem:s9+$0x0] =	vst.add.f32.msk $0xffff, v55  }
0x13b: {  	s16 =	sor.u32 $0x200, s3;
	v63 =	vmul.f32 v35, v24;
	v40 =	vadd.f32 v40, v37;
	v41 =	vadd.f32 v41, v37;
	[tilespmem:s14+$0x0] =	vst.add.f32.msk $0xffff, v58  }
0x13c: {  	s20 =	sor.u32 $0x280, s3;
	v44 =	vmul.f32 v35, v25;
	v34 =	vadd.f32 v42, v37;
	v35 =	vadd.f32 v43, v37;
	[tilespmem:s16+$0x0] =	vst.add.f32.msk $0xffff, v56  }
0x13d: {  	s26 =	sor.u32 s0, s0;
	s3 =	sor.u32 $0x300, s3;
	v36 =	vadd.f32 v61, v37;
	v38 =	vadd.f32 v62, v37;
	[tilespmem:s20+$0x0] =	vst.add.f32.msk $0xffff, v59  }
0x13e: {  	s28 =	sor.u32 $0x380, s26;
	v39 =	vadd.f32 v63, v37;
	v33 =	vadd.f32 v57, v37;
	[tilespmem:s3+$0x0] =	vst.add.f32.msk $0xffff, v40  }
0x13f: {  	v32 =	vadd.f32 v60, v37;
	s12 =	sadd.s32 $0xFFFFFFE0, s7;
	v37 =	vadd.f32 v44, v37;
	s14 =	simm.s32 $0x10;
	s20 =	simm.s32 $0x0;
	[tilespmem:s28+$0x10C00] =	vst.add.f32.msk $0xffff, v41  }
.LBB2_11:
0x140: {  	p0 =	sne.s32 s14, $0x3F0;
	[tilespmem:s11+$0x12F80] =	vst.add.f32.msk $0xffff, v33;
	s0 =	sadd.s32 $0x80, s0;
	s20 =	sadd.s32 $0x10, s20  }
0x141: {  	s3 =	smov.u32 s14;
	s14 =	sadd.s32 $0x10, s14;
	[tilespmem:s11+$0x12F00] =	vst.add.f32.msk $0xffff, v32  }
0x142: {  	[tilespmem:s11+$0x12E80] =	vst.add.f32.msk $0xffff, v34  }
0x143: {  	[tilespmem:s11+$0x12E00] =	vst.add.f32.msk $0xffff, v35  }
0x144: {  	[tilespmem:s11+$0x12D80] =	vst.add.f32.msk $0xffff, v38  }
0x145: {  	[tilespmem:s11+$0x12D00] =	vst.add.f32.msk $0xffff, v36  }
0x146: {  	[tilespmem:s11+$0x12C00] =	vst.add.f32.msk $0xffff, v39  }
0x147: {  	[tilespmem:s11+$0x12C80] =	vst.add.f32.msk $0xffff, v37  }
0x148: {  	s11 =	sand.u32 $0x3F0, s3;
	v37 =	vld [tilespmem:s20+$0x0]  }
0x149: {  	v32 =	vld [tilespmem:s11+$0x400];
	_ =	sdelay $0x4  }
0x14a: {  	v35 =	vsub.f32 v32, v37;
	_ =	sdelay $0x1  }
0x14b: {  	v32 =	vmul.f32 v35, v16;
	v33 =	vmul.f32 v35, v17  }
0x14c: {  	s16 =	sand.u32 $0x1C00, s0;
	s11 =	sand.u32 $0x70, s3;
	v34 =	vmul.f32 v35, v18;
	v36 =	vmul.f32 v35, v19  }
0x14d: {  	s11 =	sor.u32 s11, s16;
	v38 =	vmul.f32 v35, v20;
	v39 =	vmul.f32 v35, v21;
	v32 =	vadd.f32 v32, v37  }
0x14e: {  	s16 =	sadd.s32 $0x10C00, s11;
	v40 =	vmul.f32 v35, v22;
	v41 =	vmul.f32 v35, v23;
	v33 =	vadd.f32 v33, v37  }
0x14f: {  	s26 =	sor.u32 $0x80, s16;
	[tilespmem:s11+$0x10C00] =	vst.add.f32.msk $0xffff, v32;
	v32 =	vadd.f32 v34, v37;
	v34 =	vadd.f32 v38, v37;
	v38 =	vmul.f32 v35, v31  }
0x150: {  	[tilespmem:s26+$0x0] =	vst.add.f32.msk $0xffff, v33;
	s26 =	sor.u32 $0x100, s16;
	v33 =	vadd.f32 v36, v37;
	v36 =	vadd.f32 v39, v37;
	v39 =	vmul.f32 v35, v30  }
0x151: {  	v42 =	vmul.f32 v35, v29;
	v40 =	vadd.f32 v40, v37;
	v41 =	vadd.f32 v41, v37;
	[tilespmem:s26+$0x0] =	vst.add.f32.msk $0xffff, v32;
	s26 =	sor.u32 $0x180, s16  }
.Ltmp4:
0x152: {  	v43 =	vmul.f32 v35, v28;
	[tilespmem:s26+$0x0] =	vst.add.f32.msk $0xffff, v33;
	s26 =	sor.u32 $0x200, s16;
	v32 =	vadd.f32 v39, v37;
	v33 =	vadd.f32 v38, v37;
	(pc) =	sbr.rel @p0 .LBB2_11-.Ltmp4, $4  }
0x153: {  	v38 =	vmul.f32 v35, v26;
	v39 =	vmul.f32 v35, v27;
	[tilespmem:s26+$0x0] =	vst.add.f32.msk $0xffff, v34;
	s26 =	sor.u32 $0x280, s16;
	v34 =	vadd.f32 v42, v37  }
0x154: {  	s3 =	sor.u32 s0, s3;
	v44 =	vmul.f32 v35, v25;
	s16 =	sor.u32 $0x300, s16;
	v42 =	vmul.f32 v35, v24;
	v35 =	vadd.f32 v43, v37;
	[tilespmem:s26+$0x0] =	vst.add.f32.msk $0xffff, v36  }
0x155: {  	s3 =	sor.u32 $0x380, s3;
	v36 =	vadd.f32 v38, v37;
	v38 =	vadd.f32 v39, v37;
	[tilespmem:s16+$0x0] =	vst.add.f32.msk $0xffff, v40  }
0x156: {  	v39 =	vadd.f32 v42, v37;
	v37 =	vadd.f32 v44, v37;
	[tilespmem:s3+$0x10C00] =	vst.add.f32.msk $0xffff, v41  }
0x157: {  	[tilespmem:s11+$0x12F80] =	vst.add.f32.msk $0xffff, v33  }
0x158: {  	[tilespmem:s11+$0x12F00] =	vst.add.f32.msk $0xffff, v32  }
0x159: {  	[tilespmem:s11+$0x12E80] =	vst.add.f32.msk $0xffff, v34  }
0x15a: {  	[tilespmem:s11+$0x12E00] =	vst.add.f32.msk $0xffff, v35  }
0x15b: {  	[tilespmem:s11+$0x12D80] =	vst.add.f32.msk $0xffff, v38  }
0x15c: {  	[tilespmem:s11+$0x12D00] =	vst.add.f32.msk $0xffff, v36;
	s0 =	sadd.s32 s6, s12  }
0x15d: {  	[tilespmem:s11+$0x12C00] =	vst.add.f32.msk $0xffff, v39;
	s0 =	sshll.u32 s0, $0x7  }
0x15e: {  	s3 =	simm.s32 $0x10C00;
	[tilespmem:s11+$0x12C80] =	vst.add.f32.msk $0xffff, v37;
	s11 =	simm.s32 $0x0;
	s0 =	sadd.s32 s4, s0  }
0x15f: {  	[hbm4b:s0+s11] =	stream.linear.scatter [tilespmem:s3], [sflag:$0xB], $0x4000, $0x38;
	[tilespmem:$0x18C00] =	vst v63  }
0x160: {  	s0 =	sadd.s32 $0x20, s7  }
0x161: {  	_ =	swait.ge [sflag:s23], $0x4000;
	s14 =	sadd.s32 s6, s0  }
0x162: {  	[sflag:s23] =	ssyncset.done $0x0;
	s12 =	sshll.u32 s14, $0x7  }
0x163: {  	[sflag:s23] =	ssyncadd.s32 $0xFFFFC000;
	s3 =	sadd.s32 s1, s12  }
0x164: {  	[tilespmem:s29], [sflag:$0x3] =	stream.linear.gather [hbm4b:s3+s11], $0x4000, $0x38;
	[tilespmem:$0x18C00] =	vst v63  }
0x165: {  	_ =	swait.ge [sflag:s24], $0x4000  }
0x166: {  	[sflag:s24] =	ssyncset.done $0x0  }
0x167: {  	[sflag:s24] =	ssyncadd.s32 $0xFFFFC000  }
0x168: {  	v16 =	vld [tilespmem:s7+$0x7F0];
	_ =	sdelay $0x4  }
0x169: {  	v31 =	vcvt.s32.f32 v16;
	_ =	sdelay $0x1  }
0x16a: {  	s16 =	sand.u32 $0x3F0, s11;
	v37 =	vld [tilespmem:s11+$0x0];
	v16 =	vperm.xlane v31, v0;
	v17 =	vperm.xlane v31, v1  }
0x16b: {  	v30 =	vld [tilespmem:s16+$0x400];
	v18 =	vperm.xlane v31, v2;
	v19 =	vperm.xlane v31, v3  }
0x16c: {  	v20 =	vperm.xlane v31, v4;
	v21 =	vperm.xlane v31, v5  }
0x16d: {  	v22 =	vperm.xlane v31, v6;
	v23 =	vperm.xlane v31, v7  }
0x16e: {  	v24 =	vperm.xlane v31, v8;
	v25 =	vperm.xlane v31, v9  }
0x16f: {  	v26 =	vperm.xlane v31, v10;
	v27 =	vperm.xlane v31, v11  }
0x170: {  	v48 =	vsub.f32 v30, v37;
	v28 =	vperm.xlane v31, v12;
	v29 =	vperm.xlane v31, v13  }
0x171: {  	v30 =	vperm.xlane v31, v14;
	v31 =	vperm.xlane v31, v15  }
0x172: {  	v49 =	vmul.f32 v48, v16;
	v50 =	vmul.f32 v48, v17  }
0x173: {  	s20 =	sand.u32 $0x70, s11;
	s14 =	sand.u32 $0x1C00, s11;
	v51 =	vmul.f32 v48, v18;
	v52 =	vmul.f32 v48, v19  }
0x174: {  	s20 =	sor.u32 s20, s14;
	v53 =	vmul.f32 v48, v20;
	v54 =	vmul.f32 v48, v21;
	v32 =	vadd.f32 v49, v37  }
0x175: {  	s3 =	sadd.s32 $0x14C00, s20;
	v40 =	vmul.f32 v48, v22;
	v41 =	vmul.f32 v48, v23;
	v33 =	vadd.f32 v50, v37  }
0x176: {  	s26 =	sor.u32 $0x80, s3;
	v57 =	vmul.f32 v48, v31;
	v60 =	vmul.f32 v48, v30;
	v55 =	vadd.f32 v51, v37;
	[tilespmem:s20+$0x14C00] =	vst.add.f32.msk $0xffff, v32  }
0x177: {  	s29 =	sor.u32 $0x100, s3;
	v42 =	vmul.f32 v48, v29;
	v43 =	vmul.f32 v48, v28;
	v58 =	vadd.f32 v52, v37;
	[tilespmem:s26+$0x0] =	vst.add.f32.msk $0xffff, v33  }
0x178: {  	s8 =	sor.u32 $0x180, s3;
	v61 =	vmul.f32 v48, v26;
	v56 =	vadd.f32 v53, v37;
	v59 =	vadd.f32 v54, v37;
	[tilespmem:s29+$0x0] =	vst.add.f32.msk $0xffff, v55  }
0x179: {  	s9 =	sor.u32 $0x200, s3;
	v62 =	vmul.f32 v48, v27;
	v40 =	vadd.f32 v40, v37;
	v41 =	vadd.f32 v41, v37;
	[tilespmem:s8+$0x0] =	vst.add.f32.msk $0xffff, v58  }
0x17a: {  	s16 =	sor.u32 $0x280, s3;
	v63 =	vmul.f32 v48, v24;
	v34 =	vadd.f32 v42, v37;
	v35 =	vadd.f32 v43, v37;
	[tilespmem:s9+$0x0] =	vst.add.f32.msk $0xffff, v56  }
0x17b: {  	s3 =	sor.u32 $0x300, s3;
	v44 =	vmul.f32 v48, v25;
	v36 =	vadd.f32 v61, v37;
	v38 =	vadd.f32 v62, v37;
	s26 =	sor.u32 s11, s11;
	[tilespmem:s16+$0x0] =	vst.add.f32.msk $0xffff, v59  }
0x17c: {  	v39 =	vadd.f32 v63, v37;
	v33 =	vadd.f32 v57, v37;
	s29 =	sor.u32 $0x380, s26;
	[tilespmem:s3+$0x0] =	vst.add.f32.msk $0xffff, v40  }
0x17d: {  	s28 =	simm.s32 $0x0;
	s14 =	simm.s32 $0x10;
	v32 =	vadd.f32 v60, v37;
	v37 =	vadd.f32 v44, v37;
	s26 =	sadd.s32 $0xFFFFFFF0, s7;
	[tilespmem:s29+$0x14C00] =	vst.add.f32.msk $0xffff, v41  }
.LBB2_13:
0x17e: {  	p0 =	sne.s32 s14, $0x3F0;
	[tilespmem:s20+$0x16F80] =	vst.add.f32.msk $0xffff, v33;
	s11 =	sadd.s32 $0x80, s11;
	s28 =	sadd.s32 $0x10, s28  }
0x17f: {  	s3 =	smov.u32 s14;
	s14 =	sadd.s32 $0x10, s14;
	[tilespmem:s20+$0x16F00] =	vst.add.f32.msk $0xffff, v32  }
0x180: {  	[tilespmem:s20+$0x16E80] =	vst.add.f32.msk $0xffff, v34  }
0x181: {  	[tilespmem:s20+$0x16E00] =	vst.add.f32.msk $0xffff, v35  }
0x182: {  	[tilespmem:s20+$0x16D80] =	vst.add.f32.msk $0xffff, v38  }
0x183: {  	[tilespmem:s20+$0x16D00] =	vst.add.f32.msk $0xffff, v36  }
0x184: {  	[tilespmem:s20+$0x16C00] =	vst.add.f32.msk $0xffff, v39  }
0x185: {  	[tilespmem:s20+$0x16C80] =	vst.add.f32.msk $0xffff, v37  }
0x186: {  	s16 =	sand.u32 $0x3F0, s3;
	v37 =	vld [tilespmem:s28+$0x0]  }
0x187: {  	v32 =	vld [tilespmem:s16+$0x400];
	_ =	sdelay $0x4  }
0x188: {  	v35 =	vsub.f32 v32, v37;
	_ =	sdelay $0x1  }
0x189: {  	v32 =	vmul.f32 v35, v16;
	v33 =	vmul.f32 v35, v17  }
0x18a: {  	s20 =	sand.u32 $0x1C00, s11;
	s16 =	sand.u32 $0x70, s3;
	v34 =	vmul.f32 v35, v18;
	v36 =	vmul.f32 v35, v19  }
0x18b: {  	s20 =	sor.u32 s16, s20;
	v38 =	vmul.f32 v35, v20;
	v39 =	vmul.f32 v35, v21;
	v32 =	vadd.f32 v32, v37  }
0x18c: {  	s16 =	sadd.s32 $0x14C00, s20;
	v40 =	vmul.f32 v35, v22;
	v41 =	vmul.f32 v35, v23;
	v33 =	vadd.f32 v33, v37  }
0x18d: {  	s29 =	sor.u32 $0x80, s16;
	[tilespmem:s20+$0x14C00] =	vst.add.f32.msk $0xffff, v32;
	v32 =	vadd.f32 v34, v37;
	v34 =	vadd.f32 v38, v37;
	v38 =	vmul.f32 v35, v31  }
0x18e: {  	[tilespmem:s29+$0x0] =	vst.add.f32.msk $0xffff, v33;
	s29 =	sor.u32 $0x100, s16;
	v33 =	vadd.f32 v36, v37;
	v36 =	vadd.f32 v39, v37;
	v39 =	vmul.f32 v35, v30  }
0x18f: {  	v42 =	vmul.f32 v35, v29;
	v40 =	vadd.f32 v40, v37;
	v41 =	vadd.f32 v41, v37;
	[tilespmem:s29+$0x0] =	vst.add.f32.msk $0xffff, v32;
	s29 =	sor.u32 $0x180, s16  }
.Ltmp5:
0x190: {  	v43 =	vmul.f32 v35, v28;
	[tilespmem:s29+$0x0] =	vst.add.f32.msk $0xffff, v33;
	s29 =	sor.u32 $0x200, s16;
	v32 =	vadd.f32 v39, v37;
	v33 =	vadd.f32 v38, v37;
	(pc) =	sbr.rel @p0 .LBB2_13-.Ltmp5, $4  }
0x191: {  	v38 =	vmul.f32 v35, v26;
	v39 =	vmul.f32 v35, v27;
	[tilespmem:s29+$0x0] =	vst.add.f32.msk $0xffff, v34;
	s29 =	sor.u32 $0x280, s16;
	v34 =	vadd.f32 v42, v37  }
0x192: {  	s3 =	sor.u32 s11, s3;
	v44 =	vmul.f32 v35, v25;
	s16 =	sor.u32 $0x300, s16;
	v42 =	vmul.f32 v35, v24;
	v35 =	vadd.f32 v43, v37;
	[tilespmem:s29+$0x0] =	vst.add.f32.msk $0xffff, v36  }
0x193: {  	s3 =	sor.u32 $0x380, s3;
	v36 =	vadd.f32 v38, v37;
	v38 =	vadd.f32 v39, v37;
	[tilespmem:s16+$0x0] =	vst.add.f32.msk $0xffff, v40  }
0x194: {  	v39 =	vadd.f32 v42, v37;
	v37 =	vadd.f32 v44, v37;
	[tilespmem:s3+$0x14C00] =	vst.add.f32.msk $0xffff, v41  }
0x195: {  	[tilespmem:s20+$0x16F80] =	vst.add.f32.msk $0xffff, v33  }
0x196: {  	[tilespmem:s20+$0x16F00] =	vst.add.f32.msk $0xffff, v32  }
0x197: {  	[tilespmem:s20+$0x16E80] =	vst.add.f32.msk $0xffff, v34  }
0x198: {  	[tilespmem:s20+$0x16E00] =	vst.add.f32.msk $0xffff, v35  }
0x199: {  	[tilespmem:s20+$0x16D80] =	vst.add.f32.msk $0xffff, v38  }
0x19a: {  	[tilespmem:s20+$0x16D00] =	vst.add.f32.msk $0xffff, v36;
	s3 =	sadd.s32 s6, s26  }
0x19b: {  	s26 =	simm.s32 $0x0;
	[tilespmem:s20+$0x16C00] =	vst.add.f32.msk $0xffff, v39;
	s3 =	sshll.u32 s3, $0x7  }
0x19c: {  	s8 =	simm.s32 $0x14C00;
	[tilespmem:s20+$0x16C80] =	vst.add.f32.msk $0xffff, v37;
	s20 =	sadd.s32 $0x30, s7;
	s3 =	sadd.s32 s4, s3  }
0x19d: {  	[hbm4b:s3+s26] =	stream.linear.scatter [tilespmem:s8], [sflag:$0xC], $0x4000, $0x38;
	[tilespmem:$0x18C00] =	vst v63  }
0x19e: {  	s11 =	sadd.s32 s6, s20;
	_ =	swait.ge [sflag:s25], $0x4000  }
0x19f: {  	s11 =	sshll.u32 s11, $0x7;
	[sflag:s25] =	ssyncset.done $0x0  }
0x1a0: {  	s3 =	sadd.s32 s1, s11;
	[sflag:s25] =	ssyncadd.s32 $0xFFFFC000  }
0x1a1: {  	[tilespmem:s10], [sflag:$0x4] =	stream.linear.gather [hbm4b:s3+s26], $0x4000, $0x38;
	[tilespmem:$0x18C00] =	vst v63  }
0x1a2: {  	_ =	swait.ge [sflag:s13], $0x4000  }
0x1a3: {  	[sflag:s13] =	ssyncset.done $0x0  }
0x1a4: {  	[sflag:s13] =	ssyncadd.s32 $0xFFFFC000  }
0x1a5: {  	v16 =	vld [tilespmem:s7+$0x800];
	_ =	sdelay $0x4  }
0x1a6: {  	v58 =	vcvt.s32.f32 v16;
	_ =	sdelay $0x1  }
0x1a7: {  	s14 =	sand.u32 $0x3F0, s26;
	v17 =	vld [tilespmem:s26+$0x0];
	v21 =	vperm.xlane v58, v0;
	v22 =	vperm.xlane v58, v1  }
0x1a8: {  	v26 =	vld [tilespmem:s14+$0x400];
	v23 =	vperm.xlane v58, v2;
	v24 =	vperm.xlane v58, v3  }
0x1a9: {  	v27 =	vperm.xlane v58, v4;
	v28 =	vperm.xlane v58, v5  }
0x1aa: {  	v29 =	vperm.xlane v58, v6;
	v30 =	vperm.xlane v58, v7  }
0x1ab: {  	v31 =	vperm.xlane v58, v8;
	v19 =	vperm.xlane v58, v9  }
0x1ac: {  	v25 =	vperm.xlane v58, v10;
	v18 =	vperm.xlane v58, v11  }
0x1ad: {  	v33 =	vsub.f32 v26, v17;
	v16 =	vperm.xlane v58, v12;
	v20 =	vperm.xlane v58, v13  }
0x1ae: {  	v26 =	vperm.xlane v58, v14;
	v32 =	vperm.xlane v58, v15  }
0x1af: {  	v59 =	vmul.f32 v33, v21;
	v60 =	vmul.f32 v33, v29  }
0x1b0: {  	v61 =	vmul.f32 v33, v23;
	v40 =	vmul.f32 v33, v27  }
0x1b1: {  	s16 =	sand.u32 $0x70, s26;
	s14 =	sand.u32 $0x1C00, s26;
	v62 =	vmul.f32 v33, v22;
	v63 =	vmul.f32 v33, v24;
	v34 =	vadd.f32 v59, v17  }
0x1b2: {  	s28 =	sor.u32 s16, s14;
	v39 =	vmul.f32 v33, v28;
	v42 =	vadd.f32 v60, v17;
	v37 =	vadd.f32 v61, v17  }
0x1b3: {  	v35 =	vmul.f32 v33, v30;
	v41 =	vadd.f32 v62, v17;
	v38 =	vadd.f32 v63, v17;
	[tilespmem:s28+$0xC00] =	vst.add.f32.msk $0xffff, v34  }
0x1b4: {  	s29 =	sor.u32 s26, s26;
	s14 =	simm.s32 $0x10;
	s16 =	simm.s32 $0x0;
	v36 =	vadd.f32 v40, v17;
	v40 =	vmul.f32 v33, v32;
	v34 =	vmul.f32 v33, v31;
	[tilespmem:s28+$0xF00] =	vst.add.f32.msk $0xffff, v42  }
.LBB2_15:
0x1b5: {  	p0 =	sne.s32 s14, $0x3F0;
	[tilespmem:s28+$0xC80] =	vst.add.f32.msk $0xffff, v41;
	v39 =	vadd.f32 v39, v17;
	v41 =	vmul.f32 v33, v25;
	v42 =	vmul.f32 v33, v26;
	s26 =	sadd.s32 $0x80, s26;
	s16 =	sadd.s32 $0x10, s16  }
0x1b6: {  	v43 =	vmul.f32 v33, v20;
	s8 =	smov.u32 s14;
	s3 =	sor.u32 s26, s14;
	[tilespmem:s28+$0xD00] =	vst.add.f32.msk $0xffff, v37;
	v37 =	vmul.f32 v33, v19;
	v40 =	vadd.f32 v40, v17;
	s14 =	sadd.s32 $0x10, s14  }
0x1b7: {  	[tilespmem:s28+$0xD80] =	vst.add.f32.msk $0xffff, v38;
	v38 =	vadd.f32 v41, v17;
	v41 =	vmul.f32 v33, v18;
	v42 =	vadd.f32 v42, v17  }
0x1b8: {  	v35 =	vadd.f32 v35, v17;
	v33 =	vmul.f32 v33, v16;
	[tilespmem:s28+$0xE80] =	vst.add.f32.msk $0xffff, v39;
	v37 =	vadd.f32 v37, v17  }
0x1b9: {  	s9 =	sor.u32 $0x380, s29;
	v34 =	vadd.f32 v34, v17;
	s29 =	smov.u32 s3;
	[tilespmem:s28+$0xE00] =	vst.add.f32.msk $0xffff, v36;
	v36 =	vadd.f32 v43, v17  }
0x1ba: {  	[tilespmem:s9+$0xC00] =	vst.add.f32.msk $0xffff, v35;
	v35 =	vadd.f32 v41, v17;
	v17 =	vadd.f32 v33, v17  }
0x1bb: {  	[tilespmem:s28+$0x2C00] =	vst.add.f32.msk $0xffff, v34  }
0x1bc: {  	[tilespmem:s28+$0x2F80] =	vst.add.f32.msk $0xffff, v40  }
0x1bd: {  	[tilespmem:s28+$0x2D00] =	vst.add.f32.msk $0xffff, v38  }
0x1be: {  	[tilespmem:s28+$0x2F00] =	vst.add.f32.msk $0xffff, v42  }
0x1bf: {  	[tilespmem:s28+$0x2C80] =	vst.add.f32.msk $0xffff, v37  }
0x1c0: {  	[tilespmem:s28+$0x2E80] =	vst.add.f32.msk $0xffff, v36  }
0x1c1: {  	[tilespmem:s28+$0x2D80] =	vst.add.f32.msk $0xffff, v35  }
0x1c2: {  	[tilespmem:s28+$0x2E00] =	vst.add.f32.msk $0xffff, v17  }
0x1c3: {  	s3 =	sand.u32 $0x3F0, s8;
	v17 =	vld [tilespmem:s16+$0x0]  }
0x1c4: {  	v33 =	vld [tilespmem:s3+$0x400];
	_ =	sdelay $0x4  }
0x1c5: {  	v33 =	vsub.f32 v33, v17;
	_ =	sdelay $0x1  }
0x1c6: {  	v34 =	vmul.f32 v33, v21;
	v35 =	vmul.f32 v33, v29  }
.Ltmp6:
0x1c7: {  	v36 =	vmul.f32 v33, v23;
	v40 =	vmul.f32 v33, v27;
	(pc) =	sbr.rel @p0 .LBB2_15-.Ltmp6, $4  }
0x1c8: {  	s3 =	sand.u32 $0x70, s8;
	s8 =	sand.u32 $0x1C00, s26;
	v38 =	vmul.f32 v33, v22;
	v34 =	vadd.f32 v34, v17;
	v42 =	vadd.f32 v35, v17  }
0x1c9: {  	s28 =	sor.u32 s3, s8;
	v39 =	vmul.f32 v33, v28;
	v37 =	vadd.f32 v36, v17;
	v36 =	vmul.f32 v33, v24  }
0x1ca: {  	v41 =	vadd.f32 v38, v17;
	v35 =	vmul.f32 v33, v30;
	[tilespmem:s28+$0xC00] =	vst.add.f32.msk $0xffff, v34;
	v34 =	vmul.f32 v33, v31  }
0x1cb: {  	v38 =	vadd.f32 v36, v17;
	v36 =	vadd.f32 v40, v17;
	v40 =	vmul.f32 v33, v32;
	[tilespmem:s28+$0xF00] =	vst.add.f32.msk $0xffff, v42  }
0x1cc: {  	[tilespmem:s28+$0xC80] =	vst.add.f32.msk $0xffff, v41  }
0x1cd: {  	v21 =	vadd.f32 v39, v17;
	[tilespmem:s28+$0xD00] =	vst.add.f32.msk $0xffff, v37  }
0x1ce: {  	[tilespmem:s28+$0xD80] =	vst.add.f32.msk $0xffff, v38  }
0x1cf: {  	[tilespmem:s28+$0xE80] =	vst.add.f32.msk $0xffff, v21;
	v21 =	vadd.f32 v35, v17  }
0x1d0: {  	s3 =	sor.u32 $0x380, s29;
	v23 =	vadd.f32 v34, v17;
	v19 =	vmul.f32 v33, v19;
	[tilespmem:s28+$0xE00] =	vst.add.f32.msk $0xffff, v36  }
0x1d1: {  	v22 =	vmul.f32 v33, v25;
	v20 =	vmul.f32 v33, v20;
	v25 =	vadd.f32 v40, v17;
	[tilespmem:s3+$0xC00] =	vst.add.f32.msk $0xffff, v21  }
0x1d2: {  	v18 =	vmul.f32 v33, v18;
	v19 =	vadd.f32 v19, v17;
	[tilespmem:s28+$0x2C00] =	vst.add.f32.msk $0xffff, v23  }
0x1d3: {  	v16 =	vmul.f32 v33, v16;
	v20 =	vadd.f32 v20, v17;
	[tilespmem:s28+$0x2F80] =	vst.add.f32.msk $0xffff, v25  }
0x1d4: {  	v18 =	vadd.f32 v18, v17;
	[tilespmem:s28+$0x2C80] =	vst.add.f32.msk $0xffff, v19  }
0x1d5: {  	v24 =	vmul.f32 v33, v26;
	v16 =	vadd.f32 v16, v17;
	[tilespmem:s28+$0x2E80] =	vst.add.f32.msk $0xffff, v20  }
0x1d6: {  	v21 =	vadd.f32 v22, v17;
	[tilespmem:s28+$0x2D80] =	vst.add.f32.msk $0xffff, v18  }
0x1d7: {  	s26 =	sadd.s32 s6, s7;
	v22 =	vadd.f32 v24, v17;
	[tilespmem:s28+$0x2E00] =	vst.add.f32.msk $0xffff, v16  }
0x1d8: {  	s3 =	sshll.u32 s26, $0x7;
	[tilespmem:s28+$0x2D00] =	vst.add.f32.msk $0xffff, v21  }
0x1d9: {  	s8 =	simm.s32 $0xC00;
	s26 =	simm.s32 $0x0;
	s3 =	sadd.s32 s4, s3;
	[tilespmem:s28+$0x2F00] =	vst.add.f32.msk $0xffff, v22  }
0x1da: {  	[hbm4b:s3+s26] =	stream.linear.scatter [tilespmem:s8], [sflag:$0x7], $0x4000, $0x38;
	[tilespmem:$0x18C00] =	vst v63  }
0x1db: {  	_ =	swait.ge [sflag:s30], $0x4000  }
0x1dc: {  	s8 =	rddreg [dreg:$0x12]  }
0x1dd: {  	s3 =	sadd.s32 s7, s8  }
0x1de: {  	[sflag:s30] =	ssyncset.done $0x0;
	s3 =	sshll.u32 s3, $0x7  }
0x1df: {  	s9 =	simm.s32 $0x10C00;
	[sflag:s30] =	ssyncadd.s32 $0xFFFFC000;
	s3 =	sadd.s32 s1, s3  }
0x1e0: {  	[tilespmem:s9], [sflag:$0x5] =	stream.linear.gather [hbm4b:s3+s26], $0x4000, $0x38;
	[tilespmem:$0x18C00] =	vst v63  }
0x1e1: {  	_ =	swait.ge [sflag:s15], $0x4000  }
0x1e2: {  	[sflag:s15] =	ssyncset.done $0x0  }
0x1e3: {  	[sflag:s15] =	ssyncadd.s32 $0xFFFFC000  }
0x1e4: {  	v16 =	vld [tilespmem:s7+$0x810];
	_ =	sdelay $0x4  }
0x1e5: {  	v32 =	vcvt.s32.f32 v16;
	_ =	sdelay $0x1  }
0x1e6: {  	s10 =	sand.u32 $0x3F0, s26;
	v17 =	vld [tilespmem:s26+$0x0];
	v21 =	vperm.xlane v32, v0;
	v22 =	vperm.xlane v32, v1  }
0x1e7: {  	v26 =	vld [tilespmem:s10+$0x400];
	v23 =	vperm.xlane v32, v2;
	v24 =	vperm.xlane v32, v3  }
0x1e8: {  	v27 =	vperm.xlane v32, v4;
	v28 =	vperm.xlane v32, v5  }
0x1e9: {  	v29 =	vperm.xlane v32, v6;
	v30 =	vperm.xlane v32, v7  }
0x1ea: {  	v31 =	vperm.xlane v32, v8;
	v19 =	vperm.xlane v32, v9  }
0x1eb: {  	v25 =	vperm.xlane v32, v10;
	v18 =	vperm.xlane v32, v11  }
0x1ec: {  	v33 =	vsub.f32 v26, v17;
	v16 =	vperm.xlane v32, v12;
	v20 =	vperm.xlane v32, v13  }
0x1ed: {  	v26 =	vperm.xlane v32, v14;
	v32 =	vperm.xlane v32, v15  }
0x1ee: {  	v58 =	vmul.f32 v33, v21;
	v59 =	vmul.f32 v33, v29  }
0x1ef: {  	v60 =	vmul.f32 v33, v23;
	v61 =	vmul.f32 v33, v27  }
0x1f0: {  	s14 =	sand.u32 $0x70, s26;
	s16 =	sand.u32 $0x1C00, s26;
	v62 =	vmul.f32 v33, v22;
	v63 =	vmul.f32 v33, v24;
	v34 =	vadd.f32 v58, v17  }
0x1f1: {  	s29 =	sor.u32 s14, s16;
	v39 =	vmul.f32 v33, v28;
	v35 =	vmul.f32 v33, v30;
	v42 =	vadd.f32 v59, v17  }
0x1f2: {  	s28 =	sor.u32 $0x10, s7;
	v40 =	vmul.f32 v33, v32;
	v37 =	vadd.f32 v60, v17;
	v41 =	vadd.f32 v62, v17;
	[tilespmem:s29+$0x4C00] =	vst.add.f32.msk $0xffff, v34  }
0x1f3: {  	s14 =	sor.u32 s26, s26;
	s16 =	simm.s32 $0x10;
	s3 =	simm.s32 $0x0;
	v38 =	vadd.f32 v63, v17;
	v36 =	vadd.f32 v61, v17;
	v34 =	vmul.f32 v33, v31;
	[tilespmem:s29+$0x4F00] =	vst.add.f32.msk $0xffff, v42  }
.LBB2_17:
0x1f4: {  	p0 =	sne.s32 s16, $0x3F0;
	[tilespmem:s29+$0x4C80] =	vst.add.f32.msk $0xffff, v41;
	v39 =	vadd.f32 v39, v17;
	v41 =	vmul.f32 v33, v25;
	v42 =	vmul.f32 v33, v26;
	s26 =	sadd.s32 $0x80, s26;
	s3 =	sadd.s32 $0x10, s3  }
0x1f5: {  	v43 =	vmul.f32 v33, v20;
	s9 =	smov.u32 s16;
	s8 =	sor.u32 s26, s16;
	[tilespmem:s29+$0x4D00] =	vst.add.f32.msk $0xffff, v37;
	v37 =	vmul.f32 v33, v19;
	v40 =	vadd.f32 v40, v17;
	s16 =	sadd.s32 $0x10, s16  }
0x1f6: {  	[tilespmem:s29+$0x4D80] =	vst.add.f32.msk $0xffff, v38;
	v38 =	vadd.f32 v41, v17;
	v41 =	vmul.f32 v33, v18;
	v42 =	vadd.f32 v42, v17  }
0x1f7: {  	v35 =	vadd.f32 v35, v17;
	v33 =	vmul.f32 v33, v16;
	[tilespmem:s29+$0x4E80] =	vst.add.f32.msk $0xffff, v39;
	v37 =	vadd.f32 v37, v17  }
0x1f8: {  	s10 =	sor.u32 $0x380, s14;
	v34 =	vadd.f32 v34, v17;
	s14 =	smov.u32 s8;
	[tilespmem:s29+$0x4E00] =	vst.add.f32.msk $0xffff, v36;
	v36 =	vadd.f32 v43, v17  }
0x1f9: {  	[tilespmem:s10+$0x4C00] =	vst.add.f32.msk $0xffff, v35;
	v35 =	vadd.f32 v41, v17;
	v17 =	vadd.f32 v33, v17  }
0x1fa: {  	[tilespmem:s29+$0x6C00] =	vst.add.f32.msk $0xffff, v34  }
0x1fb: {  	[tilespmem:s29+$0x6F80] =	vst.add.f32.msk $0xffff, v40  }
0x1fc: {  	[tilespmem:s29+$0x6D00] =	vst.add.f32.msk $0xffff, v38  }
0x1fd: {  	[tilespmem:s29+$0x6F00] =	vst.add.f32.msk $0xffff, v42  }
0x1fe: {  	[tilespmem:s29+$0x6C80] =	vst.add.f32.msk $0xffff, v37  }
0x1ff: {  	[tilespmem:s29+$0x6E80] =	vst.add.f32.msk $0xffff, v36  }
0x200: {  	[tilespmem:s29+$0x6D80] =	vst.add.f32.msk $0xffff, v35  }
0x201: {  	[tilespmem:s29+$0x6E00] =	vst.add.f32.msk $0xffff, v17  }
0x202: {  	s8 =	sand.u32 $0x3F0, s9;
	v17 =	vld [tilespmem:s3+$0x0]  }
0x203: {  	v33 =	vld [tilespmem:s8+$0x400];
	_ =	sdelay $0x4  }
0x204: {  	v33 =	vsub.f32 v33, v17;
	_ =	sdelay $0x1  }
0x205: {  	v34 =	vmul.f32 v33, v21;
	v35 =	vmul.f32 v33, v29  }
.Ltmp7:
0x206: {  	v36 =	vmul.f32 v33, v23;
	v40 =	vmul.f32 v33, v27;
	(pc) =	sbr.rel @p0 .LBB2_17-.Ltmp7, $4  }
0x207: {  	s8 =	sand.u32 $0x70, s9;
	s9 =	sand.u32 $0x1C00, s26;
	v38 =	vmul.f32 v33, v22;
	v34 =	vadd.f32 v34, v17;
	v42 =	vadd.f32 v35, v17  }
0x208: {  	s29 =	sor.u32 s8, s9;
	v39 =	vmul.f32 v33, v28;
	v37 =	vadd.f32 v36, v17;
	v36 =	vmul.f32 v33, v24  }
0x209: {  	v41 =	vadd.f32 v38, v17;
	v35 =	vmul.f32 v33, v30;
	[tilespmem:s29+$0x4C00] =	vst.add.f32.msk $0xffff, v34;
	v34 =	vmul.f32 v33, v31  }
0x20a: {  	v38 =	vadd.f32 v36, v17;
	v36 =	vadd.f32 v40, v17;
	v40 =	vmul.f32 v33, v32;
	[tilespmem:s29+$0x4F00] =	vst.add.f32.msk $0xffff, v42  }
0x20b: {  	[tilespmem:s29+$0x4C80] =	vst.add.f32.msk $0xffff, v41  }
0x20c: {  	v21 =	vadd.f32 v39, v17;
	[tilespmem:s29+$0x4D00] =	vst.add.f32.msk $0xffff, v37  }
0x20d: {  	[tilespmem:s29+$0x4D80] =	vst.add.f32.msk $0xffff, v38  }
0x20e: {  	[tilespmem:s29+$0x4E80] =	vst.add.f32.msk $0xffff, v21;
	v21 =	vadd.f32 v35, v17  }
0x20f: {  	s3 =	sor.u32 $0x380, s14;
	v23 =	vadd.f32 v34, v17;
	v19 =	vmul.f32 v33, v19;
	[tilespmem:s29+$0x4E00] =	vst.add.f32.msk $0xffff, v36  }
0x210: {  	v22 =	vmul.f32 v33, v25;
	v20 =	vmul.f32 v33, v20;
	v25 =	vadd.f32 v40, v17;
	[tilespmem:s3+$0x4C00] =	vst.add.f32.msk $0xffff, v21  }
0x211: {  	v18 =	vmul.f32 v33, v18;
	v19 =	vadd.f32 v19, v17;
	[tilespmem:s29+$0x6C00] =	vst.add.f32.msk $0xffff, v23  }
0x212: {  	v16 =	vmul.f32 v33, v16;
	v20 =	vadd.f32 v20, v17;
	[tilespmem:s29+$0x6F80] =	vst.add.f32.msk $0xffff, v25  }
0x213: {  	v18 =	vadd.f32 v18, v17;
	[tilespmem:s29+$0x6C80] =	vst.add.f32.msk $0xffff, v19  }
0x214: {  	v24 =	vmul.f32 v33, v26;
	v16 =	vadd.f32 v16, v17;
	[tilespmem:s29+$0x6E80] =	vst.add.f32.msk $0xffff, v20  }
0x215: {  	v21 =	vadd.f32 v22, v17;
	[tilespmem:s29+$0x6D80] =	vst.add.f32.msk $0xffff, v18  }
0x216: {  	s9 =	sadd.s32 s6, s28;
	v22 =	vadd.f32 v24, v17;
	[tilespmem:s29+$0x6E00] =	vst.add.f32.msk $0xffff, v16  }
0x217: {  	s3 =	sshll.u32 s9, $0x7;
	[tilespmem:s29+$0x6D00] =	vst.add.f32.msk $0xffff, v21  }
0x218: {  	s26 =	simm.s32 $0x0;
	s28 =	simm.s32 $0x4C00;
	s3 =	sadd.s32 s4, s3;
	[tilespmem:s29+$0x6F00] =	vst.add.f32.msk $0xffff, v22  }
0x219: {  	[hbm4b:s3+s26] =	stream.linear.scatter [tilespmem:s28], [sflag:$0x8], $0x4000, $0x38;
	[tilespmem:$0x18C00] =	vst v63  }
0x21a: {  	_ =	swait.ge [sflag:s31], $0x4000  }
0x21b: {  	s10 =	rddreg [dreg:$0x18]  }
0x21c: {  	s3 =	sadd.s32 s7, s10  }
0x21d: {  	[sflag:s31] =	ssyncset.done $0x0;
	s3 =	sshll.u32 s3, $0x7  }
0x21e: {  	s8 =	simm.s32 $0x14C00;
	[sflag:s31] =	ssyncadd.s32 $0xFFFFC000;
	s3 =	sadd.s32 s1, s3  }
0x21f: {  	[tilespmem:s8], [sflag:$0x6] =	stream.linear.gather [hbm4b:s3+s26], $0x4000, $0x38;
	[tilespmem:$0x18C00] =	vst v63  }
0x220: {  	_ =	swait.ge [sflag:s17], $0x4000  }
0x221: {  	[sflag:s17] =	ssyncset.done $0x0  }
0x222: {  	[sflag:s17] =	ssyncadd.s32 $0xFFFFC000  }
0x223: {  	v16 =	vld [tilespmem:s0+$0x800];
	_ =	sdelay $0x4  }
0x224: {  	v32 =	vcvt.s32.f32 v16;
	_ =	sdelay $0x1  }
0x225: {  	s14 =	sand.u32 $0x3F0, s26;
	v17 =	vld [tilespmem:s26+$0x0];
	v21 =	vperm.xlane v32, v0;
	v22 =	vperm.xlane v32, v1  }
0x226: {  	v26 =	vld [tilespmem:s14+$0x400];
	v23 =	vperm.xlane v32, v2;
	v24 =	vperm.xlane v32, v3  }
0x227: {  	v27 =	vperm.xlane v32, v4;
	v28 =	vperm.xlane v32, v5  }
0x228: {  	v29 =	vperm.xlane v32, v6;
	v30 =	vperm.xlane v32, v7  }
0x229: {  	v31 =	vperm.xlane v32, v8;
	v19 =	vperm.xlane v32, v9  }
0x22a: {  	v25 =	vperm.xlane v32, v10;
	v18 =	vperm.xlane v32, v11  }
0x22b: {  	v33 =	vsub.f32 v26, v17;
	v16 =	vperm.xlane v32, v12;
	v20 =	vperm.xlane v32, v13  }
0x22c: {  	v26 =	vperm.xlane v32, v14;
	v32 =	vperm.xlane v32, v15  }
0x22d: {  	v58 =	vmul.f32 v33, v21;
	v59 =	vmul.f32 v33, v29  }
0x22e: {  	v60 =	vmul.f32 v33, v23;
	v61 =	vmul.f32 v33, v27  }
0x22f: {  	s16 =	sand.u32 $0x70, s26;
	s29 =	sand.u32 $0x1C00, s26;
	v62 =	vmul.f32 v33, v22;
	v63 =	vmul.f32 v33, v24;
	v34 =	vadd.f32 v58, v17  }
0x230: {  	s0 =	sor.u32 s16, s29;
	v39 =	vmul.f32 v33, v28;
	v35 =	vmul.f32 v33, v30;
	v42 =	vadd.f32 v59, v17  }
0x231: {  	v40 =	vmul.f32 v33, v32;
	v37 =	vadd.f32 v60, v17;
	v41 =	vadd.f32 v62, v17;
	[tilespmem:s0+$0x8C00] =	vst.add.f32.msk $0xffff, v34  }
0x232: {  	s3 =	simm.s32 $0x0;
	s14 =	sor.u32 s26, s26;
	s16 =	simm.s32 $0x10;
	v38 =	vadd.f32 v63, v17;
	v36 =	vadd.f32 v61, v17;
	v34 =	vmul.f32 v33, v31;
	[tilespmem:s0+$0x8F00] =	vst.add.f32.msk $0xffff, v42  }
.LBB2_19:
0x233: {  	p0 =	sne.s32 s16, $0x3F0;
	[tilespmem:s0+$0x8C80] =	vst.add.f32.msk $0xffff, v41;
	v39 =	vadd.f32 v39, v17;
	v41 =	vmul.f32 v33, v25;
	v42 =	vmul.f32 v33, v26;
	s26 =	sadd.s32 $0x80, s26;
	s3 =	sadd.s32 $0x10, s3  }
0x234: {  	v43 =	vmul.f32 v33, v20;
	s9 =	smov.u32 s16;
	s8 =	sor.u32 s26, s16;
	[tilespmem:s0+$0x8D00] =	vst.add.f32.msk $0xffff, v37;
	v37 =	vmul.f32 v33, v19;
	v40 =	vadd.f32 v40, v17;
	s16 =	sadd.s32 $0x10, s16  }
0x235: {  	[tilespmem:s0+$0x8D80] =	vst.add.f32.msk $0xffff, v38;
	v38 =	vadd.f32 v41, v17;
	v41 =	vmul.f32 v33, v18;
	v42 =	vadd.f32 v42, v17  }
0x236: {  	v35 =	vadd.f32 v35, v17;
	v33 =	vmul.f32 v33, v16;
	[tilespmem:s0+$0x8E80] =	vst.add.f32.msk $0xffff, v39;
	v37 =	vadd.f32 v37, v17  }
0x237: {  	s10 =	sor.u32 $0x380, s14;
	v34 =	vadd.f32 v34, v17;
	s14 =	smov.u32 s8;
	[tilespmem:s0+$0x8E00] =	vst.add.f32.msk $0xffff, v36;
	v36 =	vadd.f32 v43, v17  }
0x238: {  	[tilespmem:s10+$0x8C00] =	vst.add.f32.msk $0xffff, v35;
	v35 =	vadd.f32 v41, v17;
	v17 =	vadd.f32 v33, v17  }
0x239: {  	[tilespmem:s0+$0xAC00] =	vst.add.f32.msk $0xffff, v34  }
0x23a: {  	[tilespmem:s0+$0xAF80] =	vst.add.f32.msk $0xffff, v40  }
0x23b: {  	[tilespmem:s0+$0xAD00] =	vst.add.f32.msk $0xffff, v38  }
0x23c: {  	[tilespmem:s0+$0xAF00] =	vst.add.f32.msk $0xffff, v42  }
0x23d: {  	[tilespmem:s0+$0xAC80] =	vst.add.f32.msk $0xffff, v37  }
0x23e: {  	[tilespmem:s0+$0xAE80] =	vst.add.f32.msk $0xffff, v36  }
0x23f: {  	[tilespmem:s0+$0xAD80] =	vst.add.f32.msk $0xffff, v35  }
0x240: {  	[tilespmem:s0+$0xAE00] =	vst.add.f32.msk $0xffff, v17  }
0x241: {  	s0 =	sand.u32 $0x3F0, s9;
	v17 =	vld [tilespmem:s3+$0x0]  }
0x242: {  	v33 =	vld [tilespmem:s0+$0x400];
	_ =	sdelay $0x4  }
0x243: {  	v33 =	vsub.f32 v33, v17;
	_ =	sdelay $0x1  }
0x244: {  	v34 =	vmul.f32 v33, v21;
	v35 =	vmul.f32 v33, v29  }
.Ltmp8:
0x245: {  	v36 =	vmul.f32 v33, v23;
	v40 =	vmul.f32 v33, v27;
	(pc) =	sbr.rel @p0 .LBB2_19-.Ltmp8, $4  }
0x246: {  	s8 =	sand.u32 $0x1C00, s26;
	s0 =	sand.u32 $0x70, s9;
	v38 =	vmul.f32 v33, v22;
	v34 =	vadd.f32 v34, v17;
	v42 =	vadd.f32 v35, v17  }
0x247: {  	s0 =	sor.u32 s0, s8;
	v39 =	vmul.f32 v33, v28;
	v37 =	vadd.f32 v36, v17;
	v36 =	vmul.f32 v33, v24  }
0x248: {  	v41 =	vadd.f32 v38, v17;
	v35 =	vmul.f32 v33, v30;
	[tilespmem:s0+$0x8C00] =	vst.add.f32.msk $0xffff, v34;
	v34 =	vmul.f32 v33, v31  }
0x249: {  	v38 =	vadd.f32 v36, v17;
	v36 =	vadd.f32 v40, v17;
	v40 =	vmul.f32 v33, v32;
	[tilespmem:s0+$0x8F00] =	vst.add.f32.msk $0xffff, v42  }
0x24a: {  	[tilespmem:s0+$0x8C80] =	vst.add.f32.msk $0xffff, v41  }
0x24b: {  	v21 =	vadd.f32 v39, v17;
	[tilespmem:s0+$0x8D00] =	vst.add.f32.msk $0xffff, v37  }
0x24c: {  	[tilespmem:s0+$0x8D80] =	vst.add.f32.msk $0xffff, v38  }
0x24d: {  	[tilespmem:s0+$0x8E80] =	vst.add.f32.msk $0xffff, v21;
	v21 =	vadd.f32 v35, v17  }
0x24e: {  	s3 =	sor.u32 $0x380, s14;
	v23 =	vadd.f32 v34, v17;
	v19 =	vmul.f32 v33, v19;
	[tilespmem:s0+$0x8E00] =	vst.add.f32.msk $0xffff, v36  }
0x24f: {  	v22 =	vmul.f32 v33, v25;
	v20 =	vmul.f32 v33, v20;
	v25 =	vadd.f32 v40, v17;
	[tilespmem:s3+$0x8C00] =	vst.add.f32.msk $0xffff, v21  }
0x250: {  	v18 =	vmul.f32 v33, v18;
	v19 =	vadd.f32 v19, v17;
	[tilespmem:s0+$0xAC00] =	vst.add.f32.msk $0xffff, v23  }
0x251: {  	v16 =	vmul.f32 v33, v16;
	v20 =	vadd.f32 v20, v17;
	[tilespmem:s0+$0xAF80] =	vst.add.f32.msk $0xffff, v25  }
0x252: {  	v18 =	vadd.f32 v18, v17;
	[tilespmem:s0+$0xAC80] =	vst.add.f32.msk $0xffff, v19  }
0x253: {  	v24 =	vmul.f32 v33, v26;
	v16 =	vadd.f32 v16, v17;
	[tilespmem:s0+$0xAE80] =	vst.add.f32.msk $0xffff, v20  }
0x254: {  	v21 =	vadd.f32 v22, v17;
	[tilespmem:s0+$0xAD80] =	vst.add.f32.msk $0xffff, v18  }
0x255: {  	v22 =	vadd.f32 v24, v17;
	[tilespmem:s0+$0xAE00] =	vst.add.f32.msk $0xffff, v16  }
0x256: {  	[tilespmem:s0+$0xAD00] =	vst.add.f32.msk $0xffff, v21  }
0x257: {  	s12 =	sadd.s32 s4, s12;
	s29 =	simm.s32 $0x8C00;
	[tilespmem:s0+$0xAF00] =	vst.add.f32.msk $0xffff, v22;
	s0 =	simm.s32 $0x0  }
0x258: {  	[hbm4b:s12+s0] =	stream.linear.scatter [tilespmem:s29], [sflag:$0x9], $0x4000, $0x38;
	[tilespmem:$0x18C00] =	vst v63  }
0x259: {  	_ =	swait.ge [sflag:s18], $0x4000  }
0x25a: {  	s14 =	rddreg [dreg:$0x19]  }
0x25b: {  	s3 =	sadd.s32 s7, s14  }
0x25c: {  	[sflag:s18] =	ssyncset.done $0x0;
	s3 =	sshll.u32 s3, $0x7  }
0x25d: {  	s8 =	simm.s32 $0xC00;
	[sflag:s18] =	ssyncadd.s32 $0xFFFFC000;
	s3 =	sadd.s32 s1, s3  }
0x25e: {  	[tilespmem:s8], [sflag:$0x1] =	stream.linear.gather [hbm4b:s3+s0], $0x4000, $0x38;
	[tilespmem:$0x18C00] =	vst v63  }
0x25f: {  	_ =	swait.ge [sflag:s19], $0x4000  }
0x260: {  	[sflag:s19] =	ssyncset.done $0x0  }
0x261: {  	[sflag:s19] =	ssyncadd.s32 $0xFFFFC000  }
0x262: {  	v16 =	vld [tilespmem:s20+$0x800];
	_ =	sdelay $0x4  }
0x263: {  	v32 =	vcvt.s32.f32 v16;
	_ =	sdelay $0x1  }
0x264: {  	s16 =	sand.u32 $0x3F0, s0;
	v17 =	vld [tilespmem:s0+$0x0];
	v21 =	vperm.xlane v32, v0;
	v22 =	vperm.xlane v32, v1  }
0x265: {  	v26 =	vld [tilespmem:s16+$0x400];
	v23 =	vperm.xlane v32, v2;
	v24 =	vperm.xlane v32, v3  }
0x266: {  	v27 =	vperm.xlane v32, v4;
	v28 =	vperm.xlane v32, v5  }
0x267: {  	v29 =	vperm.xlane v32, v6;
	v30 =	vperm.xlane v32, v7  }
0x268: {  	v31 =	vperm.xlane v32, v8;
	v19 =	vperm.xlane v32, v9  }
0x269: {  	v25 =	vperm.xlane v32, v10;
	v18 =	vperm.xlane v32, v11  }
0x26a: {  	v33 =	vsub.f32 v26, v17;
	v16 =	vperm.xlane v32, v12;
	v20 =	vperm.xlane v32, v13  }
0x26b: {  	v26 =	vperm.xlane v32, v14;
	v32 =	vperm.xlane v32, v15  }
0x26c: {  	v58 =	vmul.f32 v33, v21;
	v59 =	vmul.f32 v33, v29  }
0x26d: {  	v60 =	vmul.f32 v33, v23;
	v61 =	vmul.f32 v33, v27  }
0x26e: {  	s26 =	sand.u32 $0x1C00, s0;
	s20 =	sand.u32 $0x70, s0;
	v62 =	vmul.f32 v33, v22;
	v63 =	vmul.f32 v33, v24;
	v34 =	vadd.f32 v58, v17  }
0x26f: {  	s12 =	sor.u32 s20, s26;
	v39 =	vmul.f32 v33, v28;
	v35 =	vmul.f32 v33, v30;
	v42 =	vadd.f32 v59, v17  }
0x270: {  	v40 =	vmul.f32 v33, v32;
	v37 =	vadd.f32 v60, v17;
	v41 =	vadd.f32 v62, v17;
	[tilespmem:s12+$0xCC00] =	vst.add.f32.msk $0xffff, v34  }
0x271: {  	s14 =	sor.u32 s0, s0;
	s3 =	simm.s32 $0x0;
	s16 =	simm.s32 $0x10;
	v38 =	vadd.f32 v63, v17;
	v36 =	vadd.f32 v61, v17;
	v34 =	vmul.f32 v33, v31;
	[tilespmem:s12+$0xCF00] =	vst.add.f32.msk $0xffff, v42  }
.LBB2_21:
0x272: {  	p0 =	sne.s32 s16, $0x3F0;
	[tilespmem:s12+$0xCC80] =	vst.add.f32.msk $0xffff, v41;
	v39 =	vadd.f32 v39, v17;
	v41 =	vmul.f32 v33, v25;
	v42 =	vmul.f32 v33, v26;
	s0 =	sadd.s32 $0x80, s0;
	s3 =	sadd.s32 $0x10, s3  }
0x273: {  	v43 =	vmul.f32 v33, v20;
	s9 =	smov.u32 s16;
	s8 =	sor.u32 s0, s16;
	[tilespmem:s12+$0xCD00] =	vst.add.f32.msk $0xffff, v37;
	v37 =	vmul.f32 v33, v19;
	v40 =	vadd.f32 v40, v17;
	s16 =	sadd.s32 $0x10, s16  }
0x274: {  	[tilespmem:s12+$0xCD80] =	vst.add.f32.msk $0xffff, v38;
	v38 =	vadd.f32 v41, v17;
	v41 =	vmul.f32 v33, v18;
	v42 =	vadd.f32 v42, v17  }
0x275: {  	v35 =	vadd.f32 v35, v17;
	v33 =	vmul.f32 v33, v16;
	[tilespmem:s12+$0xCE80] =	vst.add.f32.msk $0xffff, v39;
	v37 =	vadd.f32 v37, v17  }
0x276: {  	s10 =	sor.u32 $0x380, s14;
	v34 =	vadd.f32 v34, v17;
	s14 =	smov.u32 s8;
	[tilespmem:s12+$0xCE00] =	vst.add.f32.msk $0xffff, v36;
	v36 =	vadd.f32 v43, v17  }
0x277: {  	[tilespmem:s10+$0xCC00] =	vst.add.f32.msk $0xffff, v35;
	v35 =	vadd.f32 v41, v17;
	v17 =	vadd.f32 v33, v17  }
0x278: {  	[tilespmem:s12+$0xEC00] =	vst.add.f32.msk $0xffff, v34  }
0x279: {  	[tilespmem:s12+$0xEF80] =	vst.add.f32.msk $0xffff, v40  }
0x27a: {  	[tilespmem:s12+$0xED00] =	vst.add.f32.msk $0xffff, v38  }
0x27b: {  	[tilespmem:s12+$0xEF00] =	vst.add.f32.msk $0xffff, v42  }
0x27c: {  	[tilespmem:s12+$0xEC80] =	vst.add.f32.msk $0xffff, v37  }
0x27d: {  	[tilespmem:s12+$0xEE80] =	vst.add.f32.msk $0xffff, v36  }
0x27e: {  	[tilespmem:s12+$0xED80] =	vst.add.f32.msk $0xffff, v35  }
0x27f: {  	[tilespmem:s12+$0xEE00] =	vst.add.f32.msk $0xffff, v17  }
0x280: {  	s8 =	sand.u32 $0x3F0, s9;
	v17 =	vld [tilespmem:s3+$0x0]  }
0x281: {  	v33 =	vld [tilespmem:s8+$0x400];
	_ =	sdelay $0x4  }
0x282: {  	v33 =	vsub.f32 v33, v17;
	_ =	sdelay $0x1  }
0x283: {  	v34 =	vmul.f32 v33, v21;
	v35 =	vmul.f32 v33, v29  }
.Ltmp9:
0x284: {  	v36 =	vmul.f32 v33, v23;
	v40 =	vmul.f32 v33, v27;
	(pc) =	sbr.rel @p0 .LBB2_21-.Ltmp9, $4  }
0x285: {  	s8 =	sand.u32 $0x70, s9;
	s9 =	sand.u32 $0x1C00, s0;
	v38 =	vmul.f32 v33, v22;
	v34 =	vadd.f32 v34, v17;
	v42 =	vadd.f32 v35, v17  }
0x286: {  	s12 =	sor.u32 s8, s9;
	v39 =	vmul.f32 v33, v28;
	v37 =	vadd.f32 v36, v17;
	v36 =	vmul.f32 v33, v24  }
0x287: {  	v41 =	vadd.f32 v38, v17;
	v35 =	vmul.f32 v33, v30;
	[tilespmem:s12+$0xCC00] =	vst.add.f32.msk $0xffff, v34;
	v34 =	vmul.f32 v33, v31  }
0x288: {  	v38 =	vadd.f32 v36, v17;
	v36 =	vadd.f32 v40, v17;
	v40 =	vmul.f32 v33, v32;
	[tilespmem:s12+$0xCF00] =	vst.add.f32.msk $0xffff, v42  }
0x289: {  	[tilespmem:s12+$0xCC80] =	vst.add.f32.msk $0xffff, v41  }
0x28a: {  	[tilespmem:s12+$0xCD00] =	vst.add.f32.msk $0xffff, v37  }
0x28b: {  	v21 =	vadd.f32 v39, v17;
	[tilespmem:s12+$0xCD80] =	vst.add.f32.msk $0xffff, v38  }
0x28c: {  	v60 =	vadd.f32 v35, v17;
	[tilespmem:s12+$0xCE00] =	vst.add.f32.msk $0xffff, v36  }
0x28d: {  	v22 =	vmul.f32 v33, v25;
	s0 =	sor.u32 $0x380, s14;
	v23 =	vadd.f32 v34, v17;
	[tilespmem:s12+$0xCE80] =	vst.add.f32.msk $0xffff, v21  }
0x28e: {  	v24 =	vmul.f32 v33, v26;
	v61 =	vadd.f32 v40, v17;
	[tilespmem:s0+$0xCC00] =	vst.add.f32.msk $0xffff, v60  }
0x28f: {  	v19 =	vmul.f32 v33, v19;
	v62 =	vadd.f32 v22, v17;
	[tilespmem:s12+$0xEC00] =	vst.add.f32.msk $0xffff, v23  }
0x290: {  	v20 =	vmul.f32 v33, v20;
	v63 =	vadd.f32 v24, v17;
	[tilespmem:s12+$0xEF80] =	vst.add.f32.msk $0xffff, v61  }
0x291: {  	v18 =	vmul.f32 v33, v18;
	v19 =	vadd.f32 v19, v17;
	[tilespmem:s12+$0xED00] =	vst.add.f32.msk $0xffff, v62  }
0x292: {  	v16 =	vmul.f32 v33, v16;
	v20 =	vadd.f32 v20, v17;
	[tilespmem:s12+$0xEF00] =	vst.add.f32.msk $0xffff, v63  }
0x293: {  	v18 =	vadd.f32 v18, v17;
	[tilespmem:s12+$0xEC80] =	vst.add.f32.msk $0xffff, v19  }
0x294: {  	v16 =	vadd.f32 v16, v17;
	[tilespmem:s12+$0xEE80] =	vst.add.f32.msk $0xffff, v20  }
0x295: {  	[tilespmem:s12+$0xED80] =	vst.add.f32.msk $0xffff, v18  }
0x296: {  	s20 =	sadd.s32 s4, s11;
	s10 =	simm.s32 $0xCC00;
	s2 =	sadd.s32 $0x1, s2;
	[tilespmem:s12+$0xEE00] =	vst.add.f32.msk $0xffff, v16  }
0x297: {  	[hbm4b:s20+s5] =	stream.linear.scatter [tilespmem:s10], [sflag:$0xA], $0x4000, $0x38;
	[tilespmem:$0x18C00] =	vst v63  }
0x298: {  	p0 =	sne.s32 s2, $0xA;
	_ =	swait.ge [sflag:s21], $0x4000  }
.Ltmp10:
0x299: {  	s26 =	rddreg [dreg:$0x1a];
	(pc) =	sbr.rel @p0 .LBB2_10-.Ltmp10, $4  }
0x29a: {  	s0 =	sadd.s32 s7, s26  }
0x29b: {  	[sflag:s21] =	ssyncset.done $0x0;
	s0 =	sshll.u32 s0, $0x7  }
0x29c: {  	[sflag:s21] =	ssyncadd.s32 $0xFFFFC000;
	s0 =	sadd.s32 s1, s0  }
0x29d: {  	[tilespmem:s28], [sflag:$0x2] =	stream.linear.gather [hbm4b:s0+s5], $0x4000, $0x38;
	[tilespmem:$0x18C00] =	vst v63  }
0x29e: {  	_ =	swait.ge [sflag:s22], $0x4000  }
0x29f: {  	[sflag:s22] =	ssyncset.done $0x0  }
0x2a0: {  	[sflag:s22] =	ssyncadd.s32 $0xFFFFC000  }
0x2a1: {  	v16 =	vld [tilespmem:$0xBA0];
	_ =	sdelay $0x4  }
0x2a2: {  	v31 =	vcvt.s32.f32 v16  }
0x2a3: {  	s0 =	simm.s32 $0x0  }
0x2a4: {  	s2 =	sand.u32 $0x3F0, s0;
	v37 =	vld [tilespmem:s0+$0x0];
	v16 =	vperm.xlane v31, v0  }
0x2a5: {  	v30 =	vld [tilespmem:s2+$0x400];
	v17 =	vperm.xlane v31, v1;
	v18 =	vperm.xlane v31, v2  }
0x2a6: {  	v19 =	vperm.xlane v31, v3;
	v20 =	vperm.xlane v31, v4  }
0x2a7: {  	v21 =	vperm.xlane v31, v5;
	v22 =	vperm.xlane v31, v6  }
0x2a8: {  	v23 =	vperm.xlane v31, v7;
	v24 =	vperm.xlane v31, v8  }
0x2a9: {  	v25 =	vperm.xlane v31, v9;
	v26 =	vperm.xlane v31, v10  }
0x2aa: {  	v35 =	vsub.f32 v30, v37;
	v27 =	vperm.xlane v31, v11;
	v28 =	vperm.xlane v31, v12  }
0x2ab: {  	v29 =	vperm.xlane v31, v13;
	v30 =	vperm.xlane v31, v14  }
0x2ac: {  	v31 =	vperm.xlane v31, v15;
	v32 =	vmul.f32 v35, v16  }
0x2ad: {  	v33 =	vmul.f32 v35, v17;
	v34 =	vmul.f32 v35, v18  }
0x2ae: {  	s9 =	sand.u32 $0x70, s0;
	s3 =	sand.u32 $0x1C00, s0;
	v36 =	vmul.f32 v35, v19;
	v38 =	vmul.f32 v35, v20  }
0x2af: {  	s2 =	sor.u32 s9, s3;
	v39 =	vmul.f32 v35, v21;
	v40 =	vmul.f32 v35, v22;
	v32 =	vadd.f32 v32, v37  }
0x2b0: {  	s3 =	sadd.s32 $0x10C00, s2;
	v41 =	vmul.f32 v35, v23;
	v57 =	vmul.f32 v35, v31;
	v33 =	vadd.f32 v33, v37  }
0x2b1: {  	s7 =	sor.u32 $0x80, s3;
	v60 =	vmul.f32 v35, v30;
	v42 =	vmul.f32 v35, v29;
	v55 =	vadd.f32 v34, v37;
	[tilespmem:s2+$0x10C00] =	vst.add.f32.msk $0xffff, v32  }
0x2b2: {  	s11 =	sor.u32 $0x100, s3;
	v43 =	vmul.f32 v35, v28;
	v61 =	vmul.f32 v35, v26;
	v58 =	vadd.f32 v36, v37;
	[tilespmem:s7+$0x0] =	vst.add.f32.msk $0xffff, v33  }
0x2b3: {  	s12 =	sor.u32 $0x180, s3;
	v62 =	vmul.f32 v35, v27;
	v56 =	vadd.f32 v38, v37;
	v59 =	vadd.f32 v39, v37;
	[tilespmem:s11+$0x0] =	vst.add.f32.msk $0xffff, v55  }
0x2b4: {  	s14 =	sor.u32 $0x200, s3;
	v63 =	vmul.f32 v35, v24;
	v40 =	vadd.f32 v40, v37;
	v41 =	vadd.f32 v41, v37;
	[tilespmem:s12+$0x0] =	vst.add.f32.msk $0xffff, v58  }
0x2b5: {  	s16 =	sor.u32 $0x280, s3;
	v44 =	vmul.f32 v35, v25;
	v34 =	vadd.f32 v42, v37;
	v35 =	vadd.f32 v43, v37;
	[tilespmem:s14+$0x0] =	vst.add.f32.msk $0xffff, v56  }
0x2b6: {  	s20 =	sor.u32 s0, s0;
	s3 =	sor.u32 $0x300, s3;
	v36 =	vadd.f32 v61, v37;
	v38 =	vadd.f32 v62, v37;
	[tilespmem:s16+$0x0] =	vst.add.f32.msk $0xffff, v59  }
0x2b7: {  	s26 =	sor.u32 $0x380, s20;
	v39 =	vadd.f32 v63, v37;
	v33 =	vadd.f32 v57, v37;
	[tilespmem:s3+$0x0] =	vst.add.f32.msk $0xffff, v40  }
0x2b8: {  	v32 =	vadd.f32 v60, v37;
	s7 =	simm.s32 $0x10;
	v37 =	vadd.f32 v44, v37;
	s11 =	simm.s32 $0x0;
	[tilespmem:s26+$0x10C00] =	vst.add.f32.msk $0xffff, v41  }
.LBB2_24:
0x2b9: {  	p0 =	sne.s32 s7, $0x3F0;
	[tilespmem:s2+$0x12F80] =	vst.add.f32.msk $0xffff, v33;
	s0 =	sadd.s32 $0x80, s0;
	s11 =	sadd.s32 $0x10, s11  }
0x2ba: {  	s3 =	smov.u32 s7;
	s7 =	sadd.s32 $0x10, s7;
	[tilespmem:s2+$0x12F00] =	vst.add.f32.msk $0xffff, v32  }
0x2bb: {  	[tilespmem:s2+$0x12E80] =	vst.add.f32.msk $0xffff, v34  }
0x2bc: {  	[tilespmem:s2+$0x12E00] =	vst.add.f32.msk $0xffff, v35  }
0x2bd: {  	[tilespmem:s2+$0x12D80] =	vst.add.f32.msk $0xffff, v38  }
0x2be: {  	[tilespmem:s2+$0x12D00] =	vst.add.f32.msk $0xffff, v36  }
0x2bf: {  	[tilespmem:s2+$0x12C00] =	vst.add.f32.msk $0xffff, v39  }
0x2c0: {  	[tilespmem:s2+$0x12C80] =	vst.add.f32.msk $0xffff, v37  }
0x2c1: {  	s2 =	sand.u32 $0x3F0, s3;
	v37 =	vld [tilespmem:s11+$0x0]  }
0x2c2: {  	v32 =	vld [tilespmem:s2+$0x400];
	_ =	sdelay $0x4  }
0x2c3: {  	v35 =	vsub.f32 v32, v37;
	_ =	sdelay $0x1  }
0x2c4: {  	v32 =	vmul.f32 v35, v16;
	v33 =	vmul.f32 v35, v17  }
0x2c5: {  	s8 =	sand.u32 $0x1C00, s0;
	s2 =	sand.u32 $0x70, s3;
	v34 =	vmul.f32 v35, v18;
	v36 =	vmul.f32 v35, v19  }
0x2c6: {  	s2 =	sor.u32 s2, s8;
	v38 =	vmul.f32 v35, v20;
	v39 =	vmul.f32 v35, v21;
	v32 =	vadd.f32 v32, v37  }
0x2c7: {  	s8 =	sadd.s32 $0x10C00, s2;
	v40 =	vmul.f32 v35, v22;
	v41 =	vmul.f32 v35, v23;
	v33 =	vadd.f32 v33, v37  }
0x2c8: {  	s9 =	sor.u32 $0x80, s8;
	[tilespmem:s2+$0x10C00] =	vst.add.f32.msk $0xffff, v32;
	v32 =	vadd.f32 v34, v37;
	v34 =	vadd.f32 v38, v37;
	v38 =	vmul.f32 v35, v31  }
0x2c9: {  	[tilespmem:s9+$0x0] =	vst.add.f32.msk $0xffff, v33;
	s9 =	sor.u32 $0x100, s8;
	v33 =	vadd.f32 v36, v37;
	v36 =	vadd.f32 v39, v37;
	v39 =	vmul.f32 v35, v30  }
0x2ca: {  	v42 =	vmul.f32 v35, v29;
	v40 =	vadd.f32 v40, v37;
	v41 =	vadd.f32 v41, v37;
	[tilespmem:s9+$0x0] =	vst.add.f32.msk $0xffff, v32;
	s9 =	sor.u32 $0x180, s8  }
.Ltmp11:
0x2cb: {  	v43 =	vmul.f32 v35, v28;
	[tilespmem:s9+$0x0] =	vst.add.f32.msk $0xffff, v33;
	s9 =	sor.u32 $0x200, s8;
	v32 =	vadd.f32 v39, v37;
	v33 =	vadd.f32 v38, v37;
	(pc) =	sbr.rel @p0 .LBB2_24-.Ltmp11, $4  }
0x2cc: {  	v38 =	vmul.f32 v35, v26;
	v39 =	vmul.f32 v35, v27;
	[tilespmem:s9+$0x0] =	vst.add.f32.msk $0xffff, v34;
	s9 =	sor.u32 $0x280, s8;
	v34 =	vadd.f32 v42, v37  }
0x2cd: {  	s3 =	sor.u32 s0, s3;
	v44 =	vmul.f32 v35, v25;
	s8 =	sor.u32 $0x300, s8;
	v42 =	vmul.f32 v35, v24;
	v35 =	vadd.f32 v43, v37;
	[tilespmem:s9+$0x0] =	vst.add.f32.msk $0xffff, v36  }
0x2ce: {  	s3 =	sor.u32 $0x380, s3;
	v36 =	vadd.f32 v38, v37;
	v38 =	vadd.f32 v39, v37;
	[tilespmem:s8+$0x0] =	vst.add.f32.msk $0xffff, v40  }
0x2cf: {  	v39 =	vadd.f32 v42, v37;
	v37 =	vadd.f32 v44, v37;
	[tilespmem:s3+$0x10C00] =	vst.add.f32.msk $0xffff, v41  }
0x2d0: {  	[tilespmem:s2+$0x12F80] =	vst.add.f32.msk $0xffff, v33  }
0x2d1: {  	[tilespmem:s2+$0x12F00] =	vst.add.f32.msk $0xffff, v32  }
0x2d2: {  	[tilespmem:s2+$0x12E80] =	vst.add.f32.msk $0xffff, v34  }
0x2d3: {  	[tilespmem:s2+$0x12E00] =	vst.add.f32.msk $0xffff, v35  }
0x2d4: {  	[tilespmem:s2+$0x12D80] =	vst.add.f32.msk $0xffff, v38  }
0x2d5: {  	[tilespmem:s2+$0x12D00] =	vst.add.f32.msk $0xffff, v36  }
0x2d6: {  	[tilespmem:s2+$0x12C00] =	vst.add.f32.msk $0xffff, v39  }
0x2d7: {  	s0 =	simm.s32 $0x0;
	s26 =	rddreg [dreg:$0x1b];
	s3 =	simm.s32 $0x10C00;
	[tilespmem:s2+$0x12C80] =	vst.add.f32.msk $0xffff, v37  }
0x2d8: {  	[hbm4b:s26+s0] =	stream.linear.scatter [tilespmem:s3], [sflag:$0xB], $0x4000, $0x38;
	[tilespmem:$0x18C00] =	vst v63  }
0x2d9: {  	_ =	swait.ge [sflag:s23], $0x4000  }
0x2da: {  	[sflag:s23] =	ssyncset.done $0x0  }
0x2db: {  	s3 =	rddreg [dreg:$0x13];
	[sflag:s23] =	ssyncadd.s32 $0xFFFFC000  }
0x2dc: {  	[tilespmem:s29], [sflag:$0x3] =	stream.linear.gather [hbm4b:s3+s0], $0x4000, $0x38;
	[tilespmem:$0x18C00] =	vst v63  }
0x2dd: {  	_ =	swait.ge [sflag:s24], $0x4000  }
0x2de: {  	[sflag:s24] =	ssyncset.done $0x0  }
0x2df: {  	[sflag:s24] =	ssyncadd.s32 $0xFFFFC000  }
0x2e0: {  	v16 =	vld [tilespmem:$0xBB0];
	_ =	sdelay $0x4  }
0x2e1: {  	v31 =	vcvt.s32.f32 v16;
	_ =	sdelay $0x1  }
0x2e2: {  	s7 =	sand.u32 $0x3F0, s0;
	v37 =	vld [tilespmem:s0+$0x0];
	v16 =	vperm.xlane v31, v0;
	v17 =	vperm.xlane v31, v1  }
0x2e3: {  	v30 =	vld [tilespmem:s7+$0x400];
	v18 =	vperm.xlane v31, v2;
	v19 =	vperm.xlane v31, v3  }
0x2e4: {  	v20 =	vperm.xlane v31, v4;
	v21 =	vperm.xlane v31, v5  }
0x2e5: {  	v22 =	vperm.xlane v31, v6;
	v23 =	vperm.xlane v31, v7  }
0x2e6: {  	v24 =	vperm.xlane v31, v8;
	v25 =	vperm.xlane v31, v9  }
0x2e7: {  	v26 =	vperm.xlane v31, v10;
	v27 =	vperm.xlane v31, v11  }
0x2e8: {  	v48 =	vsub.f32 v30, v37;
	v28 =	vperm.xlane v31, v12;
	v29 =	vperm.xlane v31, v13  }
0x2e9: {  	v30 =	vperm.xlane v31, v14;
	v31 =	vperm.xlane v31, v15  }
0x2ea: {  	v49 =	vmul.f32 v48, v16;
	v50 =	vmul.f32 v48, v17  }
0x2eb: {  	s8 =	sand.u32 $0x70, s0;
	s9 =	sand.u32 $0x1C00, s0;
	v51 =	vmul.f32 v48, v18;
	v52 =	vmul.f32 v48, v19  }
0x2ec: {  	s2 =	sor.u32 s8, s9;
	v53 =	vmul.f32 v48, v20;
	v54 =	vmul.f32 v48, v21;
	v32 =	vadd.f32 v49, v37  }
0x2ed: {  	s3 =	sadd.s32 $0x14C00, s2;
	v40 =	vmul.f32 v48, v22;
	v41 =	vmul.f32 v48, v23;
	v33 =	vadd.f32 v50, v37  }
0x2ee: {  	s7 =	sor.u32 $0x80, s3;
	v57 =	vmul.f32 v48, v31;
	v60 =	vmul.f32 v48, v30;
	v55 =	vadd.f32 v51, v37;
	[tilespmem:s2+$0x14C00] =	vst.add.f32.msk $0xffff, v32  }
0x2ef: {  	s11 =	sor.u32 $0x100, s3;
	v42 =	vmul.f32 v48, v29;
	v43 =	vmul.f32 v48, v28;
	v58 =	vadd.f32 v52, v37;
	[tilespmem:s7+$0x0] =	vst.add.f32.msk $0xffff, v33  }
0x2f0: {  	s12 =	sor.u32 $0x180, s3;
	v61 =	vmul.f32 v48, v26;
	v56 =	vadd.f32 v53, v37;
	v59 =	vadd.f32 v54, v37;
	[tilespmem:s11+$0x0] =	vst.add.f32.msk $0xffff, v55  }
0x2f1: {  	s14 =	sor.u32 $0x200, s3;
	v62 =	vmul.f32 v48, v27;
	v40 =	vadd.f32 v40, v37;
	v41 =	vadd.f32 v41, v37;
	[tilespmem:s12+$0x0] =	vst.add.f32.msk $0xffff, v58  }
0x2f2: {  	s16 =	sor.u32 $0x280, s3;
	v63 =	vmul.f32 v48, v24;
	v34 =	vadd.f32 v42, v37;
	v35 =	vadd.f32 v43, v37;
	[tilespmem:s14+$0x0] =	vst.add.f32.msk $0xffff, v56  }
0x2f3: {  	s20 =	sor.u32 s0, s0;
	s3 =	sor.u32 $0x300, s3;
	v44 =	vmul.f32 v48, v25;
	v36 =	vadd.f32 v61, v37;
	v38 =	vadd.f32 v62, v37;
	[tilespmem:s16+$0x0] =	vst.add.f32.msk $0xffff, v59  }
0x2f4: {  	s26 =	sor.u32 $0x380, s20;
	v39 =	vadd.f32 v63, v37;
	v33 =	vadd.f32 v57, v37;
	[tilespmem:s3+$0x0] =	vst.add.f32.msk $0xffff, v40  }
0x2f5: {  	v32 =	vadd.f32 v60, v37;
	s7 =	simm.s32 $0x10;
	v37 =	vadd.f32 v44, v37;
	s11 =	simm.s32 $0x0;
	[tilespmem:s26+$0x14C00] =	vst.add.f32.msk $0xffff, v41  }
.LBB2_26:
0x2f6: {  	p0 =	sne.s32 s7, $0x3F0;
	[tilespmem:s2+$0x16F80] =	vst.add.f32.msk $0xffff, v33;
	s0 =	sadd.s32 $0x80, s0;
	s11 =	sadd.s32 $0x10, s11  }
0x2f7: {  	s3 =	smov.u32 s7;
	s7 =	sadd.s32 $0x10, s7;
	[tilespmem:s2+$0x16F00] =	vst.add.f32.msk $0xffff, v32  }
0x2f8: {  	[tilespmem:s2+$0x16E80] =	vst.add.f32.msk $0xffff, v34  }
0x2f9: {  	[tilespmem:s2+$0x16E00] =	vst.add.f32.msk $0xffff, v35  }
0x2fa: {  	[tilespmem:s2+$0x16D80] =	vst.add.f32.msk $0xffff, v38  }
0x2fb: {  	[tilespmem:s2+$0x16D00] =	vst.add.f32.msk $0xffff, v36  }
0x2fc: {  	[tilespmem:s2+$0x16C00] =	vst.add.f32.msk $0xffff, v39  }
0x2fd: {  	[tilespmem:s2+$0x16C80] =	vst.add.f32.msk $0xffff, v37  }
0x2fe: {  	s2 =	sand.u32 $0x3F0, s3;
	v37 =	vld [tilespmem:s11+$0x0]  }
0x2ff: {  	v32 =	vld [tilespmem:s2+$0x400];
	_ =	sdelay $0x4  }
0x300: {  	v35 =	vsub.f32 v32, v37;
	_ =	sdelay $0x1  }
0x301: {  	v32 =	vmul.f32 v35, v16;
	v33 =	vmul.f32 v35, v17  }
0x302: {  	s8 =	sand.u32 $0x1C00, s0;
	s2 =	sand.u32 $0x70, s3;
	v34 =	vmul.f32 v35, v18;
	v36 =	vmul.f32 v35, v19  }
0x303: {  	s2 =	sor.u32 s2, s8;
	v38 =	vmul.f32 v35, v20;
	v39 =	vmul.f32 v35, v21;
	v32 =	vadd.f32 v32, v37  }
0x304: {  	s8 =	sadd.s32 $0x14C00, s2;
	v40 =	vmul.f32 v35, v22;
	v41 =	vmul.f32 v35, v23;
	v33 =	vadd.f32 v33, v37  }
0x305: {  	s9 =	sor.u32 $0x80, s8;
	[tilespmem:s2+$0x14C00] =	vst.add.f32.msk $0xffff, v32;
	v32 =	vadd.f32 v34, v37;
	v34 =	vadd.f32 v38, v37;
	v38 =	vmul.f32 v35, v31  }
0x306: {  	[tilespmem:s9+$0x0] =	vst.add.f32.msk $0xffff, v33;
	s9 =	sor.u32 $0x100, s8;
	v33 =	vadd.f32 v36, v37;
	v36 =	vadd.f32 v39, v37;
	v39 =	vmul.f32 v35, v30  }
0x307: {  	v42 =	vmul.f32 v35, v29;
	v40 =	vadd.f32 v40, v37;
	v41 =	vadd.f32 v41, v37;
	[tilespmem:s9+$0x0] =	vst.add.f32.msk $0xffff, v32;
	s9 =	sor.u32 $0x180, s8  }
.Ltmp12:
0x308: {  	v43 =	vmul.f32 v35, v28;
	[tilespmem:s9+$0x0] =	vst.add.f32.msk $0xffff, v33;
	s9 =	sor.u32 $0x200, s8;
	v32 =	vadd.f32 v39, v37;
	v33 =	vadd.f32 v38, v37;
	(pc) =	sbr.rel @p0 .LBB2_26-.Ltmp12, $4  }
0x309: {  	v38 =	vmul.f32 v35, v26;
	v39 =	vmul.f32 v35, v27;
	[tilespmem:s9+$0x0] =	vst.add.f32.msk $0xffff, v34;
	s9 =	sor.u32 $0x280, s8;
	v34 =	vadd.f32 v42, v37  }
0x30a: {  	s3 =	sor.u32 s0, s3;
	v44 =	vmul.f32 v35, v25;
	s8 =	sor.u32 $0x300, s8;
	v42 =	vmul.f32 v35, v24;
	v35 =	vadd.f32 v43, v37;
	[tilespmem:s9+$0x0] =	vst.add.f32.msk $0xffff, v36  }
0x30b: {  	s3 =	sor.u32 $0x380, s3;
	v36 =	vadd.f32 v38, v37;
	v38 =	vadd.f32 v39, v37;
	[tilespmem:s8+$0x0] =	vst.add.f32.msk $0xffff, v40  }
0x30c: {  	v39 =	vadd.f32 v42, v37;
	v37 =	vadd.f32 v44, v37;
	[tilespmem:s3+$0x14C00] =	vst.add.f32.msk $0xffff, v41  }
0x30d: {  	[tilespmem:s2+$0x16F80] =	vst.add.f32.msk $0xffff, v33  }
0x30e: {  	[tilespmem:s2+$0x16F00] =	vst.add.f32.msk $0xffff, v32  }
0x30f: {  	[tilespmem:s2+$0x16E80] =	vst.add.f32.msk $0xffff, v34  }
0x310: {  	[tilespmem:s2+$0x16E00] =	vst.add.f32.msk $0xffff, v35  }
0x311: {  	[tilespmem:s2+$0x16D80] =	vst.add.f32.msk $0xffff, v38  }
0x312: {  	[tilespmem:s2+$0x16D00] =	vst.add.f32.msk $0xffff, v36  }
0x313: {  	[tilespmem:s2+$0x16C00] =	vst.add.f32.msk $0xffff, v39  }
0x314: {  	s0 =	simm.s32 $0x0;
	s12 =	rddreg [dreg:$0x1c];
	s3 =	simm.s32 $0x14C00;
	[tilespmem:s2+$0x16C80] =	vst.add.f32.msk $0xffff, v37  }
0x315: {  	[hbm4b:s12+s0] =	stream.linear.scatter [tilespmem:s3], [sflag:$0xC], $0x4000, $0x38;
	[tilespmem:$0x18C00] =	vst v63  }
0x316: {  	_ =	swait.ge [sflag:s25], $0x4000  }
0x317: {  	[sflag:s25] =	ssyncset.done $0x0  }
0x318: {  	s14 =	rddreg [dreg:$0x14];
	[sflag:s25] =	ssyncadd.s32 $0xFFFFC000  }
0x319: {  	[tilespmem:s10], [sflag:$0x4] =	stream.linear.gather [hbm4b:s14+s0], $0x4000, $0x38;
	[tilespmem:$0x18C00] =	vst v63  }
0x31a: {  	_ =	swait.ge [sflag:s13], $0x4000  }
0x31b: {  	[sflag:s13] =	ssyncset.done $0x0  }
0x31c: {  	[sflag:s13] =	ssyncadd.s32 $0xFFFFC000  }
0x31d: {  	v16 =	vld [tilespmem:$0xBC0];
	_ =	sdelay $0x4  }
0x31e: {  	v58 =	vcvt.s32.f32 v16;
	_ =	sdelay $0x1  }
0x31f: {  	s16 =	sand.u32 $0x3F0, s0;
	v17 =	vld [tilespmem:s0+$0x0];
	v21 =	vperm.xlane v58, v0;
	v22 =	vperm.xlane v58, v1  }
0x320: {  	v26 =	vld [tilespmem:s16+$0x400];
	v23 =	vperm.xlane v58, v2;
	v24 =	vperm.xlane v58, v3  }
0x321: {  	v27 =	vperm.xlane v58, v4;
	v28 =	vperm.xlane v58, v5  }
0x322: {  	v29 =	vperm.xlane v58, v6;
	v30 =	vperm.xlane v58, v7  }
0x323: {  	v31 =	vperm.xlane v58, v8;
	v19 =	vperm.xlane v58, v9  }
0x324: {  	v25 =	vperm.xlane v58, v10;
	v18 =	vperm.xlane v58, v11  }
0x325: {  	v33 =	vsub.f32 v26, v17;
	v16 =	vperm.xlane v58, v12;
	v20 =	vperm.xlane v58, v13  }
0x326: {  	v26 =	vperm.xlane v58, v14;
	v32 =	vperm.xlane v58, v15  }
0x327: {  	v59 =	vmul.f32 v33, v21;
	v60 =	vmul.f32 v33, v29  }
0x328: {  	v61 =	vmul.f32 v33, v23;
	v40 =	vmul.f32 v33, v27  }
0x329: {  	s20 =	sand.u32 $0x70, s0;
	s26 =	sand.u32 $0x1C00, s0;
	v62 =	vmul.f32 v33, v22;
	v63 =	vmul.f32 v33, v24;
	v34 =	vadd.f32 v59, v17  }
0x32a: {  	s2 =	sor.u32 s20, s26;
	v39 =	vmul.f32 v33, v28;
	v42 =	vadd.f32 v60, v17;
	v37 =	vadd.f32 v61, v17  }
0x32b: {  	v35 =	vmul.f32 v33, v30;
	v41 =	vadd.f32 v62, v17;
	v38 =	vadd.f32 v63, v17;
	[tilespmem:s2+$0xC00] =	vst.add.f32.msk $0xffff, v34  }
0x32c: {  	s11 =	simm.s32 $0x10;
	s7 =	sor.u32 s0, s0;
	s3 =	simm.s32 $0x0;
	v36 =	vadd.f32 v40, v17;
	v40 =	vmul.f32 v33, v32;
	v34 =	vmul.f32 v33, v31;
	[tilespmem:s2+$0xF00] =	vst.add.f32.msk $0xffff, v42  }
.LBB2_28:
0x32d: {  	p0 =	sne.s32 s11, $0x3F0;
	[tilespmem:s2+$0xC80] =	vst.add.f32.msk $0xffff, v41;
	v39 =	vadd.f32 v39, v17;
	v41 =	vmul.f32 v33, v25;
	v42 =	vmul.f32 v33, v26;
	s0 =	sadd.s32 $0x80, s0;
	s3 =	sadd.s32 $0x10, s3  }
0x32e: {  	v43 =	vmul.f32 v33, v20;
	s9 =	smov.u32 s11;
	s8 =	sor.u32 s0, s11;
	[tilespmem:s2+$0xD00] =	vst.add.f32.msk $0xffff, v37;
	v37 =	vmul.f32 v33, v19;
	v40 =	vadd.f32 v40, v17;
	s11 =	sadd.s32 $0x10, s11  }
0x32f: {  	[tilespmem:s2+$0xD80] =	vst.add.f32.msk $0xffff, v38;
	v38 =	vadd.f32 v41, v17;
	v41 =	vmul.f32 v33, v18;
	v42 =	vadd.f32 v42, v17  }
0x330: {  	v35 =	vadd.f32 v35, v17;
	v33 =	vmul.f32 v33, v16;
	[tilespmem:s2+$0xE80] =	vst.add.f32.msk $0xffff, v39;
	v37 =	vadd.f32 v37, v17  }
0x331: {  	s10 =	sor.u32 $0x380, s7;
	v34 =	vadd.f32 v34, v17;
	s7 =	smov.u32 s8;
	[tilespmem:s2+$0xE00] =	vst.add.f32.msk $0xffff, v36;
	v36 =	vadd.f32 v43, v17  }
0x332: {  	[tilespmem:s10+$0xC00] =	vst.add.f32.msk $0xffff, v35;
	v35 =	vadd.f32 v41, v17;
	v17 =	vadd.f32 v33, v17  }
0x333: {  	[tilespmem:s2+$0x2C00] =	vst.add.f32.msk $0xffff, v34  }
0x334: {  	[tilespmem:s2+$0x2F80] =	vst.add.f32.msk $0xffff, v40  }
0x335: {  	[tilespmem:s2+$0x2D00] =	vst.add.f32.msk $0xffff, v38  }
0x336: {  	[tilespmem:s2+$0x2F00] =	vst.add.f32.msk $0xffff, v42  }
0x337: {  	[tilespmem:s2+$0x2C80] =	vst.add.f32.msk $0xffff, v37  }
0x338: {  	[tilespmem:s2+$0x2E80] =	vst.add.f32.msk $0xffff, v36  }
0x339: {  	[tilespmem:s2+$0x2D80] =	vst.add.f32.msk $0xffff, v35  }
0x33a: {  	[tilespmem:s2+$0x2E00] =	vst.add.f32.msk $0xffff, v17  }
0x33b: {  	s2 =	sand.u32 $0x3F0, s9;
	v17 =	vld [tilespmem:s3+$0x0]  }
0x33c: {  	v33 =	vld [tilespmem:s2+$0x400];
	_ =	sdelay $0x4  }
0x33d: {  	v33 =	vsub.f32 v33, v17;
	_ =	sdelay $0x1  }
0x33e: {  	v34 =	vmul.f32 v33, v21;
	v35 =	vmul.f32 v33, v29  }
.Ltmp13:
0x33f: {  	v36 =	vmul.f32 v33, v23;
	v40 =	vmul.f32 v33, v27;
	(pc) =	sbr.rel @p0 .LBB2_28-.Ltmp13, $4  }
0x340: {  	s8 =	sand.u32 $0x1C00, s0;
	s2 =	sand.u32 $0x70, s9;
	v38 =	vmul.f32 v33, v22;
	v34 =	vadd.f32 v34, v17;
	v42 =	vadd.f32 v35, v17  }
0x341: {  	s2 =	sor.u32 s2, s8;
	v39 =	vmul.f32 v33, v28;
	v37 =	vadd.f32 v36, v17;
	v36 =	vmul.f32 v33, v24  }
0x342: {  	v41 =	vadd.f32 v38, v17;
	v35 =	vmul.f32 v33, v30;
	[tilespmem:s2+$0xC00] =	vst.add.f32.msk $0xffff, v34;
	v34 =	vmul.f32 v33, v31  }
0x343: {  	v38 =	vadd.f32 v36, v17;
	v36 =	vadd.f32 v40, v17;
	v40 =	vmul.f32 v33, v32;
	[tilespmem:s2+$0xF00] =	vst.add.f32.msk $0xffff, v42  }
0x344: {  	[tilespmem:s2+$0xC80] =	vst.add.f32.msk $0xffff, v41  }
0x345: {  	v21 =	vadd.f32 v39, v17;
	[tilespmem:s2+$0xD00] =	vst.add.f32.msk $0xffff, v37  }
0x346: {  	[tilespmem:s2+$0xD80] =	vst.add.f32.msk $0xffff, v38  }
0x347: {  	[tilespmem:s2+$0xE80] =	vst.add.f32.msk $0xffff, v21;
	v21 =	vadd.f32 v35, v17  }
0x348: {  	s0 =	sor.u32 $0x380, s7;
	v23 =	vadd.f32 v34, v17;
	v19 =	vmul.f32 v33, v19;
	[tilespmem:s2+$0xE00] =	vst.add.f32.msk $0xffff, v36  }
0x349: {  	v22 =	vmul.f32 v33, v25;
	v20 =	vmul.f32 v33, v20;
	v25 =	vadd.f32 v40, v17;
	[tilespmem:s0+$0xC00] =	vst.add.f32.msk $0xffff, v21  }
0x34a: {  	v18 =	vmul.f32 v33, v18;
	v19 =	vadd.f32 v19, v17;
	[tilespmem:s2+$0x2C00] =	vst.add.f32.msk $0xffff, v23  }
0x34b: {  	v16 =	vmul.f32 v33, v16;
	v20 =	vadd.f32 v20, v17;
	[tilespmem:s2+$0x2F80] =	vst.add.f32.msk $0xffff, v25  }
0x34c: {  	v18 =	vadd.f32 v18, v17;
	[tilespmem:s2+$0x2C80] =	vst.add.f32.msk $0xffff, v19  }
0x34d: {  	v24 =	vmul.f32 v33, v26;
	v16 =	vadd.f32 v16, v17;
	[tilespmem:s2+$0x2E80] =	vst.add.f32.msk $0xffff, v20  }
0x34e: {  	v21 =	vadd.f32 v22, v17;
	[tilespmem:s2+$0x2D80] =	vst.add.f32.msk $0xffff, v18  }
0x34f: {  	v22 =	vadd.f32 v24, v17;
	[tilespmem:s2+$0x2E00] =	vst.add.f32.msk $0xffff, v16  }
0x350: {  	[tilespmem:s2+$0x2D00] =	vst.add.f32.msk $0xffff, v21  }
0x351: {  	s14 =	rddreg [dreg:$0x1d];
	s3 =	simm.s32 $0xC00;
	s0 =	simm.s32 $0x0;
	[tilespmem:s2+$0x2F00] =	vst.add.f32.msk $0xffff, v22  }
0x352: {  	[hbm4b:s14+s0] =	stream.linear.scatter [tilespmem:s3], [sflag:$0x7], $0x4000, $0x38;
	[tilespmem:$0x18C00] =	vst v63  }
0x353: {  	_ =	swait.ge [sflag:s15], $0x4000  }
0x354: {  	[sflag:s15] =	ssyncset.done $0x0  }
0x355: {  	[sflag:s15] =	ssyncadd.s32 $0xFFFFC000  }
0x356: {  	v16 =	vld [tilespmem:$0xBD0];
	_ =	sdelay $0x4  }
0x357: {  	v32 =	vcvt.s32.f32 v16;
	_ =	sdelay $0x1  }
0x358: {  	s16 =	sand.u32 $0x3F0, s0;
	v17 =	vld [tilespmem:s0+$0x0];
	v21 =	vperm.xlane v32, v0;
	v22 =	vperm.xlane v32, v1  }
0x359: {  	v26 =	vld [tilespmem:s16+$0x400];
	v23 =	vperm.xlane v32, v2;
	v24 =	vperm.xlane v32, v3  }
0x35a: {  	v27 =	vperm.xlane v32, v4;
	v28 =	vperm.xlane v32, v5  }
0x35b: {  	v29 =	vperm.xlane v32, v6;
	v30 =	vperm.xlane v32, v7  }
0x35c: {  	v31 =	vperm.xlane v32, v8;
	v19 =	vperm.xlane v32, v9  }
0x35d: {  	v25 =	vperm.xlane v32, v10;
	v18 =	vperm.xlane v32, v11  }
0x35e: {  	v33 =	vsub.f32 v26, v17;
	v16 =	vperm.xlane v32, v12;
	v20 =	vperm.xlane v32, v13  }
0x35f: {  	v26 =	vperm.xlane v32, v14;
	v32 =	vperm.xlane v32, v15  }
0x360: {  	v58 =	vmul.f32 v33, v21;
	v59 =	vmul.f32 v33, v29  }
0x361: {  	v60 =	vmul.f32 v33, v23;
	v61 =	vmul.f32 v33, v27  }
0x362: {  	s20 =	sand.u32 $0x70, s0;
	s26 =	sand.u32 $0x1C00, s0;
	v62 =	vmul.f32 v33, v22;
	v63 =	vmul.f32 v33, v24;
	v34 =	vadd.f32 v58, v17  }
0x363: {  	s2 =	sor.u32 s20, s26;
	v39 =	vmul.f32 v33, v28;
	v35 =	vmul.f32 v33, v30;
	v42 =	vadd.f32 v59, v17  }
0x364: {  	v40 =	vmul.f32 v33, v32;
	v37 =	vadd.f32 v60, v17;
	v41 =	vadd.f32 v62, v17;
	[tilespmem:s2+$0x4C00] =	vst.add.f32.msk $0xffff, v34  }
0x365: {  	s11 =	simm.s32 $0x10;
	s7 =	sor.u32 s0, s0;
	s3 =	simm.s32 $0x0;
	v38 =	vadd.f32 v63, v17;
	v36 =	vadd.f32 v61, v17;
	v34 =	vmul.f32 v33, v31;
	[tilespmem:s2+$0x4F00] =	vst.add.f32.msk $0xffff, v42  }
.LBB2_30:
0x366: {  	p0 =	sne.s32 s11, $0x3F0;
	[tilespmem:s2+$0x4C80] =	vst.add.f32.msk $0xffff, v41;
	v39 =	vadd.f32 v39, v17;
	v41 =	vmul.f32 v33, v25;
	v42 =	vmul.f32 v33, v26;
	s0 =	sadd.s32 $0x80, s0;
	s3 =	sadd.s32 $0x10, s3  }
0x367: {  	v43 =	vmul.f32 v33, v20;
	s9 =	smov.u32 s11;
	s8 =	sor.u32 s0, s11;
	[tilespmem:s2+$0x4D00] =	vst.add.f32.msk $0xffff, v37;
	v37 =	vmul.f32 v33, v19;
	v40 =	vadd.f32 v40, v17;
	s11 =	sadd.s32 $0x10, s11  }
0x368: {  	[tilespmem:s2+$0x4D80] =	vst.add.f32.msk $0xffff, v38;
	v38 =	vadd.f32 v41, v17;
	v41 =	vmul.f32 v33, v18;
	v42 =	vadd.f32 v42, v17  }
0x369: {  	v35 =	vadd.f32 v35, v17;
	v33 =	vmul.f32 v33, v16;
	[tilespmem:s2+$0x4E80] =	vst.add.f32.msk $0xffff, v39;
	v37 =	vadd.f32 v37, v17  }
0x36a: {  	s10 =	sor.u32 $0x380, s7;
	v34 =	vadd.f32 v34, v17;
	s7 =	smov.u32 s8;
	[tilespmem:s2+$0x4E00] =	vst.add.f32.msk $0xffff, v36;
	v36 =	vadd.f32 v43, v17  }
0x36b: {  	[tilespmem:s10+$0x4C00] =	vst.add.f32.msk $0xffff, v35;
	v35 =	vadd.f32 v41, v17;
	v17 =	vadd.f32 v33, v17  }
0x36c: {  	[tilespmem:s2+$0x6C00] =	vst.add.f32.msk $0xffff, v34  }
0x36d: {  	[tilespmem:s2+$0x6F80] =	vst.add.f32.msk $0xffff, v40  }
0x36e: {  	[tilespmem:s2+$0x6D00] =	vst.add.f32.msk $0xffff, v38  }
0x36f: {  	[tilespmem:s2+$0x6F00] =	vst.add.f32.msk $0xffff, v42  }
0x370: {  	[tilespmem:s2+$0x6C80] =	vst.add.f32.msk $0xffff, v37  }
0x371: {  	[tilespmem:s2+$0x6E80] =	vst.add.f32.msk $0xffff, v36  }
0x372: {  	[tilespmem:s2+$0x6D80] =	vst.add.f32.msk $0xffff, v35  }
0x373: {  	[tilespmem:s2+$0x6E00] =	vst.add.f32.msk $0xffff, v17  }
0x374: {  	s2 =	sand.u32 $0x3F0, s9;
	v17 =	vld [tilespmem:s3+$0x0]  }
0x375: {  	v33 =	vld [tilespmem:s2+$0x400];
	_ =	sdelay $0x4  }
0x376: {  	v33 =	vsub.f32 v33, v17;
	_ =	sdelay $0x1  }
0x377: {  	v34 =	vmul.f32 v33, v21;
	v35 =	vmul.f32 v33, v29  }
.Ltmp14:
0x378: {  	v36 =	vmul.f32 v33, v23;
	v40 =	vmul.f32 v33, v27;
	(pc) =	sbr.rel @p0 .LBB2_30-.Ltmp14, $4  }
0x379: {  	s8 =	sand.u32 $0x1C00, s0;
	s2 =	sand.u32 $0x70, s9;
	v38 =	vmul.f32 v33, v22;
	v34 =	vadd.f32 v34, v17;
	v42 =	vadd.f32 v35, v17  }
0x37a: {  	s2 =	sor.u32 s2, s8;
	v39 =	vmul.f32 v33, v28;
	v37 =	vadd.f32 v36, v17;
	v36 =	vmul.f32 v33, v24  }
0x37b: {  	v41 =	vadd.f32 v38, v17;
	v35 =	vmul.f32 v33, v30;
	[tilespmem:s2+$0x4C00] =	vst.add.f32.msk $0xffff, v34;
	v34 =	vmul.f32 v33, v31  }
0x37c: {  	v38 =	vadd.f32 v36, v17;
	v36 =	vadd.f32 v40, v17;
	v40 =	vmul.f32 v33, v32;
	[tilespmem:s2+$0x4F00] =	vst.add.f32.msk $0xffff, v42  }
0x37d: {  	[tilespmem:s2+$0x4C80] =	vst.add.f32.msk $0xffff, v41  }
0x37e: {  	v21 =	vadd.f32 v39, v17;
	[tilespmem:s2+$0x4D00] =	vst.add.f32.msk $0xffff, v37  }
0x37f: {  	[tilespmem:s2+$0x4D80] =	vst.add.f32.msk $0xffff, v38  }
0x380: {  	[tilespmem:s2+$0x4E80] =	vst.add.f32.msk $0xffff, v21;
	v21 =	vadd.f32 v35, v17  }
0x381: {  	s0 =	sor.u32 $0x380, s7;
	v23 =	vadd.f32 v34, v17;
	v19 =	vmul.f32 v33, v19;
	[tilespmem:s2+$0x4E00] =	vst.add.f32.msk $0xffff, v36  }
0x382: {  	v22 =	vmul.f32 v33, v25;
	v20 =	vmul.f32 v33, v20;
	v25 =	vadd.f32 v40, v17;
	[tilespmem:s0+$0x4C00] =	vst.add.f32.msk $0xffff, v21  }
0x383: {  	v18 =	vmul.f32 v33, v18;
	v19 =	vadd.f32 v19, v17;
	[tilespmem:s2+$0x6C00] =	vst.add.f32.msk $0xffff, v23  }
0x384: {  	v16 =	vmul.f32 v33, v16;
	v20 =	vadd.f32 v20, v17;
	[tilespmem:s2+$0x6F80] =	vst.add.f32.msk $0xffff, v25  }
0x385: {  	v18 =	vadd.f32 v18, v17;
	[tilespmem:s2+$0x6C80] =	vst.add.f32.msk $0xffff, v19  }
0x386: {  	v24 =	vmul.f32 v33, v26;
	v16 =	vadd.f32 v16, v17;
	[tilespmem:s2+$0x6E80] =	vst.add.f32.msk $0xffff, v20  }
0x387: {  	v21 =	vadd.f32 v22, v17;
	[tilespmem:s2+$0x6D80] =	vst.add.f32.msk $0xffff, v18  }
0x388: {  	v22 =	vadd.f32 v24, v17;
	[tilespmem:s2+$0x6E00] =	vst.add.f32.msk $0xffff, v16  }
0x389: {  	[tilespmem:s2+$0x6D00] =	vst.add.f32.msk $0xffff, v21  }
0x38a: {  	s16 =	rddreg [dreg:$0x1e];
	s0 =	simm.s32 $0x0;
	[tilespmem:s2+$0x6F00] =	vst.add.f32.msk $0xffff, v22  }
0x38b: {  	[hbm4b:s16+s0] =	stream.linear.scatter [tilespmem:s28], [sflag:$0x8], $0x4000, $0x38;
	[tilespmem:$0x18C00] =	vst v63  }
0x38c: {  	_ =	swait.ge [sflag:s17], $0x4000  }
0x38d: {  	[sflag:s17] =	ssyncset.done $0x0  }
0x38e: {  	[sflag:s17] =	ssyncadd.s32 $0xFFFFC000  }
0x38f: {  	v16 =	vld [tilespmem:$0xBE0];
	_ =	sdelay $0x4  }
0x390: {  	v32 =	vcvt.s32.f32 v16;
	_ =	sdelay $0x1  }
0x391: {  	s20 =	sand.u32 $0x3F0, s0;
	v17 =	vld [tilespmem:s0+$0x0];
	v21 =	vperm.xlane v32, v0;
	v22 =	vperm.xlane v32, v1  }
0x392: {  	v26 =	vld [tilespmem:s20+$0x400];
	v23 =	vperm.xlane v32, v2;
	v24 =	vperm.xlane v32, v3  }
0x393: {  	v27 =	vperm.xlane v32, v4;
	v28 =	vperm.xlane v32, v5  }
0x394: {  	v29 =	vperm.xlane v32, v6;
	v30 =	vperm.xlane v32, v7  }
0x395: {  	v31 =	vperm.xlane v32, v8;
	v19 =	vperm.xlane v32, v9  }
0x396: {  	v25 =	vperm.xlane v32, v10;
	v18 =	vperm.xlane v32, v11  }
0x397: {  	v33 =	vsub.f32 v26, v17;
	v16 =	vperm.xlane v32, v12;
	v20 =	vperm.xlane v32, v13  }
0x398: {  	v26 =	vperm.xlane v32, v14;
	v32 =	vperm.xlane v32, v15  }
0x399: {  	v58 =	vmul.f32 v33, v21;
	v59 =	vmul.f32 v33, v29  }
0x39a: {  	v60 =	vmul.f32 v33, v23;
	v61 =	vmul.f32 v33, v27  }
0x39b: {  	s26 =	sand.u32 $0x70, s0;
	s3 =	sand.u32 $0x1C00, s0;
	v62 =	vmul.f32 v33, v22;
	v63 =	vmul.f32 v33, v24;
	v34 =	vadd.f32 v58, v17  }
0x39c: {  	s2 =	sor.u32 s26, s3;
	v39 =	vmul.f32 v33, v28;
	v35 =	vmul.f32 v33, v30;
	v42 =	vadd.f32 v59, v17  }
0x39d: {  	v40 =	vmul.f32 v33, v32;
	v37 =	vadd.f32 v60, v17;
	v41 =	vadd.f32 v62, v17;
	[tilespmem:s2+$0x8C00] =	vst.add.f32.msk $0xffff, v34  }
0x39e: {  	s11 =	simm.s32 $0x10;
	s7 =	sor.u32 s0, s0;
	s3 =	simm.s32 $0x0;
	v38 =	vadd.f32 v63, v17;
	v36 =	vadd.f32 v61, v17;
	v34 =	vmul.f32 v33, v31;
	[tilespmem:s2+$0x8F00] =	vst.add.f32.msk $0xffff, v42  }
.LBB2_32:
0x39f: {  	p0 =	sne.s32 s11, $0x3F0;
	[tilespmem:s2+$0x8C80] =	vst.add.f32.msk $0xffff, v41;
	v39 =	vadd.f32 v39, v17;
	v41 =	vmul.f32 v33, v25;
	v42 =	vmul.f32 v33, v26;
	s0 =	sadd.s32 $0x80, s0;
	s3 =	sadd.s32 $0x10, s3  }
0x3a0: {  	v43 =	vmul.f32 v33, v20;
	s9 =	smov.u32 s11;
	s8 =	sor.u32 s0, s11;
	[tilespmem:s2+$0x8D00] =	vst.add.f32.msk $0xffff, v37;
	v37 =	vmul.f32 v33, v19;
	v40 =	vadd.f32 v40, v17;
	s11 =	sadd.s32 $0x10, s11  }
0x3a1: {  	[tilespmem:s2+$0x8D80] =	vst.add.f32.msk $0xffff, v38;
	v38 =	vadd.f32 v41, v17;
	v41 =	vmul.f32 v33, v18;
	v42 =	vadd.f32 v42, v17  }
0x3a2: {  	v35 =	vadd.f32 v35, v17;
	v33 =	vmul.f32 v33, v16;
	[tilespmem:s2+$0x8E80] =	vst.add.f32.msk $0xffff, v39;
	v37 =	vadd.f32 v37, v17  }
0x3a3: {  	s10 =	sor.u32 $0x380, s7;
	v34 =	vadd.f32 v34, v17;
	s7 =	smov.u32 s8;
	[tilespmem:s2+$0x8E00] =	vst.add.f32.msk $0xffff, v36;
	v36 =	vadd.f32 v43, v17  }
0x3a4: {  	[tilespmem:s10+$0x8C00] =	vst.add.f32.msk $0xffff, v35;
	v35 =	vadd.f32 v41, v17;
	v17 =	vadd.f32 v33, v17  }
0x3a5: {  	[tilespmem:s2+$0xAC00] =	vst.add.f32.msk $0xffff, v34  }
0x3a6: {  	[tilespmem:s2+$0xAF80] =	vst.add.f32.msk $0xffff, v40  }
0x3a7: {  	[tilespmem:s2+$0xAD00] =	vst.add.f32.msk $0xffff, v38  }
0x3a8: {  	[tilespmem:s2+$0xAF00] =	vst.add.f32.msk $0xffff, v42  }
0x3a9: {  	[tilespmem:s2+$0xAC80] =	vst.add.f32.msk $0xffff, v37  }
0x3aa: {  	[tilespmem:s2+$0xAE80] =	vst.add.f32.msk $0xffff, v36  }
0x3ab: {  	[tilespmem:s2+$0xAD80] =	vst.add.f32.msk $0xffff, v35  }
0x3ac: {  	[tilespmem:s2+$0xAE00] =	vst.add.f32.msk $0xffff, v17  }
0x3ad: {  	s2 =	sand.u32 $0x3F0, s9;
	v17 =	vld [tilespmem:s3+$0x0]  }
0x3ae: {  	v33 =	vld [tilespmem:s2+$0x400];
	_ =	sdelay $0x4  }
0x3af: {  	v33 =	vsub.f32 v33, v17;
	_ =	sdelay $0x1  }
0x3b0: {  	v34 =	vmul.f32 v33, v21;
	v35 =	vmul.f32 v33, v29  }
.Ltmp15:
0x3b1: {  	v36 =	vmul.f32 v33, v23;
	v40 =	vmul.f32 v33, v27;
	(pc) =	sbr.rel @p0 .LBB2_32-.Ltmp15, $4  }
0x3b2: {  	s8 =	sand.u32 $0x1C00, s0;
	s2 =	sand.u32 $0x70, s9;
	v38 =	vmul.f32 v33, v22;
	v34 =	vadd.f32 v34, v17;
	v42 =	vadd.f32 v35, v17  }
0x3b3: {  	s2 =	sor.u32 s2, s8;
	v39 =	vmul.f32 v33, v28;
	v37 =	vadd.f32 v36, v17;
	v36 =	vmul.f32 v33, v24  }
0x3b4: {  	v41 =	vadd.f32 v38, v17;
	v35 =	vmul.f32 v33, v30;
	[tilespmem:s2+$0x8C00] =	vst.add.f32.msk $0xffff, v34;
	v34 =	vmul.f32 v33, v31  }
0x3b5: {  	v38 =	vadd.f32 v36, v17;
	v36 =	vadd.f32 v40, v17;
	v40 =	vmul.f32 v33, v32;
	[tilespmem:s2+$0x8F00] =	vst.add.f32.msk $0xffff, v42  }
0x3b6: {  	[tilespmem:s2+$0x8C80] =	vst.add.f32.msk $0xffff, v41  }
0x3b7: {  	v21 =	vadd.f32 v39, v17;
	[tilespmem:s2+$0x8D00] =	vst.add.f32.msk $0xffff, v37  }
0x3b8: {  	[tilespmem:s2+$0x8D80] =	vst.add.f32.msk $0xffff, v38  }
0x3b9: {  	[tilespmem:s2+$0x8E80] =	vst.add.f32.msk $0xffff, v21;
	v21 =	vadd.f32 v35, v17  }
0x3ba: {  	s0 =	sor.u32 $0x380, s7;
	v23 =	vadd.f32 v34, v17;
	v19 =	vmul.f32 v33, v19;
	[tilespmem:s2+$0x8E00] =	vst.add.f32.msk $0xffff, v36  }
0x3bb: {  	v22 =	vmul.f32 v33, v25;
	v20 =	vmul.f32 v33, v20;
	v25 =	vadd.f32 v40, v17;
	[tilespmem:s0+$0x8C00] =	vst.add.f32.msk $0xffff, v21  }
0x3bc: {  	v18 =	vmul.f32 v33, v18;
	v19 =	vadd.f32 v19, v17;
	[tilespmem:s2+$0xAC00] =	vst.add.f32.msk $0xffff, v23  }
0x3bd: {  	v16 =	vmul.f32 v33, v16;
	v20 =	vadd.f32 v20, v17;
	[tilespmem:s2+$0xAF80] =	vst.add.f32.msk $0xffff, v25  }
0x3be: {  	v18 =	vadd.f32 v18, v17;
	[tilespmem:s2+$0xAC80] =	vst.add.f32.msk $0xffff, v19  }
0x3bf: {  	v24 =	vmul.f32 v33, v26;
	v16 =	vadd.f32 v16, v17;
	[tilespmem:s2+$0xAE80] =	vst.add.f32.msk $0xffff, v20  }
0x3c0: {  	v21 =	vadd.f32 v22, v17;
	[tilespmem:s2+$0xAD80] =	vst.add.f32.msk $0xffff, v18  }
0x3c1: {  	v22 =	vadd.f32 v24, v17;
	[tilespmem:s2+$0xAE00] =	vst.add.f32.msk $0xffff, v16  }
0x3c2: {  	[tilespmem:s2+$0xAD00] =	vst.add.f32.msk $0xffff, v21  }
0x3c3: {  	s16 =	rddreg [dreg:$0x15];
	s0 =	simm.s32 $0x0;
	[tilespmem:s2+$0xAF00] =	vst.add.f32.msk $0xffff, v22  }
0x3c4: {  	[hbm4b:s16+s0] =	stream.linear.scatter [tilespmem:s29], [sflag:$0x9], $0x4000, $0x38;
	[tilespmem:$0x18C00] =	vst v63  }
0x3c5: {  	_ =	swait.ge [sflag:s19], $0x4000  }
0x3c6: {  	[sflag:s19] =	ssyncset.done $0x0  }
0x3c7: {  	[sflag:s19] =	ssyncadd.s32 $0xFFFFC000  }
0x3c8: {  	v16 =	vld [tilespmem:$0xBF0];
	_ =	sdelay $0x4  }
0x3c9: {  	v32 =	vcvt.s32.f32 v16;
	_ =	sdelay $0x1  }
0x3ca: {  	s20 =	sand.u32 $0x3F0, s0;
	v17 =	vld [tilespmem:s0+$0x0];
	v21 =	vperm.xlane v32, v0;
	v22 =	vperm.xlane v32, v1  }
0x3cb: {  	v26 =	vld [tilespmem:s20+$0x400];
	v23 =	vperm.xlane v32, v2;
	v24 =	vperm.xlane v32, v3  }
0x3cc: {  	v27 =	vperm.xlane v32, v4;
	v28 =	vperm.xlane v32, v5  }
0x3cd: {  	v29 =	vperm.xlane v32, v6;
	v30 =	vperm.xlane v32, v7  }
0x3ce: {  	v31 =	vperm.xlane v32, v8;
	v19 =	vperm.xlane v32, v9  }
0x3cf: {  	v25 =	vperm.xlane v32, v10;
	v18 =	vperm.xlane v32, v11  }
0x3d0: {  	v33 =	vsub.f32 v26, v17;
	v16 =	vperm.xlane v32, v12;
	v20 =	vperm.xlane v32, v13  }
0x3d1: {  	v26 =	vperm.xlane v32, v14;
	v32 =	vperm.xlane v32, v15  }
0x3d2: {  	v58 =	vmul.f32 v33, v21;
	v59 =	vmul.f32 v33, v29  }
0x3d3: {  	v60 =	vmul.f32 v33, v23;
	v61 =	vmul.f32 v33, v27  }
0x3d4: {  	s26 =	sand.u32 $0x70, s0;
	s3 =	sand.u32 $0x1C00, s0;
	v62 =	vmul.f32 v33, v22;
	v63 =	vmul.f32 v33, v24;
	v34 =	vadd.f32 v58, v17  }
0x3d5: {  	s2 =	sor.u32 s26, s3;
	v39 =	vmul.f32 v33, v28;
	v35 =	vmul.f32 v33, v30;
	v42 =	vadd.f32 v59, v17  }
0x3d6: {  	v40 =	vmul.f32 v33, v32;
	v37 =	vadd.f32 v60, v17;
	v41 =	vadd.f32 v62, v17;
	[tilespmem:s2+$0xCC00] =	vst.add.f32.msk $0xffff, v34  }
0x3d7: {  	s11 =	simm.s32 $0x10;
	s7 =	sor.u32 s0, s0;
	s3 =	simm.s32 $0x0;
	v38 =	vadd.f32 v63, v17;
	v36 =	vadd.f32 v61, v17;
	v34 =	vmul.f32 v33, v31;
	[tilespmem:s2+$0xCF00] =	vst.add.f32.msk $0xffff, v42  }
.LBB2_34:
0x3d8: {  	p0 =	sne.s32 s11, $0x3F0;
	[tilespmem:s2+$0xCC80] =	vst.add.f32.msk $0xffff, v41;
	v39 =	vadd.f32 v39, v17;
	v41 =	vmul.f32 v33, v25;
	v42 =	vmul.f32 v33, v26;
	s0 =	sadd.s32 $0x80, s0;
	s3 =	sadd.s32 $0x10, s3  }
0x3d9: {  	v43 =	vmul.f32 v33, v20;
	s9 =	smov.u32 s11;
	s8 =	sor.u32 s0, s11;
	[tilespmem:s2+$0xCD00] =	vst.add.f32.msk $0xffff, v37;
	v37 =	vmul.f32 v33, v19;
	v40 =	vadd.f32 v40, v17;
	s11 =	sadd.s32 $0x10, s11  }
0x3da: {  	[tilespmem:s2+$0xCD80] =	vst.add.f32.msk $0xffff, v38;
	v38 =	vadd.f32 v41, v17;
	v41 =	vmul.f32 v33, v18;
	v42 =	vadd.f32 v42, v17  }
0x3db: {  	v35 =	vadd.f32 v35, v17;
	v33 =	vmul.f32 v33, v16;
	[tilespmem:s2+$0xCE80] =	vst.add.f32.msk $0xffff, v39;
	v37 =	vadd.f32 v37, v17  }
0x3dc: {  	s10 =	sor.u32 $0x380, s7;
	v34 =	vadd.f32 v34, v17;
	s7 =	smov.u32 s8;
	[tilespmem:s2+$0xCE00] =	vst.add.f32.msk $0xffff, v36;
	v36 =	vadd.f32 v43, v17  }
0x3dd: {  	[tilespmem:s10+$0xCC00] =	vst.add.f32.msk $0xffff, v35;
	v35 =	vadd.f32 v41, v17;
	v17 =	vadd.f32 v33, v17  }
0x3de: {  	[tilespmem:s2+$0xEC00] =	vst.add.f32.msk $0xffff, v34  }
0x3df: {  	[tilespmem:s2+$0xEF80] =	vst.add.f32.msk $0xffff, v40  }
0x3e0: {  	[tilespmem:s2+$0xED00] =	vst.add.f32.msk $0xffff, v38  }
0x3e1: {  	[tilespmem:s2+$0xEF00] =	vst.add.f32.msk $0xffff, v42  }
0x3e2: {  	[tilespmem:s2+$0xEC80] =	vst.add.f32.msk $0xffff, v37  }
0x3e3: {  	[tilespmem:s2+$0xEE80] =	vst.add.f32.msk $0xffff, v36  }
0x3e4: {  	[tilespmem:s2+$0xED80] =	vst.add.f32.msk $0xffff, v35  }
0x3e5: {  	[tilespmem:s2+$0xEE00] =	vst.add.f32.msk $0xffff, v17  }
0x3e6: {  	s2 =	sand.u32 $0x3F0, s9;
	v17 =	vld [tilespmem:s3+$0x0]  }
0x3e7: {  	v33 =	vld [tilespmem:s2+$0x400];
	_ =	sdelay $0x4  }
0x3e8: {  	v33 =	vsub.f32 v33, v17;
	_ =	sdelay $0x1  }
0x3e9: {  	v34 =	vmul.f32 v33, v21;
	v35 =	vmul.f32 v33, v29  }
.Ltmp16:
0x3ea: {  	v36 =	vmul.f32 v33, v23;
	v40 =	vmul.f32 v33, v27;
	(pc) =	sbr.rel @p0 .LBB2_34-.Ltmp16, $4  }
0x3eb: {  	s8 =	sand.u32 $0x1C00, s0;
	s2 =	sand.u32 $0x70, s9;
	v38 =	vmul.f32 v33, v22;
	v34 =	vadd.f32 v34, v17;
	v42 =	vadd.f32 v35, v17  }
0x3ec: {  	s2 =	sor.u32 s2, s8;
	v39 =	vmul.f32 v33, v28;
	v37 =	vadd.f32 v36, v17;
	v36 =	vmul.f32 v33, v24  }
0x3ed: {  	v41 =	vadd.f32 v38, v17;
	v35 =	vmul.f32 v33, v30;
	[tilespmem:s2+$0xCC00] =	vst.add.f32.msk $0xffff, v34;
	v34 =	vmul.f32 v33, v31  }
0x3ee: {  	v38 =	vadd.f32 v36, v17;
	v36 =	vadd.f32 v40, v17;
	v40 =	vmul.f32 v33, v32;
	[tilespmem:s2+$0xCF00] =	vst.add.f32.msk $0xffff, v42  }
0x3ef: {  	[tilespmem:s2+$0xCC80] =	vst.add.f32.msk $0xffff, v41  }
0x3f0: {  	[tilespmem:s2+$0xCD00] =	vst.add.f32.msk $0xffff, v37  }
0x3f1: {  	v21 =	vadd.f32 v39, v17;
	[tilespmem:s2+$0xCD80] =	vst.add.f32.msk $0xffff, v38  }
0x3f2: {  	v60 =	vadd.f32 v35, v17;
	[tilespmem:s2+$0xCE00] =	vst.add.f32.msk $0xffff, v36  }
0x3f3: {  	v22 =	vmul.f32 v33, v25;
	s0 =	sor.u32 $0x380, s7;
	v23 =	vadd.f32 v34, v17;
	[tilespmem:s2+$0xCE80] =	vst.add.f32.msk $0xffff, v21  }
0x3f4: {  	v24 =	vmul.f32 v33, v26;
	v61 =	vadd.f32 v40, v17;
	[tilespmem:s0+$0xCC00] =	vst.add.f32.msk $0xffff, v60  }
0x3f5: {  	v19 =	vmul.f32 v33, v19;
	v62 =	vadd.f32 v22, v17;
	[tilespmem:s2+$0xEC00] =	vst.add.f32.msk $0xffff, v23  }
0x3f6: {  	v20 =	vmul.f32 v33, v20;
	v63 =	vadd.f32 v24, v17;
	[tilespmem:s2+$0xEF80] =	vst.add.f32.msk $0xffff, v61  }
0x3f7: {  	v18 =	vmul.f32 v33, v18;
	v19 =	vadd.f32 v19, v17;
	[tilespmem:s2+$0xED00] =	vst.add.f32.msk $0xffff, v62  }
0x3f8: {  	v16 =	vmul.f32 v33, v16;
	v20 =	vadd.f32 v20, v17;
	[tilespmem:s2+$0xEF00] =	vst.add.f32.msk $0xffff, v63  }
0x3f9: {  	v18 =	vadd.f32 v18, v17;
	[tilespmem:s2+$0xEC80] =	vst.add.f32.msk $0xffff, v19  }
0x3fa: {  	v16 =	vadd.f32 v16, v17;
	[tilespmem:s2+$0xEE80] =	vst.add.f32.msk $0xffff, v20  }
0x3fb: {  	[tilespmem:s2+$0xED80] =	vst.add.f32.msk $0xffff, v18  }
0x3fc: {  	s16 =	rddreg [dreg:$0x16];
	s10 =	simm.s32 $0xCC00;
	[tilespmem:s2+$0xEE00] =	vst.add.f32.msk $0xffff, v16  }
0x3fd: {  	[hbm4b:s16+s5] =	stream.linear.scatter [tilespmem:s10], [sflag:$0xA], $0x4000, $0x38;
	[tilespmem:$0x18C00] =	vst v63  }
0x3fe: {  	_ =	swait.ge [sflag:s30], $0x4000  }
0x3ff: {  	[sflag:s30] =	ssyncset.done $0x0  }
0x400: {  	[sflag:s30] =	ssyncadd.s32 $0xFFFFC000  }
0x401: {  	_ =	swait.ge [sflag:s31], $0x4000  }
0x402: {  	[sflag:s31] =	ssyncset.done $0x0  }
0x403: {  	[sflag:s31] =	ssyncadd.s32 $0xFFFFC000  }
0x404: {  	_ =	swait.ge [sflag:s18], $0x4000  }
0x405: {  	[sflag:s18] =	ssyncset.done $0x0  }
0x406: {  	[sflag:s18] =	ssyncadd.s32 $0xFFFFC000  }
0x407: {  	_ =	swait.ge [sflag:s21], $0x4000  }
0x408: {  	[sflag:s21] =	ssyncset.done $0x0  }
0x409: {  	[sflag:s21] =	ssyncadd.s32 $0xFFFFC000  }
0x40a: {  	_ =	swait.ge [sflag:s23], $0x4000  }
0x40b: {  	[sflag:s23] =	ssyncset.done $0x0  }
0x40c: {  	[sflag:s23] =	ssyncadd.s32 $0xFFFFC000  }
0x40d: {  	_ =	swait.ge [sflag:s25], $0x4000  }
0x40e: {  	s20 =	rddreg [dreg:$0x1f]  }
0x40f: {  	s26 =	rddreg [dreg:$0x17];
	s2 =	sadd.s32 $0x1, s20  }
0x410: {  	p0 =	sne.s32 s2, s26  }
.Ltmp17:
0x411: {  	_ = 	snop;
	(pc) =	sbr.rel @p0 .LBB2_1-.Ltmp17, $3  }
0x412: {  	_ =	sdelay $0x1  }
0x413: {  	[sflag:s25] =	ssyncset.done $0x0  }
0x414: {  	[sflag:s25] =	ssyncadd.s32 $0xFFFFC000  }
0x415: {  	_ =	sfence.sel $0x180000  }
0x416: {  	[bflag:$0x0] =	sbarrier.arrive $0xFFFF  }
0x417: {  	_ =	strace $0x90000047  }
0x418: {  	s0 =	stileid.u32;
	[bflag:$0x2] =	sbarrier.arrive $0xFFFF  }
0x419: {  	p0 =	sne.s32 s0, $0x0;
	s0 =	rddreg [dreg:$0x4]  }
0x41a: {  	s0 =	sadd.s32 @!p0 $0x100000, s0  }
0x41b: {  	[sflag:s0] =	ssyncadd.tile.s32 @!p0 $0x1;
	_ =	shalt  }
.Lfunc_end2:
_tile_overlayer_lowered:
.L_overlay_start_2:
0x41c: {  	(tag) =	ssettag $0x2  }
0x41d: {  	s0 =	rddreg [dreg:$0x0];
	s2 =	stileid.u32  }
0x41e: {  	s1 =	rddreg [dreg:$0x1];
	p0 =	sne.s32 s2, $0x0  }
0x41f: {  	s3 =	rddreg [dreg:$0x2];
	[bflag:$0x3] =	sbarrier.arrive $0xFFFF;
	s2 =	simm.s32 @!p0 $0x1C0D  }
0x420: {  	[timem:s3], [sflag:s2] =	dma.local @!p0 [hbm:s0], s1  }
0x421: {  	s0 =	simm.s32 @!p0 $0xD  }
0x422: {  	_ =	swait.ge @!p0 [sflag:s0], s1  }
0x423: {  	s1 =	ssub.s32 @!p0 $0x0, s1;
	[sflag:s0] =	ssyncset.done @!p0 $0x0  }
0x424: {  	[sflag:s0] =	ssyncadd.s32 @!p0 s1  }
0x425: {  	[bflag:$0x3] =	sbarrier.arrive $0xFFFF  }
0x426: {  	_ =	shalt  }

</sc_bundles>
